<compile_context>
chip_gen: v7x
topology: tpu7x:2x2x1
jax: 0.10.2.dev20260603
libtpu: 0.0.44.dev20260713+nightly
codegen_flags: <defaults>
</compile_context>

<pallas_src>
import functools

import jax
import jax.numpy as jnp
from jax import lax
from jax.experimental import pallas as pl
from jax.experimental.pallas import tpu as pltpu
from jax.experimental.pallas import tpu_sc as plsc

_CHUNK = 128
_NUM_CORES = 2
_NUM_SUBCORES = 16
_NW = _NUM_CORES * _NUM_SUBCORES
_NBUF = 2
_NRING = 4
_SHIFT = 18


def _make_mm_body(n, nch, nch_pad):
    def _mm_body(f_ref, w_ref, et_ref, src_ref, dst_ref, o_ref, pk_ref):
        o_ref[0] = jnp.dot(f_ref[...], w_ref[0],
                           preferred_element_type=jnp.float32)

        @pl.when(pl.program_id(1) == 0)
        def _():
            gidx = et_ref[...] * n + src_ref[...]
            pk_ref[pl.ds(0, nch), :] = gidx | (dst_ref[...] << _SHIFT)
            if nch_pad > nch:
                lanes = lax.broadcasted_iota(
                    jnp.int32, (nch_pad - nch, _CHUNK), 1)
                pk_ref[pl.ds(nch, nch_pad - nch), :] = (
                    lanes | ((lanes + n) << _SHIFT))
    return _mm_body


def _transform_nodes(feat, weight, et2, src2, dst2, nch_pad):
    n, f = feat.shape
    r, _, o = weight.shape
    nch = et2.shape[0]
    bn = 10000
    idx0 = lambda i, j: (0, 0)
    return pl.pallas_call(
        _make_mm_body(n, nch, nch_pad),
        grid=(n // bn, r),
        in_specs=[
            pl.BlockSpec((bn, f), lambda i, j: (i, 0)),
            pl.BlockSpec((1, f, o), lambda i, j: (j, 0, 0)),
            pl.BlockSpec((nch, _CHUNK), idx0),
            pl.BlockSpec((nch, _CHUNK), idx0),
            pl.BlockSpec((nch, _CHUNK), idx0),
        ],
        out_specs=[
            pl.BlockSpec((1, bn, o), lambda i, j: (j, i, 0)),
            pl.BlockSpec((nch_pad, _CHUNK), idx0),
        ],
        out_shape=[
            jax.ShapeDtypeStruct((r, n, o), jnp.float32),
            jax.ShapeDtypeStruct((nch_pad, _CHUNK), jnp.int32),
        ],
    )(feat, weight, et2, src2, dst2)


def _add_body(p_ref, o_ref):
    o_ref[...] = p_ref[0] + p_ref[1]


def _combine_partials(partials):
    _, n, o = partials.shape
    bn = 10000
    return pl.pallas_call(
        _add_body,
        grid=(n // bn,),
        in_specs=[pl.BlockSpec((2, bn, o), lambda i: (0, i, 0))],
        out_specs=pl.BlockSpec((bn, o), lambda i: (i, 0)),
        out_shape=jax.ShapeDtypeStruct((n, o), jnp.float32),
    )(partials)


def _make_sc_edge_kernel(n, o, pt):
    assert pt % 4 == 0 and pt >= 8
    nq = pt // 4
    n_acc = n + _CHUNK
    rpt = (n // (_NUM_SUBCORES * 8)) * 8
    out_tail0, out_tail = _NUM_SUBCORES * rpt, n - _NUM_SUBCORES * rpt
    assert out_tail <= _CHUNK
    mesh = plsc.VectorSubcoreMesh(
        core_axis_name="c", subcore_axis_name="s",
        num_cores=_NUM_CORES, num_subcores=_NUM_SUBCORES)

    @functools.partial(
        pl.kernel,
        out_type=jax.ShapeDtypeStruct((_NUM_CORES, n, o), jnp.float32),
        mesh=mesh,
        scratch_types=[
            pltpu.VMEM((pt, _CHUNK), jnp.int32),
            pltpu.VMEM((_NRING, _CHUNK), jnp.int32),
            pltpu.VMEM((_NRING, _CHUNK), jnp.int32),
            [pltpu.VMEM((_CHUNK, o), jnp.float32)] * _NBUF,
            pltpu.VMEM_SHARED((n_acc, o), jnp.float32),
            [pltpu.SemaphoreType.DMA] * _NBUF,
            [pltpu.SemaphoreType.DMA] * _NBUF,
        ],
    )
    def sc_edge(t2_hbm, pk_hbm, out_hbm,
                pk_buf, idx_ring, dst_ring, rows, acc, gsem, ssem):
        c = lax.axis_index("c")
        s = lax.axis_index("s")
        w = s * _NUM_CORES + c

        pltpu.sync_copy(pk_hbm.at[pl.ds(w * pt, pt), :], pk_buf)

        def unpack(kc, slot):
            for j in range(_CHUNK // 16):
                sl = pl.ds(j * 16, 16)
                p = pk_buf[kc, sl]
                idx_ring[slot, sl] = p & ((1 << _SHIFT) - 1)
                dst_ring[slot, sl] = lax.shift_right_logical(p, _SHIFT)

        def issue_gather(b, slot):
            pltpu.async_copy(t2_hbm.at[idx_ring.at[slot]], rows[b], gsem[b])

        def wait_gather(b, slot):
            pltpu.make_async_copy(t2_hbm.at[idx_ring.at[slot]], rows[b],
                                  gsem[b]).wait()

        def issue_scatter(b, slot):
            pltpu.async_copy(rows[b], acc.at[dst_ring.at[slot]], ssem[b],
                             add=True)

        def wait_scatter(b):
            pltpu.make_async_copy(rows[b], acc.at[dst_ring.at[0]],
                                  ssem[b]).wait()

        def step(kc, j, first_quad, last_quad):
            b = j % 2
            wait_gather(b, j)
            issue_scatter(b, j)
            skip_next = (last_quad and j == 3) or (first_quad and j == 0)
            if not skip_next:
                unpack(kc + 1, (j + 1) % _NRING)
            if not (first_quad and j == 0):
                wait_scatter(1 - b)
            if not skip_next:
                issue_gather(1 - b, (j + 1) % _NRING)

        unpack(0, 0)
        issue_gather(0, 0)

        def zrow(k, carry):
            for j in range(o // 16):
                rows[1][k, pl.ds(j * 16, 16)] = jnp.zeros((16,), jnp.float32)
            return carry
        lax.fori_loop(0, _CHUNK, zrow, 0)
        row0 = s * rpt
        nfull, rem = divmod(rpt, _CHUNK)
        for i in range(nfull):
            pltpu.sync_copy(rows[1], acc.at[pl.ds(row0 + i * _CHUNK, _CHUNK), :])
        if rem:
            pltpu.sync_copy(rows[1].at[pl.ds(0, rem), :],
                            acc.at[pl.ds(row0 + nfull * _CHUNK, rem), :])

        @pl.when(s == _NUM_SUBCORES - 1)
        def _():
            pltpu.sync_copy(rows[1].at[pl.ds(0, out_tail), :],
                            acc.at[pl.ds(out_tail0, out_tail), :])
        plsc.subcore_barrier()

        unpack(1, 1)
        issue_gather(1, 1)
        for j in range(4):
            step(j, j, True, nq == 1)

        def quad(q, carry):
            for j in range(4):
                step(4 * q + j, j, False, False)
            return carry
        lax.fori_loop(1, nq - 1, quad, 0)

        if nq > 1:
            for j in range(4):
                step(4 * (nq - 1) + j, j, False, True)
        wait_scatter(1)

        plsc.subcore_barrier()
        pltpu.sync_copy(acc.at[pl.ds(row0, rpt), :],
                        out_hbm.at[c, pl.ds(row0, rpt), :])

        @pl.when(s == _NUM_SUBCORES - 1)
        def _():
            pltpu.sync_copy(acc.at[pl.ds(out_tail0, out_tail), :],
                            out_hbm.at[c, pl.ds(out_tail0, out_tail), :])

    return sc_edge


def kernel(feat, edge_index, etypes, weight):
    n, f = feat.shape
    num_rels, _, o = weight.shape
    e = etypes.shape[0]
    src = edge_index[0]
    dst = edge_index[1]

    assert e % _CHUNK == 0
    chunks = e // _CHUNK
    pt = -(-chunks // _NW)
    pt = -(-pt // 8) * 8
    et2 = etypes.reshape(chunks, _CHUNK)
    src2 = src.reshape(chunks, _CHUNK)
    dst2 = dst.reshape(chunks, _CHUNK)

    t, packed_p = _transform_nodes(feat, weight, et2, src2, dst2, _NW * pt)
    t2 = t.reshape(num_rels * n, o)
    sc_edge = _make_sc_edge_kernel(n, o, pt)
    partials = sc_edge(t2, packed_p)
    return _combine_partials(partials)

# --- scband reference (transcript-rebuilt; emitter-appended) ---
"""Pipeline reference for scband-rgcnlow-mem-4475355922763 (READ-ONLY COPY).

The authoritative reference and input builder live on the scoring server;
editing this copy changes nothing except your own understanding.
"""

import jax, jax.numpy as jnp
import numpy as np

N = 10000
E = 320000
IN_FEAT = 128
OUT_FEAT = 128
NUM_RELS = 16


def setup_inputs(seed: int = 0) -> dict:
    key = jax.random.key(seed)
    k1, k2, k3, k4 = jax.random.split(key, 4)
    feat = jax.random.normal(k1, (N, IN_FEAT), dtype=jnp.float32)
    edge_index = jax.random.randint(k2, (2, E), 0, N, dtype=jnp.int32)
    etypes = jax.random.randint(k3, (E,), 0, NUM_RELS, dtype=jnp.int32)
    weight = jax.random.normal(k4, (NUM_RELS, IN_FEAT, OUT_FEAT), dtype=jnp.float32) * 0.05
    return {"feat": feat, "edge_index": edge_index, "etypes": etypes, "weight": weight}


def reference(feat, edge_index, etypes, weight):
    # Low-memory RGCN: sort edges by relation type, then do one dense matmul
    # per relation on the gathered source features (rows selected by a
    # fixed-shape relation mask), and finally scatter-add (sum) the messages
    # onto destination nodes.
    order = jnp.argsort(etypes)
    et_sorted = etypes[order]
    src = edge_index[0][order]
    dst = edge_index[1][order]
    num_rels = weight.shape[0]
    h_src = jnp.take(feat, src, axis=0)
    msg = jnp.zeros((h_src.shape[0], weight.shape[2]), dtype=h_src.dtype)
    for r in range(num_rels):
        full = jnp.matmul(h_src, weight[r])
        mask = (et_sorted == r)[:, None]
        msg = jnp.where(mask, full, msg)
    out = jax.ops.segment_sum(msg, dst, num_segments=feat.shape[0])
    return out

if __name__ == "__main__":
    import jax
    _d = setup_inputs()
    print(jax.jit(kernel)(*tuple(_d.values())))

</pallas_src>

<mosaic_0001>
#map = affine_map<(d0, d1) -> (0, 0)>
#map1 = affine_map<(d0, d1) -> (0, 0, 0)>
module attributes {stable_mosaic.version = 14 : i64} {
  func.func @sc_edge(%arg0: i32, %arg1: i32, %arg2: memref<160000x128xf32, #tpu.memory_space<hbm>>, %arg3: memref<2560x128xi32, #tpu.memory_space<hbm>>, %arg4: memref<2x10000x128xf32, #tpu.memory_space<hbm>>, %arg5: memref<80x128xi32, #tpu.memory_space<vmem>>, %arg6: memref<4x128xi32, #tpu.memory_space<vmem>>, %arg7: memref<4x128xi32, #tpu.memory_space<vmem>>, %arg8: memref<128x128xf32, #tpu.memory_space<vmem>>, %arg9: memref<128x128xf32, #tpu.memory_space<vmem>>, %arg10: memref<10128x128xf32, #tpu.memory_space<vmem_shared>>, %arg11: memref<!tpu.dma_semaphore, #tpu.memory_space<semaphore_mem>>, %arg12: memref<!tpu.dma_semaphore, #tpu.memory_space<semaphore_mem>>, %arg13: memref<!tpu.dma_semaphore, #tpu.memory_space<semaphore_mem>>, %arg14: memref<!tpu.dma_semaphore, #tpu.memory_space<semaphore_mem>>) attributes {dimension_semantics = [#tpu.dimension_semantics<core_parallel>, #tpu.dimension_semantics<subcore_parallel>], iteration_bounds = array<i64: 2, 16>, scalar_prefetch = 0 : i64, scratch_operands = 10 : i64, tpu.core_type = #tpu.core_type<sc_vector_subcore>, window_params = [{transform_indices = #map}, {transform_indices = #map}, {transform_indices = #map1}]} {
    %mul3A = arith.constant 2 : i32
    %mul3A_0 = arith.muli %arg1, %mul3A : i32
    %add3A = arith.addi %mul3A_0, %arg0 : i32
    %mul3A_1 = arith.constant 80 : i32
    %mul3A_2 = arith.muli %add3A, %mul3A_1 : i32
    "tpu.region"() ({
      %run_scoped3A = tpu.sem_alloc : memref<!tpu.dma_semaphore, #tpu.memory_space<semaphore_mem>>
      %dma_start3A_1724 = arith.constant 0 : i32
      %dma_start3A_1725 = tpu.memref_slice %arg3[%mul3A_2, %dma_start3A_1724] : memref<2560x128xi32, #tpu.memory_space<hbm>> -> memref<80x128xi32, #tpu.memory_space<hbm>>
      %dma_start3A_1726 = arith.constant 0 : i32
      %dma_start3A_1727 = tpu.memref_slice %arg3[%mul3A_2, %dma_start3A_1726] : memref<2560x128xi32, #tpu.memory_space<hbm>> -> memref<80x128xi32, #tpu.memory_space<hbm>>
      tpu.enqueue_dma source(%dma_start3A_1727 : memref<80x128xi32, #tpu.memory_space<hbm>>) target(%arg5 : memref<80x128xi32, #tpu.memory_space<vmem>>) target_semaphore(%run_scoped3A : memref<!tpu.dma_semaphore, #tpu.memory_space<semaphore_mem>>)
      %dma_wait3A_1728 = arith.constant 0 : i32
      %dma_wait3A_1729 = tpu.memref_slice %arg3[%mul3A_2, %dma_wait3A_1728] : memref<2560x128xi32, #tpu.memory_space<hbm>> -> memref<80x128xi32, #tpu.memory_space<hbm>>
      %dma_wait3A_1730 = arith.constant 0 : i32
      %dma_wait3A_1731 = tpu.memref_slice %arg3[%mul3A_2, %dma_wait3A_1730] : memref<2560x128xi32, #tpu.memory_space<hbm>> -> memref<80x128xi32, #tpu.memory_space<hbm>>
      tpu.wait_dma2 semaphore(%run_scoped3A : memref<!tpu.dma_semaphore, #tpu.memory_space<semaphore_mem>>) src(%dma_wait3A_1731 : memref<80x128xi32, #tpu.memory_space<hbm>>) dst(%arg5 : memref<80x128xi32, #tpu.memory_space<vmem>>)
      tpu.yield
    }) : () -> ()
    %get3A = arith.constant 0 : i32
    %get3A_3 = arith.index_cast %get3A : i32 to index
    %get3A_4 = arith.constant 0 : index
    %get3A_5 = tpu.vector_load %arg5[%get3A_3, %get3A_4] {strides = array<i32>} : memref<80x128xi32, #tpu.memory_space<vmem>>, vector<1x16xi32>,
    %get3A_6 = vector.shape_cast %get3A_5 : vector<1x16xi32> to vector<16xi32>
    %and3A = arith.constant 262143 : i32
    %and3A_7 = vector.broadcast %and3A : i32 to vector<16xi32>
    %and3A_8 = arith.andi %get3A_6, %and3A_7 : vector<16xi32>
    %swap3A = arith.constant 0 : i32
    %swap3A_9 = arith.index_cast %swap3A : i32 to index
    %swap3A_10 = arith.constant 0 : index
    %swap3A_11 = tpu.vector_load %arg6[%swap3A_9, %swap3A_10] {strides = array<i32>} : memref<4x128xi32, #tpu.memory_space<vmem>>, vector<1x16xi32>,
    %swap3A_12 = vector.shape_cast %swap3A_11 : vector<1x16xi32> to vector<16xi32>
    %swap3A_13 = vector.shape_cast %and3A_8 : vector<16xi32> to vector<1x16xi32>
    tpu.vector_store %arg6[%swap3A_9, %swap3A_10], %swap3A_13 {strides = array<i32>} : memref<4x128xi32, #tpu.memory_space<vmem>>, vector<1x16xi32>,
    %shift_right_logical3A = arith.constant 18 : i32
    %shift_right_logical3A_14 = vector.broadcast %shift_right_logical3A : i32 to vector<16xi32>
    %shift_right_logical3A_15 = arith.shrui %get3A_6, %shift_right_logical3A_14 : vector<16xi32>
    %swap3A_16 = arith.constant 0 : i32
    %swap3A_17 = arith.index_cast %swap3A_16 : i32 to index
    %swap3A_18 = arith.constant 0 : index
    %swap3A_19 = tpu.vector_load %arg7[%swap3A_17, %swap3A_18] {strides = array<i32>} : memref<4x128xi32, #tpu.memory_space<vmem>>, vector<1x16xi32>,
    %swap3A_20 = vector.shape_cast %swap3A_19 : vector<1x16xi32> to vector<16xi32>
    %swap3A_21 = vector.shape_cast %shift_right_logical3A_15 : vector<16xi32> to vector<1x16xi32>
    tpu.vector_store %arg7[%swap3A_17, %swap3A_18], %swap3A_21 {strides = array<i32>} : memref<4x128xi32, #tpu.memory_space<vmem>>, vector<1x16xi32>,
    %get3A_22 = arith.constant 0 : i32
    %get3A_23 = arith.index_cast %get3A_22 : i32 to index
    %get3A_24 = arith.constant 16 : index
    %get3A_25 = tpu.vector_load %arg5[%get3A_23, %get3A_24] {strides = array<i32>} : memref<80x128xi32, #tpu.memory_space<vmem>>, vector<1x16xi32>,
    %get3A_26 = vector.shape_cast %get3A_25 : vector<1x16xi32> to vector<16xi32>
    %and3A_27 = arith.constant 262143 : i32
    %and3A_28 = vector.broadcast %and3A_27 : i32 to vector<16xi32>
    %and3A_29 = arith.andi %get3A_26, %and3A_28 : vector<16xi32>
    %swap3A_30 = arith.constant 0 : i32
    %swap3A_31 = arith.index_cast %swap3A_30 : i32 to index
    %swap3A_32 = arith.constant 16 : index
    %swap3A_33 = tpu.vector_load %arg6[%swap3A_31, %swap3A_32] {strides = array<i32>} : memref<4x128xi32, #tpu.memory_space<vmem>>, vector<1x16xi32>,
    %swap3A_34 = vector.shape_cast %swap3A_33 : vector<1x16xi32> to vector<16xi32>
    %swap3A_35 = vector.shape_cast %and3A_29 : vector<16xi32> to vector<1x16xi32>
    tpu.vector_store %arg6[%swap3A_31, %swap3A_32], %swap3A_35 {strides = array<i32>} : memref<4x128xi32, #tpu.memory_space<vmem>>, vector<1x16xi32>,
    %shift_right_logical3A_36 = arith.constant 18 : i32
    %shift_right_logical3A_37 = vector.broadcast %shift_right_logical3A_36 : i32 to vector<16xi32>
    %shift_right_logical3A_38 = arith.shrui %get3A_26, %shift_right_logical3A_37 : vector<16xi32>
    %swap3A_39 = arith.constant 0 : i32
    %swap3A_40 = arith.index_cast %swap3A_39 : i32 to index
    %swap3A_41 = arith.constant 16 : index
    %swap3A_42 = tpu.vector_load %arg7[%swap3A_40, %swap3A_41] {strides = array<i32>} : memref<4x128xi32, #tpu.memory_space<vmem>>, vector<1x16xi32>,
    %swap3A_43 = vector.shape_cast %swap3A_42 : vector<1x16xi32> to vector<16xi32>
    %swap3A_44 = vector.shape_cast %shift_right_logical3A_38 : vector<16xi32> to vector<1x16xi32>
    tpu.vector_store %arg7[%swap3A_40, %swap3A_41], %swap3A_44 {strides = array<i32>} : memref<4x128xi32, #tpu.memory_space<vmem>>, vector<1x16xi32>,
    %get3A_45 = arith.constant 0 : i32
    %get3A_46 = arith.index_cast %get3A_45 : i32 to index
    %get3A_47 = arith.constant 32 : index
    %get3A_48 = tpu.vector_load %arg5[%get3A_46, %get3A_47] {strides = array<i32>} : memref<80x128xi32, #tpu.memory_space<vmem>>, vector<1x16xi32>,
    %get3A_49 = vector.shape_cast %get3A_48 : vector<1x16xi32> to vector<16xi32>
    %and3A_50 = arith.constant 262143 : i32
    %and3A_51 = vector.broadcast %and3A_50 : i32 to vector<16xi32>
    %and3A_52 = arith.andi %get3A_49, %and3A_51 : vector<16xi32>
    %swap3A_53 = arith.constant 0 : i32
    %swap3A_54 = arith.index_cast %swap3A_53 : i32 to index
    %swap3A_55 = arith.constant 32 : index
    %swap3A_56 = tpu.vector_load %arg6[%swap3A_54, %swap3A_55] {strides = array<i32>} : memref<4x128xi32, #tpu.memory_space<vmem>>, vector<1x16xi32>,
    %swap3A_57 = vector.shape_cast %swap3A_56 : vector<1x16xi32> to vector<16xi32>
    %swap3A_58 = vector.shape_cast %and3A_52 : vector<16xi32> to vector<1x16xi32>
    tpu.vector_store %arg6[%swap3A_54, %swap3A_55], %swap3A_58 {strides = array<i32>} : memref<4x128xi32, #tpu.memory_space<vmem>>, vector<1x16xi32>,
    %shift_right_logical3A_59 = arith.constant 18 : i32
    %shift_right_logical3A_60 = vector.broadcast %shift_right_logical3A_59 : i32 to vector<16xi32>
    %shift_right_logical3A_61 = arith.shrui %get3A_49, %shift_right_logical3A_60 : vector<16xi32>
    %swap3A_62 = arith.constant 0 : i32
    %swap3A_63 = arith.index_cast %swap3A_62 : i32 to index
    %swap3A_64 = arith.constant 32 : index
    %swap3A_65 = tpu.vector_load %arg7[%swap3A_63, %swap3A_64] {strides = array<i32>} : memref<4x128xi32, #tpu.memory_space<vmem>>, vector<1x16xi32>,
    %swap3A_66 = vector.shape_cast %swap3A_65 : vector<1x16xi32> to vector<16xi32>
    %swap3A_67 = vector.shape_cast %shift_right_logical3A_61 : vector<16xi32> to vector<1x16xi32>
    tpu.vector_store %arg7[%swap3A_63, %swap3A_64], %swap3A_67 {strides = array<i32>} : memref<4x128xi32, #tpu.memory_space<vmem>>, vector<1x16xi32>,
    %get3A_68 = arith.constant 0 : i32
    %get3A_69 = arith.index_cast %get3A_68 : i32 to index
    %get3A_70 = arith.constant 48 : index
    %get3A_71 = tpu.vector_load %arg5[%get3A_69, %get3A_70] {strides = array<i32>} : memref<80x128xi32, #tpu.memory_space<vmem>>, vector<1x16xi32>,
    %get3A_72 = vector.shape_cast %get3A_71 : vector<1x16xi32> to vector<16xi32>
    %and3A_73 = arith.constant 262143 : i32
    %and3A_74 = vector.broadcast %and3A_73 : i32 to vector<16xi32>
    %and3A_75 = arith.andi %get3A_72, %and3A_74 : vector<16xi32>
    %swap3A_76 = arith.constant 0 : i32
    %swap3A_77 = arith.index_cast %swap3A_76 : i32 to index
    %swap3A_78 = arith.constant 48 : index
    %swap3A_79 = tpu.vector_load %arg6[%swap3A_77, %swap3A_78] {strides = array<i32>} : memref<4x128xi32, #tpu.memory_space<vmem>>, vector<1x16xi32>,
    %swap3A_80 = vector.shape_cast %swap3A_79 : vector<1x16xi32> to vector<16xi32>
    %swap3A_81 = vector.shape_cast %and3A_75 : vector<16xi32> to vector<1x16xi32>
    tpu.vector_store %arg6[%swap3A_77, %swap3A_78], %swap3A_81 {strides = array<i32>} : memref<4x128xi32, #tpu.memory_space<vmem>>, vector<1x16xi32>,
    %shift_right_logical3A_82 = arith.constant 18 : i32
    %shift_right_logical3A_83 = vector.broadcast %shift_right_logical3A_82 : i32 to vector<16xi32>
    %shift_right_logical3A_84 = arith.shrui %get3A_72, %shift_right_logical3A_83 : vector<16xi32>
    %swap3A_85 = arith.constant 0 : i32
    %swap3A_86 = arith.index_cast %swap3A_85 : i32 to index
    %swap3A_87 = arith.constant 48 : index
    %swap3A_88 = tpu.vector_load %arg7[%swap3A_86, %swap3A_87] {strides = array<i32>} : memref<4x128xi32, #tpu.memory_space<vmem>>, vector<1x16xi32>,
    %swap3A_89 = vector.shape_cast %swap3A_88 : vector<1x16xi32> to vector<16xi32>
    %swap3A_90 = vector.shape_cast %shift_right_logical3A_84 : vector<16xi32> to vector<1x16xi32>
    tpu.vector_store %arg7[%swap3A_86, %swap3A_87], %swap3A_90 {strides = array<i32>} : memref<4x128xi32, #tpu.memory_space<vmem>>, vector<1x16xi32>,
    %get3A_91 = arith.constant 0 : i32
    %get3A_92 = arith.index_cast %get3A_91 : i32 to index
    %get3A_93 = arith.constant 64 : index
    %get3A_94 = tpu.vector_load %arg5[%get3A_92, %get3A_93] {strides = array<i32>} : memref<80x128xi32, #tpu.memory_space<vmem>>, vector<1x16xi32>,
    %get3A_95 = vector.shape_cast %get3A_94 : vector<1x16xi32> to vector<16xi32>
    %and3A_96 = arith.constant 262143 : i32
    %and3A_97 = vector.broadcast %and3A_96 : i32 to vector<16xi32>
    %and3A_98 = arith.andi %get3A_95, %and3A_97 : vector<16xi32>
    %swap3A_99 = arith.constant 0 : i32
    %swap3A_100 = arith.index_cast %swap3A_99 : i32 to index
    %swap3A_101 = arith.constant 64 : index
    %swap3A_102 = tpu.vector_load %arg6[%swap3A_100, %swap3A_101] {strides = array<i32>} : memref<4x128xi32, #tpu.memory_space<vmem>>, vector<1x16xi32>,
    %swap3A_103 = vector.shape_cast %swap3A_102 : vector<1x16xi32> to vector<16xi32>
    %swap3A_104 = vector.shape_cast %and3A_98 : vector<16xi32> to vector<1x16xi32>
    tpu.vector_store %arg6[%swap3A_100, %swap3A_101], %swap3A_104 {strides = array<i32>} : memref<4x128xi32, #tpu.memory_space<vmem>>, vector<1x16xi32>,
    %shift_right_logical3A_105 = arith.constant 18 : i32
    %shift_right_logical3A_106 = vector.broadcast %shift_right_logical3A_105 : i32 to vector<16xi32>
    %shift_right_logical3A_107 = arith.shrui %get3A_95, %shift_right_logical3A_106 : vector<16xi32>
    %swap3A_108 = arith.constant 0 : i32
    %swap3A_109 = arith.index_cast %swap3A_108 : i32 to index
    %swap3A_110 = arith.constant 64 : index
    %swap3A_111 = tpu.vector_load %arg7[%swap3A_109, %swap3A_110] {strides = array<i32>} : memref<4x128xi32, #tpu.memory_space<vmem>>, vector<1x16xi32>,
    %swap3A_112 = vector.shape_cast %swap3A_111 : vector<1x16xi32> to vector<16xi32>
    %swap3A_113 = vector.shape_cast %shift_right_logical3A_107 : vector<16xi32> to vector<1x16xi32>
    tpu.vector_store %arg7[%swap3A_109, %swap3A_110], %swap3A_113 {strides = array<i32>} : memref<4x128xi32, #tpu.memory_space<vmem>>, vector<1x16xi32>,
    %get3A_114 = arith.constant 0 : i32
    %get3A_115 = arith.index_cast %get3A_114 : i32 to index
    %get3A_116 = arith.constant 80 : index
    %get3A_117 = tpu.vector_load %arg5[%get3A_115, %get3A_116] {strides = array<i32>} : memref<80x128xi32, #tpu.memory_space<vmem>>, vector<1x16xi32>,
    %get3A_118 = vector.shape_cast %get3A_117 : vector<1x16xi32> to vector<16xi32>
    %and3A_119 = arith.constant 262143 : i32
    %and3A_120 = vector.broadcast %and3A_119 : i32 to vector<16xi32>
    %and3A_121 = arith.andi %get3A_118, %and3A_120 : vector<16xi32>
    %swap3A_122 = arith.constant 0 : i32
    %swap3A_123 = arith.index_cast %swap3A_122 : i32 to index
    %swap3A_124 = arith.constant 80 : index
    %swap3A_125 = tpu.vector_load %arg6[%swap3A_123, %swap3A_124] {strides = array<i32>} : memref<4x128xi32, #tpu.memory_space<vmem>>, vector<1x16xi32>,
    %swap3A_126 = vector.shape_cast %swap3A_125 : vector<1x16xi32> to vector<16xi32>
    %swap3A_127 = vector.shape_cast %and3A_121 : vector<16xi32> to vector<1x16xi32>
    tpu.vector_store %arg6[%swap3A_123, %swap3A_124], %swap3A_127 {strides = array<i32>} : memref<4x128xi32, #tpu.memory_space<vmem>>, vector<1x16xi32>,
    %shift_right_logical3A_128 = arith.constant 18 : i32
    %shift_right_logical3A_129 = vector.broadcast %shift_right_logical3A_128 : i32 to vector<16xi32>
    %shift_right_logical3A_130 = arith.shrui %get3A_118, %shift_right_logical3A_129 : vector<16xi32>
    %swap3A_131 = arith.constant 0 : i32
    %swap3A_132 = arith.index_cast %swap3A_131 : i32 to index
    %swap3A_133 = arith.constant 80 : index
    %swap3A_134 = tpu.vector_load %arg7[%swap3A_132, %swap3A_133] {strides = array<i32>} : memref<4x128xi32, #tpu.memory_space<vmem>>, vector<1x16xi32>,
    %swap3A_135 = vector.shape_cast %swap3A_134 : vector<1x16xi32> to vector<16xi32>
    %swap3A_136 = vector.shape_cast %shift_right_logical3A_130 : vector<16xi32> to vector<1x16xi32>
    tpu.vector_store %arg7[%swap3A_132, %swap3A_133], %swap3A_136 {strides = array<i32>} : memref<4x128xi32, #tpu.memory_space<vmem>>, vector<1x16xi32>,
    %get3A_137 = arith.constant 0 : i32
    %get3A_138 = arith.index_cast %get3A_137 : i32 to index
    %get3A_139 = arith.constant 96 : index
    %get3A_140 = tpu.vector_load %arg5[%get3A_138, %get3A_139] {strides = array<i32>} : memref<80x128xi32, #tpu.memory_space<vmem>>, vector<1x16xi32>,
    %get3A_141 = vector.shape_cast %get3A_140 : vector<1x16xi32> to vector<16xi32>
    %and3A_142 = arith.constant 262143 : i32
    %and3A_143 = vector.broadcast %and3A_142 : i32 to vector<16xi32>
    %and3A_144 = arith.andi %get3A_141, %and3A_143 : vector<16xi32>
    %swap3A_145 = arith.constant 0 : i32
    %swap3A_146 = arith.index_cast %swap3A_145 : i32 to index
    %swap3A_147 = arith.constant 96 : index
    %swap3A_148 = tpu.vector_load %arg6[%swap3A_146, %swap3A_147] {strides = array<i32>} : memref<4x128xi32, #tpu.memory_space<vmem>>, vector<1x16xi32>,
    %swap3A_149 = vector.shape_cast %swap3A_148 : vector<1x16xi32> to vector<16xi32>
    %swap3A_150 = vector.shape_cast %and3A_144 : vector<16xi32> to vector<1x16xi32>
    tpu.vector_store %arg6[%swap3A_146, %swap3A_147], %swap3A_150 {strides = array<i32>} : memref<4x128xi32, #tpu.memory_space<vmem>>, vector<1x16xi32>,
    %shift_right_logical3A_151 = arith.constant 18 : i32
    %shift_right_logical3A_152 = vector.broadcast %shift_right_logical3A_151 : i32 to vector<16xi32>
    %shift_right_logical3A_153 = arith.shrui %get3A_141, %shift_right_logical3A_152 : vector<16xi32>
    %swap3A_154 = arith.constant 0 : i32
    %swap3A_155 = arith.index_cast %swap3A_154 : i32 to index
    %swap3A_156 = arith.constant 96 : index
    %swap3A_157 = tpu.vector_load %arg7[%swap3A_155, %swap3A_156] {strides = array<i32>} : memref<4x128xi32, #tpu.memory_space<vmem>>, vector<1x16xi32>,
    %swap3A_158 = vector.shape_cast %swap3A_157 : vector<1x16xi32> to vector<16xi32>
    %swap3A_159 = vector.shape_cast %shift_right_logical3A_153 : vector<16xi32> to vector<1x16xi32>
    tpu.vector_store %arg7[%swap3A_155, %swap3A_156], %swap3A_159 {strides = array<i32>} : memref<4x128xi32, #tpu.memory_space<vmem>>, vector<1x16xi32>,
    %get3A_160 = arith.constant 0 : i32
    %get3A_161 = arith.index_cast %get3A_160 : i32 to index
    %get3A_162 = arith.constant 112 : index
    %get3A_163 = tpu.vector_load %arg5[%get3A_161, %get3A_162] {strides = array<i32>} : memref<80x128xi32, #tpu.memory_space<vmem>>, vector<1x16xi32>,
    %get3A_164 = vector.shape_cast %get3A_163 : vector<1x16xi32> to vector<16xi32>
    %and3A_165 = arith.constant 262143 : i32
    %and3A_166 = vector.broadcast %and3A_165 : i32 to vector<16xi32>
    %and3A_167 = arith.andi %get3A_164, %and3A_166 : vector<16xi32>
    %swap3A_168 = arith.constant 0 : i32
    %swap3A_169 = arith.index_cast %swap3A_168 : i32 to index
    %swap3A_170 = arith.constant 112 : index
    %swap3A_171 = tpu.vector_load %arg6[%swap3A_169, %swap3A_170] {strides = array<i32>} : memref<4x128xi32, #tpu.memory_space<vmem>>, vector<1x16xi32>,
    %swap3A_172 = vector.shape_cast %swap3A_171 : vector<1x16xi32> to vector<16xi32>
    %swap3A_173 = vector.shape_cast %and3A_167 : vector<16xi32> to vector<1x16xi32>
    tpu.vector_store %arg6[%swap3A_169, %swap3A_170], %swap3A_173 {strides = array<i32>} : memref<4x128xi32, #tpu.memory_space<vmem>>, vector<1x16xi32>,
    %shift_right_logical3A_174 = arith.constant 18 : i32
    %shift_right_logical3A_175 = vector.broadcast %shift_right_logical3A_174 : i32 to vector<16xi32>
    %shift_right_logical3A_176 = arith.shrui %get3A_164, %shift_right_logical3A_175 : vector<16xi32>
    %swap3A_177 = arith.constant 0 : i32
    %swap3A_178 = arith.index_cast %swap3A_177 : i32 to index
    %swap3A_179 = arith.constant 112 : index
    %swap3A_180 = tpu.vector_load %arg7[%swap3A_178, %swap3A_179] {strides = array<i32>} : memref<4x128xi32, #tpu.memory_space<vmem>>, vector<1x16xi32>,
    %swap3A_181 = vector.shape_cast %swap3A_180 : vector<1x16xi32> to vector<16xi32>
    %swap3A_182 = vector.shape_cast %shift_right_logical3A_176 : vector<16xi32> to vector<1x16xi32>
    tpu.vector_store %arg7[%swap3A_178, %swap3A_179], %swap3A_182 {strides = array<i32>} : memref<4x128xi32, #tpu.memory_space<vmem>>, vector<1x16xi32>,
    %dma_start3A = arith.constant 0 : i32
    %dma_start3A_183 = arith.constant 0 : i32
    %dma_start3A_184 = tpu.memref_slice %arg6[%dma_start3A, %dma_start3A_183] : memref<4x128xi32, #tpu.memory_space<vmem>> -> memref<1x128xi32, #tpu.memory_space<vmem>>
    %dma_start3A_185 = tpu.memref_squeeze %dma_start3A_184 : memref<1x128xi32, #tpu.memory_space<vmem>> -> memref<128xi32, #tpu.memory_space<vmem>>
    %dma_start3A_186 = arith.constant 0 : i32
    %dma_start3A_187 = arith.constant 0 : i32
    %dma_start3A_188 = tpu.memref_slice %arg2[%dma_start3A_186, %dma_start3A_187] : memref<160000x128xf32, #tpu.memory_space<hbm>> -> memref<160000x128xf32, #tpu.memory_space<hbm>>
    tpu.enqueue_indirect_dma source(%dma_start3A_188 : memref<160000x128xf32, #tpu.memory_space<hbm>>) target(%arg8 : memref<128x128xf32, #tpu.memory_space<vmem>>) offsets(%dma_start3A_185 : memref<128xi32, #tpu.memory_space<vmem>>) semaphore(%arg11 : memref<!tpu.dma_semaphore, #tpu.memory_space<semaphore_mem>>)
    %scan3A = arith.constant 0 : i32
    %scan3A_189 = arith.constant 0 : i32
    %scan3A_190 = arith.constant 128 : i32
    %scan3A_191 = arith.addi %scan3A_189, %scan3A_190 : i32
    %scan3A_192 = arith.constant 1 : i32
    scf.for %scan3A_1724 = %scan3A_189 to %scan3A_191 step %scan3A_192  : i32 {
      %broadcast_in_dim3A = arith.constant 0.000000e+00 : f32
      %broadcast_in_dim3A_1725 = vector.broadcast %broadcast_in_dim3A : f32 to vector<16xf32>
      %swap3A_1726 = arith.index_cast %scan3A_1724 : i32 to index
      %swap3A_1727 = arith.constant 0 : index
      %swap3A_1728 = tpu.vector_load %arg9[%swap3A_1726, %swap3A_1727] {strides = array<i32>} : memref<128x128xf32, #tpu.memory_space<vmem>>, vector<1x16xf32>,
      %swap3A_1729 = vector.shape_cast %swap3A_1728 : vector<1x16xf32> to vector<16xf32>
      %swap3A_1730 = vector.shape_cast %broadcast_in_dim3A_1725 : vector<16xf32> to vector<1x16xf32>
      tpu.vector_store %arg9[%swap3A_1726, %swap3A_1727], %swap3A_1730 {strides = array<i32>} : memref<128x128xf32, #tpu.memory_space<vmem>>, vector<1x16xf32>,
      %broadcast_in_dim3A_1731 = arith.constant 0.000000e+00 : f32
      %broadcast_in_dim3A_1732 = vector.broadcast %broadcast_in_dim3A_1731 : f32 to vector<16xf32>
      %swap3A_1733 = arith.index_cast %scan3A_1724 : i32 to index
      %swap3A_1734 = arith.constant 16 : index
      %swap3A_1735 = tpu.vector_load %arg9[%swap3A_1733, %swap3A_1734] {strides = array<i32>} : memref<128x128xf32, #tpu.memory_space<vmem>>, vector<1x16xf32>,
      %swap3A_1736 = vector.shape_cast %swap3A_1735 : vector<1x16xf32> to vector<16xf32>
      %swap3A_1737 = vector.shape_cast %broadcast_in_dim3A_1732 : vector<16xf32> to vector<1x16xf32>
      tpu.vector_store %arg9[%swap3A_1733, %swap3A_1734], %swap3A_1737 {strides = array<i32>} : memref<128x128xf32, #tpu.memory_space<vmem>>, vector<1x16xf32>,
      %broadcast_in_dim3A_1738 = arith.constant 0.000000e+00 : f32
      %broadcast_in_dim3A_1739 = vector.broadcast %broadcast_in_dim3A_1738 : f32 to vector<16xf32>
      %swap3A_1740 = arith.index_cast %scan3A_1724 : i32 to index
      %swap3A_1741 = arith.constant 32 : index
      %swap3A_1742 = tpu.vector_load %arg9[%swap3A_1740, %swap3A_1741] {strides = array<i32>} : memref<128x128xf32, #tpu.memory_space<vmem>>, vector<1x16xf32>,
      %swap3A_1743 = vector.shape_cast %swap3A_1742 : vector<1x16xf32> to vector<16xf32>
      %swap3A_1744 = vector.shape_cast %broadcast_in_dim3A_1739 : vector<16xf32> to vector<1x16xf32>
      tpu.vector_store %arg9[%swap3A_1740, %swap3A_1741], %swap3A_1744 {strides = array<i32>} : memref<128x128xf32, #tpu.memory_space<vmem>>, vector<1x16xf32>,
      %broadcast_in_dim3A_1745 = arith.constant 0.000000e+00 : f32
      %broadcast_in_dim3A_1746 = vector.broadcast %broadcast_in_dim3A_1745 : f32 to vector<16xf32>
      %swap3A_1747 = arith.index_cast %scan3A_1724 : i32 to index
      %swap3A_1748 = arith.constant 48 : index
      %swap3A_1749 = tpu.vector_load %arg9[%swap3A_1747, %swap3A_1748] {strides = array<i32>} : memref<128x128xf32, #tpu.memory_space<vmem>>, vector<1x16xf32>,
      %swap3A_1750 = vector.shape_cast %swap3A_1749 : vector<1x16xf32> to vector<16xf32>
      %swap3A_1751 = vector.shape_cast %broadcast_in_dim3A_1746 : vector<16xf32> to vector<1x16xf32>
      tpu.vector_store %arg9[%swap3A_1747, %swap3A_1748], %swap3A_1751 {strides = array<i32>} : memref<128x128xf32, #tpu.memory_space<vmem>>, vector<1x16xf32>,
      %broadcast_in_dim3A_1752 = arith.constant 0.000000e+00 : f32
      %broadcast_in_dim3A_1753 = vector.broadcast %broadcast_in_dim3A_1752 : f32 to vector<16xf32>
      %swap3A_1754 = arith.index_cast %scan3A_1724 : i32 to index
      %swap3A_1755 = arith.constant 64 : index
      %swap3A_1756 = tpu.vector_load %arg9[%swap3A_1754, %swap3A_1755] {strides = array<i32>} : memref<128x128xf32, #tpu.memory_space<vmem>>, vector<1x16xf32>,
      %swap3A_1757 = vector.shape_cast %swap3A_1756 : vector<1x16xf32> to vector<16xf32>
      %swap3A_1758 = vector.shape_cast %broadcast_in_dim3A_1753 : vector<16xf32> to vector<1x16xf32>
      tpu.vector_store %arg9[%swap3A_1754, %swap3A_1755], %swap3A_1758 {strides = array<i32>} : memref<128x128xf32, #tpu.memory_space<vmem>>, vector<1x16xf32>,
      %broadcast_in_dim3A_1759 = arith.constant 0.000000e+00 : f32
      %broadcast_in_dim3A_1760 = vector.broadcast %broadcast_in_dim3A_1759 : f32 to vector<16xf32>
      %swap3A_1761 = arith.index_cast %scan3A_1724 : i32 to index
      %swap3A_1762 = arith.constant 80 : index
      %swap3A_1763 = tpu.vector_load %arg9[%swap3A_1761, %swap3A_1762] {strides = array<i32>} : memref<128x128xf32, #tpu.memory_space<vmem>>, vector<1x16xf32>,
      %swap3A_1764 = vector.shape_cast %swap3A_1763 : vector<1x16xf32> to vector<16xf32>
      %swap3A_1765 = vector.shape_cast %broadcast_in_dim3A_1760 : vector<16xf32> to vector<1x16xf32>
      tpu.vector_store %arg9[%swap3A_1761, %swap3A_1762], %swap3A_1765 {strides = array<i32>} : memref<128x128xf32, #tpu.memory_space<vmem>>, vector<1x16xf32>,
      %broadcast_in_dim3A_1766 = arith.constant 0.000000e+00 : f32
      %broadcast_in_dim3A_1767 = vector.broadcast %broadcast_in_dim3A_1766 : f32 to vector<16xf32>
      %swap3A_1768 = arith.index_cast %scan3A_1724 : i32 to index
      %swap3A_1769 = arith.constant 96 : index
      %swap3A_1770 = tpu.vector_load %arg9[%swap3A_1768, %swap3A_1769] {strides = array<i32>} : memref<128x128xf32, #tpu.memory_space<vmem>>, vector<1x16xf32>,
      %swap3A_1771 = vector.shape_cast %swap3A_1770 : vector<1x16xf32> to vector<16xf32>
      %swap3A_1772 = vector.shape_cast %broadcast_in_dim3A_1767 : vector<16xf32> to vector<1x16xf32>
      tpu.vector_store %arg9[%swap3A_1768, %swap3A_1769], %swap3A_1772 {strides = array<i32>} : memref<128x128xf32, #tpu.memory_space<vmem>>, vector<1x16xf32>,
      %broadcast_in_dim3A_1773 = arith.constant 0.000000e+00 : f32
      %broadcast_in_dim3A_1774 = vector.broadcast %broadcast_in_dim3A_1773 : f32 to vector<16xf32>
      %swap3A_1775 = arith.index_cast %scan3A_1724 : i32 to index
      %swap3A_1776 = arith.constant 112 : index
      %swap3A_1777 = tpu.vector_load %arg9[%swap3A_1775, %swap3A_1776] {strides = array<i32>} : memref<128x128xf32, #tpu.memory_space<vmem>>, vector<1x16xf32>,
      %swap3A_1778 = vector.shape_cast %swap3A_1777 : vector<1x16xf32> to vector<16xf32>
      %swap3A_1779 = vector.shape_cast %broadcast_in_dim3A_1774 : vector<16xf32> to vector<1x16xf32>
      tpu.vector_store %arg9[%swap3A_1775, %swap3A_1776], %swap3A_1779 {strides = array<i32>} : memref<128x128xf32, #tpu.memory_space<vmem>>, vector<1x16xf32>,
    }
    %scan3A_193 = arith.constant 128 : i32
    %mul3A_194 = arith.constant 624 : i32
    %mul3A_195 = arith.muli %arg1, %mul3A_194 : i32
    %add3A_196 = arith.constant 0 : i32
    %add3A_197 = arith.addi %mul3A_195, %add3A_196 : i32
    "tpu.region"() ({
      %run_scoped3A = tpu.sem_alloc : memref<!tpu.dma_semaphore, #tpu.memory_space<semaphore_mem>>
      %dma_start3A_1724 = arith.constant 0 : i32
      %dma_start3A_1725 = tpu.memref_slice %arg10[%add3A_197, %dma_start3A_1724] : memref<10128x128xf32, #tpu.memory_space<vmem_shared>> -> memref<128x128xf32, #tpu.memory_space<vmem_shared>>
      %dma_start3A_1726 = arith.constant 0 : i32
      %dma_start3A_1727 = tpu.memref_slice %arg10[%add3A_197, %dma_start3A_1726] : memref<10128x128xf32, #tpu.memory_space<vmem_shared>> -> memref<128x128xf32, #tpu.memory_space<vmem_shared>>
      tpu.enqueue_dma source(%arg9 : memref<128x128xf32, #tpu.memory_space<vmem>>) target(%dma_start3A_1727 : memref<128x128xf32, #tpu.memory_space<vmem_shared>>) target_semaphore(%run_scoped3A : memref<!tpu.dma_semaphore, #tpu.memory_space<semaphore_mem>>)
      %dma_wait3A_1728 = arith.constant 0 : i32
      %dma_wait3A_1729 = tpu.memref_slice %arg10[%add3A_197, %dma_wait3A_1728] : memref<10128x128xf32, #tpu.memory_space<vmem_shared>> -> memref<128x128xf32, #tpu.memory_space<vmem_shared>>
      %dma_wait3A_1730 = arith.constant 0 : i32
      %dma_wait3A_1731 = tpu.memref_slice %arg10[%add3A_197, %dma_wait3A_1730] : memref<10128x128xf32, #tpu.memory_space<vmem_shared>> -> memref<128x128xf32, #tpu.memory_space<vmem_shared>>
      tpu.wait_dma2 semaphore(%run_scoped3A : memref<!tpu.dma_semaphore, #tpu.memory_space<semaphore_mem>>) src(%arg9 : memref<128x128xf32, #tpu.memory_space<vmem>>) dst(%dma_wait3A_1731 : memref<128x128xf32, #tpu.memory_space<vmem_shared>>)
      tpu.yield
    }) : () -> ()
    %add3A_198 = arith.constant 128 : i32
    %add3A_199 = arith.addi %mul3A_195, %add3A_198 : i32
    "tpu.region"() ({
      %run_scoped3A = tpu.sem_alloc : memref<!tpu.dma_semaphore, #tpu.memory_space<semaphore_mem>>
      %dma_start3A_1724 = arith.constant 0 : i32
      %dma_start3A_1725 = tpu.memref_slice %arg10[%add3A_199, %dma_start3A_1724] : memref<10128x128xf32, #tpu.memory_space<vmem_shared>> -> memref<128x128xf32, #tpu.memory_space<vmem_shared>>
      %dma_start3A_1726 = arith.constant 0 : i32
      %dma_start3A_1727 = tpu.memref_slice %arg10[%add3A_199, %dma_start3A_1726] : memref<10128x128xf32, #tpu.memory_space<vmem_shared>> -> memref<128x128xf32, #tpu.memory_space<vmem_shared>>
      tpu.enqueue_dma source(%arg9 : memref<128x128xf32, #tpu.memory_space<vmem>>) target(%dma_start3A_1727 : memref<128x128xf32, #tpu.memory_space<vmem_shared>>) target_semaphore(%run_scoped3A : memref<!tpu.dma_semaphore, #tpu.memory_space<semaphore_mem>>)
      %dma_wait3A_1728 = arith.constant 0 : i32
      %dma_wait3A_1729 = tpu.memref_slice %arg10[%add3A_199, %dma_wait3A_1728] : memref<10128x128xf32, #tpu.memory_space<vmem_shared>> -> memref<128x128xf32, #tpu.memory_space<vmem_shared>>
      %dma_wait3A_1730 = arith.constant 0 : i32
      %dma_wait3A_1731 = tpu.memref_slice %arg10[%add3A_199, %dma_wait3A_1730] : memref<10128x128xf32, #tpu.memory_space<vmem_shared>> -> memref<128x128xf32, #tpu.memory_space<vmem_shared>>
      tpu.wait_dma2 semaphore(%run_scoped3A : memref<!tpu.dma_semaphore, #tpu.memory_space<semaphore_mem>>) src(%arg9 : memref<128x128xf32, #tpu.memory_space<vmem>>) dst(%dma_wait3A_1731 : memref<128x128xf32, #tpu.memory_space<vmem_shared>>)
      tpu.yield
    }) : () -> ()
    %add3A_200 = arith.constant 256 : i32
    %add3A_201 = arith.addi %mul3A_195, %add3A_200 : i32
    "tpu.region"() ({
      %run_scoped3A = tpu.sem_alloc : memref<!tpu.dma_semaphore, #tpu.memory_space<semaphore_mem>>
      %dma_start3A_1724 = arith.constant 0 : i32
      %dma_start3A_1725 = tpu.memref_slice %arg10[%add3A_201, %dma_start3A_1724] : memref<10128x128xf32, #tpu.memory_space<vmem_shared>> -> memref<128x128xf32, #tpu.memory_space<vmem_shared>>
      %dma_start3A_1726 = arith.constant 0 : i32
      %dma_start3A_1727 = tpu.memref_slice %arg10[%add3A_201, %dma_start3A_1726] : memref<10128x128xf32, #tpu.memory_space<vmem_shared>> -> memref<128x128xf32, #tpu.memory_space<vmem_shared>>
      tpu.enqueue_dma source(%arg9 : memref<128x128xf32, #tpu.memory_space<vmem>>) target(%dma_start3A_1727 : memref<128x128xf32, #tpu.memory_space<vmem_shared>>) target_semaphore(%run_scoped3A : memref<!tpu.dma_semaphore, #tpu.memory_space<semaphore_mem>>)
      %dma_wait3A_1728 = arith.constant 0 : i32
      %dma_wait3A_1729 = tpu.memref_slice %arg10[%add3A_201, %dma_wait3A_1728] : memref<10128x128xf32, #tpu.memory_space<vmem_shared>> -> memref<128x128xf32, #tpu.memory_space<vmem_shared>>
      %dma_wait3A_1730 = arith.constant 0 : i32
      %dma_wait3A_1731 = tpu.memref_slice %arg10[%add3A_201, %dma_wait3A_1730] : memref<10128x128xf32, #tpu.memory_space<vmem_shared>> -> memref<128x128xf32, #tpu.memory_space<vmem_shared>>
      tpu.wait_dma2 semaphore(%run_scoped3A : memref<!tpu.dma_semaphore, #tpu.memory_space<semaphore_mem>>) src(%arg9 : memref<128x128xf32, #tpu.memory_space<vmem>>) dst(%dma_wait3A_1731 : memref<128x128xf32, #tpu.memory_space<vmem_shared>>)
      tpu.yield
    }) : () -> ()
    %add3A_202 = arith.constant 384 : i32
    %add3A_203 = arith.addi %mul3A_195, %add3A_202 : i32
    "tpu.region"() ({
      %run_scoped3A = tpu.sem_alloc : memref<!tpu.dma_semaphore, #tpu.memory_space<semaphore_mem>>
      %dma_start3A_1724 = arith.constant 0 : i32
      %dma_start3A_1725 = tpu.memref_slice %arg10[%add3A_203, %dma_start3A_1724] : memref<10128x128xf32, #tpu.memory_space<vmem_shared>> -> memref<128x128xf32, #tpu.memory_space<vmem_shared>>
      %dma_start3A_1726 = arith.constant 0 : i32
      %dma_start3A_1727 = tpu.memref_slice %arg10[%add3A_203, %dma_start3A_1726] : memref<10128x128xf32, #tpu.memory_space<vmem_shared>> -> memref<128x128xf32, #tpu.memory_space<vmem_shared>>
      tpu.enqueue_dma source(%arg9 : memref<128x128xf32, #tpu.memory_space<vmem>>) target(%dma_start3A_1727 : memref<128x128xf32, #tpu.memory_space<vmem_shared>>) target_semaphore(%run_scoped3A : memref<!tpu.dma_semaphore, #tpu.memory_space<semaphore_mem>>)
      %dma_wait3A_1728 = arith.constant 0 : i32
      %dma_wait3A_1729 = tpu.memref_slice %arg10[%add3A_203, %dma_wait3A_1728] : memref<10128x128xf32, #tpu.memory_space<vmem_shared>> -> memref<128x128xf32, #tpu.memory_space<vmem_shared>>
      %dma_wait3A_1730 = arith.constant 0 : i32
      %dma_wait3A_1731 = tpu.memref_slice %arg10[%add3A_203, %dma_wait3A_1730] : memref<10128x128xf32, #tpu.memory_space<vmem_shared>> -> memref<128x128xf32, #tpu.memory_space<vmem_shared>>
      tpu.wait_dma2 semaphore(%run_scoped3A : memref<!tpu.dma_semaphore, #tpu.memory_space<semaphore_mem>>) src(%arg9 : memref<128x128xf32, #tpu.memory_space<vmem>>) dst(%dma_wait3A_1731 : memref<128x128xf32, #tpu.memory_space<vmem_shared>>)
      tpu.yield
    }) : () -> ()
    %add3A_204 = arith.constant 512 : i32
    %add3A_205 = arith.addi %mul3A_195, %add3A_204 : i32
    "tpu.region"() ({
      %run_scoped3A = tpu.sem_alloc : memref<!tpu.dma_semaphore, #tpu.memory_space<semaphore_mem>>
      %dma_start3A_1724 = arith.constant 0 : i32
      %dma_start3A_1725 = arith.constant 0 : i32
      %dma_start3A_1726 = tpu.memref_slice %arg9[%dma_start3A_1724, %dma_start3A_1725] : memref<128x128xf32, #tpu.memory_space<vmem>> -> memref<112x128xf32, #tpu.memory_space<vmem>>
      %dma_start3A_1727 = arith.constant 0 : i32
      %dma_start3A_1728 = tpu.memref_slice %arg10[%add3A_205, %dma_start3A_1727] : memref<10128x128xf32, #tpu.memory_space<vmem_shared>> -> memref<112x128xf32, #tpu.memory_space<vmem_shared>>
      %dma_start3A_1729 = arith.constant 0 : i32
      %dma_start3A_1730 = tpu.memref_slice %arg10[%add3A_205, %dma_start3A_1729] : memref<10128x128xf32, #tpu.memory_space<vmem_shared>> -> memref<112x128xf32, #tpu.memory_space<vmem_shared>>
      %dma_start3A_1731 = arith.constant 0 : i32
      %dma_start3A_1732 = arith.constant 0 : i32
      %dma_start3A_1733 = tpu.memref_slice %arg9[%dma_start3A_1731, %dma_start3A_1732] : memref<128x128xf32, #tpu.memory_space<vmem>> -> memref<112x128xf32, #tpu.memory_space<vmem>>
      tpu.enqueue_dma source(%dma_start3A_1733 : memref<112x128xf32, #tpu.memory_space<vmem>>) target(%dma_start3A_1730 : memref<112x128xf32, #tpu.memory_space<vmem_shared>>) target_semaphore(%run_scoped3A : memref<!tpu.dma_semaphore, #tpu.memory_space<semaphore_mem>>)
      %dma_wait3A_1734 = arith.constant 0 : i32
      %dma_wait3A_1735 = arith.constant 0 : i32
      %dma_wait3A_1736 = tpu.memref_slice %arg9[%dma_wait3A_1734, %dma_wait3A_1735] : memref<128x128xf32, #tpu.memory_space<vmem>> -> memref<112x128xf32, #tpu.memory_space<vmem>>
      %dma_wait3A_1737 = arith.constant 0 : i32
      %dma_wait3A_1738 = tpu.memref_slice %arg10[%add3A_205, %dma_wait3A_1737] : memref<10128x128xf32, #tpu.memory_space<vmem_shared>> -> memref<112x128xf32, #tpu.memory_space<vmem_shared>>
      %dma_wait3A_1739 = arith.constant 0 : i32
      %dma_wait3A_1740 = tpu.memref_slice %arg10[%add3A_205, %dma_wait3A_1739] : memref<10128x128xf32, #tpu.memory_space<vmem_shared>> -> memref<112x128xf32, #tpu.memory_space<vmem_shared>>
      %dma_wait3A_1741 = arith.constant 0 : i32
      %dma_wait3A_1742 = arith.constant 0 : i32
      %dma_wait3A_1743 = tpu.memref_slice %arg9[%dma_wait3A_1741, %dma_wait3A_1742] : memref<128x128xf32, #tpu.memory_space<vmem>> -> memref<112x128xf32, #tpu.memory_space<vmem>>
      tpu.wait_dma2 semaphore(%run_scoped3A : memref<!tpu.dma_semaphore, #tpu.memory_space<semaphore_mem>>) src(%dma_wait3A_1743 : memref<112x128xf32, #tpu.memory_space<vmem>>) dst(%dma_wait3A_1740 : memref<112x128xf32, #tpu.memory_space<vmem_shared>>)
      tpu.yield
    }) : () -> ()
    %eq3A = arith.constant 15 : i32
    %eq3A_206 = arith.cmpi eq, %arg1, %eq3A : i32
    %convert_element_type3A = arith.extui %eq3A_206 : i1 to i32
    %cond3A = arith.constant 0 : i32
    %cond3A_207 = arith.cmpi ne, %convert_element_type3A, %cond3A : i32
    scf.if %cond3A_207 {
      "tpu.region"() ({
        %run_scoped3A = tpu.sem_alloc : memref<!tpu.dma_semaphore, #tpu.memory_space<semaphore_mem>>
        %dma_start3A_1724 = arith.constant 0 : i32
        %dma_start3A_1725 = arith.constant 0 : i32
        %dma_start3A_1726 = tpu.memref_slice %arg9[%dma_start3A_1724, %dma_start3A_1725] : memref<128x128xf32, #tpu.memory_space<vmem>> -> memref<16x128xf32, #tpu.memory_space<vmem>>
        %dma_start3A_1727 = arith.constant 9984 : i32
        %dma_start3A_1728 = arith.constant 0 : i32
        %dma_start3A_1729 = tpu.memref_slice %arg10[%dma_start3A_1727, %dma_start3A_1728] : memref<10128x128xf32, #tpu.memory_space<vmem_shared>> -> memref<16x128xf32, #tpu.memory_space<vmem_shared>>
        %dma_start3A_1730 = arith.constant 9984 : i32
        %dma_start3A_1731 = arith.constant 0 : i32
        %dma_start3A_1732 = tpu.memref_slice %arg10[%dma_start3A_1730, %dma_start3A_1731] : memref<10128x128xf32, #tpu.memory_space<vmem_shared>> -> memref<16x128xf32, #tpu.memory_space<vmem_shared>>
        %dma_start3A_1733 = arith.constant 0 : i32
        %dma_start3A_1734 = arith.constant 0 : i32
        %dma_start3A_1735 = tpu.memref_slice %arg9[%dma_start3A_1733, %dma_start3A_1734] : memref<128x128xf32, #tpu.memory_space<vmem>> -> memref<16x128xf32, #tpu.memory_space<vmem>>
        tpu.enqueue_dma source(%dma_start3A_1735 : memref<16x128xf32, #tpu.memory_space<vmem>>) target(%dma_start3A_1732 : memref<16x128xf32, #tpu.memory_space<vmem_shared>>) target_semaphore(%run_scoped3A : memref<!tpu.dma_semaphore, #tpu.memory_space<semaphore_mem>>)
        %dma_wait3A_1736 = arith.constant 0 : i32
        %dma_wait3A_1737 = arith.constant 0 : i32
        %dma_wait3A_1738 = tpu.memref_slice %arg9[%dma_wait3A_1736, %dma_wait3A_1737] : memref<128x128xf32, #tpu.memory_space<vmem>> -> memref<16x128xf32, #tpu.memory_space<vmem>>
        %dma_wait3A_1739 = arith.constant 9984 : i32
        %dma_wait3A_1740 = arith.constant 0 : i32
        %dma_wait3A_1741 = tpu.memref_slice %arg10[%dma_wait3A_1739, %dma_wait3A_1740] : memref<10128x128xf32, #tpu.memory_space<vmem_shared>> -> memref<16x128xf32, #tpu.memory_space<vmem_shared>>
        %dma_wait3A_1742 = arith.constant 9984 : i32
        %dma_wait3A_1743 = arith.constant 0 : i32
        %dma_wait3A_1744 = tpu.memref_slice %arg10[%dma_wait3A_1742, %dma_wait3A_1743] : memref<10128x128xf32, #tpu.memory_space<vmem_shared>> -> memref<16x128xf32, #tpu.memory_space<vmem_shared>>
        %dma_wait3A_1745 = arith.constant 0 : i32
        %dma_wait3A_1746 = arith.constant 0 : i32
        %dma_wait3A_1747 = tpu.memref_slice %arg9[%dma_wait3A_1745, %dma_wait3A_1746] : memref<128x128xf32, #tpu.memory_space<vmem>> -> memref<16x128xf32, #tpu.memory_space<vmem>>
        tpu.wait_dma2 semaphore(%run_scoped3A : memref<!tpu.dma_semaphore, #tpu.memory_space<semaphore_mem>>) src(%dma_wait3A_1747 : memref<16x128xf32, #tpu.memory_space<vmem>>) dst(%dma_wait3A_1744 : memref<16x128xf32, #tpu.memory_space<vmem_shared>>)
        tpu.yield
      }) : () -> ()
    } else {
    }
    %barrier3A = arith.constant 0 : index
    tpu.barrier barrier_id(%barrier3A)
    %get3A_208 = arith.constant 1 : i32
    %get3A_209 = arith.index_cast %get3A_208 : i32 to index
    %get3A_210 = arith.constant 0 : index
    %get3A_211 = tpu.vector_load %arg5[%get3A_209, %get3A_210] {strides = array<i32>} : memref<80x128xi32, #tpu.memory_space<vmem>>, vector<1x16xi32>,
    %get3A_212 = vector.shape_cast %get3A_211 : vector<1x16xi32> to vector<16xi32>
    %and3A_213 = arith.constant 262143 : i32
    %and3A_214 = vector.broadcast %and3A_213 : i32 to vector<16xi32>
    %and3A_215 = arith.andi %get3A_212, %and3A_214 : vector<16xi32>
    %swap3A_216 = arith.constant 1 : i32
    %swap3A_217 = arith.index_cast %swap3A_216 : i32 to index
    %swap3A_218 = arith.constant 0 : index
    %swap3A_219 = tpu.vector_load %arg6[%swap3A_217, %swap3A_218] {strides = array<i32>} : memref<4x128xi32, #tpu.memory_space<vmem>>, vector<1x16xi32>,
    %swap3A_220 = vector.shape_cast %swap3A_219 : vector<1x16xi32> to vector<16xi32>
    %swap3A_221 = vector.shape_cast %and3A_215 : vector<16xi32> to vector<1x16xi32>
    tpu.vector_store %arg6[%swap3A_217, %swap3A_218], %swap3A_221 {strides = array<i32>} : memref<4x128xi32, #tpu.memory_space<vmem>>, vector<1x16xi32>,
    %shift_right_logical3A_222 = arith.constant 18 : i32
    %shift_right_logical3A_223 = vector.broadcast %shift_right_logical3A_222 : i32 to vector<16xi32>
    %shift_right_logical3A_224 = arith.shrui %get3A_212, %shift_right_logical3A_223 : vector<16xi32>
    %swap3A_225 = arith.constant 1 : i32
    %swap3A_226 = arith.index_cast %swap3A_225 : i32 to index
    %swap3A_227 = arith.constant 0 : index
    %swap3A_228 = tpu.vector_load %arg7[%swap3A_226, %swap3A_227] {strides = array<i32>} : memref<4x128xi32, #tpu.memory_space<vmem>>, vector<1x16xi32>,
    %swap3A_229 = vector.shape_cast %swap3A_228 : vector<1x16xi32> to vector<16xi32>
    %swap3A_230 = vector.shape_cast %shift_right_logical3A_224 : vector<16xi32> to vector<1x16xi32>
    tpu.vector_store %arg7[%swap3A_226, %swap3A_227], %swap3A_230 {strides = array<i32>} : memref<4x128xi32, #tpu.memory_space<vmem>>, vector<1x16xi32>,
    %get3A_231 = arith.constant 1 : i32
    %get3A_232 = arith.index_cast %get3A_231 : i32 to index
    %get3A_233 = arith.constant 16 : index
    %get3A_234 = tpu.vector_load %arg5[%get3A_232, %get3A_233] {strides = array<i32>} : memref<80x128xi32, #tpu.memory_space<vmem>>, vector<1x16xi32>,
    %get3A_235 = vector.shape_cast %get3A_234 : vector<1x16xi32> to vector<16xi32>
    %and3A_236 = arith.constant 262143 : i32
    %and3A_237 = vector.broadcast %and3A_236 : i32 to vector<16xi32>
    %and3A_238 = arith.andi %get3A_235, %and3A_237 : vector<16xi32>
    %swap3A_239 = arith.constant 1 : i32
    %swap3A_240 = arith.index_cast %swap3A_239 : i32 to index
    %swap3A_241 = arith.constant 16 : index
    %swap3A_242 = tpu.vector_load %arg6[%swap3A_240, %swap3A_241] {strides = array<i32>} : memref<4x128xi32, #tpu.memory_space<vmem>>, vector<1x16xi32>,
    %swap3A_243 = vector.shape_cast %swap3A_242 : vector<1x16xi32> to vector<16xi32>
    %swap3A_244 = vector.shape_cast %and3A_238 : vector<16xi32> to vector<1x16xi32>
    tpu.vector_store %arg6[%swap3A_240, %swap3A_241], %swap3A_244 {strides = array<i32>} : memref<4x128xi32, #tpu.memory_space<vmem>>, vector<1x16xi32>,
    %shift_right_logical3A_245 = arith.constant 18 : i32
    %shift_right_logical3A_246 = vector.broadcast %shift_right_logical3A_245 : i32 to vector<16xi32>
    %shift_right_logical3A_247 = arith.shrui %get3A_235, %shift_right_logical3A_246 : vector<16xi32>
    %swap3A_248 = arith.constant 1 : i32
    %swap3A_249 = arith.index_cast %swap3A_248 : i32 to index
    %swap3A_250 = arith.constant 16 : index
    %swap3A_251 = tpu.vector_load %arg7[%swap3A_249, %swap3A_250] {strides = array<i32>} : memref<4x128xi32, #tpu.memory_space<vmem>>, vector<1x16xi32>,
    %swap3A_252 = vector.shape_cast %swap3A_251 : vector<1x16xi32> to vector<16xi32>
    %swap3A_253 = vector.shape_cast %shift_right_logical3A_247 : vector<16xi32> to vector<1x16xi32>
    tpu.vector_store %arg7[%swap3A_249, %swap3A_250], %swap3A_253 {strides = array<i32>} : memref<4x128xi32, #tpu.memory_space<vmem>>, vector<1x16xi32>,
    %get3A_254 = arith.constant 1 : i32
    %get3A_255 = arith.index_cast %get3A_254 : i32 to index
    %get3A_256 = arith.constant 32 : index
    %get3A_257 = tpu.vector_load %arg5[%get3A_255, %get3A_256] {strides = array<i32>} : memref<80x128xi32, #tpu.memory_space<vmem>>, vector<1x16xi32>,
    %get3A_258 = vector.shape_cast %get3A_257 : vector<1x16xi32> to vector<16xi32>
    %and3A_259 = arith.constant 262143 : i32
    %and3A_260 = vector.broadcast %and3A_259 : i32 to vector<16xi32>
    %and3A_261 = arith.andi %get3A_258, %and3A_260 : vector<16xi32>
    %swap3A_262 = arith.constant 1 : i32
    %swap3A_263 = arith.index_cast %swap3A_262 : i32 to index
    %swap3A_264 = arith.constant 32 : index
    %swap3A_265 = tpu.vector_load %arg6[%swap3A_263, %swap3A_264] {strides = array<i32>} : memref<4x128xi32, #tpu.memory_space<vmem>>, vector<1x16xi32>,
    %swap3A_266 = vector.shape_cast %swap3A_265 : vector<1x16xi32> to vector<16xi32>
    %swap3A_267 = vector.shape_cast %and3A_261 : vector<16xi32> to vector<1x16xi32>
    tpu.vector_store %arg6[%swap3A_263, %swap3A_264], %swap3A_267 {strides = array<i32>} : memref<4x128xi32, #tpu.memory_space<vmem>>, vector<1x16xi32>,
    %shift_right_logical3A_268 = arith.constant 18 : i32
    %shift_right_logical3A_269 = vector.broadcast %shift_right_logical3A_268 : i32 to vector<16xi32>
    %shift_right_logical3A_270 = arith.shrui %get3A_258, %shift_right_logical3A_269 : vector<16xi32>
    %swap3A_271 = arith.constant 1 : i32
    %swap3A_272 = arith.index_cast %swap3A_271 : i32 to index
    %swap3A_273 = arith.constant 32 : index
    %swap3A_274 = tpu.vector_load %arg7[%swap3A_272, %swap3A_273] {strides = array<i32>} : memref<4x128xi32, #tpu.memory_space<vmem>>, vector<1x16xi32>,
    %swap3A_275 = vector.shape_cast %swap3A_274 : vector<1x16xi32> to vector<16xi32>
    %swap3A_276 = vector.shape_cast %shift_right_logical3A_270 : vector<16xi32> to vector<1x16xi32>
    tpu.vector_store %arg7[%swap3A_272, %swap3A_273], %swap3A_276 {strides = array<i32>} : memref<4x128xi32, #tpu.memory_space<vmem>>, vector<1x16xi32>,
    %get3A_277 = arith.constant 1 : i32
    %get3A_278 = arith.index_cast %get3A_277 : i32 to index
    %get3A_279 = arith.constant 48 : index
    %get3A_280 = tpu.vector_load %arg5[%get3A_278, %get3A_279] {strides = array<i32>} : memref<80x128xi32, #tpu.memory_space<vmem>>, vector<1x16xi32>,
    %get3A_281 = vector.shape_cast %get3A_280 : vector<1x16xi32> to vector<16xi32>
    %and3A_282 = arith.constant 262143 : i32
    %and3A_283 = vector.broadcast %and3A_282 : i32 to vector<16xi32>
    %and3A_284 = arith.andi %get3A_281, %and3A_283 : vector<16xi32>
    %swap3A_285 = arith.constant 1 : i32
    %swap3A_286 = arith.index_cast %swap3A_285 : i32 to index
    %swap3A_287 = arith.constant 48 : index
    %swap3A_288 = tpu.vector_load %arg6[%swap3A_286, %swap3A_287] {strides = array<i32>} : memref<4x128xi32, #tpu.memory_space<vmem>>, vector<1x16xi32>,
    %swap3A_289 = vector.shape_cast %swap3A_288 : vector<1x16xi32> to vector<16xi32>
    %swap3A_290 = vector.shape_cast %and3A_284 : vector<16xi32> to vector<1x16xi32>
    tpu.vector_store %arg6[%swap3A_286, %swap3A_287], %swap3A_290 {strides = array<i32>} : memref<4x128xi32, #tpu.memory_space<vmem>>, vector<1x16xi32>,
    %shift_right_logical3A_291 = arith.constant 18 : i32
    %shift_right_logical3A_292 = vector.broadcast %shift_right_logical3A_291 : i32 to vector<16xi32>
    %shift_right_logical3A_293 = arith.shrui %get3A_281, %shift_right_logical3A_292 : vector<16xi32>
    %swap3A_294 = arith.constant 1 : i32
    %swap3A_295 = arith.index_cast %swap3A_294 : i32 to index
    %swap3A_296 = arith.constant 48 : index
    %swap3A_297 = tpu.vector_load %arg7[%swap3A_295, %swap3A_296] {strides = array<i32>} : memref<4x128xi32, #tpu.memory_space<vmem>>, vector<1x16xi32>,
    %swap3A_298 = vector.shape_cast %swap3A_297 : vector<1x16xi32> to vector<16xi32>
    %swap3A_299 = vector.shape_cast %shift_right_logical3A_293 : vector<16xi32> to vector<1x16xi32>
    tpu.vector_store %arg7[%swap3A_295, %swap3A_296], %swap3A_299 {strides = array<i32>} : memref<4x128xi32, #tpu.memory_space<vmem>>, vector<1x16xi32>,
    %get3A_300 = arith.constant 1 : i32
    %get3A_301 = arith.index_cast %get3A_300 : i32 to index
    %get3A_302 = arith.constant 64 : index
    %get3A_303 = tpu.vector_load %arg5[%get3A_301, %get3A_302] {strides = array<i32>} : memref<80x128xi32, #tpu.memory_space<vmem>>, vector<1x16xi32>,
    %get3A_304 = vector.shape_cast %get3A_303 : vector<1x16xi32> to vector<16xi32>
    %and3A_305 = arith.constant 262143 : i32
    %and3A_306 = vector.broadcast %and3A_305 : i32 to vector<16xi32>
    %and3A_307 = arith.andi %get3A_304, %and3A_306 : vector<16xi32>
    %swap3A_308 = arith.constant 1 : i32
    %swap3A_309 = arith.index_cast %swap3A_308 : i32 to index
    %swap3A_310 = arith.constant 64 : index
    %swap3A_311 = tpu.vector_load %arg6[%swap3A_309, %swap3A_310] {strides = array<i32>} : memref<4x128xi32, #tpu.memory_space<vmem>>, vector<1x16xi32>,
    %swap3A_312 = vector.shape_cast %swap3A_311 : vector<1x16xi32> to vector<16xi32>
    %swap3A_313 = vector.shape_cast %and3A_307 : vector<16xi32> to vector<1x16xi32>
    tpu.vector_store %arg6[%swap3A_309, %swap3A_310], %swap3A_313 {strides = array<i32>} : memref<4x128xi32, #tpu.memory_space<vmem>>, vector<1x16xi32>,
    %shift_right_logical3A_314 = arith.constant 18 : i32
    %shift_right_logical3A_315 = vector.broadcast %shift_right_logical3A_314 : i32 to vector<16xi32>
    %shift_right_logical3A_316 = arith.shrui %get3A_304, %shift_right_logical3A_315 : vector<16xi32>
    %swap3A_317 = arith.constant 1 : i32
    %swap3A_318 = arith.index_cast %swap3A_317 : i32 to index
    %swap3A_319 = arith.constant 64 : index
    %swap3A_320 = tpu.vector_load %arg7[%swap3A_318, %swap3A_319] {strides = array<i32>} : memref<4x128xi32, #tpu.memory_space<vmem>>, vector<1x16xi32>,
    %swap3A_321 = vector.shape_cast %swap3A_320 : vector<1x16xi32> to vector<16xi32>
    %swap3A_322 = vector.shape_cast %shift_right_logical3A_316 : vector<16xi32> to vector<1x16xi32>
    tpu.vector_store %arg7[%swap3A_318, %swap3A_319], %swap3A_322 {strides = array<i32>} : memref<4x128xi32, #tpu.memory_space<vmem>>, vector<1x16xi32>,
    %get3A_323 = arith.constant 1 : i32
    %get3A_324 = arith.index_cast %get3A_323 : i32 to index
    %get3A_325 = arith.constant 80 : index
    %get3A_326 = tpu.vector_load %arg5[%get3A_324, %get3A_325] {strides = array<i32>} : memref<80x128xi32, #tpu.memory_space<vmem>>, vector<1x16xi32>,
    %get3A_327 = vector.shape_cast %get3A_326 : vector<1x16xi32> to vector<16xi32>
    %and3A_328 = arith.constant 262143 : i32
    %and3A_329 = vector.broadcast %and3A_328 : i32 to vector<16xi32>
    %and3A_330 = arith.andi %get3A_327, %and3A_329 : vector<16xi32>
    %swap3A_331 = arith.constant 1 : i32
    %swap3A_332 = arith.index_cast %swap3A_331 : i32 to index
    %swap3A_333 = arith.constant 80 : index
    %swap3A_334 = tpu.vector_load %arg6[%swap3A_332, %swap3A_333] {strides = array<i32>} : memref<4x128xi32, #tpu.memory_space<vmem>>, vector<1x16xi32>,
    %swap3A_335 = vector.shape_cast %swap3A_334 : vector<1x16xi32> to vector<16xi32>
    %swap3A_336 = vector.shape_cast %and3A_330 : vector<16xi32> to vector<1x16xi32>
    tpu.vector_store %arg6[%swap3A_332, %swap3A_333], %swap3A_336 {strides = array<i32>} : memref<4x128xi32, #tpu.memory_space<vmem>>, vector<1x16xi32>,
    %shift_right_logical3A_337 = arith.constant 18 : i32
    %shift_right_logical3A_338 = vector.broadcast %shift_right_logical3A_337 : i32 to vector<16xi32>
    %shift_right_logical3A_339 = arith.shrui %get3A_327, %shift_right_logical3A_338 : vector<16xi32>
    %swap3A_340 = arith.constant 1 : i32
    %swap3A_341 = arith.index_cast %swap3A_340 : i32 to index
    %swap3A_342 = arith.constant 80 : index
    %swap3A_343 = tpu.vector_load %arg7[%swap3A_341, %swap3A_342] {strides = array<i32>} : memref<4x128xi32, #tpu.memory_space<vmem>>, vector<1x16xi32>,
    %swap3A_344 = vector.shape_cast %swap3A_343 : vector<1x16xi32> to vector<16xi32>
    %swap3A_345 = vector.shape_cast %shift_right_logical3A_339 : vector<16xi32> to vector<1x16xi32>
    tpu.vector_store %arg7[%swap3A_341, %swap3A_342], %swap3A_345 {strides = array<i32>} : memref<4x128xi32, #tpu.memory_space<vmem>>, vector<1x16xi32>,
    %get3A_346 = arith.constant 1 : i32
    %get3A_347 = arith.index_cast %get3A_346 : i32 to index
    %get3A_348 = arith.constant 96 : index
    %get3A_349 = tpu.vector_load %arg5[%get3A_347, %get3A_348] {strides = array<i32>} : memref<80x128xi32, #tpu.memory_space<vmem>>, vector<1x16xi32>,
    %get3A_350 = vector.shape_cast %get3A_349 : vector<1x16xi32> to vector<16xi32>
    %and3A_351 = arith.constant 262143 : i32
    %and3A_352 = vector.broadcast %and3A_351 : i32 to vector<16xi32>
    %and3A_353 = arith.andi %get3A_350, %and3A_352 : vector<16xi32>
    %swap3A_354 = arith.constant 1 : i32
    %swap3A_355 = arith.index_cast %swap3A_354 : i32 to index
    %swap3A_356 = arith.constant 96 : index
    %swap3A_357 = tpu.vector_load %arg6[%swap3A_355, %swap3A_356] {strides = array<i32>} : memref<4x128xi32, #tpu.memory_space<vmem>>, vector<1x16xi32>,
    %swap3A_358 = vector.shape_cast %swap3A_357 : vector<1x16xi32> to vector<16xi32>
    %swap3A_359 = vector.shape_cast %and3A_353 : vector<16xi32> to vector<1x16xi32>
    tpu.vector_store %arg6[%swap3A_355, %swap3A_356], %swap3A_359 {strides = array<i32>} : memref<4x128xi32, #tpu.memory_space<vmem>>, vector<1x16xi32>,
    %shift_right_logical3A_360 = arith.constant 18 : i32
    %shift_right_logical3A_361 = vector.broadcast %shift_right_logical3A_360 : i32 to vector<16xi32>
    %shift_right_logical3A_362 = arith.shrui %get3A_350, %shift_right_logical3A_361 : vector<16xi32>
    %swap3A_363 = arith.constant 1 : i32
    %swap3A_364 = arith.index_cast %swap3A_363 : i32 to index
    %swap3A_365 = arith.constant 96 : index
    %swap3A_366 = tpu.vector_load %arg7[%swap3A_364, %swap3A_365] {strides = array<i32>} : memref<4x128xi32, #tpu.memory_space<vmem>>, vector<1x16xi32>,
    %swap3A_367 = vector.shape_cast %swap3A_366 : vector<1x16xi32> to vector<16xi32>
    %swap3A_368 = vector.shape_cast %shift_right_logical3A_362 : vector<16xi32> to vector<1x16xi32>
    tpu.vector_store %arg7[%swap3A_364, %swap3A_365], %swap3A_368 {strides = array<i32>} : memref<4x128xi32, #tpu.memory_space<vmem>>, vector<1x16xi32>,
    %get3A_369 = arith.constant 1 : i32
    %get3A_370 = arith.index_cast %get3A_369 : i32 to index
    %get3A_371 = arith.constant 112 : index
    %get3A_372 = tpu.vector_load %arg5[%get3A_370, %get3A_371] {strides = array<i32>} : memref<80x128xi32, #tpu.memory_space<vmem>>, vector<1x16xi32>,
    %get3A_373 = vector.shape_cast %get3A_372 : vector<1x16xi32> to vector<16xi32>
    %and3A_374 = arith.constant 262143 : i32
    %and3A_375 = vector.broadcast %and3A_374 : i32 to vector<16xi32>
    %and3A_376 = arith.andi %get3A_373, %and3A_375 : vector<16xi32>
    %swap3A_377 = arith.constant 1 : i32
    %swap3A_378 = arith.index_cast %swap3A_377 : i32 to index
    %swap3A_379 = arith.constant 112 : index
    %swap3A_380 = tpu.vector_load %arg6[%swap3A_378, %swap3A_379] {strides = array<i32>} : memref<4x128xi32, #tpu.memory_space<vmem>>, vector<1x16xi32>,
    %swap3A_381 = vector.shape_cast %swap3A_380 : vector<1x16xi32> to vector<16xi32>
    %swap3A_382 = vector.shape_cast %and3A_376 : vector<16xi32> to vector<1x16xi32>
    tpu.vector_store %arg6[%swap3A_378, %swap3A_379], %swap3A_382 {strides = array<i32>} : memref<4x128xi32, #tpu.memory_space<vmem>>, vector<1x16xi32>,
    %shift_right_logical3A_383 = arith.constant 18 : i32
    %shift_right_logical3A_384 = vector.broadcast %shift_right_logical3A_383 : i32 to vector<16xi32>
    %shift_right_logical3A_385 = arith.shrui %get3A_373, %shift_right_logical3A_384 : vector<16xi32>
    %swap3A_386 = arith.constant 1 : i32
    %swap3A_387 = arith.index_cast %swap3A_386 : i32 to index
    %swap3A_388 = arith.constant 112 : index
    %swap3A_389 = tpu.vector_load %arg7[%swap3A_387, %swap3A_388] {strides = array<i32>} : memref<4x128xi32, #tpu.memory_space<vmem>>, vector<1x16xi32>,
    %swap3A_390 = vector.shape_cast %swap3A_389 : vector<1x16xi32> to vector<16xi32>
    %swap3A_391 = vector.shape_cast %shift_right_logical3A_385 : vector<16xi32> to vector<1x16xi32>
    tpu.vector_store %arg7[%swap3A_387, %swap3A_388], %swap3A_391 {strides = array<i32>} : memref<4x128xi32, #tpu.memory_space<vmem>>, vector<1x16xi32>,
    %dma_start3A_392 = arith.constant 1 : i32
    %dma_start3A_393 = arith.constant 0 : i32
    %dma_start3A_394 = tpu.memref_slice %arg6[%dma_start3A_392, %dma_start3A_393] : memref<4x128xi32, #tpu.memory_space<vmem>> -> memref<1x128xi32, #tpu.memory_space<vmem>>
    %dma_start3A_395 = tpu.memref_squeeze %dma_start3A_394 : memref<1x128xi32, #tpu.memory_space<vmem>> -> memref<128xi32, #tpu.memory_space<vmem>>
    %dma_start3A_396 = arith.constant 0 : i32
    %dma_start3A_397 = arith.constant 0 : i32
    %dma_start3A_398 = tpu.memref_slice %arg2[%dma_start3A_396, %dma_start3A_397] : memref<160000x128xf32, #tpu.memory_space<hbm>> -> memref<160000x128xf32, #tpu.memory_space<hbm>>
    tpu.enqueue_indirect_dma source(%dma_start3A_398 : memref<160000x128xf32, #tpu.memory_space<hbm>>) target(%arg9 : memref<128x128xf32, #tpu.memory_space<vmem>>) offsets(%dma_start3A_395 : memref<128xi32, #tpu.memory_space<vmem>>) semaphore(%arg12 : memref<!tpu.dma_semaphore, #tpu.memory_space<semaphore_mem>>)
    %dma_wait3A = arith.constant 0 : i32
    %dma_wait3A_399 = arith.constant 0 : i32
    %dma_wait3A_400 = tpu.memref_slice %arg6[%dma_wait3A, %dma_wait3A_399] : memref<4x128xi32, #tpu.memory_space<vmem>> -> memref<1x128xi32, #tpu.memory_space<vmem>>
    %dma_wait3A_401 = tpu.memref_squeeze %dma_wait3A_400 : memref<1x128xi32, #tpu.memory_space<vmem>> -> memref<128xi32, #tpu.memory_space<vmem>>
    %dma_wait3A_402 = arith.constant 0 : i32
    %dma_wait3A_403 = arith.constant 0 : i32
    %dma_wait3A_404 = tpu.memref_slice %arg2[%dma_wait3A_402, %dma_wait3A_403] : memref<160000x128xf32, #tpu.memory_space<hbm>> -> memref<160000x128xf32, #tpu.memory_space<hbm>>
    tpu.wait_indirect_dma semaphore(%arg11 : memref<!tpu.dma_semaphore, #tpu.memory_space<semaphore_mem>>) src(%dma_wait3A_404 : memref<160000x128xf32, #tpu.memory_space<hbm>>) dst(%arg8 : memref<128x128xf32, #tpu.memory_space<vmem>>)
    %dma_start3A_405 = arith.constant 0 : i32
    %dma_start3A_406 = arith.constant 0 : i32
    %dma_start3A_407 = tpu.memref_slice %arg7[%dma_start3A_405, %dma_start3A_406] : memref<4x128xi32, #tpu.memory_space<vmem>> -> memref<1x128xi32, #tpu.memory_space<vmem>>
    %dma_start3A_408 = tpu.memref_squeeze %dma_start3A_407 : memref<1x128xi32, #tpu.memory_space<vmem>> -> memref<128xi32, #tpu.memory_space<vmem>>
    %dma_start3A_409 = arith.constant 0 : i32
    %dma_start3A_410 = arith.constant 0 : i32
    %dma_start3A_411 = tpu.memref_slice %arg10[%dma_start3A_409, %dma_start3A_410] : memref<10128x128xf32, #tpu.memory_space<vmem_shared>> -> memref<10128x128xf32, #tpu.memory_space<vmem_shared>>
    tpu.enqueue_indirect_dma source(%arg8 : memref<128x128xf32, #tpu.memory_space<vmem>>) target(%dma_start3A_411 : memref<10128x128xf32, #tpu.memory_space<vmem_shared>>) offsets(%dma_start3A_408 : memref<128xi32, #tpu.memory_space<vmem>>) semaphore(%arg13 : memref<!tpu.dma_semaphore, #tpu.memory_space<semaphore_mem>>) {add = true}
    %dma_wait3A_412 = arith.constant 1 : i32
    %dma_wait3A_413 = arith.constant 0 : i32
    %dma_wait3A_414 = tpu.memref_slice %arg6[%dma_wait3A_412, %dma_wait3A_413] : memref<4x128xi32, #tpu.memory_space<vmem>> -> memref<1x128xi32, #tpu.memory_space<vmem>>
    %dma_wait3A_415 = tpu.memref_squeeze %dma_wait3A_414 : memref<1x128xi32, #tpu.memory_space<vmem>> -> memref<128xi32, #tpu.memory_space<vmem>>
    %dma_wait3A_416 = arith.constant 0 : i32
    %dma_wait3A_417 = arith.constant 0 : i32
    %dma_wait3A_418 = tpu.memref_slice %arg2[%dma_wait3A_416, %dma_wait3A_417] : memref<160000x128xf32, #tpu.memory_space<hbm>> -> memref<160000x128xf32, #tpu.memory_space<hbm>>
    tpu.wait_indirect_dma semaphore(%arg12 : memref<!tpu.dma_semaphore, #tpu.memory_space<semaphore_mem>>) src(%dma_wait3A_418 : memref<160000x128xf32, #tpu.memory_space<hbm>>) dst(%arg9 : memref<128x128xf32, #tpu.memory_space<vmem>>)
    %dma_start3A_419 = arith.constant 1 : i32
    %dma_start3A_420 = arith.constant 0 : i32
    %dma_start3A_421 = tpu.memref_slice %arg7[%dma_start3A_419, %dma_start3A_420] : memref<4x128xi32, #tpu.memory_space<vmem>> -> memref<1x128xi32, #tpu.memory_space<vmem>>
    %dma_start3A_422 = tpu.memref_squeeze %dma_start3A_421 : memref<1x128xi32, #tpu.memory_space<vmem>> -> memref<128xi32, #tpu.memory_space<vmem>>
    %dma_start3A_423 = arith.constant 0 : i32
    %dma_start3A_424 = arith.constant 0 : i32
    %dma_start3A_425 = tpu.memref_slice %arg10[%dma_start3A_423, %dma_start3A_424] : memref<10128x128xf32, #tpu.memory_space<vmem_shared>> -> memref<10128x128xf32, #tpu.memory_space<vmem_shared>>
    tpu.enqueue_indirect_dma source(%arg9 : memref<128x128xf32, #tpu.memory_space<vmem>>) target(%dma_start3A_425 : memref<10128x128xf32, #tpu.memory_space<vmem_shared>>) offsets(%dma_start3A_422 : memref<128xi32, #tpu.memory_space<vmem>>) semaphore(%arg14 : memref<!tpu.dma_semaphore, #tpu.memory_space<semaphore_mem>>) {add = true}
    %get3A_426 = arith.constant 2 : i32
    %get3A_427 = arith.index_cast %get3A_426 : i32 to index
    %get3A_428 = arith.constant 0 : index
    %get3A_429 = tpu.vector_load %arg5[%get3A_427, %get3A_428] {strides = array<i32>} : memref<80x128xi32, #tpu.memory_space<vmem>>, vector<1x16xi32>,
    %get3A_430 = vector.shape_cast %get3A_429 : vector<1x16xi32> to vector<16xi32>
    %and3A_431 = arith.constant 262143 : i32
    %and3A_432 = vector.broadcast %and3A_431 : i32 to vector<16xi32>
    %and3A_433 = arith.andi %get3A_430, %and3A_432 : vector<16xi32>
    %swap3A_434 = arith.constant 2 : i32
    %swap3A_435 = arith.index_cast %swap3A_434 : i32 to index
    %swap3A_436 = arith.constant 0 : index
    %swap3A_437 = tpu.vector_load %arg6[%swap3A_435, %swap3A_436] {strides = array<i32>} : memref<4x128xi32, #tpu.memory_space<vmem>>, vector<1x16xi32>,
    %swap3A_438 = vector.shape_cast %swap3A_437 : vector<1x16xi32> to vector<16xi32>
    %swap3A_439 = vector.shape_cast %and3A_433 : vector<16xi32> to vector<1x16xi32>
    tpu.vector_store %arg6[%swap3A_435, %swap3A_436], %swap3A_439 {strides = array<i32>} : memref<4x128xi32, #tpu.memory_space<vmem>>, vector<1x16xi32>,
    %shift_right_logical3A_440 = arith.constant 18 : i32
    %shift_right_logical3A_441 = vector.broadcast %shift_right_logical3A_440 : i32 to vector<16xi32>
    %shift_right_logical3A_442 = arith.shrui %get3A_430, %shift_right_logical3A_441 : vector<16xi32>
    %swap3A_443 = arith.constant 2 : i32
    %swap3A_444 = arith.index_cast %swap3A_443 : i32 to index
    %swap3A_445 = arith.constant 0 : index
    %swap3A_446 = tpu.vector_load %arg7[%swap3A_444, %swap3A_445] {strides = array<i32>} : memref<4x128xi32, #tpu.memory_space<vmem>>, vector<1x16xi32>,
    %swap3A_447 = vector.shape_cast %swap3A_446 : vector<1x16xi32> to vector<16xi32>
    %swap3A_448 = vector.shape_cast %shift_right_logical3A_442 : vector<16xi32> to vector<1x16xi32>
    tpu.vector_store %arg7[%swap3A_444, %swap3A_445], %swap3A_448 {strides = array<i32>} : memref<4x128xi32, #tpu.memory_space<vmem>>, vector<1x16xi32>,
    %get3A_449 = arith.constant 2 : i32
    %get3A_450 = arith.index_cast %get3A_449 : i32 to index
    %get3A_451 = arith.constant 16 : index
    %get3A_452 = tpu.vector_load %arg5[%get3A_450, %get3A_451] {strides = array<i32>} : memref<80x128xi32, #tpu.memory_space<vmem>>, vector<1x16xi32>,
    %get3A_453 = vector.shape_cast %get3A_452 : vector<1x16xi32> to vector<16xi32>
    %and3A_454 = arith.constant 262143 : i32
    %and3A_455 = vector.broadcast %and3A_454 : i32 to vector<16xi32>
    %and3A_456 = arith.andi %get3A_453, %and3A_455 : vector<16xi32>
    %swap3A_457 = arith.constant 2 : i32
    %swap3A_458 = arith.index_cast %swap3A_457 : i32 to index
    %swap3A_459 = arith.constant 16 : index
    %swap3A_460 = tpu.vector_load %arg6[%swap3A_458, %swap3A_459] {strides = array<i32>} : memref<4x128xi32, #tpu.memory_space<vmem>>, vector<1x16xi32>,
    %swap3A_461 = vector.shape_cast %swap3A_460 : vector<1x16xi32> to vector<16xi32>
    %swap3A_462 = vector.shape_cast %and3A_456 : vector<16xi32> to vector<1x16xi32>
    tpu.vector_store %arg6[%swap3A_458, %swap3A_459], %swap3A_462 {strides = array<i32>} : memref<4x128xi32, #tpu.memory_space<vmem>>, vector<1x16xi32>,
    %shift_right_logical3A_463 = arith.constant 18 : i32
    %shift_right_logical3A_464 = vector.broadcast %shift_right_logical3A_463 : i32 to vector<16xi32>
    %shift_right_logical3A_465 = arith.shrui %get3A_453, %shift_right_logical3A_464 : vector<16xi32>
    %swap3A_466 = arith.constant 2 : i32
    %swap3A_467 = arith.index_cast %swap3A_466 : i32 to index
    %swap3A_468 = arith.constant 16 : index
    %swap3A_469 = tpu.vector_load %arg7[%swap3A_467, %swap3A_468] {strides = array<i32>} : memref<4x128xi32, #tpu.memory_space<vmem>>, vector<1x16xi32>,
    %swap3A_470 = vector.shape_cast %swap3A_469 : vector<1x16xi32> to vector<16xi32>
    %swap3A_471 = vector.shape_cast %shift_right_logical3A_465 : vector<16xi32> to vector<1x16xi32>
    tpu.vector_store %arg7[%swap3A_467, %swap3A_468], %swap3A_471 {strides = array<i32>} : memref<4x128xi32, #tpu.memory_space<vmem>>, vector<1x16xi32>,
    %get3A_472 = arith.constant 2 : i32
    %get3A_473 = arith.index_cast %get3A_472 : i32 to index
    %get3A_474 = arith.constant 32 : index
    %get3A_475 = tpu.vector_load %arg5[%get3A_473, %get3A_474] {strides = array<i32>} : memref<80x128xi32, #tpu.memory_space<vmem>>, vector<1x16xi32>,
    %get3A_476 = vector.shape_cast %get3A_475 : vector<1x16xi32> to vector<16xi32>
    %and3A_477 = arith.constant 262143 : i32
    %and3A_478 = vector.broadcast %and3A_477 : i32 to vector<16xi32>
    %and3A_479 = arith.andi %get3A_476, %and3A_478 : vector<16xi32>
    %swap3A_480 = arith.constant 2 : i32
    %swap3A_481 = arith.index_cast %swap3A_480 : i32 to index
    %swap3A_482 = arith.constant 32 : index
    %swap3A_483 = tpu.vector_load %arg6[%swap3A_481, %swap3A_482] {strides = array<i32>} : memref<4x128xi32, #tpu.memory_space<vmem>>, vector<1x16xi32>,
    %swap3A_484 = vector.shape_cast %swap3A_483 : vector<1x16xi32> to vector<16xi32>
    %swap3A_485 = vector.shape_cast %and3A_479 : vector<16xi32> to vector<1x16xi32>
    tpu.vector_store %arg6[%swap3A_481, %swap3A_482], %swap3A_485 {strides = array<i32>} : memref<4x128xi32, #tpu.memory_space<vmem>>, vector<1x16xi32>,
    %shift_right_logical3A_486 = arith.constant 18 : i32
    %shift_right_logical3A_487 = vector.broadcast %shift_right_logical3A_486 : i32 to vector<16xi32>
    %shift_right_logical3A_488 = arith.shrui %get3A_476, %shift_right_logical3A_487 : vector<16xi32>
    %swap3A_489 = arith.constant 2 : i32
    %swap3A_490 = arith.index_cast %swap3A_489 : i32 to index
    %swap3A_491 = arith.constant 32 : index
    %swap3A_492 = tpu.vector_load %arg7[%swap3A_490, %swap3A_491] {strides = array<i32>} : memref<4x128xi32, #tpu.memory_space<vmem>>, vector<1x16xi32>,
    %swap3A_493 = vector.shape_cast %swap3A_492 : vector<1x16xi32> to vector<16xi32>
    %swap3A_494 = vector.shape_cast %shift_right_logical3A_488 : vector<16xi32> to vector<1x16xi32>
    tpu.vector_store %arg7[%swap3A_490, %swap3A_491], %swap3A_494 {strides = array<i32>} : memref<4x128xi32, #tpu.memory_space<vmem>>, vector<1x16xi32>,
    %get3A_495 = arith.constant 2 : i32
    %get3A_496 = arith.index_cast %get3A_495 : i32 to index
    %get3A_497 = arith.constant 48 : index
    %get3A_498 = tpu.vector_load %arg5[%get3A_496, %get3A_497] {strides = array<i32>} : memref<80x128xi32, #tpu.memory_space<vmem>>, vector<1x16xi32>,
    %get3A_499 = vector.shape_cast %get3A_498 : vector<1x16xi32> to vector<16xi32>
    %and3A_500 = arith.constant 262143 : i32
    %and3A_501 = vector.broadcast %and3A_500 : i32 to vector<16xi32>
    %and3A_502 = arith.andi %get3A_499, %and3A_501 : vector<16xi32>
    %swap3A_503 = arith.constant 2 : i32
    %swap3A_504 = arith.index_cast %swap3A_503 : i32 to index
    %swap3A_505 = arith.constant 48 : index
    %swap3A_506 = tpu.vector_load %arg6[%swap3A_504, %swap3A_505] {strides = array<i32>} : memref<4x128xi32, #tpu.memory_space<vmem>>, vector<1x16xi32>,
    %swap3A_507 = vector.shape_cast %swap3A_506 : vector<1x16xi32> to vector<16xi32>
    %swap3A_508 = vector.shape_cast %and3A_502 : vector<16xi32> to vector<1x16xi32>
    tpu.vector_store %arg6[%swap3A_504, %swap3A_505], %swap3A_508 {strides = array<i32>} : memref<4x128xi32, #tpu.memory_space<vmem>>, vector<1x16xi32>,
    %shift_right_logical3A_509 = arith.constant 18 : i32
    %shift_right_logical3A_510 = vector.broadcast %shift_right_logical3A_509 : i32 to vector<16xi32>
    %shift_right_logical3A_511 = arith.shrui %get3A_499, %shift_right_logical3A_510 : vector<16xi32>
    %swap3A_512 = arith.constant 2 : i32
    %swap3A_513 = arith.index_cast %swap3A_512 : i32 to index
    %swap3A_514 = arith.constant 48 : index
    %swap3A_515 = tpu.vector_load %arg7[%swap3A_513, %swap3A_514] {strides = array<i32>} : memref<4x128xi32, #tpu.memory_space<vmem>>, vector<1x16xi32>,
    %swap3A_516 = vector.shape_cast %swap3A_515 : vector<1x16xi32> to vector<16xi32>
    %swap3A_517 = vector.shape_cast %shift_right_logical3A_511 : vector<16xi32> to vector<1x16xi32>
    tpu.vector_store %arg7[%swap3A_513, %swap3A_514], %swap3A_517 {strides = array<i32>} : memref<4x128xi32, #tpu.memory_space<vmem>>, vector<1x16xi32>,
    %get3A_518 = arith.constant 2 : i32
    %get3A_519 = arith.index_cast %get3A_518 : i32 to index
    %get3A_520 = arith.constant 64 : index
    %get3A_521 = tpu.vector_load %arg5[%get3A_519, %get3A_520] {strides = array<i32>} : memref<80x128xi32, #tpu.memory_space<vmem>>, vector<1x16xi32>,
    %get3A_522 = vector.shape_cast %get3A_521 : vector<1x16xi32> to vector<16xi32>
    %and3A_523 = arith.constant 262143 : i32
    %and3A_524 = vector.broadcast %and3A_523 : i32 to vector<16xi32>
    %and3A_525 = arith.andi %get3A_522, %and3A_524 : vector<16xi32>
    %swap3A_526 = arith.constant 2 : i32
    %swap3A_527 = arith.index_cast %swap3A_526 : i32 to index
    %swap3A_528 = arith.constant 64 : index
    %swap3A_529 = tpu.vector_load %arg6[%swap3A_527, %swap3A_528] {strides = array<i32>} : memref<4x128xi32, #tpu.memory_space<vmem>>, vector<1x16xi32>,
    %swap3A_530 = vector.shape_cast %swap3A_529 : vector<1x16xi32> to vector<16xi32>
    %swap3A_531 = vector.shape_cast %and3A_525 : vector<16xi32> to vector<1x16xi32>
    tpu.vector_store %arg6[%swap3A_527, %swap3A_528], %swap3A_531 {strides = array<i32>} : memref<4x128xi32, #tpu.memory_space<vmem>>, vector<1x16xi32>,
    %shift_right_logical3A_532 = arith.constant 18 : i32
    %shift_right_logical3A_533 = vector.broadcast %shift_right_logical3A_532 : i32 to vector<16xi32>
    %shift_right_logical3A_534 = arith.shrui %get3A_522, %shift_right_logical3A_533 : vector<16xi32>
    %swap3A_535 = arith.constant 2 : i32
    %swap3A_536 = arith.index_cast %swap3A_535 : i32 to index
    %swap3A_537 = arith.constant 64 : index
    %swap3A_538 = tpu.vector_load %arg7[%swap3A_536, %swap3A_537] {strides = array<i32>} : memref<4x128xi32, #tpu.memory_space<vmem>>, vector<1x16xi32>,
    %swap3A_539 = vector.shape_cast %swap3A_538 : vector<1x16xi32> to vector<16xi32>
    %swap3A_540 = vector.shape_cast %shift_right_logical3A_534 : vector<16xi32> to vector<1x16xi32>
    tpu.vector_store %arg7[%swap3A_536, %swap3A_537], %swap3A_540 {strides = array<i32>} : memref<4x128xi32, #tpu.memory_space<vmem>>, vector<1x16xi32>,
    %get3A_541 = arith.constant 2 : i32
    %get3A_542 = arith.index_cast %get3A_541 : i32 to index
    %get3A_543 = arith.constant 80 : index
    %get3A_544 = tpu.vector_load %arg5[%get3A_542, %get3A_543] {strides = array<i32>} : memref<80x128xi32, #tpu.memory_space<vmem>>, vector<1x16xi32>,
    %get3A_545 = vector.shape_cast %get3A_544 : vector<1x16xi32> to vector<16xi32>
    %and3A_546 = arith.constant 262143 : i32
    %and3A_547 = vector.broadcast %and3A_546 : i32 to vector<16xi32>
    %and3A_548 = arith.andi %get3A_545, %and3A_547 : vector<16xi32>
    %swap3A_549 = arith.constant 2 : i32
    %swap3A_550 = arith.index_cast %swap3A_549 : i32 to index
    %swap3A_551 = arith.constant 80 : index
    %swap3A_552 = tpu.vector_load %arg6[%swap3A_550, %swap3A_551] {strides = array<i32>} : memref<4x128xi32, #tpu.memory_space<vmem>>, vector<1x16xi32>,
    %swap3A_553 = vector.shape_cast %swap3A_552 : vector<1x16xi32> to vector<16xi32>
    %swap3A_554 = vector.shape_cast %and3A_548 : vector<16xi32> to vector<1x16xi32>
    tpu.vector_store %arg6[%swap3A_550, %swap3A_551], %swap3A_554 {strides = array<i32>} : memref<4x128xi32, #tpu.memory_space<vmem>>, vector<1x16xi32>,
    %shift_right_logical3A_555 = arith.constant 18 : i32
    %shift_right_logical3A_556 = vector.broadcast %shift_right_logical3A_555 : i32 to vector<16xi32>
    %shift_right_logical3A_557 = arith.shrui %get3A_545, %shift_right_logical3A_556 : vector<16xi32>
    %swap3A_558 = arith.constant 2 : i32
    %swap3A_559 = arith.index_cast %swap3A_558 : i32 to index
    %swap3A_560 = arith.constant 80 : index
    %swap3A_561 = tpu.vector_load %arg7[%swap3A_559, %swap3A_560] {strides = array<i32>} : memref<4x128xi32, #tpu.memory_space<vmem>>, vector<1x16xi32>,
    %swap3A_562 = vector.shape_cast %swap3A_561 : vector<1x16xi32> to vector<16xi32>
    %swap3A_563 = vector.shape_cast %shift_right_logical3A_557 : vector<16xi32> to vector<1x16xi32>
    tpu.vector_store %arg7[%swap3A_559, %swap3A_560], %swap3A_563 {strides = array<i32>} : memref<4x128xi32, #tpu.memory_space<vmem>>, vector<1x16xi32>,
    %get3A_564 = arith.constant 2 : i32
    %get3A_565 = arith.index_cast %get3A_564 : i32 to index
    %get3A_566 = arith.constant 96 : index
    %get3A_567 = tpu.vector_load %arg5[%get3A_565, %get3A_566] {strides = array<i32>} : memref<80x128xi32, #tpu.memory_space<vmem>>, vector<1x16xi32>,
    %get3A_568 = vector.shape_cast %get3A_567 : vector<1x16xi32> to vector<16xi32>
    %and3A_569 = arith.constant 262143 : i32
    %and3A_570 = vector.broadcast %and3A_569 : i32 to vector<16xi32>
    %and3A_571 = arith.andi %get3A_568, %and3A_570 : vector<16xi32>
    %swap3A_572 = arith.constant 2 : i32
    %swap3A_573 = arith.index_cast %swap3A_572 : i32 to index
    %swap3A_574 = arith.constant 96 : index
    %swap3A_575 = tpu.vector_load %arg6[%swap3A_573, %swap3A_574] {strides = array<i32>} : memref<4x128xi32, #tpu.memory_space<vmem>>, vector<1x16xi32>,
    %swap3A_576 = vector.shape_cast %swap3A_575 : vector<1x16xi32> to vector<16xi32>
    %swap3A_577 = vector.shape_cast %and3A_571 : vector<16xi32> to vector<1x16xi32>
    tpu.vector_store %arg6[%swap3A_573, %swap3A_574], %swap3A_577 {strides = array<i32>} : memref<4x128xi32, #tpu.memory_space<vmem>>, vector<1x16xi32>,
    %shift_right_logical3A_578 = arith.constant 18 : i32
    %shift_right_logical3A_579 = vector.broadcast %shift_right_logical3A_578 : i32 to vector<16xi32>
    %shift_right_logical3A_580 = arith.shrui %get3A_568, %shift_right_logical3A_579 : vector<16xi32>
    %swap3A_581 = arith.constant 2 : i32
    %swap3A_582 = arith.index_cast %swap3A_581 : i32 to index
    %swap3A_583 = arith.constant 96 : index
    %swap3A_584 = tpu.vector_load %arg7[%swap3A_582, %swap3A_583] {strides = array<i32>} : memref<4x128xi32, #tpu.memory_space<vmem>>, vector<1x16xi32>,
    %swap3A_585 = vector.shape_cast %swap3A_584 : vector<1x16xi32> to vector<16xi32>
    %swap3A_586 = vector.shape_cast %shift_right_logical3A_580 : vector<16xi32> to vector<1x16xi32>
    tpu.vector_store %arg7[%swap3A_582, %swap3A_583], %swap3A_586 {strides = array<i32>} : memref<4x128xi32, #tpu.memory_space<vmem>>, vector<1x16xi32>,
    %get3A_587 = arith.constant 2 : i32
    %get3A_588 = arith.index_cast %get3A_587 : i32 to index
    %get3A_589 = arith.constant 112 : index
    %get3A_590 = tpu.vector_load %arg5[%get3A_588, %get3A_589] {strides = array<i32>} : memref<80x128xi32, #tpu.memory_space<vmem>>, vector<1x16xi32>,
    %get3A_591 = vector.shape_cast %get3A_590 : vector<1x16xi32> to vector<16xi32>
    %and3A_592 = arith.constant 262143 : i32
    %and3A_593 = vector.broadcast %and3A_592 : i32 to vector<16xi32>
    %and3A_594 = arith.andi %get3A_591, %and3A_593 : vector<16xi32>
    %swap3A_595 = arith.constant 2 : i32
    %swap3A_596 = arith.index_cast %swap3A_595 : i32 to index
    %swap3A_597 = arith.constant 112 : index
    %swap3A_598 = tpu.vector_load %arg6[%swap3A_596, %swap3A_597] {strides = array<i32>} : memref<4x128xi32, #tpu.memory_space<vmem>>, vector<1x16xi32>,
    %swap3A_599 = vector.shape_cast %swap3A_598 : vector<1x16xi32> to vector<16xi32>
    %swap3A_600 = vector.shape_cast %and3A_594 : vector<16xi32> to vector<1x16xi32>
    tpu.vector_store %arg6[%swap3A_596, %swap3A_597], %swap3A_600 {strides = array<i32>} : memref<4x128xi32, #tpu.memory_space<vmem>>, vector<1x16xi32>,
    %shift_right_logical3A_601 = arith.constant 18 : i32
    %shift_right_logical3A_602 = vector.broadcast %shift_right_logical3A_601 : i32 to vector<16xi32>
    %shift_right_logical3A_603 = arith.shrui %get3A_591, %shift_right_logical3A_602 : vector<16xi32>
    %swap3A_604 = arith.constant 2 : i32
    %swap3A_605 = arith.index_cast %swap3A_604 : i32 to index
    %swap3A_606 = arith.constant 112 : index
    %swap3A_607 = tpu.vector_load %arg7[%swap3A_605, %swap3A_606] {strides = array<i32>} : memref<4x128xi32, #tpu.memory_space<vmem>>, vector<1x16xi32>,
    %swap3A_608 = vector.shape_cast %swap3A_607 : vector<1x16xi32> to vector<16xi32>
    %swap3A_609 = vector.shape_cast %shift_right_logical3A_603 : vector<16xi32> to vector<1x16xi32>
    tpu.vector_store %arg7[%swap3A_605, %swap3A_606], %swap3A_609 {strides = array<i32>} : memref<4x128xi32, #tpu.memory_space<vmem>>, vector<1x16xi32>,
    %dma_wait3A_610 = arith.constant 0 : i32
    %dma_wait3A_611 = arith.constant 0 : i32
    %dma_wait3A_612 = tpu.memref_slice %arg7[%dma_wait3A_610, %dma_wait3A_611] : memref<4x128xi32, #tpu.memory_space<vmem>> -> memref<1x128xi32, #tpu.memory_space<vmem>>
    %dma_wait3A_613 = tpu.memref_squeeze %dma_wait3A_612 : memref<1x128xi32, #tpu.memory_space<vmem>> -> memref<128xi32, #tpu.memory_space<vmem>>
    %dma_wait3A_614 = arith.constant 0 : i32
    %dma_wait3A_615 = arith.constant 0 : i32
    %dma_wait3A_616 = tpu.memref_slice %arg10[%dma_wait3A_614, %dma_wait3A_615] : memref<10128x128xf32, #tpu.memory_space<vmem_shared>> -> memref<10128x128xf32, #tpu.memory_space<vmem_shared>>
    tpu.wait_indirect_dma semaphore(%arg13 : memref<!tpu.dma_semaphore, #tpu.memory_space<semaphore_mem>>) src(%arg8 : memref<128x128xf32, #tpu.memory_space<vmem>>) dst(%dma_wait3A_616 : memref<10128x128xf32, #tpu.memory_space<vmem_shared>>)
    %dma_start3A_617 = arith.constant 2 : i32
    %dma_start3A_618 = arith.constant 0 : i32
    %dma_start3A_619 = tpu.memref_slice %arg6[%dma_start3A_617, %dma_start3A_618] : memref<4x128xi32, #tpu.memory_space<vmem>> -> memref<1x128xi32, #tpu.memory_space<vmem>>
    %dma_start3A_620 = tpu.memref_squeeze %dma_start3A_619 : memref<1x128xi32, #tpu.memory_space<vmem>> -> memref<128xi32, #tpu.memory_space<vmem>>
    %dma_start3A_621 = arith.constant 0 : i32
    %dma_start3A_622 = arith.constant 0 : i32
    %dma_start3A_623 = tpu.memref_slice %arg2[%dma_start3A_621, %dma_start3A_622] : memref<160000x128xf32, #tpu.memory_space<hbm>> -> memref<160000x128xf32, #tpu.memory_space<hbm>>
    tpu.enqueue_indirect_dma source(%dma_start3A_623 : memref<160000x128xf32, #tpu.memory_space<hbm>>) target(%arg8 : memref<128x128xf32, #tpu.memory_space<vmem>>) offsets(%dma_start3A_620 : memref<128xi32, #tpu.memory_space<vmem>>) semaphore(%arg11 : memref<!tpu.dma_semaphore, #tpu.memory_space<semaphore_mem>>)
    %dma_wait3A_624 = arith.constant 2 : i32
    %dma_wait3A_625 = arith.constant 0 : i32
    %dma_wait3A_626 = tpu.memref_slice %arg6[%dma_wait3A_624, %dma_wait3A_625] : memref<4x128xi32, #tpu.memory_space<vmem>> -> memref<1x128xi32, #tpu.memory_space<vmem>>
    %dma_wait3A_627 = tpu.memref_squeeze %dma_wait3A_626 : memref<1x128xi32, #tpu.memory_space<vmem>> -> memref<128xi32, #tpu.memory_space<vmem>>
    %dma_wait3A_628 = arith.constant 0 : i32
    %dma_wait3A_629 = arith.constant 0 : i32
    %dma_wait3A_630 = tpu.memref_slice %arg2[%dma_wait3A_628, %dma_wait3A_629] : memref<160000x128xf32, #tpu.memory_space<hbm>> -> memref<160000x128xf32, #tpu.memory_space<hbm>>
    tpu.wait_indirect_dma semaphore(%arg11 : memref<!tpu.dma_semaphore, #tpu.memory_space<semaphore_mem>>) src(%dma_wait3A_630 : memref<160000x128xf32, #tpu.memory_space<hbm>>) dst(%arg8 : memref<128x128xf32, #tpu.memory_space<vmem>>)
    %dma_start3A_631 = arith.constant 2 : i32
    %dma_start3A_632 = arith.constant 0 : i32
    %dma_start3A_633 = tpu.memref_slice %arg7[%dma_start3A_631, %dma_start3A_632] : memref<4x128xi32, #tpu.memory_space<vmem>> -> memref<1x128xi32, #tpu.memory_space<vmem>>
    %dma_start3A_634 = tpu.memref_squeeze %dma_start3A_633 : memref<1x128xi32, #tpu.memory_space<vmem>> -> memref<128xi32, #tpu.memory_space<vmem>>
    %dma_start3A_635 = arith.constant 0 : i32
    %dma_start3A_636 = arith.constant 0 : i32
    %dma_start3A_637 = tpu.memref_slice %arg10[%dma_start3A_635, %dma_start3A_636] : memref<10128x128xf32, #tpu.memory_space<vmem_shared>> -> memref<10128x128xf32, #tpu.memory_space<vmem_shared>>
    tpu.enqueue_indirect_dma source(%arg8 : memref<128x128xf32, #tpu.memory_space<vmem>>) target(%dma_start3A_637 : memref<10128x128xf32, #tpu.memory_space<vmem_shared>>) offsets(%dma_start3A_634 : memref<128xi32, #tpu.memory_space<vmem>>) semaphore(%arg13 : memref<!tpu.dma_semaphore, #tpu.memory_space<semaphore_mem>>) {add = true}
    %get3A_638 = arith.constant 3 : i32
    %get3A_639 = arith.index_cast %get3A_638 : i32 to index
    %get3A_640 = arith.constant 0 : index
    %get3A_641 = tpu.vector_load %arg5[%get3A_639, %get3A_640] {strides = array<i32>} : memref<80x128xi32, #tpu.memory_space<vmem>>, vector<1x16xi32>,
    %get3A_642 = vector.shape_cast %get3A_641 : vector<1x16xi32> to vector<16xi32>
    %and3A_643 = arith.constant 262143 : i32
    %and3A_644 = vector.broadcast %and3A_643 : i32 to vector<16xi32>
    %and3A_645 = arith.andi %get3A_642, %and3A_644 : vector<16xi32>
    %swap3A_646 = arith.constant 3 : i32
    %swap3A_647 = arith.index_cast %swap3A_646 : i32 to index
    %swap3A_648 = arith.constant 0 : index
    %swap3A_649 = tpu.vector_load %arg6[%swap3A_647, %swap3A_648] {strides = array<i32>} : memref<4x128xi32, #tpu.memory_space<vmem>>, vector<1x16xi32>,
    %swap3A_650 = vector.shape_cast %swap3A_649 : vector<1x16xi32> to vector<16xi32>
    %swap3A_651 = vector.shape_cast %and3A_645 : vector<16xi32> to vector<1x16xi32>
    tpu.vector_store %arg6[%swap3A_647, %swap3A_648], %swap3A_651 {strides = array<i32>} : memref<4x128xi32, #tpu.memory_space<vmem>>, vector<1x16xi32>,
    %shift_right_logical3A_652 = arith.constant 18 : i32
    %shift_right_logical3A_653 = vector.broadcast %shift_right_logical3A_652 : i32 to vector<16xi32>
    %shift_right_logical3A_654 = arith.shrui %get3A_642, %shift_right_logical3A_653 : vector<16xi32>
    %swap3A_655 = arith.constant 3 : i32
    %swap3A_656 = arith.index_cast %swap3A_655 : i32 to index
    %swap3A_657 = arith.constant 0 : index
    %swap3A_658 = tpu.vector_load %arg7[%swap3A_656, %swap3A_657] {strides = array<i32>} : memref<4x128xi32, #tpu.memory_space<vmem>>, vector<1x16xi32>,
    %swap3A_659 = vector.shape_cast %swap3A_658 : vector<1x16xi32> to vector<16xi32>
    %swap3A_660 = vector.shape_cast %shift_right_logical3A_654 : vector<16xi32> to vector<1x16xi32>
    tpu.vector_store %arg7[%swap3A_656, %swap3A_657], %swap3A_660 {strides = array<i32>} : memref<4x128xi32, #tpu.memory_space<vmem>>, vector<1x16xi32>,
    %get3A_661 = arith.constant 3 : i32
    %get3A_662 = arith.index_cast %get3A_661 : i32 to index
    %get3A_663 = arith.constant 16 : index
    %get3A_664 = tpu.vector_load %arg5[%get3A_662, %get3A_663] {strides = array<i32>} : memref<80x128xi32, #tpu.memory_space<vmem>>, vector<1x16xi32>,
    %get3A_665 = vector.shape_cast %get3A_664 : vector<1x16xi32> to vector<16xi32>
    %and3A_666 = arith.constant 262143 : i32
    %and3A_667 = vector.broadcast %and3A_666 : i32 to vector<16xi32>
    %and3A_668 = arith.andi %get3A_665, %and3A_667 : vector<16xi32>
    %swap3A_669 = arith.constant 3 : i32
    %swap3A_670 = arith.index_cast %swap3A_669 : i32 to index
    %swap3A_671 = arith.constant 16 : index
    %swap3A_672 = tpu.vector_load %arg6[%swap3A_670, %swap3A_671] {strides = array<i32>} : memref<4x128xi32, #tpu.memory_space<vmem>>, vector<1x16xi32>,
    %swap3A_673 = vector.shape_cast %swap3A_672 : vector<1x16xi32> to vector<16xi32>
    %swap3A_674 = vector.shape_cast %and3A_668 : vector<16xi32> to vector<1x16xi32>
    tpu.vector_store %arg6[%swap3A_670, %swap3A_671], %swap3A_674 {strides = array<i32>} : memref<4x128xi32, #tpu.memory_space<vmem>>, vector<1x16xi32>,
    %shift_right_logical3A_675 = arith.constant 18 : i32
    %shift_right_logical3A_676 = vector.broadcast %shift_right_logical3A_675 : i32 to vector<16xi32>
    %shift_right_logical3A_677 = arith.shrui %get3A_665, %shift_right_logical3A_676 : vector<16xi32>
    %swap3A_678 = arith.constant 3 : i32
    %swap3A_679 = arith.index_cast %swap3A_678 : i32 to index
    %swap3A_680 = arith.constant 16 : index
    %swap3A_681 = tpu.vector_load %arg7[%swap3A_679, %swap3A_680] {strides = array<i32>} : memref<4x128xi32, #tpu.memory_space<vmem>>, vector<1x16xi32>,
    %swap3A_682 = vector.shape_cast %swap3A_681 : vector<1x16xi32> to vector<16xi32>
    %swap3A_683 = vector.shape_cast %shift_right_logical3A_677 : vector<16xi32> to vector<1x16xi32>
    tpu.vector_store %arg7[%swap3A_679, %swap3A_680], %swap3A_683 {strides = array<i32>} : memref<4x128xi32, #tpu.memory_space<vmem>>, vector<1x16xi32>,
    %get3A_684 = arith.constant 3 : i32
    %get3A_685 = arith.index_cast %get3A_684 : i32 to index
    %get3A_686 = arith.constant 32 : index
    %get3A_687 = tpu.vector_load %arg5[%get3A_685, %get3A_686] {strides = array<i32>} : memref<80x128xi32, #tpu.memory_space<vmem>>, vector<1x16xi32>,
    %get3A_688 = vector.shape_cast %get3A_687 : vector<1x16xi32> to vector<16xi32>
    %and3A_689 = arith.constant 262143 : i32
    %and3A_690 = vector.broadcast %and3A_689 : i32 to vector<16xi32>
    %and3A_691 = arith.andi %get3A_688, %and3A_690 : vector<16xi32>
    %swap3A_692 = arith.constant 3 : i32
    %swap3A_693 = arith.index_cast %swap3A_692 : i32 to index
    %swap3A_694 = arith.constant 32 : index
    %swap3A_695 = tpu.vector_load %arg6[%swap3A_693, %swap3A_694] {strides = array<i32>} : memref<4x128xi32, #tpu.memory_space<vmem>>, vector<1x16xi32>,
    %swap3A_696 = vector.shape_cast %swap3A_695 : vector<1x16xi32> to vector<16xi32>
    %swap3A_697 = vector.shape_cast %and3A_691 : vector<16xi32> to vector<1x16xi32>
    tpu.vector_store %arg6[%swap3A_693, %swap3A_694], %swap3A_697 {strides = array<i32>} : memref<4x128xi32, #tpu.memory_space<vmem>>, vector<1x16xi32>,
    %shift_right_logical3A_698 = arith.constant 18 : i32
    %shift_right_logical3A_699 = vector.broadcast %shift_right_logical3A_698 : i32 to vector<16xi32>
    %shift_right_logical3A_700 = arith.shrui %get3A_688, %shift_right_logical3A_699 : vector<16xi32>
    %swap3A_701 = arith.constant 3 : i32
    %swap3A_702 = arith.index_cast %swap3A_701 : i32 to index
    %swap3A_703 = arith.constant 32 : index
    %swap3A_704 = tpu.vector_load %arg7[%swap3A_702, %swap3A_703] {strides = array<i32>} : memref<4x128xi32, #tpu.memory_space<vmem>>, vector<1x16xi32>,
    %swap3A_705 = vector.shape_cast %swap3A_704 : vector<1x16xi32> to vector<16xi32>
    %swap3A_706 = vector.shape_cast %shift_right_logical3A_700 : vector<16xi32> to vector<1x16xi32>
    tpu.vector_store %arg7[%swap3A_702, %swap3A_703], %swap3A_706 {strides = array<i32>} : memref<4x128xi32, #tpu.memory_space<vmem>>, vector<1x16xi32>,
    %get3A_707 = arith.constant 3 : i32
    %get3A_708 = arith.index_cast %get3A_707 : i32 to index
    %get3A_709 = arith.constant 48 : index
    %get3A_710 = tpu.vector_load %arg5[%get3A_708, %get3A_709] {strides = array<i32>} : memref<80x128xi32, #tpu.memory_space<vmem>>, vector<1x16xi32>,
    %get3A_711 = vector.shape_cast %get3A_710 : vector<1x16xi32> to vector<16xi32>
    %and3A_712 = arith.constant 262143 : i32
    %and3A_713 = vector.broadcast %and3A_712 : i32 to vector<16xi32>
    %and3A_714 = arith.andi %get3A_711, %and3A_713 : vector<16xi32>
    %swap3A_715 = arith.constant 3 : i32
    %swap3A_716 = arith.index_cast %swap3A_715 : i32 to index
    %swap3A_717 = arith.constant 48 : index
    %swap3A_718 = tpu.vector_load %arg6[%swap3A_716, %swap3A_717] {strides = array<i32>} : memref<4x128xi32, #tpu.memory_space<vmem>>, vector<1x16xi32>,
    %swap3A_719 = vector.shape_cast %swap3A_718 : vector<1x16xi32> to vector<16xi32>
    %swap3A_720 = vector.shape_cast %and3A_714 : vector<16xi32> to vector<1x16xi32>
    tpu.vector_store %arg6[%swap3A_716, %swap3A_717], %swap3A_720 {strides = array<i32>} : memref<4x128xi32, #tpu.memory_space<vmem>>, vector<1x16xi32>,
    %shift_right_logical3A_721 = arith.constant 18 : i32
    %shift_right_logical3A_722 = vector.broadcast %shift_right_logical3A_721 : i32 to vector<16xi32>
    %shift_right_logical3A_723 = arith.shrui %get3A_711, %shift_right_logical3A_722 : vector<16xi32>
    %swap3A_724 = arith.constant 3 : i32
    %swap3A_725 = arith.index_cast %swap3A_724 : i32 to index
    %swap3A_726 = arith.constant 48 : index
    %swap3A_727 = tpu.vector_load %arg7[%swap3A_725, %swap3A_726] {strides = array<i32>} : memref<4x128xi32, #tpu.memory_space<vmem>>, vector<1x16xi32>,
    %swap3A_728 = vector.shape_cast %swap3A_727 : vector<1x16xi32> to vector<16xi32>
    %swap3A_729 = vector.shape_cast %shift_right_logical3A_723 : vector<16xi32> to vector<1x16xi32>
    tpu.vector_store %arg7[%swap3A_725, %swap3A_726], %swap3A_729 {strides = array<i32>} : memref<4x128xi32, #tpu.memory_space<vmem>>, vector<1x16xi32>,
    %get3A_730 = arith.constant 3 : i32
    %get3A_731 = arith.index_cast %get3A_730 : i32 to index
    %get3A_732 = arith.constant 64 : index
    %get3A_733 = tpu.vector_load %arg5[%get3A_731, %get3A_732] {strides = array<i32>} : memref<80x128xi32, #tpu.memory_space<vmem>>, vector<1x16xi32>,
    %get3A_734 = vector.shape_cast %get3A_733 : vector<1x16xi32> to vector<16xi32>
    %and3A_735 = arith.constant 262143 : i32
    %and3A_736 = vector.broadcast %and3A_735 : i32 to vector<16xi32>
    %and3A_737 = arith.andi %get3A_734, %and3A_736 : vector<16xi32>
    %swap3A_738 = arith.constant 3 : i32
    %swap3A_739 = arith.index_cast %swap3A_738 : i32 to index
    %swap3A_740 = arith.constant 64 : index
    %swap3A_741 = tpu.vector_load %arg6[%swap3A_739, %swap3A_740] {strides = array<i32>} : memref<4x128xi32, #tpu.memory_space<vmem>>, vector<1x16xi32>,
    %swap3A_742 = vector.shape_cast %swap3A_741 : vector<1x16xi32> to vector<16xi32>
    %swap3A_743 = vector.shape_cast %and3A_737 : vector<16xi32> to vector<1x16xi32>
    tpu.vector_store %arg6[%swap3A_739, %swap3A_740], %swap3A_743 {strides = array<i32>} : memref<4x128xi32, #tpu.memory_space<vmem>>, vector<1x16xi32>,
    %shift_right_logical3A_744 = arith.constant 18 : i32
    %shift_right_logical3A_745 = vector.broadcast %shift_right_logical3A_744 : i32 to vector<16xi32>
    %shift_right_logical3A_746 = arith.shrui %get3A_734, %shift_right_logical3A_745 : vector<16xi32>
    %swap3A_747 = arith.constant 3 : i32
    %swap3A_748 = arith.index_cast %swap3A_747 : i32 to index
    %swap3A_749 = arith.constant 64 : index
    %swap3A_750 = tpu.vector_load %arg7[%swap3A_748, %swap3A_749] {strides = array<i32>} : memref<4x128xi32, #tpu.memory_space<vmem>>, vector<1x16xi32>,
    %swap3A_751 = vector.shape_cast %swap3A_750 : vector<1x16xi32> to vector<16xi32>
    %swap3A_752 = vector.shape_cast %shift_right_logical3A_746 : vector<16xi32> to vector<1x16xi32>
    tpu.vector_store %arg7[%swap3A_748, %swap3A_749], %swap3A_752 {strides = array<i32>} : memref<4x128xi32, #tpu.memory_space<vmem>>, vector<1x16xi32>,
    %get3A_753 = arith.constant 3 : i32
    %get3A_754 = arith.index_cast %get3A_753 : i32 to index
    %get3A_755 = arith.constant 80 : index
    %get3A_756 = tpu.vector_load %arg5[%get3A_754, %get3A_755] {strides = array<i32>} : memref<80x128xi32, #tpu.memory_space<vmem>>, vector<1x16xi32>,
    %get3A_757 = vector.shape_cast %get3A_756 : vector<1x16xi32> to vector<16xi32>
    %and3A_758 = arith.constant 262143 : i32
    %and3A_759 = vector.broadcast %and3A_758 : i32 to vector<16xi32>
    %and3A_760 = arith.andi %get3A_757, %and3A_759 : vector<16xi32>
    %swap3A_761 = arith.constant 3 : i32
    %swap3A_762 = arith.index_cast %swap3A_761 : i32 to index
    %swap3A_763 = arith.constant 80 : index
    %swap3A_764 = tpu.vector_load %arg6[%swap3A_762, %swap3A_763] {strides = array<i32>} : memref<4x128xi32, #tpu.memory_space<vmem>>, vector<1x16xi32>,
    %swap3A_765 = vector.shape_cast %swap3A_764 : vector<1x16xi32> to vector<16xi32>
    %swap3A_766 = vector.shape_cast %and3A_760 : vector<16xi32> to vector<1x16xi32>
    tpu.vector_store %arg6[%swap3A_762, %swap3A_763], %swap3A_766 {strides = array<i32>} : memref<4x128xi32, #tpu.memory_space<vmem>>, vector<1x16xi32>,
    %shift_right_logical3A_767 = arith.constant 18 : i32
    %shift_right_logical3A_768 = vector.broadcast %shift_right_logical3A_767 : i32 to vector<16xi32>
    %shift_right_logical3A_769 = arith.shrui %get3A_757, %shift_right_logical3A_768 : vector<16xi32>
    %swap3A_770 = arith.constant 3 : i32
    %swap3A_771 = arith.index_cast %swap3A_770 : i32 to index
    %swap3A_772 = arith.constant 80 : index
    %swap3A_773 = tpu.vector_load %arg7[%swap3A_771, %swap3A_772] {strides = array<i32>} : memref<4x128xi32, #tpu.memory_space<vmem>>, vector<1x16xi32>,
    %swap3A_774 = vector.shape_cast %swap3A_773 : vector<1x16xi32> to vector<16xi32>
    %swap3A_775 = vector.shape_cast %shift_right_logical3A_769 : vector<16xi32> to vector<1x16xi32>
    tpu.vector_store %arg7[%swap3A_771, %swap3A_772], %swap3A_775 {strides = array<i32>} : memref<4x128xi32, #tpu.memory_space<vmem>>, vector<1x16xi32>,
    %get3A_776 = arith.constant 3 : i32
    %get3A_777 = arith.index_cast %get3A_776 : i32 to index
    %get3A_778 = arith.constant 96 : index
    %get3A_779 = tpu.vector_load %arg5[%get3A_777, %get3A_778] {strides = array<i32>} : memref<80x128xi32, #tpu.memory_space<vmem>>, vector<1x16xi32>,
    %get3A_780 = vector.shape_cast %get3A_779 : vector<1x16xi32> to vector<16xi32>
    %and3A_781 = arith.constant 262143 : i32
    %and3A_782 = vector.broadcast %and3A_781 : i32 to vector<16xi32>
    %and3A_783 = arith.andi %get3A_780, %and3A_782 : vector<16xi32>
    %swap3A_784 = arith.constant 3 : i32
    %swap3A_785 = arith.index_cast %swap3A_784 : i32 to index
    %swap3A_786 = arith.constant 96 : index
    %swap3A_787 = tpu.vector_load %arg6[%swap3A_785, %swap3A_786] {strides = array<i32>} : memref<4x128xi32, #tpu.memory_space<vmem>>, vector<1x16xi32>,
    %swap3A_788 = vector.shape_cast %swap3A_787 : vector<1x16xi32> to vector<16xi32>
    %swap3A_789 = vector.shape_cast %and3A_783 : vector<16xi32> to vector<1x16xi32>
    tpu.vector_store %arg6[%swap3A_785, %swap3A_786], %swap3A_789 {strides = array<i32>} : memref<4x128xi32, #tpu.memory_space<vmem>>, vector<1x16xi32>,
    %shift_right_logical3A_790 = arith.constant 18 : i32
    %shift_right_logical3A_791 = vector.broadcast %shift_right_logical3A_790 : i32 to vector<16xi32>
    %shift_right_logical3A_792 = arith.shrui %get3A_780, %shift_right_logical3A_791 : vector<16xi32>
    %swap3A_793 = arith.constant 3 : i32
    %swap3A_794 = arith.index_cast %swap3A_793 : i32 to index
    %swap3A_795 = arith.constant 96 : index
    %swap3A_796 = tpu.vector_load %arg7[%swap3A_794, %swap3A_795] {strides = array<i32>} : memref<4x128xi32, #tpu.memory_space<vmem>>, vector<1x16xi32>,
    %swap3A_797 = vector.shape_cast %swap3A_796 : vector<1x16xi32> to vector<16xi32>
    %swap3A_798 = vector.shape_cast %shift_right_logical3A_792 : vector<16xi32> to vector<1x16xi32>
    tpu.vector_store %arg7[%swap3A_794, %swap3A_795], %swap3A_798 {strides = array<i32>} : memref<4x128xi32, #tpu.memory_space<vmem>>, vector<1x16xi32>,
    %get3A_799 = arith.constant 3 : i32
    %get3A_800 = arith.index_cast %get3A_799 : i32 to index
    %get3A_801 = arith.constant 112 : index
    %get3A_802 = tpu.vector_load %arg5[%get3A_800, %get3A_801] {strides = array<i32>} : memref<80x128xi32, #tpu.memory_space<vmem>>, vector<1x16xi32>,
    %get3A_803 = vector.shape_cast %get3A_802 : vector<1x16xi32> to vector<16xi32>
    %and3A_804 = arith.constant 262143 : i32
    %and3A_805 = vector.broadcast %and3A_804 : i32 to vector<16xi32>
    %and3A_806 = arith.andi %get3A_803, %and3A_805 : vector<16xi32>
    %swap3A_807 = arith.constant 3 : i32
    %swap3A_808 = arith.index_cast %swap3A_807 : i32 to index
    %swap3A_809 = arith.constant 112 : index
    %swap3A_810 = tpu.vector_load %arg6[%swap3A_808, %swap3A_809] {strides = array<i32>} : memref<4x128xi32, #tpu.memory_space<vmem>>, vector<1x16xi32>,
    %swap3A_811 = vector.shape_cast %swap3A_810 : vector<1x16xi32> to vector<16xi32>
    %swap3A_812 = vector.shape_cast %and3A_806 : vector<16xi32> to vector<1x16xi32>
    tpu.vector_store %arg6[%swap3A_808, %swap3A_809], %swap3A_812 {strides = array<i32>} : memref<4x128xi32, #tpu.memory_space<vmem>>, vector<1x16xi32>,
    %shift_right_logical3A_813 = arith.constant 18 : i32
    %shift_right_logical3A_814 = vector.broadcast %shift_right_logical3A_813 : i32 to vector<16xi32>
    %shift_right_logical3A_815 = arith.shrui %get3A_803, %shift_right_logical3A_814 : vector<16xi32>
    %swap3A_816 = arith.constant 3 : i32
    %swap3A_817 = arith.index_cast %swap3A_816 : i32 to index
    %swap3A_818 = arith.constant 112 : index
    %swap3A_819 = tpu.vector_load %arg7[%swap3A_817, %swap3A_818] {strides = array<i32>} : memref<4x128xi32, #tpu.memory_space<vmem>>, vector<1x16xi32>,
    %swap3A_820 = vector.shape_cast %swap3A_819 : vector<1x16xi32> to vector<16xi32>
    %swap3A_821 = vector.shape_cast %shift_right_logical3A_815 : vector<16xi32> to vector<1x16xi32>
    tpu.vector_store %arg7[%swap3A_817, %swap3A_818], %swap3A_821 {strides = array<i32>} : memref<4x128xi32, #tpu.memory_space<vmem>>, vector<1x16xi32>,
    %dma_wait3A_822 = arith.constant 0 : i32
    %dma_wait3A_823 = arith.constant 0 : i32
    %dma_wait3A_824 = tpu.memref_slice %arg7[%dma_wait3A_822, %dma_wait3A_823] : memref<4x128xi32, #tpu.memory_space<vmem>> -> memref<1x128xi32, #tpu.memory_space<vmem>>
    %dma_wait3A_825 = tpu.memref_squeeze %dma_wait3A_824 : memref<1x128xi32, #tpu.memory_space<vmem>> -> memref<128xi32, #tpu.memory_space<vmem>>
    %dma_wait3A_826 = arith.constant 0 : i32
    %dma_wait3A_827 = arith.constant 0 : i32
    %dma_wait3A_828 = tpu.memref_slice %arg10[%dma_wait3A_826, %dma_wait3A_827] : memref<10128x128xf32, #tpu.memory_space<vmem_shared>> -> memref<10128x128xf32, #tpu.memory_space<vmem_shared>>
    tpu.wait_indirect_dma semaphore(%arg14 : memref<!tpu.dma_semaphore, #tpu.memory_space<semaphore_mem>>) src(%arg9 : memref<128x128xf32, #tpu.memory_space<vmem>>) dst(%dma_wait3A_828 : memref<10128x128xf32, #tpu.memory_space<vmem_shared>>)
    %dma_start3A_829 = arith.constant 3 : i32
    %dma_start3A_830 = arith.constant 0 : i32
    %dma_start3A_831 = tpu.memref_slice %arg6[%dma_start3A_829, %dma_start3A_830] : memref<4x128xi32, #tpu.memory_space<vmem>> -> memref<1x128xi32, #tpu.memory_space<vmem>>
    %dma_start3A_832 = tpu.memref_squeeze %dma_start3A_831 : memref<1x128xi32, #tpu.memory_space<vmem>> -> memref<128xi32, #tpu.memory_space<vmem>>
    %dma_start3A_833 = arith.constant 0 : i32
    %dma_start3A_834 = arith.constant 0 : i32
    %dma_start3A_835 = tpu.memref_slice %arg2[%dma_start3A_833, %dma_start3A_834] : memref<160000x128xf32, #tpu.memory_space<hbm>> -> memref<160000x128xf32, #tpu.memory_space<hbm>>
    tpu.enqueue_indirect_dma source(%dma_start3A_835 : memref<160000x128xf32, #tpu.memory_space<hbm>>) target(%arg9 : memref<128x128xf32, #tpu.memory_space<vmem>>) offsets(%dma_start3A_832 : memref<128xi32, #tpu.memory_space<vmem>>) semaphore(%arg12 : memref<!tpu.dma_semaphore, #tpu.memory_space<semaphore_mem>>)
    %dma_wait3A_836 = arith.constant 3 : i32
    %dma_wait3A_837 = arith.constant 0 : i32
    %dma_wait3A_838 = tpu.memref_slice %arg6[%dma_wait3A_836, %dma_wait3A_837] : memref<4x128xi32, #tpu.memory_space<vmem>> -> memref<1x128xi32, #tpu.memory_space<vmem>>
    %dma_wait3A_839 = tpu.memref_squeeze %dma_wait3A_838 : memref<1x128xi32, #tpu.memory_space<vmem>> -> memref<128xi32, #tpu.memory_space<vmem>>
    %dma_wait3A_840 = arith.constant 0 : i32
    %dma_wait3A_841 = arith.constant 0 : i32
    %dma_wait3A_842 = tpu.memref_slice %arg2[%dma_wait3A_840, %dma_wait3A_841] : memref<160000x128xf32, #tpu.memory_space<hbm>> -> memref<160000x128xf32, #tpu.memory_space<hbm>>
    tpu.wait_indirect_dma semaphore(%arg12 : memref<!tpu.dma_semaphore, #tpu.memory_space<semaphore_mem>>) src(%dma_wait3A_842 : memref<160000x128xf32, #tpu.memory_space<hbm>>) dst(%arg9 : memref<128x128xf32, #tpu.memory_space<vmem>>)
    %dma_start3A_843 = arith.constant 3 : i32
    %dma_start3A_844 = arith.constant 0 : i32
    %dma_start3A_845 = tpu.memref_slice %arg7[%dma_start3A_843, %dma_start3A_844] : memref<4x128xi32, #tpu.memory_space<vmem>> -> memref<1x128xi32, #tpu.memory_space<vmem>>
    %dma_start3A_846 = tpu.memref_squeeze %dma_start3A_845 : memref<1x128xi32, #tpu.memory_space<vmem>> -> memref<128xi32, #tpu.memory_space<vmem>>
    %dma_start3A_847 = arith.constant 0 : i32
    %dma_start3A_848 = arith.constant 0 : i32
    %dma_start3A_849 = tpu.memref_slice %arg10[%dma_start3A_847, %dma_start3A_848] : memref<10128x128xf32, #tpu.memory_space<vmem_shared>> -> memref<10128x128xf32, #tpu.memory_space<vmem_shared>>
    tpu.enqueue_indirect_dma source(%arg9 : memref<128x128xf32, #tpu.memory_space<vmem>>) target(%dma_start3A_849 : memref<10128x128xf32, #tpu.memory_space<vmem_shared>>) offsets(%dma_start3A_846 : memref<128xi32, #tpu.memory_space<vmem>>) semaphore(%arg14 : memref<!tpu.dma_semaphore, #tpu.memory_space<semaphore_mem>>) {add = true}
    %get3A_850 = arith.constant 4 : i32
    %get3A_851 = arith.index_cast %get3A_850 : i32 to index
    %get3A_852 = arith.constant 0 : index
    %get3A_853 = tpu.vector_load %arg5[%get3A_851, %get3A_852] {strides = array<i32>} : memref<80x128xi32, #tpu.memory_space<vmem>>, vector<1x16xi32>,
    %get3A_854 = vector.shape_cast %get3A_853 : vector<1x16xi32> to vector<16xi32>
    %and3A_855 = arith.constant 262143 : i32
    %and3A_856 = vector.broadcast %and3A_855 : i32 to vector<16xi32>
    %and3A_857 = arith.andi %get3A_854, %and3A_856 : vector<16xi32>
    %swap3A_858 = arith.constant 0 : i32
    %swap3A_859 = arith.index_cast %swap3A_858 : i32 to index
    %swap3A_860 = arith.constant 0 : index
    %swap3A_861 = tpu.vector_load %arg6[%swap3A_859, %swap3A_860] {strides = array<i32>} : memref<4x128xi32, #tpu.memory_space<vmem>>, vector<1x16xi32>,
    %swap3A_862 = vector.shape_cast %swap3A_861 : vector<1x16xi32> to vector<16xi32>
    %swap3A_863 = vector.shape_cast %and3A_857 : vector<16xi32> to vector<1x16xi32>
    tpu.vector_store %arg6[%swap3A_859, %swap3A_860], %swap3A_863 {strides = array<i32>} : memref<4x128xi32, #tpu.memory_space<vmem>>, vector<1x16xi32>,
    %shift_right_logical3A_864 = arith.constant 18 : i32
    %shift_right_logical3A_865 = vector.broadcast %shift_right_logical3A_864 : i32 to vector<16xi32>
    %shift_right_logical3A_866 = arith.shrui %get3A_854, %shift_right_logical3A_865 : vector<16xi32>
    %swap3A_867 = arith.constant 0 : i32
    %swap3A_868 = arith.index_cast %swap3A_867 : i32 to index
    %swap3A_869 = arith.constant 0 : index
    %swap3A_870 = tpu.vector_load %arg7[%swap3A_868, %swap3A_869] {strides = array<i32>} : memref<4x128xi32, #tpu.memory_space<vmem>>, vector<1x16xi32>,
    %swap3A_871 = vector.shape_cast %swap3A_870 : vector<1x16xi32> to vector<16xi32>
    %swap3A_872 = vector.shape_cast %shift_right_logical3A_866 : vector<16xi32> to vector<1x16xi32>
    tpu.vector_store %arg7[%swap3A_868, %swap3A_869], %swap3A_872 {strides = array<i32>} : memref<4x128xi32, #tpu.memory_space<vmem>>, vector<1x16xi32>,
    %get3A_873 = arith.constant 4 : i32
    %get3A_874 = arith.index_cast %get3A_873 : i32 to index
    %get3A_875 = arith.constant 16 : index
    %get3A_876 = tpu.vector_load %arg5[%get3A_874, %get3A_875] {strides = array<i32>} : memref<80x128xi32, #tpu.memory_space<vmem>>, vector<1x16xi32>,
    %get3A_877 = vector.shape_cast %get3A_876 : vector<1x16xi32> to vector<16xi32>
    %and3A_878 = arith.constant 262143 : i32
    %and3A_879 = vector.broadcast %and3A_878 : i32 to vector<16xi32>
    %and3A_880 = arith.andi %get3A_877, %and3A_879 : vector<16xi32>
    %swap3A_881 = arith.constant 0 : i32
    %swap3A_882 = arith.index_cast %swap3A_881 : i32 to index
    %swap3A_883 = arith.constant 16 : index
    %swap3A_884 = tpu.vector_load %arg6[%swap3A_882, %swap3A_883] {strides = array<i32>} : memref<4x128xi32, #tpu.memory_space<vmem>>, vector<1x16xi32>,
    %swap3A_885 = vector.shape_cast %swap3A_884 : vector<1x16xi32> to vector<16xi32>
    %swap3A_886 = vector.shape_cast %and3A_880 : vector<16xi32> to vector<1x16xi32>
    tpu.vector_store %arg6[%swap3A_882, %swap3A_883], %swap3A_886 {strides = array<i32>} : memref<4x128xi32, #tpu.memory_space<vmem>>, vector<1x16xi32>,
    %shift_right_logical3A_887 = arith.constant 18 : i32
    %shift_right_logical3A_888 = vector.broadcast %shift_right_logical3A_887 : i32 to vector<16xi32>
    %shift_right_logical3A_889 = arith.shrui %get3A_877, %shift_right_logical3A_888 : vector<16xi32>
    %swap3A_890 = arith.constant 0 : i32
    %swap3A_891 = arith.index_cast %swap3A_890 : i32 to index
    %swap3A_892 = arith.constant 16 : index
    %swap3A_893 = tpu.vector_load %arg7[%swap3A_891, %swap3A_892] {strides = array<i32>} : memref<4x128xi32, #tpu.memory_space<vmem>>, vector<1x16xi32>,
    %swap3A_894 = vector.shape_cast %swap3A_893 : vector<1x16xi32> to vector<16xi32>
    %swap3A_895 = vector.shape_cast %shift_right_logical3A_889 : vector<16xi32> to vector<1x16xi32>
    tpu.vector_store %arg7[%swap3A_891, %swap3A_892], %swap3A_895 {strides = array<i32>} : memref<4x128xi32, #tpu.memory_space<vmem>>, vector<1x16xi32>,
    %get3A_896 = arith.constant 4 : i32
    %get3A_897 = arith.index_cast %get3A_896 : i32 to index
    %get3A_898 = arith.constant 32 : index
    %get3A_899 = tpu.vector_load %arg5[%get3A_897, %get3A_898] {strides = array<i32>} : memref<80x128xi32, #tpu.memory_space<vmem>>, vector<1x16xi32>,
    %get3A_900 = vector.shape_cast %get3A_899 : vector<1x16xi32> to vector<16xi32>
    %and3A_901 = arith.constant 262143 : i32
    %and3A_902 = vector.broadcast %and3A_901 : i32 to vector<16xi32>
    %and3A_903 = arith.andi %get3A_900, %and3A_902 : vector<16xi32>
    %swap3A_904 = arith.constant 0 : i32
    %swap3A_905 = arith.index_cast %swap3A_904 : i32 to index
    %swap3A_906 = arith.constant 32 : index
    %swap3A_907 = tpu.vector_load %arg6[%swap3A_905, %swap3A_906] {strides = array<i32>} : memref<4x128xi32, #tpu.memory_space<vmem>>, vector<1x16xi32>,
    %swap3A_908 = vector.shape_cast %swap3A_907 : vector<1x16xi32> to vector<16xi32>
    %swap3A_909 = vector.shape_cast %and3A_903 : vector<16xi32> to vector<1x16xi32>
    tpu.vector_store %arg6[%swap3A_905, %swap3A_906], %swap3A_909 {strides = array<i32>} : memref<4x128xi32, #tpu.memory_space<vmem>>, vector<1x16xi32>,
    %shift_right_logical3A_910 = arith.constant 18 : i32
    %shift_right_logical3A_911 = vector.broadcast %shift_right_logical3A_910 : i32 to vector<16xi32>
    %shift_right_logical3A_912 = arith.shrui %get3A_900, %shift_right_logical3A_911 : vector<16xi32>
    %swap3A_913 = arith.constant 0 : i32
    %swap3A_914 = arith.index_cast %swap3A_913 : i32 to index
    %swap3A_915 = arith.constant 32 : index
    %swap3A_916 = tpu.vector_load %arg7[%swap3A_914, %swap3A_915] {strides = array<i32>} : memref<4x128xi32, #tpu.memory_space<vmem>>, vector<1x16xi32>,
    %swap3A_917 = vector.shape_cast %swap3A_916 : vector<1x16xi32> to vector<16xi32>
    %swap3A_918 = vector.shape_cast %shift_right_logical3A_912 : vector<16xi32> to vector<1x16xi32>
    tpu.vector_store %arg7[%swap3A_914, %swap3A_915], %swap3A_918 {strides = array<i32>} : memref<4x128xi32, #tpu.memory_space<vmem>>, vector<1x16xi32>,
    %get3A_919 = arith.constant 4 : i32
    %get3A_920 = arith.index_cast %get3A_919 : i32 to index
    %get3A_921 = arith.constant 48 : index
    %get3A_922 = tpu.vector_load %arg5[%get3A_920, %get3A_921] {strides = array<i32>} : memref<80x128xi32, #tpu.memory_space<vmem>>, vector<1x16xi32>,
    %get3A_923 = vector.shape_cast %get3A_922 : vector<1x16xi32> to vector<16xi32>
    %and3A_924 = arith.constant 262143 : i32
    %and3A_925 = vector.broadcast %and3A_924 : i32 to vector<16xi32>
    %and3A_926 = arith.andi %get3A_923, %and3A_925 : vector<16xi32>
    %swap3A_927 = arith.constant 0 : i32
    %swap3A_928 = arith.index_cast %swap3A_927 : i32 to index
    %swap3A_929 = arith.constant 48 : index
    %swap3A_930 = tpu.vector_load %arg6[%swap3A_928, %swap3A_929] {strides = array<i32>} : memref<4x128xi32, #tpu.memory_space<vmem>>, vector<1x16xi32>,
    %swap3A_931 = vector.shape_cast %swap3A_930 : vector<1x16xi32> to vector<16xi32>
    %swap3A_932 = vector.shape_cast %and3A_926 : vector<16xi32> to vector<1x16xi32>
    tpu.vector_store %arg6[%swap3A_928, %swap3A_929], %swap3A_932 {strides = array<i32>} : memref<4x128xi32, #tpu.memory_space<vmem>>, vector<1x16xi32>,
    %shift_right_logical3A_933 = arith.constant 18 : i32
    %shift_right_logical3A_934 = vector.broadcast %shift_right_logical3A_933 : i32 to vector<16xi32>
    %shift_right_logical3A_935 = arith.shrui %get3A_923, %shift_right_logical3A_934 : vector<16xi32>
    %swap3A_936 = arith.constant 0 : i32
    %swap3A_937 = arith.index_cast %swap3A_936 : i32 to index
    %swap3A_938 = arith.constant 48 : index
    %swap3A_939 = tpu.vector_load %arg7[%swap3A_937, %swap3A_938] {strides = array<i32>} : memref<4x128xi32, #tpu.memory_space<vmem>>, vector<1x16xi32>,
    %swap3A_940 = vector.shape_cast %swap3A_939 : vector<1x16xi32> to vector<16xi32>
    %swap3A_941 = vector.shape_cast %shift_right_logical3A_935 : vector<16xi32> to vector<1x16xi32>
    tpu.vector_store %arg7[%swap3A_937, %swap3A_938], %swap3A_941 {strides = array<i32>} : memref<4x128xi32, #tpu.memory_space<vmem>>, vector<1x16xi32>,
    %get3A_942 = arith.constant 4 : i32
    %get3A_943 = arith.index_cast %get3A_942 : i32 to index
    %get3A_944 = arith.constant 64 : index
    %get3A_945 = tpu.vector_load %arg5[%get3A_943, %get3A_944] {strides = array<i32>} : memref<80x128xi32, #tpu.memory_space<vmem>>, vector<1x16xi32>,
    %get3A_946 = vector.shape_cast %get3A_945 : vector<1x16xi32> to vector<16xi32>
    %and3A_947 = arith.constant 262143 : i32
    %and3A_948 = vector.broadcast %and3A_947 : i32 to vector<16xi32>
    %and3A_949 = arith.andi %get3A_946, %and3A_948 : vector<16xi32>
    %swap3A_950 = arith.constant 0 : i32
    %swap3A_951 = arith.index_cast %swap3A_950 : i32 to index
    %swap3A_952 = arith.constant 64 : index
    %swap3A_953 = tpu.vector_load %arg6[%swap3A_951, %swap3A_952] {strides = array<i32>} : memref<4x128xi32, #tpu.memory_space<vmem>>, vector<1x16xi32>,
    %swap3A_954 = vector.shape_cast %swap3A_953 : vector<1x16xi32> to vector<16xi32>
    %swap3A_955 = vector.shape_cast %and3A_949 : vector<16xi32> to vector<1x16xi32>
    tpu.vector_store %arg6[%swap3A_951, %swap3A_952], %swap3A_955 {strides = array<i32>} : memref<4x128xi32, #tpu.memory_space<vmem>>, vector<1x16xi32>,
    %shift_right_logical3A_956 = arith.constant 18 : i32
    %shift_right_logical3A_957 = vector.broadcast %shift_right_logical3A_956 : i32 to vector<16xi32>
    %shift_right_logical3A_958 = arith.shrui %get3A_946, %shift_right_logical3A_957 : vector<16xi32>
    %swap3A_959 = arith.constant 0 : i32
    %swap3A_960 = arith.index_cast %swap3A_959 : i32 to index
    %swap3A_961 = arith.constant 64 : index
    %swap3A_962 = tpu.vector_load %arg7[%swap3A_960, %swap3A_961] {strides = array<i32>} : memref<4x128xi32, #tpu.memory_space<vmem>>, vector<1x16xi32>,
    %swap3A_963 = vector.shape_cast %swap3A_962 : vector<1x16xi32> to vector<16xi32>
    %swap3A_964 = vector.shape_cast %shift_right_logical3A_958 : vector<16xi32> to vector<1x16xi32>
    tpu.vector_store %arg7[%swap3A_960, %swap3A_961], %swap3A_964 {strides = array<i32>} : memref<4x128xi32, #tpu.memory_space<vmem>>, vector<1x16xi32>,
    %get3A_965 = arith.constant 4 : i32
    %get3A_966 = arith.index_cast %get3A_965 : i32 to index
    %get3A_967 = arith.constant 80 : index
    %get3A_968 = tpu.vector_load %arg5[%get3A_966, %get3A_967] {strides = array<i32>} : memref<80x128xi32, #tpu.memory_space<vmem>>, vector<1x16xi32>,
    %get3A_969 = vector.shape_cast %get3A_968 : vector<1x16xi32> to vector<16xi32>
    %and3A_970 = arith.constant 262143 : i32
    %and3A_971 = vector.broadcast %and3A_970 : i32 to vector<16xi32>
    %and3A_972 = arith.andi %get3A_969, %and3A_971 : vector<16xi32>
    %swap3A_973 = arith.constant 0 : i32
    %swap3A_974 = arith.index_cast %swap3A_973 : i32 to index
    %swap3A_975 = arith.constant 80 : index
    %swap3A_976 = tpu.vector_load %arg6[%swap3A_974, %swap3A_975] {strides = array<i32>} : memref<4x128xi32, #tpu.memory_space<vmem>>, vector<1x16xi32>,
    %swap3A_977 = vector.shape_cast %swap3A_976 : vector<1x16xi32> to vector<16xi32>
    %swap3A_978 = vector.shape_cast %and3A_972 : vector<16xi32> to vector<1x16xi32>
    tpu.vector_store %arg6[%swap3A_974, %swap3A_975], %swap3A_978 {strides = array<i32>} : memref<4x128xi32, #tpu.memory_space<vmem>>, vector<1x16xi32>,
    %shift_right_logical3A_979 = arith.constant 18 : i32
    %shift_right_logical3A_980 = vector.broadcast %shift_right_logical3A_979 : i32 to vector<16xi32>
    %shift_right_logical3A_981 = arith.shrui %get3A_969, %shift_right_logical3A_980 : vector<16xi32>
    %swap3A_982 = arith.constant 0 : i32
    %swap3A_983 = arith.index_cast %swap3A_982 : i32 to index
    %swap3A_984 = arith.constant 80 : index
    %swap3A_985 = tpu.vector_load %arg7[%swap3A_983, %swap3A_984] {strides = array<i32>} : memref<4x128xi32, #tpu.memory_space<vmem>>, vector<1x16xi32>,
    %swap3A_986 = vector.shape_cast %swap3A_985 : vector<1x16xi32> to vector<16xi32>
    %swap3A_987 = vector.shape_cast %shift_right_logical3A_981 : vector<16xi32> to vector<1x16xi32>
    tpu.vector_store %arg7[%swap3A_983, %swap3A_984], %swap3A_987 {strides = array<i32>} : memref<4x128xi32, #tpu.memory_space<vmem>>, vector<1x16xi32>,
    %get3A_988 = arith.constant 4 : i32
    %get3A_989 = arith.index_cast %get3A_988 : i32 to index
    %get3A_990 = arith.constant 96 : index
    %get3A_991 = tpu.vector_load %arg5[%get3A_989, %get3A_990] {strides = array<i32>} : memref<80x128xi32, #tpu.memory_space<vmem>>, vector<1x16xi32>,
    %get3A_992 = vector.shape_cast %get3A_991 : vector<1x16xi32> to vector<16xi32>
    %and3A_993 = arith.constant 262143 : i32
    %and3A_994 = vector.broadcast %and3A_993 : i32 to vector<16xi32>
    %and3A_995 = arith.andi %get3A_992, %and3A_994 : vector<16xi32>
    %swap3A_996 = arith.constant 0 : i32
    %swap3A_997 = arith.index_cast %swap3A_996 : i32 to index
    %swap3A_998 = arith.constant 96 : index
    %swap3A_999 = tpu.vector_load %arg6[%swap3A_997, %swap3A_998] {strides = array<i32>} : memref<4x128xi32, #tpu.memory_space<vmem>>, vector<1x16xi32>,
    %swap3A_1000 = vector.shape_cast %swap3A_999 : vector<1x16xi32> to vector<16xi32>
    %swap3A_1001 = vector.shape_cast %and3A_995 : vector<16xi32> to vector<1x16xi32>
    tpu.vector_store %arg6[%swap3A_997, %swap3A_998], %swap3A_1001 {strides = array<i32>} : memref<4x128xi32, #tpu.memory_space<vmem>>, vector<1x16xi32>,
    %shift_right_logical3A_1002 = arith.constant 18 : i32
    %shift_right_logical3A_1003 = vector.broadcast %shift_right_logical3A_1002 : i32 to vector<16xi32>
    %shift_right_logical3A_1004 = arith.shrui %get3A_992, %shift_right_logical3A_1003 : vector<16xi32>
    %swap3A_1005 = arith.constant 0 : i32
    %swap3A_1006 = arith.index_cast %swap3A_1005 : i32 to index
    %swap3A_1007 = arith.constant 96 : index
    %swap3A_1008 = tpu.vector_load %arg7[%swap3A_1006, %swap3A_1007] {strides = array<i32>} : memref<4x128xi32, #tpu.memory_space<vmem>>, vector<1x16xi32>,
    %swap3A_1009 = vector.shape_cast %swap3A_1008 : vector<1x16xi32> to vector<16xi32>
    %swap3A_1010 = vector.shape_cast %shift_right_logical3A_1004 : vector<16xi32> to vector<1x16xi32>
    tpu.vector_store %arg7[%swap3A_1006, %swap3A_1007], %swap3A_1010 {strides = array<i32>} : memref<4x128xi32, #tpu.memory_space<vmem>>, vector<1x16xi32>,
    %get3A_1011 = arith.constant 4 : i32
    %get3A_1012 = arith.index_cast %get3A_1011 : i32 to index
    %get3A_1013 = arith.constant 112 : index
    %get3A_1014 = tpu.vector_load %arg5[%get3A_1012, %get3A_1013] {strides = array<i32>} : memref<80x128xi32, #tpu.memory_space<vmem>>, vector<1x16xi32>,
    %get3A_1015 = vector.shape_cast %get3A_1014 : vector<1x16xi32> to vector<16xi32>
    %and3A_1016 = arith.constant 262143 : i32
    %and3A_1017 = vector.broadcast %and3A_1016 : i32 to vector<16xi32>
    %and3A_1018 = arith.andi %get3A_1015, %and3A_1017 : vector<16xi32>
    %swap3A_1019 = arith.constant 0 : i32
    %swap3A_1020 = arith.index_cast %swap3A_1019 : i32 to index
    %swap3A_1021 = arith.constant 112 : index
    %swap3A_1022 = tpu.vector_load %arg6[%swap3A_1020, %swap3A_1021] {strides = array<i32>} : memref<4x128xi32, #tpu.memory_space<vmem>>, vector<1x16xi32>,
    %swap3A_1023 = vector.shape_cast %swap3A_1022 : vector<1x16xi32> to vector<16xi32>
    %swap3A_1024 = vector.shape_cast %and3A_1018 : vector<16xi32> to vector<1x16xi32>
    tpu.vector_store %arg6[%swap3A_1020, %swap3A_1021], %swap3A_1024 {strides = array<i32>} : memref<4x128xi32, #tpu.memory_space<vmem>>, vector<1x16xi32>,
    %shift_right_logical3A_1025 = arith.constant 18 : i32
    %shift_right_logical3A_1026 = vector.broadcast %shift_right_logical3A_1025 : i32 to vector<16xi32>
    %shift_right_logical3A_1027 = arith.shrui %get3A_1015, %shift_right_logical3A_1026 : vector<16xi32>
    %swap3A_1028 = arith.constant 0 : i32
    %swap3A_1029 = arith.index_cast %swap3A_1028 : i32 to index
    %swap3A_1030 = arith.constant 112 : index
    %swap3A_1031 = tpu.vector_load %arg7[%swap3A_1029, %swap3A_1030] {strides = array<i32>} : memref<4x128xi32, #tpu.memory_space<vmem>>, vector<1x16xi32>,
    %swap3A_1032 = vector.shape_cast %swap3A_1031 : vector<1x16xi32> to vector<16xi32>
    %swap3A_1033 = vector.shape_cast %shift_right_logical3A_1027 : vector<16xi32> to vector<1x16xi32>
    tpu.vector_store %arg7[%swap3A_1029, %swap3A_1030], %swap3A_1033 {strides = array<i32>} : memref<4x128xi32, #tpu.memory_space<vmem>>, vector<1x16xi32>,
    %dma_wait3A_1034 = arith.constant 0 : i32
    %dma_wait3A_1035 = arith.constant 0 : i32
    %dma_wait3A_1036 = tpu.memref_slice %arg7[%dma_wait3A_1034, %dma_wait3A_1035] : memref<4x128xi32, #tpu.memory_space<vmem>> -> memref<1x128xi32, #tpu.memory_space<vmem>>
    %dma_wait3A_1037 = tpu.memref_squeeze %dma_wait3A_1036 : memref<1x128xi32, #tpu.memory_space<vmem>> -> memref<128xi32, #tpu.memory_space<vmem>>
    %dma_wait3A_1038 = arith.constant 0 : i32
    %dma_wait3A_1039 = arith.constant 0 : i32
    %dma_wait3A_1040 = tpu.memref_slice %arg10[%dma_wait3A_1038, %dma_wait3A_1039] : memref<10128x128xf32, #tpu.memory_space<vmem_shared>> -> memref<10128x128xf32, #tpu.memory_space<vmem_shared>>
    tpu.wait_indirect_dma semaphore(%arg13 : memref<!tpu.dma_semaphore, #tpu.memory_space<semaphore_mem>>) src(%arg8 : memref<128x128xf32, #tpu.memory_space<vmem>>) dst(%dma_wait3A_1040 : memref<10128x128xf32, #tpu.memory_space<vmem_shared>>)
    %dma_start3A_1041 = arith.constant 0 : i32
    %dma_start3A_1042 = arith.constant 0 : i32
    %dma_start3A_1043 = tpu.memref_slice %arg6[%dma_start3A_1041, %dma_start3A_1042] : memref<4x128xi32, #tpu.memory_space<vmem>> -> memref<1x128xi32, #tpu.memory_space<vmem>>
    %dma_start3A_1044 = tpu.memref_squeeze %dma_start3A_1043 : memref<1x128xi32, #tpu.memory_space<vmem>> -> memref<128xi32, #tpu.memory_space<vmem>>
    %dma_start3A_1045 = arith.constant 0 : i32
    %dma_start3A_1046 = arith.constant 0 : i32
    %dma_start3A_1047 = tpu.memref_slice %arg2[%dma_start3A_1045, %dma_start3A_1046] : memref<160000x128xf32, #tpu.memory_space<hbm>> -> memref<160000x128xf32, #tpu.memory_space<hbm>>
    tpu.enqueue_indirect_dma source(%dma_start3A_1047 : memref<160000x128xf32, #tpu.memory_space<hbm>>) target(%arg8 : memref<128x128xf32, #tpu.memory_space<vmem>>) offsets(%dma_start3A_1044 : memref<128xi32, #tpu.memory_space<vmem>>) semaphore(%arg11 : memref<!tpu.dma_semaphore, #tpu.memory_space<semaphore_mem>>)
    %scan3A_1048 = arith.constant 0 : i32
    %scan3A_1049 = arith.constant 1 : i32
    %scan3A_1050 = arith.constant 18 : i32
    %scan3A_1051 = arith.addi %scan3A_1049, %scan3A_1050 : i32
    %scan3A_1052 = arith.constant 1 : i32
    scf.for %scan3A_1724 = %scan3A_1049 to %scan3A_1051 step %scan3A_1052  : i32 {
      %mul3A_1725 = arith.constant 4 : i32
      %mul3A_1726 = arith.muli %mul3A_1725, %scan3A_1724 : i32
      %add3A_1727 = arith.constant 0 : i32
      %add3A_1728 = arith.addi %mul3A_1726, %add3A_1727 : i32
      %dma_wait3A_1729 = arith.constant 0 : i32
      %dma_wait3A_1730 = arith.constant 0 : i32
      %dma_wait3A_1731 = tpu.memref_slice %arg6[%dma_wait3A_1729, %dma_wait3A_1730] : memref<4x128xi32, #tpu.memory_space<vmem>> -> memref<1x128xi32, #tpu.memory_space<vmem>>
      %dma_wait3A_1732 = tpu.memref_squeeze %dma_wait3A_1731 : memref<1x128xi32, #tpu.memory_space<vmem>> -> memref<128xi32, #tpu.memory_space<vmem>>
      %dma_wait3A_1733 = arith.constant 0 : i32
      %dma_wait3A_1734 = arith.constant 0 : i32
      %dma_wait3A_1735 = tpu.memref_slice %arg2[%dma_wait3A_1733, %dma_wait3A_1734] : memref<160000x128xf32, #tpu.memory_space<hbm>> -> memref<160000x128xf32, #tpu.memory_space<hbm>>
      tpu.wait_indirect_dma semaphore(%arg11 : memref<!tpu.dma_semaphore, #tpu.memory_space<semaphore_mem>>) src(%dma_wait3A_1735 : memref<160000x128xf32, #tpu.memory_space<hbm>>) dst(%arg8 : memref<128x128xf32, #tpu.memory_space<vmem>>)
      %dma_start3A_1736 = arith.constant 0 : i32
      %dma_start3A_1737 = arith.constant 0 : i32
      %dma_start3A_1738 = tpu.memref_slice %arg7[%dma_start3A_1736, %dma_start3A_1737] : memref<4x128xi32, #tpu.memory_space<vmem>> -> memref<1x128xi32, #tpu.memory_space<vmem>>
      %dma_start3A_1739 = tpu.memref_squeeze %dma_start3A_1738 : memref<1x128xi32, #tpu.memory_space<vmem>> -> memref<128xi32, #tpu.memory_space<vmem>>
      %dma_start3A_1740 = arith.constant 0 : i32
      %dma_start3A_1741 = arith.constant 0 : i32
      %dma_start3A_1742 = tpu.memref_slice %arg10[%dma_start3A_1740, %dma_start3A_1741] : memref<10128x128xf32, #tpu.memory_space<vmem_shared>> -> memref<10128x128xf32, #tpu.memory_space<vmem_shared>>
      tpu.enqueue_indirect_dma source(%arg8 : memref<128x128xf32, #tpu.memory_space<vmem>>) target(%dma_start3A_1742 : memref<10128x128xf32, #tpu.memory_space<vmem_shared>>) offsets(%dma_start3A_1739 : memref<128xi32, #tpu.memory_space<vmem>>) semaphore(%arg13 : memref<!tpu.dma_semaphore, #tpu.memory_space<semaphore_mem>>) {add = true}
      %add3A_1743 = arith.constant 1 : i32
      %add3A_1744 = arith.addi %add3A_1728, %add3A_1743 : i32
      %get3A_1745 = arith.index_cast %add3A_1744 : i32 to index
      %get3A_1746 = arith.constant 0 : index
      %get3A_1747 = tpu.vector_load %arg5[%get3A_1745, %get3A_1746] {strides = array<i32>} : memref<80x128xi32, #tpu.memory_space<vmem>>, vector<1x16xi32>,
      %get3A_1748 = vector.shape_cast %get3A_1747 : vector<1x16xi32> to vector<16xi32>
      %and3A_1749 = arith.constant 262143 : i32
      %and3A_1750 = vector.broadcast %and3A_1749 : i32 to vector<16xi32>
      %and3A_1751 = arith.andi %get3A_1748, %and3A_1750 : vector<16xi32>
      %swap3A_1752 = arith.constant 1 : i32
      %swap3A_1753 = arith.index_cast %swap3A_1752 : i32 to index
      %swap3A_1754 = arith.constant 0 : index
      %swap3A_1755 = tpu.vector_load %arg6[%swap3A_1753, %swap3A_1754] {strides = array<i32>} : memref<4x128xi32, #tpu.memory_space<vmem>>, vector<1x16xi32>,
      %swap3A_1756 = vector.shape_cast %swap3A_1755 : vector<1x16xi32> to vector<16xi32>
      %swap3A_1757 = vector.shape_cast %and3A_1751 : vector<16xi32> to vector<1x16xi32>
      tpu.vector_store %arg6[%swap3A_1753, %swap3A_1754], %swap3A_1757 {strides = array<i32>} : memref<4x128xi32, #tpu.memory_space<vmem>>, vector<1x16xi32>,
      %shift_right_logical3A_1758 = arith.constant 18 : i32
      %shift_right_logical3A_1759 = vector.broadcast %shift_right_logical3A_1758 : i32 to vector<16xi32>
      %shift_right_logical3A_1760 = arith.shrui %get3A_1748, %shift_right_logical3A_1759 : vector<16xi32>
      %swap3A_1761 = arith.constant 1 : i32
      %swap3A_1762 = arith.index_cast %swap3A_1761 : i32 to index
      %swap3A_1763 = arith.constant 0 : index
      %swap3A_1764 = tpu.vector_load %arg7[%swap3A_1762, %swap3A_1763] {strides = array<i32>} : memref<4x128xi32, #tpu.memory_space<vmem>>, vector<1x16xi32>,
      %swap3A_1765 = vector.shape_cast %swap3A_1764 : vector<1x16xi32> to vector<16xi32>
      %swap3A_1766 = vector.shape_cast %shift_right_logical3A_1760 : vector<16xi32> to vector<1x16xi32>
      tpu.vector_store %arg7[%swap3A_1762, %swap3A_1763], %swap3A_1766 {strides = array<i32>} : memref<4x128xi32, #tpu.memory_space<vmem>>, vector<1x16xi32>,
      %get3A_1767 = arith.index_cast %add3A_1744 : i32 to index
      %get3A_1768 = arith.constant 16 : index
      %get3A_1769 = tpu.vector_load %arg5[%get3A_1767, %get3A_1768] {strides = array<i32>} : memref<80x128xi32, #tpu.memory_space<vmem>>, vector<1x16xi32>,
      %get3A_1770 = vector.shape_cast %get3A_1769 : vector<1x16xi32> to vector<16xi32>
      %and3A_1771 = arith.constant 262143 : i32
      %and3A_1772 = vector.broadcast %and3A_1771 : i32 to vector<16xi32>
      %and3A_1773 = arith.andi %get3A_1770, %and3A_1772 : vector<16xi32>
      %swap3A_1774 = arith.constant 1 : i32
      %swap3A_1775 = arith.index_cast %swap3A_1774 : i32 to index
      %swap3A_1776 = arith.constant 16 : index
      %swap3A_1777 = tpu.vector_load %arg6[%swap3A_1775, %swap3A_1776] {strides = array<i32>} : memref<4x128xi32, #tpu.memory_space<vmem>>, vector<1x16xi32>,
      %swap3A_1778 = vector.shape_cast %swap3A_1777 : vector<1x16xi32> to vector<16xi32>
      %swap3A_1779 = vector.shape_cast %and3A_1773 : vector<16xi32> to vector<1x16xi32>
      tpu.vector_store %arg6[%swap3A_1775, %swap3A_1776], %swap3A_1779 {strides = array<i32>} : memref<4x128xi32, #tpu.memory_space<vmem>>, vector<1x16xi32>,
      %shift_right_logical3A_1780 = arith.constant 18 : i32
      %shift_right_logical3A_1781 = vector.broadcast %shift_right_logical3A_1780 : i32 to vector<16xi32>
      %shift_right_logical3A_1782 = arith.shrui %get3A_1770, %shift_right_logical3A_1781 : vector<16xi32>
      %swap3A_1783 = arith.constant 1 : i32
      %swap3A_1784 = arith.index_cast %swap3A_1783 : i32 to index
      %swap3A_1785 = arith.constant 16 : index
      %swap3A_1786 = tpu.vector_load %arg7[%swap3A_1784, %swap3A_1785] {strides = array<i32>} : memref<4x128xi32, #tpu.memory_space<vmem>>, vector<1x16xi32>,
      %swap3A_1787 = vector.shape_cast %swap3A_1786 : vector<1x16xi32> to vector<16xi32>
      %swap3A_1788 = vector.shape_cast %shift_right_logical3A_1782 : vector<16xi32> to vector<1x16xi32>
      tpu.vector_store %arg7[%swap3A_1784, %swap3A_1785], %swap3A_1788 {strides = array<i32>} : memref<4x128xi32, #tpu.memory_space<vmem>>, vector<1x16xi32>,
      %get3A_1789 = arith.index_cast %add3A_1744 : i32 to index
      %get3A_1790 = arith.constant 32 : index
      %get3A_1791 = tpu.vector_load %arg5[%get3A_1789, %get3A_1790] {strides = array<i32>} : memref<80x128xi32, #tpu.memory_space<vmem>>, vector<1x16xi32>,
      %get3A_1792 = vector.shape_cast %get3A_1791 : vector<1x16xi32> to vector<16xi32>
      %and3A_1793 = arith.constant 262143 : i32
      %and3A_1794 = vector.broadcast %and3A_1793 : i32 to vector<16xi32>
      %and3A_1795 = arith.andi %get3A_1792, %and3A_1794 : vector<16xi32>
      %swap3A_1796 = arith.constant 1 : i32
      %swap3A_1797 = arith.index_cast %swap3A_1796 : i32 to index
      %swap3A_1798 = arith.constant 32 : index
      %swap3A_1799 = tpu.vector_load %arg6[%swap3A_1797, %swap3A_1798] {strides = array<i32>} : memref<4x128xi32, #tpu.memory_space<vmem>>, vector<1x16xi32>,
      %swap3A_1800 = vector.shape_cast %swap3A_1799 : vector<1x16xi32> to vector<16xi32>
      %swap3A_1801 = vector.shape_cast %and3A_1795 : vector<16xi32> to vector<1x16xi32>
      tpu.vector_store %arg6[%swap3A_1797, %swap3A_1798], %swap3A_1801 {strides = array<i32>} : memref<4x128xi32, #tpu.memory_space<vmem>>, vector<1x16xi32>,
      %shift_right_logical3A_1802 = arith.constant 18 : i32
      %shift_right_logical3A_1803 = vector.broadcast %shift_right_logical3A_1802 : i32 to vector<16xi32>
      %shift_right_logical3A_1804 = arith.shrui %get3A_1792, %shift_right_logical3A_1803 : vector<16xi32>
      %swap3A_1805 = arith.constant 1 : i32
      %swap3A_1806 = arith.index_cast %swap3A_1805 : i32 to index
      %swap3A_1807 = arith.constant 32 : index
      %swap3A_1808 = tpu.vector_load %arg7[%swap3A_1806, %swap3A_1807] {strides = array<i32>} : memref<4x128xi32, #tpu.memory_space<vmem>>, vector<1x16xi32>,
      %swap3A_1809 = vector.shape_cast %swap3A_1808 : vector<1x16xi32> to vector<16xi32>
      %swap3A_1810 = vector.shape_cast %shift_right_logical3A_1804 : vector<16xi32> to vector<1x16xi32>
      tpu.vector_store %arg7[%swap3A_1806, %swap3A_1807], %swap3A_1810 {strides = array<i32>} : memref<4x128xi32, #tpu.memory_space<vmem>>, vector<1x16xi32>,
      %get3A_1811 = arith.index_cast %add3A_1744 : i32 to index
      %get3A_1812 = arith.constant 48 : index
      %get3A_1813 = tpu.vector_load %arg5[%get3A_1811, %get3A_1812] {strides = array<i32>} : memref<80x128xi32, #tpu.memory_space<vmem>>, vector<1x16xi32>,
      %get3A_1814 = vector.shape_cast %get3A_1813 : vector<1x16xi32> to vector<16xi32>
      %and3A_1815 = arith.constant 262143 : i32
      %and3A_1816 = vector.broadcast %and3A_1815 : i32 to vector<16xi32>
      %and3A_1817 = arith.andi %get3A_1814, %and3A_1816 : vector<16xi32>
      %swap3A_1818 = arith.constant 1 : i32
      %swap3A_1819 = arith.index_cast %swap3A_1818 : i32 to index
      %swap3A_1820 = arith.constant 48 : index
      %swap3A_1821 = tpu.vector_load %arg6[%swap3A_1819, %swap3A_1820] {strides = array<i32>} : memref<4x128xi32, #tpu.memory_space<vmem>>, vector<1x16xi32>,
      %swap3A_1822 = vector.shape_cast %swap3A_1821 : vector<1x16xi32> to vector<16xi32>
      %swap3A_1823 = vector.shape_cast %and3A_1817 : vector<16xi32> to vector<1x16xi32>
      tpu.vector_store %arg6[%swap3A_1819, %swap3A_1820], %swap3A_1823 {strides = array<i32>} : memref<4x128xi32, #tpu.memory_space<vmem>>, vector<1x16xi32>,
      %shift_right_logical3A_1824 = arith.constant 18 : i32
      %shift_right_logical3A_1825 = vector.broadcast %shift_right_logical3A_1824 : i32 to vector<16xi32>
      %shift_right_logical3A_1826 = arith.shrui %get3A_1814, %shift_right_logical3A_1825 : vector<16xi32>
      %swap3A_1827 = arith.constant 1 : i32
      %swap3A_1828 = arith.index_cast %swap3A_1827 : i32 to index
      %swap3A_1829 = arith.constant 48 : index
      %swap3A_1830 = tpu.vector_load %arg7[%swap3A_1828, %swap3A_1829] {strides = array<i32>} : memref<4x128xi32, #tpu.memory_space<vmem>>, vector<1x16xi32>,
      %swap3A_1831 = vector.shape_cast %swap3A_1830 : vector<1x16xi32> to vector<16xi32>
      %swap3A_1832 = vector.shape_cast %shift_right_logical3A_1826 : vector<16xi32> to vector<1x16xi32>
      tpu.vector_store %arg7[%swap3A_1828, %swap3A_1829], %swap3A_1832 {strides = array<i32>} : memref<4x128xi32, #tpu.memory_space<vmem>>, vector<1x16xi32>,
      %get3A_1833 = arith.index_cast %add3A_1744 : i32 to index
      %get3A_1834 = arith.constant 64 : index
      %get3A_1835 = tpu.vector_load %arg5[%get3A_1833, %get3A_1834] {strides = array<i32>} : memref<80x128xi32, #tpu.memory_space<vmem>>, vector<1x16xi32>,
      %get3A_1836 = vector.shape_cast %get3A_1835 : vector<1x16xi32> to vector<16xi32>
      %and3A_1837 = arith.constant 262143 : i32
      %and3A_1838 = vector.broadcast %and3A_1837 : i32 to vector<16xi32>
      %and3A_1839 = arith.andi %get3A_1836, %and3A_1838 : vector<16xi32>
      %swap3A_1840 = arith.constant 1 : i32
      %swap3A_1841 = arith.index_cast %swap3A_1840 : i32 to index
      %swap3A_1842 = arith.constant 64 : index
      %swap3A_1843 = tpu.vector_load %arg6[%swap3A_1841, %swap3A_1842] {strides = array<i32>} : memref<4x128xi32, #tpu.memory_space<vmem>>, vector<1x16xi32>,
      %swap3A_1844 = vector.shape_cast %swap3A_1843 : vector<1x16xi32> to vector<16xi32>
      %swap3A_1845 = vector.shape_cast %and3A_1839 : vector<16xi32> to vector<1x16xi32>
      tpu.vector_store %arg6[%swap3A_1841, %swap3A_1842], %swap3A_1845 {strides = array<i32>} : memref<4x128xi32, #tpu.memory_space<vmem>>, vector<1x16xi32>,
      %shift_right_logical3A_1846 = arith.constant 18 : i32
      %shift_right_logical3A_1847 = vector.broadcast %shift_right_logical3A_1846 : i32 to vector<16xi32>
      %shift_right_logical3A_1848 = arith.shrui %get3A_1836, %shift_right_logical3A_1847 : vector<16xi32>
      %swap3A_1849 = arith.constant 1 : i32
      %swap3A_1850 = arith.index_cast %swap3A_1849 : i32 to index
      %swap3A_1851 = arith.constant 64 : index
      %swap3A_1852 = tpu.vector_load %arg7[%swap3A_1850, %swap3A_1851] {strides = array<i32>} : memref<4x128xi32, #tpu.memory_space<vmem>>, vector<1x16xi32>,
      %swap3A_1853 = vector.shape_cast %swap3A_1852 : vector<1x16xi32> to vector<16xi32>
      %swap3A_1854 = vector.shape_cast %shift_right_logical3A_1848 : vector<16xi32> to vector<1x16xi32>
      tpu.vector_store %arg7[%swap3A_1850, %swap3A_1851], %swap3A_1854 {strides = array<i32>} : memref<4x128xi32, #tpu.memory_space<vmem>>, vector<1x16xi32>,
      %get3A_1855 = arith.index_cast %add3A_1744 : i32 to index
      %get3A_1856 = arith.constant 80 : index
      %get3A_1857 = tpu.vector_load %arg5[%get3A_1855, %get3A_1856] {strides = array<i32>} : memref<80x128xi32, #tpu.memory_space<vmem>>, vector<1x16xi32>,
      %get3A_1858 = vector.shape_cast %get3A_1857 : vector<1x16xi32> to vector<16xi32>
      %and3A_1859 = arith.constant 262143 : i32
      %and3A_1860 = vector.broadcast %and3A_1859 : i32 to vector<16xi32>
      %and3A_1861 = arith.andi %get3A_1858, %and3A_1860 : vector<16xi32>
      %swap3A_1862 = arith.constant 1 : i32
      %swap3A_1863 = arith.index_cast %swap3A_1862 : i32 to index
      %swap3A_1864 = arith.constant 80 : index
      %swap3A_1865 = tpu.vector_load %arg6[%swap3A_1863, %swap3A_1864] {strides = array<i32>} : memref<4x128xi32, #tpu.memory_space<vmem>>, vector<1x16xi32>,
      %swap3A_1866 = vector.shape_cast %swap3A_1865 : vector<1x16xi32> to vector<16xi32>
      %swap3A_1867 = vector.shape_cast %and3A_1861 : vector<16xi32> to vector<1x16xi32>
      tpu.vector_store %arg6[%swap3A_1863, %swap3A_1864], %swap3A_1867 {strides = array<i32>} : memref<4x128xi32, #tpu.memory_space<vmem>>, vector<1x16xi32>,
      %shift_right_logical3A_1868 = arith.constant 18 : i32
      %shift_right_logical3A_1869 = vector.broadcast %shift_right_logical3A_1868 : i32 to vector<16xi32>
      %shift_right_logical3A_1870 = arith.shrui %get3A_1858, %shift_right_logical3A_1869 : vector<16xi32>
      %swap3A_1871 = arith.constant 1 : i32
      %swap3A_1872 = arith.index_cast %swap3A_1871 : i32 to index
      %swap3A_1873 = arith.constant 80 : index
      %swap3A_1874 = tpu.vector_load %arg7[%swap3A_1872, %swap3A_1873] {strides = array<i32>} : memref<4x128xi32, #tpu.memory_space<vmem>>, vector<1x16xi32>,
      %swap3A_1875 = vector.shape_cast %swap3A_1874 : vector<1x16xi32> to vector<16xi32>
      %swap3A_1876 = vector.shape_cast %shift_right_logical3A_1870 : vector<16xi32> to vector<1x16xi32>
      tpu.vector_store %arg7[%swap3A_1872, %swap3A_1873], %swap3A_1876 {strides = array<i32>} : memref<4x128xi32, #tpu.memory_space<vmem>>, vector<1x16xi32>,
      %get3A_1877 = arith.index_cast %add3A_1744 : i32 to index
      %get3A_1878 = arith.constant 96 : index
      %get3A_1879 = tpu.vector_load %arg5[%get3A_1877, %get3A_1878] {strides = array<i32>} : memref<80x128xi32, #tpu.memory_space<vmem>>, vector<1x16xi32>,
      %get3A_1880 = vector.shape_cast %get3A_1879 : vector<1x16xi32> to vector<16xi32>
      %and3A_1881 = arith.constant 262143 : i32
      %and3A_1882 = vector.broadcast %and3A_1881 : i32 to vector<16xi32>
      %and3A_1883 = arith.andi %get3A_1880, %and3A_1882 : vector<16xi32>
      %swap3A_1884 = arith.constant 1 : i32
      %swap3A_1885 = arith.index_cast %swap3A_1884 : i32 to index
      %swap3A_1886 = arith.constant 96 : index
      %swap3A_1887 = tpu.vector_load %arg6[%swap3A_1885, %swap3A_1886] {strides = array<i32>} : memref<4x128xi32, #tpu.memory_space<vmem>>, vector<1x16xi32>,
      %swap3A_1888 = vector.shape_cast %swap3A_1887 : vector<1x16xi32> to vector<16xi32>
      %swap3A_1889 = vector.shape_cast %and3A_1883 : vector<16xi32> to vector<1x16xi32>
      tpu.vector_store %arg6[%swap3A_1885, %swap3A_1886], %swap3A_1889 {strides = array<i32>} : memref<4x128xi32, #tpu.memory_space<vmem>>, vector<1x16xi32>,
      %shift_right_logical3A_1890 = arith.constant 18 : i32
      %shift_right_logical3A_1891 = vector.broadcast %shift_right_logical3A_1890 : i32 to vector<16xi32>
      %shift_right_logical3A_1892 = arith.shrui %get3A_1880, %shift_right_logical3A_1891 : vector<16xi32>
      %swap3A_1893 = arith.constant 1 : i32
      %swap3A_1894 = arith.index_cast %swap3A_1893 : i32 to index
      %swap3A_1895 = arith.constant 96 : index
      %swap3A_1896 = tpu.vector_load %arg7[%swap3A_1894, %swap3A_1895] {strides = array<i32>} : memref<4x128xi32, #tpu.memory_space<vmem>>, vector<1x16xi32>,
      %swap3A_1897 = vector.shape_cast %swap3A_1896 : vector<1x16xi32> to vector<16xi32>
      %swap3A_1898 = vector.shape_cast %shift_right_logical3A_1892 : vector<16xi32> to vector<1x16xi32>
      tpu.vector_store %arg7[%swap3A_1894, %swap3A_1895], %swap3A_1898 {strides = array<i32>} : memref<4x128xi32, #tpu.memory_space<vmem>>, vector<1x16xi32>,
      %get3A_1899 = arith.index_cast %add3A_1744 : i32 to index
      %get3A_1900 = arith.constant 112 : index
      %get3A_1901 = tpu.vector_load %arg5[%get3A_1899, %get3A_1900] {strides = array<i32>} : memref<80x128xi32, #tpu.memory_space<vmem>>, vector<1x16xi32>,
      %get3A_1902 = vector.shape_cast %get3A_1901 : vector<1x16xi32> to vector<16xi32>
      %and3A_1903 = arith.constant 262143 : i32
      %and3A_1904 = vector.broadcast %and3A_1903 : i32 to vector<16xi32>
      %and3A_1905 = arith.andi %get3A_1902, %and3A_1904 : vector<16xi32>
      %swap3A_1906 = arith.constant 1 : i32
      %swap3A_1907 = arith.index_cast %swap3A_1906 : i32 to index
      %swap3A_1908 = arith.constant 112 : index
      %swap3A_1909 = tpu.vector_load %arg6[%swap3A_1907, %swap3A_1908] {strides = array<i32>} : memref<4x128xi32, #tpu.memory_space<vmem>>, vector<1x16xi32>,
      %swap3A_1910 = vector.shape_cast %swap3A_1909 : vector<1x16xi32> to vector<16xi32>
      %swap3A_1911 = vector.shape_cast %and3A_1905 : vector<16xi32> to vector<1x16xi32>
      tpu.vector_store %arg6[%swap3A_1907, %swap3A_1908], %swap3A_1911 {strides = array<i32>} : memref<4x128xi32, #tpu.memory_space<vmem>>, vector<1x16xi32>,
      %shift_right_logical3A_1912 = arith.constant 18 : i32
      %shift_right_logical3A_1913 = vector.broadcast %shift_right_logical3A_1912 : i32 to vector<16xi32>
      %shift_right_logical3A_1914 = arith.shrui %get3A_1902, %shift_right_logical3A_1913 : vector<16xi32>
      %swap3A_1915 = arith.constant 1 : i32
      %swap3A_1916 = arith.index_cast %swap3A_1915 : i32 to index
      %swap3A_1917 = arith.constant 112 : index
      %swap3A_1918 = tpu.vector_load %arg7[%swap3A_1916, %swap3A_1917] {strides = array<i32>} : memref<4x128xi32, #tpu.memory_space<vmem>>, vector<1x16xi32>,
      %swap3A_1919 = vector.shape_cast %swap3A_1918 : vector<1x16xi32> to vector<16xi32>
      %swap3A_1920 = vector.shape_cast %shift_right_logical3A_1914 : vector<16xi32> to vector<1x16xi32>
      tpu.vector_store %arg7[%swap3A_1916, %swap3A_1917], %swap3A_1920 {strides = array<i32>} : memref<4x128xi32, #tpu.memory_space<vmem>>, vector<1x16xi32>,
      %dma_wait3A_1921 = arith.constant 0 : i32
      %dma_wait3A_1922 = arith.constant 0 : i32
      %dma_wait3A_1923 = tpu.memref_slice %arg7[%dma_wait3A_1921, %dma_wait3A_1922] : memref<4x128xi32, #tpu.memory_space<vmem>> -> memref<1x128xi32, #tpu.memory_space<vmem>>
      %dma_wait3A_1924 = tpu.memref_squeeze %dma_wait3A_1923 : memref<1x128xi32, #tpu.memory_space<vmem>> -> memref<128xi32, #tpu.memory_space<vmem>>
      %dma_wait3A_1925 = arith.constant 0 : i32
      %dma_wait3A_1926 = arith.constant 0 : i32
      %dma_wait3A_1927 = tpu.memref_slice %arg10[%dma_wait3A_1925, %dma_wait3A_1926] : memref<10128x128xf32, #tpu.memory_space<vmem_shared>> -> memref<10128x128xf32, #tpu.memory_space<vmem_shared>>
      tpu.wait_indirect_dma semaphore(%arg14 : memref<!tpu.dma_semaphore, #tpu.memory_space<semaphore_mem>>) src(%arg9 : memref<128x128xf32, #tpu.memory_space<vmem>>) dst(%dma_wait3A_1927 : memref<10128x128xf32, #tpu.memory_space<vmem_shared>>)
      %dma_start3A_1928 = arith.constant 1 : i32
      %dma_start3A_1929 = arith.constant 0 : i32
      %dma_start3A_1930 = tpu.memref_slice %arg6[%dma_start3A_1928, %dma_start3A_1929] : memref<4x128xi32, #tpu.memory_space<vmem>> -> memref<1x128xi32, #tpu.memory_space<vmem>>
      %dma_start3A_1931 = tpu.memref_squeeze %dma_start3A_1930 : memref<1x128xi32, #tpu.memory_space<vmem>> -> memref<128xi32, #tpu.memory_space<vmem>>
      %dma_start3A_1932 = arith.constant 0 : i32
      %dma_start3A_1933 = arith.constant 0 : i32
      %dma_start3A_1934 = tpu.memref_slice %arg2[%dma_start3A_1932, %dma_start3A_1933] : memref<160000x128xf32, #tpu.memory_space<hbm>> -> memref<160000x128xf32, #tpu.memory_space<hbm>>
      tpu.enqueue_indirect_dma source(%dma_start3A_1934 : memref<160000x128xf32, #tpu.memory_space<hbm>>) target(%arg9 : memref<128x128xf32, #tpu.memory_space<vmem>>) offsets(%dma_start3A_1931 : memref<128xi32, #tpu.memory_space<vmem>>) semaphore(%arg12 : memref<!tpu.dma_semaphore, #tpu.memory_space<semaphore_mem>>)
      %mul3A_1935 = arith.constant 4 : i32
      %mul3A_1936 = arith.muli %mul3A_1935, %scan3A_1724 : i32
      %add3A_1937 = arith.constant 1 : i32
      %add3A_1938 = arith.addi %mul3A_1936, %add3A_1937 : i32
      %dma_wait3A_1939 = arith.constant 1 : i32
      %dma_wait3A_1940 = arith.constant 0 : i32
      %dma_wait3A_1941 = tpu.memref_slice %arg6[%dma_wait3A_1939, %dma_wait3A_1940] : memref<4x128xi32, #tpu.memory_space<vmem>> -> memref<1x128xi32, #tpu.memory_space<vmem>>
      %dma_wait3A_1942 = tpu.memref_squeeze %dma_wait3A_1941 : memref<1x128xi32, #tpu.memory_space<vmem>> -> memref<128xi32, #tpu.memory_space<vmem>>
      %dma_wait3A_1943 = arith.constant 0 : i32
      %dma_wait3A_1944 = arith.constant 0 : i32
      %dma_wait3A_1945 = tpu.memref_slice %arg2[%dma_wait3A_1943, %dma_wait3A_1944] : memref<160000x128xf32, #tpu.memory_space<hbm>> -> memref<160000x128xf32, #tpu.memory_space<hbm>>
      tpu.wait_indirect_dma semaphore(%arg12 : memref<!tpu.dma_semaphore, #tpu.memory_space<semaphore_mem>>) src(%dma_wait3A_1945 : memref<160000x128xf32, #tpu.memory_space<hbm>>) dst(%arg9 : memref<128x128xf32, #tpu.memory_space<vmem>>)
      %dma_start3A_1946 = arith.constant 1 : i32
      %dma_start3A_1947 = arith.constant 0 : i32
      %dma_start3A_1948 = tpu.memref_slice %arg7[%dma_start3A_1946, %dma_start3A_1947] : memref<4x128xi32, #tpu.memory_space<vmem>> -> memref<1x128xi32, #tpu.memory_space<vmem>>
      %dma_start3A_1949 = tpu.memref_squeeze %dma_start3A_1948 : memref<1x128xi32, #tpu.memory_space<vmem>> -> memref<128xi32, #tpu.memory_space<vmem>>
      %dma_start3A_1950 = arith.constant 0 : i32
      %dma_start3A_1951 = arith.constant 0 : i32
      %dma_start3A_1952 = tpu.memref_slice %arg10[%dma_start3A_1950, %dma_start3A_1951] : memref<10128x128xf32, #tpu.memory_space<vmem_shared>> -> memref<10128x128xf32, #tpu.memory_space<vmem_shared>>
      tpu.enqueue_indirect_dma source(%arg9 : memref<128x128xf32, #tpu.memory_space<vmem>>) target(%dma_start3A_1952 : memref<10128x128xf32, #tpu.memory_space<vmem_shared>>) offsets(%dma_start3A_1949 : memref<128xi32, #tpu.memory_space<vmem>>) semaphore(%arg14 : memref<!tpu.dma_semaphore, #tpu.memory_space<semaphore_mem>>) {add = true}
      %add3A_1953 = arith.constant 1 : i32
      %add3A_1954 = arith.addi %add3A_1938, %add3A_1953 : i32
      %get3A_1955 = arith.index_cast %add3A_1954 : i32 to index
      %get3A_1956 = arith.constant 0 : index
      %get3A_1957 = tpu.vector_load %arg5[%get3A_1955, %get3A_1956] {strides = array<i32>} : memref<80x128xi32, #tpu.memory_space<vmem>>, vector<1x16xi32>,
      %get3A_1958 = vector.shape_cast %get3A_1957 : vector<1x16xi32> to vector<16xi32>
      %and3A_1959 = arith.constant 262143 : i32
      %and3A_1960 = vector.broadcast %and3A_1959 : i32 to vector<16xi32>
      %and3A_1961 = arith.andi %get3A_1958, %and3A_1960 : vector<16xi32>
      %swap3A_1962 = arith.constant 2 : i32
      %swap3A_1963 = arith.index_cast %swap3A_1962 : i32 to index
      %swap3A_1964 = arith.constant 0 : index
      %swap3A_1965 = tpu.vector_load %arg6[%swap3A_1963, %swap3A_1964] {strides = array<i32>} : memref<4x128xi32, #tpu.memory_space<vmem>>, vector<1x16xi32>,
      %swap3A_1966 = vector.shape_cast %swap3A_1965 : vector<1x16xi32> to vector<16xi32>
      %swap3A_1967 = vector.shape_cast %and3A_1961 : vector<16xi32> to vector<1x16xi32>
      tpu.vector_store %arg6[%swap3A_1963, %swap3A_1964], %swap3A_1967 {strides = array<i32>} : memref<4x128xi32, #tpu.memory_space<vmem>>, vector<1x16xi32>,
      %shift_right_logical3A_1968 = arith.constant 18 : i32
      %shift_right_logical3A_1969 = vector.broadcast %shift_right_logical3A_1968 : i32 to vector<16xi32>
      %shift_right_logical3A_1970 = arith.shrui %get3A_1958, %shift_right_logical3A_1969 : vector<16xi32>
      %swap3A_1971 = arith.constant 2 : i32
      %swap3A_1972 = arith.index_cast %swap3A_1971 : i32 to index
      %swap3A_1973 = arith.constant 0 : index
      %swap3A_1974 = tpu.vector_load %arg7[%swap3A_1972, %swap3A_1973] {strides = array<i32>} : memref<4x128xi32, #tpu.memory_space<vmem>>, vector<1x16xi32>,
      %swap3A_1975 = vector.shape_cast %swap3A_1974 : vector<1x16xi32> to vector<16xi32>
      %swap3A_1976 = vector.shape_cast %shift_right_logical3A_1970 : vector<16xi32> to vector<1x16xi32>
      tpu.vector_store %arg7[%swap3A_1972, %swap3A_1973], %swap3A_1976 {strides = array<i32>} : memref<4x128xi32, #tpu.memory_space<vmem>>, vector<1x16xi32>,
      %get3A_1977 = arith.index_cast %add3A_1954 : i32 to index
      %get3A_1978 = arith.constant 16 : index
      %get3A_1979 = tpu.vector_load %arg5[%get3A_1977, %get3A_1978] {strides = array<i32>} : memref<80x128xi32, #tpu.memory_space<vmem>>, vector<1x16xi32>,
      %get3A_1980 = vector.shape_cast %get3A_1979 : vector<1x16xi32> to vector<16xi32>
      %and3A_1981 = arith.constant 262143 : i32
      %and3A_1982 = vector.broadcast %and3A_1981 : i32 to vector<16xi32>
      %and3A_1983 = arith.andi %get3A_1980, %and3A_1982 : vector<16xi32>
      %swap3A_1984 = arith.constant 2 : i32
      %swap3A_1985 = arith.index_cast %swap3A_1984 : i32 to index
      %swap3A_1986 = arith.constant 16 : index
      %swap3A_1987 = tpu.vector_load %arg6[%swap3A_1985, %swap3A_1986] {strides = array<i32>} : memref<4x128xi32, #tpu.memory_space<vmem>>, vector<1x16xi32>,
      %swap3A_1988 = vector.shape_cast %swap3A_1987 : vector<1x16xi32> to vector<16xi32>
      %swap3A_1989 = vector.shape_cast %and3A_1983 : vector<16xi32> to vector<1x16xi32>
      tpu.vector_store %arg6[%swap3A_1985, %swap3A_1986], %swap3A_1989 {strides = array<i32>} : memref<4x128xi32, #tpu.memory_space<vmem>>, vector<1x16xi32>,
      %shift_right_logical3A_1990 = arith.constant 18 : i32
      %shift_right_logical3A_1991 = vector.broadcast %shift_right_logical3A_1990 : i32 to vector<16xi32>
      %shift_right_logical3A_1992 = arith.shrui %get3A_1980, %shift_right_logical3A_1991 : vector<16xi32>
      %swap3A_1993 = arith.constant 2 : i32
      %swap3A_1994 = arith.index_cast %swap3A_1993 : i32 to index
      %swap3A_1995 = arith.constant 16 : index
      %swap3A_1996 = tpu.vector_load %arg7[%swap3A_1994, %swap3A_1995] {strides = array<i32>} : memref<4x128xi32, #tpu.memory_space<vmem>>, vector<1x16xi32>,
      %swap3A_1997 = vector.shape_cast %swap3A_1996 : vector<1x16xi32> to vector<16xi32>
      %swap3A_1998 = vector.shape_cast %shift_right_logical3A_1992 : vector<16xi32> to vector<1x16xi32>
      tpu.vector_store %arg7[%swap3A_1994, %swap3A_1995], %swap3A_1998 {strides = array<i32>} : memref<4x128xi32, #tpu.memory_space<vmem>>, vector<1x16xi32>,
      %get3A_1999 = arith.index_cast %add3A_1954 : i32 to index
      %get3A_2000 = arith.constant 32 : index
      %get3A_2001 = tpu.vector_load %arg5[%get3A_1999, %get3A_2000] {strides = array<i32>} : memref<80x128xi32, #tpu.memory_space<vmem>>, vector<1x16xi32>,
      %get3A_2002 = vector.shape_cast %get3A_2001 : vector<1x16xi32> to vector<16xi32>
      %and3A_2003 = arith.constant 262143 : i32
      %and3A_2004 = vector.broadcast %and3A_2003 : i32 to vector<16xi32>
      %and3A_2005 = arith.andi %get3A_2002, %and3A_2004 : vector<16xi32>
      %swap3A_2006 = arith.constant 2 : i32
      %swap3A_2007 = arith.index_cast %swap3A_2006 : i32 to index
      %swap3A_2008 = arith.constant 32 : index
      %swap3A_2009 = tpu.vector_load %arg6[%swap3A_2007, %swap3A_2008] {strides = array<i32>} : memref<4x128xi32, #tpu.memory_space<vmem>>, vector<1x16xi32>,
      %swap3A_2010 = vector.shape_cast %swap3A_2009 : vector<1x16xi32> to vector<16xi32>
      %swap3A_2011 = vector.shape_cast %and3A_2005 : vector<16xi32> to vector<1x16xi32>
      tpu.vector_store %arg6[%swap3A_2007, %swap3A_2008], %swap3A_2011 {strides = array<i32>} : memref<4x128xi32, #tpu.memory_space<vmem>>, vector<1x16xi32>,
      %shift_right_logical3A_2012 = arith.constant 18 : i32
      %shift_right_logical3A_2013 = vector.broadcast %shift_right_logical3A_2012 : i32 to vector<16xi32>
      %shift_right_logical3A_2014 = arith.shrui %get3A_2002, %shift_right_logical3A_2013 : vector<16xi32>
      %swap3A_2015 = arith.constant 2 : i32
      %swap3A_2016 = arith.index_cast %swap3A_2015 : i32 to index
      %swap3A_2017 = arith.constant 32 : index
      %swap3A_2018 = tpu.vector_load %arg7[%swap3A_2016, %swap3A_2017] {strides = array<i32>} : memref<4x128xi32, #tpu.memory_space<vmem>>, vector<1x16xi32>,
      %swap3A_2019 = vector.shape_cast %swap3A_2018 : vector<1x16xi32> to vector<16xi32>
      %swap3A_2020 = vector.shape_cast %shift_right_logical3A_2014 : vector<16xi32> to vector<1x16xi32>
      tpu.vector_store %arg7[%swap3A_2016, %swap3A_2017], %swap3A_2020 {strides = array<i32>} : memref<4x128xi32, #tpu.memory_space<vmem>>, vector<1x16xi32>,
      %get3A_2021 = arith.index_cast %add3A_1954 : i32 to index
      %get3A_2022 = arith.constant 48 : index
      %get3A_2023 = tpu.vector_load %arg5[%get3A_2021, %get3A_2022] {strides = array<i32>} : memref<80x128xi32, #tpu.memory_space<vmem>>, vector<1x16xi32>,
      %get3A_2024 = vector.shape_cast %get3A_2023 : vector<1x16xi32> to vector<16xi32>
      %and3A_2025 = arith.constant 262143 : i32
      %and3A_2026 = vector.broadcast %and3A_2025 : i32 to vector<16xi32>
      %and3A_2027 = arith.andi %get3A_2024, %and3A_2026 : vector<16xi32>
      %swap3A_2028 = arith.constant 2 : i32
      %swap3A_2029 = arith.index_cast %swap3A_2028 : i32 to index
      %swap3A_2030 = arith.constant 48 : index
      %swap3A_2031 = tpu.vector_load %arg6[%swap3A_2029, %swap3A_2030] {strides = array<i32>} : memref<4x128xi32, #tpu.memory_space<vmem>>, vector<1x16xi32>,
      %swap3A_2032 = vector.shape_cast %swap3A_2031 : vector<1x16xi32> to vector<16xi32>
      %swap3A_2033 = vector.shape_cast %and3A_2027 : vector<16xi32> to vector<1x16xi32>
      tpu.vector_store %arg6[%swap3A_2029, %swap3A_2030], %swap3A_2033 {strides = array<i32>} : memref<4x128xi32, #tpu.memory_space<vmem>>, vector<1x16xi32>,
      %shift_right_logical3A_2034 = arith.constant 18 : i32
      %shift_right_logical3A_2035 = vector.broadcast %shift_right_logical3A_2034 : i32 to vector<16xi32>
      %shift_right_logical3A_2036 = arith.shrui %get3A_2024, %shift_right_logical3A_2035 : vector<16xi32>
      %swap3A_2037 = arith.constant 2 : i32
      %swap3A_2038 = arith.index_cast %swap3A_2037 : i32 to index
      %swap3A_2039 = arith.constant 48 : index
      %swap3A_2040 = tpu.vector_load %arg7[%swap3A_2038, %swap3A_2039] {strides = array<i32>} : memref<4x128xi32, #tpu.memory_space<vmem>>, vector<1x16xi32>,
      %swap3A_2041 = vector.shape_cast %swap3A_2040 : vector<1x16xi32> to vector<16xi32>
      %swap3A_2042 = vector.shape_cast %shift_right_logical3A_2036 : vector<16xi32> to vector<1x16xi32>
      tpu.vector_store %arg7[%swap3A_2038, %swap3A_2039], %swap3A_2042 {strides = array<i32>} : memref<4x128xi32, #tpu.memory_space<vmem>>, vector<1x16xi32>,
      %get3A_2043 = arith.index_cast %add3A_1954 : i32 to index
      %get3A_2044 = arith.constant 64 : index
      %get3A_2045 = tpu.vector_load %arg5[%get3A_2043, %get3A_2044] {strides = array<i32>} : memref<80x128xi32, #tpu.memory_space<vmem>>, vector<1x16xi32>,
      %get3A_2046 = vector.shape_cast %get3A_2045 : vector<1x16xi32> to vector<16xi32>
      %and3A_2047 = arith.constant 262143 : i32
      %and3A_2048 = vector.broadcast %and3A_2047 : i32 to vector<16xi32>
      %and3A_2049 = arith.andi %get3A_2046, %and3A_2048 : vector<16xi32>
      %swap3A_2050 = arith.constant 2 : i32
      %swap3A_2051 = arith.index_cast %swap3A_2050 : i32 to index
      %swap3A_2052 = arith.constant 64 : index
      %swap3A_2053 = tpu.vector_load %arg6[%swap3A_2051, %swap3A_2052] {strides = array<i32>} : memref<4x128xi32, #tpu.memory_space<vmem>>, vector<1x16xi32>,
      %swap3A_2054 = vector.shape_cast %swap3A_2053 : vector<1x16xi32> to vector<16xi32>
      %swap3A_2055 = vector.shape_cast %and3A_2049 : vector<16xi32> to vector<1x16xi32>
      tpu.vector_store %arg6[%swap3A_2051, %swap3A_2052], %swap3A_2055 {strides = array<i32>} : memref<4x128xi32, #tpu.memory_space<vmem>>, vector<1x16xi32>,
      %shift_right_logical3A_2056 = arith.constant 18 : i32
      %shift_right_logical3A_2057 = vector.broadcast %shift_right_logical3A_2056 : i32 to vector<16xi32>
      %shift_right_logical3A_2058 = arith.shrui %get3A_2046, %shift_right_logical3A_2057 : vector<16xi32>
      %swap3A_2059 = arith.constant 2 : i32
      %swap3A_2060 = arith.index_cast %swap3A_2059 : i32 to index
      %swap3A_2061 = arith.constant 64 : index
      %swap3A_2062 = tpu.vector_load %arg7[%swap3A_2060, %swap3A_2061] {strides = array<i32>} : memref<4x128xi32, #tpu.memory_space<vmem>>, vector<1x16xi32>,
      %swap3A_2063 = vector.shape_cast %swap3A_2062 : vector<1x16xi32> to vector<16xi32>
      %swap3A_2064 = vector.shape_cast %shift_right_logical3A_2058 : vector<16xi32> to vector<1x16xi32>
      tpu.vector_store %arg7[%swap3A_2060, %swap3A_2061], %swap3A_2064 {strides = array<i32>} : memref<4x128xi32, #tpu.memory_space<vmem>>, vector<1x16xi32>,
      %get3A_2065 = arith.index_cast %add3A_1954 : i32 to index
      %get3A_2066 = arith.constant 80 : index
      %get3A_2067 = tpu.vector_load %arg5[%get3A_2065, %get3A_2066] {strides = array<i32>} : memref<80x128xi32, #tpu.memory_space<vmem>>, vector<1x16xi32>,
      %get3A_2068 = vector.shape_cast %get3A_2067 : vector<1x16xi32> to vector<16xi32>
      %and3A_2069 = arith.constant 262143 : i32
      %and3A_2070 = vector.broadcast %and3A_2069 : i32 to vector<16xi32>
      %and3A_2071 = arith.andi %get3A_2068, %and3A_2070 : vector<16xi32>
      %swap3A_2072 = arith.constant 2 : i32
      %swap3A_2073 = arith.index_cast %swap3A_2072 : i32 to index
      %swap3A_2074 = arith.constant 80 : index
      %swap3A_2075 = tpu.vector_load %arg6[%swap3A_2073, %swap3A_2074] {strides = array<i32>} : memref<4x128xi32, #tpu.memory_space<vmem>>, vector<1x16xi32>,
      %swap3A_2076 = vector.shape_cast %swap3A_2075 : vector<1x16xi32> to vector<16xi32>
      %swap3A_2077 = vector.shape_cast %and3A_2071 : vector<16xi32> to vector<1x16xi32>
      tpu.vector_store %arg6[%swap3A_2073, %swap3A_2074], %swap3A_2077 {strides = array<i32>} : memref<4x128xi32, #tpu.memory_space<vmem>>, vector<1x16xi32>,
      %shift_right_logical3A_2078 = arith.constant 18 : i32
      %shift_right_logical3A_2079 = vector.broadcast %shift_right_logical3A_2078 : i32 to vector<16xi32>
      %shift_right_logical3A_2080 = arith.shrui %get3A_2068, %shift_right_logical3A_2079 : vector<16xi32>
      %swap3A_2081 = arith.constant 2 : i32
      %swap3A_2082 = arith.index_cast %swap3A_2081 : i32 to index
      %swap3A_2083 = arith.constant 80 : index
      %swap3A_2084 = tpu.vector_load %arg7[%swap3A_2082, %swap3A_2083] {strides = array<i32>} : memref<4x128xi32, #tpu.memory_space<vmem>>, vector<1x16xi32>,
      %swap3A_2085 = vector.shape_cast %swap3A_2084 : vector<1x16xi32> to vector<16xi32>
      %swap3A_2086 = vector.shape_cast %shift_right_logical3A_2080 : vector<16xi32> to vector<1x16xi32>
      tpu.vector_store %arg7[%swap3A_2082, %swap3A_2083], %swap3A_2086 {strides = array<i32>} : memref<4x128xi32, #tpu.memory_space<vmem>>, vector<1x16xi32>,
      %get3A_2087 = arith.index_cast %add3A_1954 : i32 to index
      %get3A_2088 = arith.constant 96 : index
      %get3A_2089 = tpu.vector_load %arg5[%get3A_2087, %get3A_2088] {strides = array<i32>} : memref<80x128xi32, #tpu.memory_space<vmem>>, vector<1x16xi32>,
      %get3A_2090 = vector.shape_cast %get3A_2089 : vector<1x16xi32> to vector<16xi32>
      %and3A_2091 = arith.constant 262143 : i32
      %and3A_2092 = vector.broadcast %and3A_2091 : i32 to vector<16xi32>
      %and3A_2093 = arith.andi %get3A_2090, %and3A_2092 : vector<16xi32>
      %swap3A_2094 = arith.constant 2 : i32
      %swap3A_2095 = arith.index_cast %swap3A_2094 : i32 to index
      %swap3A_2096 = arith.constant 96 : index
      %swap3A_2097 = tpu.vector_load %arg6[%swap3A_2095, %swap3A_2096] {strides = array<i32>} : memref<4x128xi32, #tpu.memory_space<vmem>>, vector<1x16xi32>,
      %swap3A_2098 = vector.shape_cast %swap3A_2097 : vector<1x16xi32> to vector<16xi32>
      %swap3A_2099 = vector.shape_cast %and3A_2093 : vector<16xi32> to vector<1x16xi32>
      tpu.vector_store %arg6[%swap3A_2095, %swap3A_2096], %swap3A_2099 {strides = array<i32>} : memref<4x128xi32, #tpu.memory_space<vmem>>, vector<1x16xi32>,
      %shift_right_logical3A_2100 = arith.constant 18 : i32
      %shift_right_logical3A_2101 = vector.broadcast %shift_right_logical3A_2100 : i32 to vector<16xi32>
      %shift_right_logical3A_2102 = arith.shrui %get3A_2090, %shift_right_logical3A_2101 : vector<16xi32>
      %swap3A_2103 = arith.constant 2 : i32
      %swap3A_2104 = arith.index_cast %swap3A_2103 : i32 to index
      %swap3A_2105 = arith.constant 96 : index
      %swap3A_2106 = tpu.vector_load %arg7[%swap3A_2104, %swap3A_2105] {strides = array<i32>} : memref<4x128xi32, #tpu.memory_space<vmem>>, vector<1x16xi32>,
      %swap3A_2107 = vector.shape_cast %swap3A_2106 : vector<1x16xi32> to vector<16xi32>
      %swap3A_2108 = vector.shape_cast %shift_right_logical3A_2102 : vector<16xi32> to vector<1x16xi32>
      tpu.vector_store %arg7[%swap3A_2104, %swap3A_2105], %swap3A_2108 {strides = array<i32>} : memref<4x128xi32, #tpu.memory_space<vmem>>, vector<1x16xi32>,
      %get3A_2109 = arith.index_cast %add3A_1954 : i32 to index
      %get3A_2110 = arith.constant 112 : index
      %get3A_2111 = tpu.vector_load %arg5[%get3A_2109, %get3A_2110] {strides = array<i32>} : memref<80x128xi32, #tpu.memory_space<vmem>>, vector<1x16xi32>,
      %get3A_2112 = vector.shape_cast %get3A_2111 : vector<1x16xi32> to vector<16xi32>
      %and3A_2113 = arith.constant 262143 : i32
      %and3A_2114 = vector.broadcast %and3A_2113 : i32 to vector<16xi32>
      %and3A_2115 = arith.andi %get3A_2112, %and3A_2114 : vector<16xi32>
      %swap3A_2116 = arith.constant 2 : i32
      %swap3A_2117 = arith.index_cast %swap3A_2116 : i32 to index
      %swap3A_2118 = arith.constant 112 : index
      %swap3A_2119 = tpu.vector_load %arg6[%swap3A_2117, %swap3A_2118] {strides = array<i32>} : memref<4x128xi32, #tpu.memory_space<vmem>>, vector<1x16xi32>,
      %swap3A_2120 = vector.shape_cast %swap3A_2119 : vector<1x16xi32> to vector<16xi32>
      %swap3A_2121 = vector.shape_cast %and3A_2115 : vector<16xi32> to vector<1x16xi32>
      tpu.vector_store %arg6[%swap3A_2117, %swap3A_2118], %swap3A_2121 {strides = array<i32>} : memref<4x128xi32, #tpu.memory_space<vmem>>, vector<1x16xi32>,
      %shift_right_logical3A_2122 = arith.constant 18 : i32
      %shift_right_logical3A_2123 = vector.broadcast %shift_right_logical3A_2122 : i32 to vector<16xi32>
      %shift_right_logical3A_2124 = arith.shrui %get3A_2112, %shift_right_logical3A_2123 : vector<16xi32>
      %swap3A_2125 = arith.constant 2 : i32
      %swap3A_2126 = arith.index_cast %swap3A_2125 : i32 to index
      %swap3A_2127 = arith.constant 112 : index
      %swap3A_2128 = tpu.vector_load %arg7[%swap3A_2126, %swap3A_2127] {strides = array<i32>} : memref<4x128xi32, #tpu.memory_space<vmem>>, vector<1x16xi32>,
      %swap3A_2129 = vector.shape_cast %swap3A_2128 : vector<1x16xi32> to vector<16xi32>
      %swap3A_2130 = vector.shape_cast %shift_right_logical3A_2124 : vector<16xi32> to vector<1x16xi32>
      tpu.vector_store %arg7[%swap3A_2126, %swap3A_2127], %swap3A_2130 {strides = array<i32>} : memref<4x128xi32, #tpu.memory_space<vmem>>, vector<1x16xi32>,
      %dma_wait3A_2131 = arith.constant 0 : i32
      %dma_wait3A_2132 = arith.constant 0 : i32
      %dma_wait3A_2133 = tpu.memref_slice %arg7[%dma_wait3A_2131, %dma_wait3A_2132] : memref<4x128xi32, #tpu.memory_space<vmem>> -> memref<1x128xi32, #tpu.memory_space<vmem>>
      %dma_wait3A_2134 = tpu.memref_squeeze %dma_wait3A_2133 : memref<1x128xi32, #tpu.memory_space<vmem>> -> memref<128xi32, #tpu.memory_space<vmem>>
      %dma_wait3A_2135 = arith.constant 0 : i32
      %dma_wait3A_2136 = arith.constant 0 : i32
      %dma_wait3A_2137 = tpu.memref_slice %arg10[%dma_wait3A_2135, %dma_wait3A_2136] : memref<10128x128xf32, #tpu.memory_space<vmem_shared>> -> memref<10128x128xf32, #tpu.memory_space<vmem_shared>>
      tpu.wait_indirect_dma semaphore(%arg13 : memref<!tpu.dma_semaphore, #tpu.memory_space<semaphore_mem>>) src(%arg8 : memref<128x128xf32, #tpu.memory_space<vmem>>) dst(%dma_wait3A_2137 : memref<10128x128xf32, #tpu.memory_space<vmem_shared>>)
      %dma_start3A_2138 = arith.constant 2 : i32
      %dma_start3A_2139 = arith.constant 0 : i32
      %dma_start3A_2140 = tpu.memref_slice %arg6[%dma_start3A_2138, %dma_start3A_2139] : memref<4x128xi32, #tpu.memory_space<vmem>> -> memref<1x128xi32, #tpu.memory_space<vmem>>
      %dma_start3A_2141 = tpu.memref_squeeze %dma_start3A_2140 : memref<1x128xi32, #tpu.memory_space<vmem>> -> memref<128xi32, #tpu.memory_space<vmem>>
      %dma_start3A_2142 = arith.constant 0 : i32
      %dma_start3A_2143 = arith.constant 0 : i32
      %dma_start3A_2144 = tpu.memref_slice %arg2[%dma_start3A_2142, %dma_start3A_2143] : memref<160000x128xf32, #tpu.memory_space<hbm>> -> memref<160000x128xf32, #tpu.memory_space<hbm>>
      tpu.enqueue_indirect_dma source(%dma_start3A_2144 : memref<160000x128xf32, #tpu.memory_space<hbm>>) target(%arg8 : memref<128x128xf32, #tpu.memory_space<vmem>>) offsets(%dma_start3A_2141 : memref<128xi32, #tpu.memory_space<vmem>>) semaphore(%arg11 : memref<!tpu.dma_semaphore, #tpu.memory_space<semaphore_mem>>)
      %mul3A_2145 = arith.constant 4 : i32
      %mul3A_2146 = arith.muli %mul3A_2145, %scan3A_1724 : i32
      %add3A_2147 = arith.constant 2 : i32
      %add3A_2148 = arith.addi %mul3A_2146, %add3A_2147 : i32
      %dma_wait3A_2149 = arith.constant 2 : i32
      %dma_wait3A_2150 = arith.constant 0 : i32
      %dma_wait3A_2151 = tpu.memref_slice %arg6[%dma_wait3A_2149, %dma_wait3A_2150] : memref<4x128xi32, #tpu.memory_space<vmem>> -> memref<1x128xi32, #tpu.memory_space<vmem>>
      %dma_wait3A_2152 = tpu.memref_squeeze %dma_wait3A_2151 : memref<1x128xi32, #tpu.memory_space<vmem>> -> memref<128xi32, #tpu.memory_space<vmem>>
      %dma_wait3A_2153 = arith.constant 0 : i32
      %dma_wait3A_2154 = arith.constant 0 : i32
      %dma_wait3A_2155 = tpu.memref_slice %arg2[%dma_wait3A_2153, %dma_wait3A_2154] : memref<160000x128xf32, #tpu.memory_space<hbm>> -> memref<160000x128xf32, #tpu.memory_space<hbm>>
      tpu.wait_indirect_dma semaphore(%arg11 : memref<!tpu.dma_semaphore, #tpu.memory_space<semaphore_mem>>) src(%dma_wait3A_2155 : memref<160000x128xf32, #tpu.memory_space<hbm>>) dst(%arg8 : memref<128x128xf32, #tpu.memory_space<vmem>>)
      %dma_start3A_2156 = arith.constant 2 : i32
      %dma_start3A_2157 = arith.constant 0 : i32
      %dma_start3A_2158 = tpu.memref_slice %arg7[%dma_start3A_2156, %dma_start3A_2157] : memref<4x128xi32, #tpu.memory_space<vmem>> -> memref<1x128xi32, #tpu.memory_space<vmem>>
      %dma_start3A_2159 = tpu.memref_squeeze %dma_start3A_2158 : memref<1x128xi32, #tpu.memory_space<vmem>> -> memref<128xi32, #tpu.memory_space<vmem>>
      %dma_start3A_2160 = arith.constant 0 : i32
      %dma_start3A_2161 = arith.constant 0 : i32
      %dma_start3A_2162 = tpu.memref_slice %arg10[%dma_start3A_2160, %dma_start3A_2161] : memref<10128x128xf32, #tpu.memory_space<vmem_shared>> -> memref<10128x128xf32, #tpu.memory_space<vmem_shared>>
      tpu.enqueue_indirect_dma source(%arg8 : memref<128x128xf32, #tpu.memory_space<vmem>>) target(%dma_start3A_2162 : memref<10128x128xf32, #tpu.memory_space<vmem_shared>>) offsets(%dma_start3A_2159 : memref<128xi32, #tpu.memory_space<vmem>>) semaphore(%arg13 : memref<!tpu.dma_semaphore, #tpu.memory_space<semaphore_mem>>) {add = true}
      %add3A_2163 = arith.constant 1 : i32
      %add3A_2164 = arith.addi %add3A_2148, %add3A_2163 : i32
      %get3A_2165 = arith.index_cast %add3A_2164 : i32 to index
      %get3A_2166 = arith.constant 0 : index
      %get3A_2167 = tpu.vector_load %arg5[%get3A_2165, %get3A_2166] {strides = array<i32>} : memref<80x128xi32, #tpu.memory_space<vmem>>, vector<1x16xi32>,
      %get3A_2168 = vector.shape_cast %get3A_2167 : vector<1x16xi32> to vector<16xi32>
      %and3A_2169 = arith.constant 262143 : i32
      %and3A_2170 = vector.broadcast %and3A_2169 : i32 to vector<16xi32>
      %and3A_2171 = arith.andi %get3A_2168, %and3A_2170 : vector<16xi32>
      %swap3A_2172 = arith.constant 3 : i32
      %swap3A_2173 = arith.index_cast %swap3A_2172 : i32 to index
      %swap3A_2174 = arith.constant 0 : index
      %swap3A_2175 = tpu.vector_load %arg6[%swap3A_2173, %swap3A_2174] {strides = array<i32>} : memref<4x128xi32, #tpu.memory_space<vmem>>, vector<1x16xi32>,
      %swap3A_2176 = vector.shape_cast %swap3A_2175 : vector<1x16xi32> to vector<16xi32>
      %swap3A_2177 = vector.shape_cast %and3A_2171 : vector<16xi32> to vector<1x16xi32>
      tpu.vector_store %arg6[%swap3A_2173, %swap3A_2174], %swap3A_2177 {strides = array<i32>} : memref<4x128xi32, #tpu.memory_space<vmem>>, vector<1x16xi32>,
      %shift_right_logical3A_2178 = arith.constant 18 : i32
      %shift_right_logical3A_2179 = vector.broadcast %shift_right_logical3A_2178 : i32 to vector<16xi32>
      %shift_right_logical3A_2180 = arith.shrui %get3A_2168, %shift_right_logical3A_2179 : vector<16xi32>
      %swap3A_2181 = arith.constant 3 : i32
      %swap3A_2182 = arith.index_cast %swap3A_2181 : i32 to index
      %swap3A_2183 = arith.constant 0 : index
      %swap3A_2184 = tpu.vector_load %arg7[%swap3A_2182, %swap3A_2183] {strides = array<i32>} : memref<4x128xi32, #tpu.memory_space<vmem>>, vector<1x16xi32>,
      %swap3A_2185 = vector.shape_cast %swap3A_2184 : vector<1x16xi32> to vector<16xi32>
      %swap3A_2186 = vector.shape_cast %shift_right_logical3A_2180 : vector<16xi32> to vector<1x16xi32>
      tpu.vector_store %arg7[%swap3A_2182, %swap3A_2183], %swap3A_2186 {strides = array<i32>} : memref<4x128xi32, #tpu.memory_space<vmem>>, vector<1x16xi32>,
      %get3A_2187 = arith.index_cast %add3A_2164 : i32 to index
      %get3A_2188 = arith.constant 16 : index
      %get3A_2189 = tpu.vector_load %arg5[%get3A_2187, %get3A_2188] {strides = array<i32>} : memref<80x128xi32, #tpu.memory_space<vmem>>, vector<1x16xi32>,
      %get3A_2190 = vector.shape_cast %get3A_2189 : vector<1x16xi32> to vector<16xi32>
      %and3A_2191 = arith.constant 262143 : i32
      %and3A_2192 = vector.broadcast %and3A_2191 : i32 to vector<16xi32>
      %and3A_2193 = arith.andi %get3A_2190, %and3A_2192 : vector<16xi32>
      %swap3A_2194 = arith.constant 3 : i32
      %swap3A_2195 = arith.index_cast %swap3A_2194 : i32 to index
      %swap3A_2196 = arith.constant 16 : index
      %swap3A_2197 = tpu.vector_load %arg6[%swap3A_2195, %swap3A_2196] {strides = array<i32>} : memref<4x128xi32, #tpu.memory_space<vmem>>, vector<1x16xi32>,
      %swap3A_2198 = vector.shape_cast %swap3A_2197 : vector<1x16xi32> to vector<16xi32>
      %swap3A_2199 = vector.shape_cast %and3A_2193 : vector<16xi32> to vector<1x16xi32>
      tpu.vector_store %arg6[%swap3A_2195, %swap3A_2196], %swap3A_2199 {strides = array<i32>} : memref<4x128xi32, #tpu.memory_space<vmem>>, vector<1x16xi32>,
      %shift_right_logical3A_2200 = arith.constant 18 : i32
      %shift_right_logical3A_2201 = vector.broadcast %shift_right_logical3A_2200 : i32 to vector<16xi32>
      %shift_right_logical3A_2202 = arith.shrui %get3A_2190, %shift_right_logical3A_2201 : vector<16xi32>
      %swap3A_2203 = arith.constant 3 : i32
      %swap3A_2204 = arith.index_cast %swap3A_2203 : i32 to index
      %swap3A_2205 = arith.constant 16 : index
      %swap3A_2206 = tpu.vector_load %arg7[%swap3A_2204, %swap3A_2205] {strides = array<i32>} : memref<4x128xi32, #tpu.memory_space<vmem>>, vector<1x16xi32>,
      %swap3A_2207 = vector.shape_cast %swap3A_2206 : vector<1x16xi32> to vector<16xi32>
      %swap3A_2208 = vector.shape_cast %shift_right_logical3A_2202 : vector<16xi32> to vector<1x16xi32>
      tpu.vector_store %arg7[%swap3A_2204, %swap3A_2205], %swap3A_2208 {strides = array<i32>} : memref<4x128xi32, #tpu.memory_space<vmem>>, vector<1x16xi32>,
      %get3A_2209 = arith.index_cast %add3A_2164 : i32 to index
      %get3A_2210 = arith.constant 32 : index
      %get3A_2211 = tpu.vector_load %arg5[%get3A_2209, %get3A_2210] {strides = array<i32>} : memref<80x128xi32, #tpu.memory_space<vmem>>, vector<1x16xi32>,
      %get3A_2212 = vector.shape_cast %get3A_2211 : vector<1x16xi32> to vector<16xi32>
      %and3A_2213 = arith.constant 262143 : i32
      %and3A_2214 = vector.broadcast %and3A_2213 : i32 to vector<16xi32>
      %and3A_2215 = arith.andi %get3A_2212, %and3A_2214 : vector<16xi32>
      %swap3A_2216 = arith.constant 3 : i32
      %swap3A_2217 = arith.index_cast %swap3A_2216 : i32 to index
      %swap3A_2218 = arith.constant 32 : index
      %swap3A_2219 = tpu.vector_load %arg6[%swap3A_2217, %swap3A_2218] {strides = array<i32>} : memref<4x128xi32, #tpu.memory_space<vmem>>, vector<1x16xi32>,
      %swap3A_2220 = vector.shape_cast %swap3A_2219 : vector<1x16xi32> to vector<16xi32>
      %swap3A_2221 = vector.shape_cast %and3A_2215 : vector<16xi32> to vector<1x16xi32>
      tpu.vector_store %arg6[%swap3A_2217, %swap3A_2218], %swap3A_2221 {strides = array<i32>} : memref<4x128xi32, #tpu.memory_space<vmem>>, vector<1x16xi32>,
      %shift_right_logical3A_2222 = arith.constant 18 : i32
      %shift_right_logical3A_2223 = vector.broadcast %shift_right_logical3A_2222 : i32 to vector<16xi32>
      %shift_right_logical3A_2224 = arith.shrui %get3A_2212, %shift_right_logical3A_2223 : vector<16xi32>
      %swap3A_2225 = arith.constant 3 : i32
      %swap3A_2226 = arith.index_cast %swap3A_2225 : i32 to index
      %swap3A_2227 = arith.constant 32 : index
      %swap3A_2228 = tpu.vector_load %arg7[%swap3A_2226, %swap3A_2227] {strides = array<i32>} : memref<4x128xi32, #tpu.memory_space<vmem>>, vector<1x16xi32>,
      %swap3A_2229 = vector.shape_cast %swap3A_2228 : vector<1x16xi32> to vector<16xi32>
      %swap3A_2230 = vector.shape_cast %shift_right_logical3A_2224 : vector<16xi32> to vector<1x16xi32>
      tpu.vector_store %arg7[%swap3A_2226, %swap3A_2227], %swap3A_2230 {strides = array<i32>} : memref<4x128xi32, #tpu.memory_space<vmem>>, vector<1x16xi32>,
      %get3A_2231 = arith.index_cast %add3A_2164 : i32 to index
      %get3A_2232 = arith.constant 48 : index
      %get3A_2233 = tpu.vector_load %arg5[%get3A_2231, %get3A_2232] {strides = array<i32>} : memref<80x128xi32, #tpu.memory_space<vmem>>, vector<1x16xi32>,
      %get3A_2234 = vector.shape_cast %get3A_2233 : vector<1x16xi32> to vector<16xi32>
      %and3A_2235 = arith.constant 262143 : i32
      %and3A_2236 = vector.broadcast %and3A_2235 : i32 to vector<16xi32>
      %and3A_2237 = arith.andi %get3A_2234, %and3A_2236 : vector<16xi32>
      %swap3A_2238 = arith.constant 3 : i32
      %swap3A_2239 = arith.index_cast %swap3A_2238 : i32 to index
      %swap3A_2240 = arith.constant 48 : index
      %swap3A_2241 = tpu.vector_load %arg6[%swap3A_2239, %swap3A_2240] {strides = array<i32>} : memref<4x128xi32, #tpu.memory_space<vmem>>, vector<1x16xi32>,
      %swap3A_2242 = vector.shape_cast %swap3A_2241 : vector<1x16xi32> to vector<16xi32>
      %swap3A_2243 = vector.shape_cast %and3A_2237 : vector<16xi32> to vector<1x16xi32>
      tpu.vector_store %arg6[%swap3A_2239, %swap3A_2240], %swap3A_2243 {strides = array<i32>} : memref<4x128xi32, #tpu.memory_space<vmem>>, vector<1x16xi32>,
      %shift_right_logical3A_2244 = arith.constant 18 : i32
      %shift_right_logical3A_2245 = vector.broadcast %shift_right_logical3A_2244 : i32 to vector<16xi32>
      %shift_right_logical3A_2246 = arith.shrui %get3A_2234, %shift_right_logical3A_2245 : vector<16xi32>
      %swap3A_2247 = arith.constant 3 : i32
      %swap3A_2248 = arith.index_cast %swap3A_2247 : i32 to index
      %swap3A_2249 = arith.constant 48 : index
      %swap3A_2250 = tpu.vector_load %arg7[%swap3A_2248, %swap3A_2249] {strides = array<i32>} : memref<4x128xi32, #tpu.memory_space<vmem>>, vector<1x16xi32>,
      %swap3A_2251 = vector.shape_cast %swap3A_2250 : vector<1x16xi32> to vector<16xi32>
      %swap3A_2252 = vector.shape_cast %shift_right_logical3A_2246 : vector<16xi32> to vector<1x16xi32>
      tpu.vector_store %arg7[%swap3A_2248, %swap3A_2249], %swap3A_2252 {strides = array<i32>} : memref<4x128xi32, #tpu.memory_space<vmem>>, vector<1x16xi32>,
      %get3A_2253 = arith.index_cast %add3A_2164 : i32 to index
      %get3A_2254 = arith.constant 64 : index
      %get3A_2255 = tpu.vector_load %arg5[%get3A_2253, %get3A_2254] {strides = array<i32>} : memref<80x128xi32, #tpu.memory_space<vmem>>, vector<1x16xi32>,
      %get3A_2256 = vector.shape_cast %get3A_2255 : vector<1x16xi32> to vector<16xi32>
      %and3A_2257 = arith.constant 262143 : i32
      %and3A_2258 = vector.broadcast %and3A_2257 : i32 to vector<16xi32>
      %and3A_2259 = arith.andi %get3A_2256, %and3A_2258 : vector<16xi32>
      %swap3A_2260 = arith.constant 3 : i32
      %swap3A_2261 = arith.index_cast %swap3A_2260 : i32 to index
      %swap3A_2262 = arith.constant 64 : index
      %swap3A_2263 = tpu.vector_load %arg6[%swap3A_2261, %swap3A_2262] {strides = array<i32>} : memref<4x128xi32, #tpu.memory_space<vmem>>, vector<1x16xi32>,
      %swap3A_2264 = vector.shape_cast %swap3A_2263 : vector<1x16xi32> to vector<16xi32>
      %swap3A_2265 = vector.shape_cast %and3A_2259 : vector<16xi32> to vector<1x16xi32>
      tpu.vector_store %arg6[%swap3A_2261, %swap3A_2262], %swap3A_2265 {strides = array<i32>} : memref<4x128xi32, #tpu.memory_space<vmem>>, vector<1x16xi32>,
      %shift_right_logical3A_2266 = arith.constant 18 : i32
      %shift_right_logical3A_2267 = vector.broadcast %shift_right_logical3A_2266 : i32 to vector<16xi32>
      %shift_right_logical3A_2268 = arith.shrui %get3A_2256, %shift_right_logical3A_2267 : vector<16xi32>
      %swap3A_2269 = arith.constant 3 : i32
      %swap3A_2270 = arith.index_cast %swap3A_2269 : i32 to index
      %swap3A_2271 = arith.constant 64 : index
      %swap3A_2272 = tpu.vector_load %arg7[%swap3A_2270, %swap3A_2271] {strides = array<i32>} : memref<4x128xi32, #tpu.memory_space<vmem>>, vector<1x16xi32>,
      %swap3A_2273 = vector.shape_cast %swap3A_2272 : vector<1x16xi32> to vector<16xi32>
      %swap3A_2274 = vector.shape_cast %shift_right_logical3A_2268 : vector<16xi32> to vector<1x16xi32>
      tpu.vector_store %arg7[%swap3A_2270, %swap3A_2271], %swap3A_2274 {strides = array<i32>} : memref<4x128xi32, #tpu.memory_space<vmem>>, vector<1x16xi32>,
      %get3A_2275 = arith.index_cast %add3A_2164 : i32 to index
      %get3A_2276 = arith.constant 80 : index
      %get3A_2277 = tpu.vector_load %arg5[%get3A_2275, %get3A_2276] {strides = array<i32>} : memref<80x128xi32, #tpu.memory_space<vmem>>, vector<1x16xi32>,
      %get3A_2278 = vector.shape_cast %get3A_2277 : vector<1x16xi32> to vector<16xi32>
      %and3A_2279 = arith.constant 262143 : i32
      %and3A_2280 = vector.broadcast %and3A_2279 : i32 to vector<16xi32>
      %and3A_2281 = arith.andi %get3A_2278, %and3A_2280 : vector<16xi32>
      %swap3A_2282 = arith.constant 3 : i32
      %swap3A_2283 = arith.index_cast %swap3A_2282 : i32 to index
      %swap3A_2284 = arith.constant 80 : index
      %swap3A_2285 = tpu.vector_load %arg6[%swap3A_2283, %swap3A_2284] {strides = array<i32>} : memref<4x128xi32, #tpu.memory_space<vmem>>, vector<1x16xi32>,
      %swap3A_2286 = vector.shape_cast %swap3A_2285 : vector<1x16xi32> to vector<16xi32>
      %swap3A_2287 = vector.shape_cast %and3A_2281 : vector<16xi32> to vector<1x16xi32>
      tpu.vector_store %arg6[%swap3A_2283, %swap3A_2284], %swap3A_2287 {strides = array<i32>} : memref<4x128xi32, #tpu.memory_space<vmem>>, vector<1x16xi32>,
      %shift_right_logical3A_2288 = arith.constant 18 : i32
      %shift_right_logical3A_2289 = vector.broadcast %shift_right_logical3A_2288 : i32 to vector<16xi32>
      %shift_right_logical3A_2290 = arith.shrui %get3A_2278, %shift_right_logical3A_2289 : vector<16xi32>
      %swap3A_2291 = arith.constant 3 : i32
      %swap3A_2292 = arith.index_cast %swap3A_2291 : i32 to index
      %swap3A_2293 = arith.constant 80 : index
      %swap3A_2294 = tpu.vector_load %arg7[%swap3A_2292, %swap3A_2293] {strides = array<i32>} : memref<4x128xi32, #tpu.memory_space<vmem>>, vector<1x16xi32>,
      %swap3A_2295 = vector.shape_cast %swap3A_2294 : vector<1x16xi32> to vector<16xi32>
      %swap3A_2296 = vector.shape_cast %shift_right_logical3A_2290 : vector<16xi32> to vector<1x16xi32>
      tpu.vector_store %arg7[%swap3A_2292, %swap3A_2293], %swap3A_2296 {strides = array<i32>} : memref<4x128xi32, #tpu.memory_space<vmem>>, vector<1x16xi32>,
      %get3A_2297 = arith.index_cast %add3A_2164 : i32 to index
      %get3A_2298 = arith.constant 96 : index
      %get3A_2299 = tpu.vector_load %arg5[%get3A_2297, %get3A_2298] {strides = array<i32>} : memref<80x128xi32, #tpu.memory_space<vmem>>, vector<1x16xi32>,
      %get3A_2300 = vector.shape_cast %get3A_2299 : vector<1x16xi32> to vector<16xi32>
      %and3A_2301 = arith.constant 262143 : i32
      %and3A_2302 = vector.broadcast %and3A_2301 : i32 to vector<16xi32>
      %and3A_2303 = arith.andi %get3A_2300, %and3A_2302 : vector<16xi32>
      %swap3A_2304 = arith.constant 3 : i32
      %swap3A_2305 = arith.index_cast %swap3A_2304 : i32 to index
      %swap3A_2306 = arith.constant 96 : index
      %swap3A_2307 = tpu.vector_load %arg6[%swap3A_2305, %swap3A_2306] {strides = array<i32>} : memref<4x128xi32, #tpu.memory_space<vmem>>, vector<1x16xi32>,
      %swap3A_2308 = vector.shape_cast %swap3A_2307 : vector<1x16xi32> to vector<16xi32>
      %swap3A_2309 = vector.shape_cast %and3A_2303 : vector<16xi32> to vector<1x16xi32>
      tpu.vector_store %arg6[%swap3A_2305, %swap3A_2306], %swap3A_2309 {strides = array<i32>} : memref<4x128xi32, #tpu.memory_space<vmem>>, vector<1x16xi32>,
      %shift_right_logical3A_2310 = arith.constant 18 : i32
      %shift_right_logical3A_2311 = vector.broadcast %shift_right_logical3A_2310 : i32 to vector<16xi32>
      %shift_right_logical3A_2312 = arith.shrui %get3A_2300, %shift_right_logical3A_2311 : vector<16xi32>
      %swap3A_2313 = arith.constant 3 : i32
      %swap3A_2314 = arith.index_cast %swap3A_2313 : i32 to index
      %swap3A_2315 = arith.constant 96 : index
      %swap3A_2316 = tpu.vector_load %arg7[%swap3A_2314, %swap3A_2315] {strides = array<i32>} : memref<4x128xi32, #tpu.memory_space<vmem>>, vector<1x16xi32>,
      %swap3A_2317 = vector.shape_cast %swap3A_2316 : vector<1x16xi32> to vector<16xi32>
      %swap3A_2318 = vector.shape_cast %shift_right_logical3A_2312 : vector<16xi32> to vector<1x16xi32>
      tpu.vector_store %arg7[%swap3A_2314, %swap3A_2315], %swap3A_2318 {strides = array<i32>} : memref<4x128xi32, #tpu.memory_space<vmem>>, vector<1x16xi32>,
      %get3A_2319 = arith.index_cast %add3A_2164 : i32 to index
      %get3A_2320 = arith.constant 112 : index
      %get3A_2321 = tpu.vector_load %arg5[%get3A_2319, %get3A_2320] {strides = array<i32>} : memref<80x128xi32, #tpu.memory_space<vmem>>, vector<1x16xi32>,
      %get3A_2322 = vector.shape_cast %get3A_2321 : vector<1x16xi32> to vector<16xi32>
      %and3A_2323 = arith.constant 262143 : i32
      %and3A_2324 = vector.broadcast %and3A_2323 : i32 to vector<16xi32>
      %and3A_2325 = arith.andi %get3A_2322, %and3A_2324 : vector<16xi32>
      %swap3A_2326 = arith.constant 3 : i32
      %swap3A_2327 = arith.index_cast %swap3A_2326 : i32 to index
      %swap3A_2328 = arith.constant 112 : index
      %swap3A_2329 = tpu.vector_load %arg6[%swap3A_2327, %swap3A_2328] {strides = array<i32>} : memref<4x128xi32, #tpu.memory_space<vmem>>, vector<1x16xi32>,
      %swap3A_2330 = vector.shape_cast %swap3A_2329 : vector<1x16xi32> to vector<16xi32>
      %swap3A_2331 = vector.shape_cast %and3A_2325 : vector<16xi32> to vector<1x16xi32>
      tpu.vector_store %arg6[%swap3A_2327, %swap3A_2328], %swap3A_2331 {strides = array<i32>} : memref<4x128xi32, #tpu.memory_space<vmem>>, vector<1x16xi32>,
      %shift_right_logical3A_2332 = arith.constant 18 : i32
      %shift_right_logical3A_2333 = vector.broadcast %shift_right_logical3A_2332 : i32 to vector<16xi32>
      %shift_right_logical3A_2334 = arith.shrui %get3A_2322, %shift_right_logical3A_2333 : vector<16xi32>
      %swap3A_2335 = arith.constant 3 : i32
      %swap3A_2336 = arith.index_cast %swap3A_2335 : i32 to index
      %swap3A_2337 = arith.constant 112 : index
      %swap3A_2338 = tpu.vector_load %arg7[%swap3A_2336, %swap3A_2337] {strides = array<i32>} : memref<4x128xi32, #tpu.memory_space<vmem>>, vector<1x16xi32>,
      %swap3A_2339 = vector.shape_cast %swap3A_2338 : vector<1x16xi32> to vector<16xi32>
      %swap3A_2340 = vector.shape_cast %shift_right_logical3A_2334 : vector<16xi32> to vector<1x16xi32>
      tpu.vector_store %arg7[%swap3A_2336, %swap3A_2337], %swap3A_2340 {strides = array<i32>} : memref<4x128xi32, #tpu.memory_space<vmem>>, vector<1x16xi32>,
      %dma_wait3A_2341 = arith.constant 0 : i32
      %dma_wait3A_2342 = arith.constant 0 : i32
      %dma_wait3A_2343 = tpu.memref_slice %arg7[%dma_wait3A_2341, %dma_wait3A_2342] : memref<4x128xi32, #tpu.memory_space<vmem>> -> memref<1x128xi32, #tpu.memory_space<vmem>>
      %dma_wait3A_2344 = tpu.memref_squeeze %dma_wait3A_2343 : memref<1x128xi32, #tpu.memory_space<vmem>> -> memref<128xi32, #tpu.memory_space<vmem>>
      %dma_wait3A_2345 = arith.constant 0 : i32
      %dma_wait3A_2346 = arith.constant 0 : i32
      %dma_wait3A_2347 = tpu.memref_slice %arg10[%dma_wait3A_2345, %dma_wait3A_2346] : memref<10128x128xf32, #tpu.memory_space<vmem_shared>> -> memref<10128x128xf32, #tpu.memory_space<vmem_shared>>
      tpu.wait_indirect_dma semaphore(%arg14 : memref<!tpu.dma_semaphore, #tpu.memory_space<semaphore_mem>>) src(%arg9 : memref<128x128xf32, #tpu.memory_space<vmem>>) dst(%dma_wait3A_2347 : memref<10128x128xf32, #tpu.memory_space<vmem_shared>>)
      %dma_start3A_2348 = arith.constant 3 : i32
      %dma_start3A_2349 = arith.constant 0 : i32
      %dma_start3A_2350 = tpu.memref_slice %arg6[%dma_start3A_2348, %dma_start3A_2349] : memref<4x128xi32, #tpu.memory_space<vmem>> -> memref<1x128xi32, #tpu.memory_space<vmem>>
      %dma_start3A_2351 = tpu.memref_squeeze %dma_start3A_2350 : memref<1x128xi32, #tpu.memory_space<vmem>> -> memref<128xi32, #tpu.memory_space<vmem>>
      %dma_start3A_2352 = arith.constant 0 : i32
      %dma_start3A_2353 = arith.constant 0 : i32
      %dma_start3A_2354 = tpu.memref_slice %arg2[%dma_start3A_2352, %dma_start3A_2353] : memref<160000x128xf32, #tpu.memory_space<hbm>> -> memref<160000x128xf32, #tpu.memory_space<hbm>>
      tpu.enqueue_indirect_dma source(%dma_start3A_2354 : memref<160000x128xf32, #tpu.memory_space<hbm>>) target(%arg9 : memref<128x128xf32, #tpu.memory_space<vmem>>) offsets(%dma_start3A_2351 : memref<128xi32, #tpu.memory_space<vmem>>) semaphore(%arg12 : memref<!tpu.dma_semaphore, #tpu.memory_space<semaphore_mem>>)
      %mul3A_2355 = arith.constant 4 : i32
      %mul3A_2356 = arith.muli %mul3A_2355, %scan3A_1724 : i32
      %add3A_2357 = arith.constant 3 : i32
      %add3A_2358 = arith.addi %mul3A_2356, %add3A_2357 : i32
      %dma_wait3A_2359 = arith.constant 3 : i32
      %dma_wait3A_2360 = arith.constant 0 : i32
      %dma_wait3A_2361 = tpu.memref_slice %arg6[%dma_wait3A_2359, %dma_wait3A_2360] : memref<4x128xi32, #tpu.memory_space<vmem>> -> memref<1x128xi32, #tpu.memory_space<vmem>>
      %dma_wait3A_2362 = tpu.memref_squeeze %dma_wait3A_2361 : memref<1x128xi32, #tpu.memory_space<vmem>> -> memref<128xi32, #tpu.memory_space<vmem>>
      %dma_wait3A_2363 = arith.constant 0 : i32
      %dma_wait3A_2364 = arith.constant 0 : i32
      %dma_wait3A_2365 = tpu.memref_slice %arg2[%dma_wait3A_2363, %dma_wait3A_2364] : memref<160000x128xf32, #tpu.memory_space<hbm>> -> memref<160000x128xf32, #tpu.memory_space<hbm>>
      tpu.wait_indirect_dma semaphore(%arg12 : memref<!tpu.dma_semaphore, #tpu.memory_space<semaphore_mem>>) src(%dma_wait3A_2365 : memref<160000x128xf32, #tpu.memory_space<hbm>>) dst(%arg9 : memref<128x128xf32, #tpu.memory_space<vmem>>)
      %dma_start3A_2366 = arith.constant 3 : i32
      %dma_start3A_2367 = arith.constant 0 : i32
      %dma_start3A_2368 = tpu.memref_slice %arg7[%dma_start3A_2366, %dma_start3A_2367] : memref<4x128xi32, #tpu.memory_space<vmem>> -> memref<1x128xi32, #tpu.memory_space<vmem>>
      %dma_start3A_2369 = tpu.memref_squeeze %dma_start3A_2368 : memref<1x128xi32, #tpu.memory_space<vmem>> -> memref<128xi32, #tpu.memory_space<vmem>>
      %dma_start3A_2370 = arith.constant 0 : i32
      %dma_start3A_2371 = arith.constant 0 : i32
      %dma_start3A_2372 = tpu.memref_slice %arg10[%dma_start3A_2370, %dma_start3A_2371] : memref<10128x128xf32, #tpu.memory_space<vmem_shared>> -> memref<10128x128xf32, #tpu.memory_space<vmem_shared>>
      tpu.enqueue_indirect_dma source(%arg9 : memref<128x128xf32, #tpu.memory_space<vmem>>) target(%dma_start3A_2372 : memref<10128x128xf32, #tpu.memory_space<vmem_shared>>) offsets(%dma_start3A_2369 : memref<128xi32, #tpu.memory_space<vmem>>) semaphore(%arg14 : memref<!tpu.dma_semaphore, #tpu.memory_space<semaphore_mem>>) {add = true}
      %add3A_2373 = arith.constant 1 : i32
      %add3A_2374 = arith.addi %add3A_2358, %add3A_2373 : i32
      %get3A_2375 = arith.index_cast %add3A_2374 : i32 to index
      %get3A_2376 = arith.constant 0 : index
      %get3A_2377 = tpu.vector_load %arg5[%get3A_2375, %get3A_2376] {strides = array<i32>} : memref<80x128xi32, #tpu.memory_space<vmem>>, vector<1x16xi32>,
      %get3A_2378 = vector.shape_cast %get3A_2377 : vector<1x16xi32> to vector<16xi32>
      %and3A_2379 = arith.constant 262143 : i32
      %and3A_2380 = vector.broadcast %and3A_2379 : i32 to vector<16xi32>
      %and3A_2381 = arith.andi %get3A_2378, %and3A_2380 : vector<16xi32>
      %swap3A_2382 = arith.constant 0 : i32
      %swap3A_2383 = arith.index_cast %swap3A_2382 : i32 to index
      %swap3A_2384 = arith.constant 0 : index
      %swap3A_2385 = tpu.vector_load %arg6[%swap3A_2383, %swap3A_2384] {strides = array<i32>} : memref<4x128xi32, #tpu.memory_space<vmem>>, vector<1x16xi32>,
      %swap3A_2386 = vector.shape_cast %swap3A_2385 : vector<1x16xi32> to vector<16xi32>
      %swap3A_2387 = vector.shape_cast %and3A_2381 : vector<16xi32> to vector<1x16xi32>
      tpu.vector_store %arg6[%swap3A_2383, %swap3A_2384], %swap3A_2387 {strides = array<i32>} : memref<4x128xi32, #tpu.memory_space<vmem>>, vector<1x16xi32>,
      %shift_right_logical3A_2388 = arith.constant 18 : i32
      %shift_right_logical3A_2389 = vector.broadcast %shift_right_logical3A_2388 : i32 to vector<16xi32>
      %shift_right_logical3A_2390 = arith.shrui %get3A_2378, %shift_right_logical3A_2389 : vector<16xi32>
      %swap3A_2391 = arith.constant 0 : i32
      %swap3A_2392 = arith.index_cast %swap3A_2391 : i32 to index
      %swap3A_2393 = arith.constant 0 : index
      %swap3A_2394 = tpu.vector_load %arg7[%swap3A_2392, %swap3A_2393] {strides = array<i32>} : memref<4x128xi32, #tpu.memory_space<vmem>>, vector<1x16xi32>,
      %swap3A_2395 = vector.shape_cast %swap3A_2394 : vector<1x16xi32> to vector<16xi32>
      %swap3A_2396 = vector.shape_cast %shift_right_logical3A_2390 : vector<16xi32> to vector<1x16xi32>
      tpu.vector_store %arg7[%swap3A_2392, %swap3A_2393], %swap3A_2396 {strides = array<i32>} : memref<4x128xi32, #tpu.memory_space<vmem>>, vector<1x16xi32>,
      %get3A_2397 = arith.index_cast %add3A_2374 : i32 to index
      %get3A_2398 = arith.constant 16 : index
      %get3A_2399 = tpu.vector_load %arg5[%get3A_2397, %get3A_2398] {strides = array<i32>} : memref<80x128xi32, #tpu.memory_space<vmem>>, vector<1x16xi32>,
      %get3A_2400 = vector.shape_cast %get3A_2399 : vector<1x16xi32> to vector<16xi32>
      %and3A_2401 = arith.constant 262143 : i32
      %and3A_2402 = vector.broadcast %and3A_2401 : i32 to vector<16xi32>
      %and3A_2403 = arith.andi %get3A_2400, %and3A_2402 : vector<16xi32>
      %swap3A_2404 = arith.constant 0 : i32
      %swap3A_2405 = arith.index_cast %swap3A_2404 : i32 to index
      %swap3A_2406 = arith.constant 16 : index
      %swap3A_2407 = tpu.vector_load %arg6[%swap3A_2405, %swap3A_2406] {strides = array<i32>} : memref<4x128xi32, #tpu.memory_space<vmem>>, vector<1x16xi32>,
      %swap3A_2408 = vector.shape_cast %swap3A_2407 : vector<1x16xi32> to vector<16xi32>
      %swap3A_2409 = vector.shape_cast %and3A_2403 : vector<16xi32> to vector<1x16xi32>
      tpu.vector_store %arg6[%swap3A_2405, %swap3A_2406], %swap3A_2409 {strides = array<i32>} : memref<4x128xi32, #tpu.memory_space<vmem>>, vector<1x16xi32>,
      %shift_right_logical3A_2410 = arith.constant 18 : i32
      %shift_right_logical3A_2411 = vector.broadcast %shift_right_logical3A_2410 : i32 to vector<16xi32>
      %shift_right_logical3A_2412 = arith.shrui %get3A_2400, %shift_right_logical3A_2411 : vector<16xi32>
      %swap3A_2413 = arith.constant 0 : i32
      %swap3A_2414 = arith.index_cast %swap3A_2413 : i32 to index
      %swap3A_2415 = arith.constant 16 : index
      %swap3A_2416 = tpu.vector_load %arg7[%swap3A_2414, %swap3A_2415] {strides = array<i32>} : memref<4x128xi32, #tpu.memory_space<vmem>>, vector<1x16xi32>,
      %swap3A_2417 = vector.shape_cast %swap3A_2416 : vector<1x16xi32> to vector<16xi32>
      %swap3A_2418 = vector.shape_cast %shift_right_logical3A_2412 : vector<16xi32> to vector<1x16xi32>
      tpu.vector_store %arg7[%swap3A_2414, %swap3A_2415], %swap3A_2418 {strides = array<i32>} : memref<4x128xi32, #tpu.memory_space<vmem>>, vector<1x16xi32>,
      %get3A_2419 = arith.index_cast %add3A_2374 : i32 to index
      %get3A_2420 = arith.constant 32 : index
      %get3A_2421 = tpu.vector_load %arg5[%get3A_2419, %get3A_2420] {strides = array<i32>} : memref<80x128xi32, #tpu.memory_space<vmem>>, vector<1x16xi32>,
      %get3A_2422 = vector.shape_cast %get3A_2421 : vector<1x16xi32> to vector<16xi32>
      %and3A_2423 = arith.constant 262143 : i32
      %and3A_2424 = vector.broadcast %and3A_2423 : i32 to vector<16xi32>
      %and3A_2425 = arith.andi %get3A_2422, %and3A_2424 : vector<16xi32>
      %swap3A_2426 = arith.constant 0 : i32
      %swap3A_2427 = arith.index_cast %swap3A_2426 : i32 to index
      %swap3A_2428 = arith.constant 32 : index
      %swap3A_2429 = tpu.vector_load %arg6[%swap3A_2427, %swap3A_2428] {strides = array<i32>} : memref<4x128xi32, #tpu.memory_space<vmem>>, vector<1x16xi32>,
      %swap3A_2430 = vector.shape_cast %swap3A_2429 : vector<1x16xi32> to vector<16xi32>
      %swap3A_2431 = vector.shape_cast %and3A_2425 : vector<16xi32> to vector<1x16xi32>
      tpu.vector_store %arg6[%swap3A_2427, %swap3A_2428], %swap3A_2431 {strides = array<i32>} : memref<4x128xi32, #tpu.memory_space<vmem>>, vector<1x16xi32>,
      %shift_right_logical3A_2432 = arith.constant 18 : i32
      %shift_right_logical3A_2433 = vector.broadcast %shift_right_logical3A_2432 : i32 to vector<16xi32>
      %shift_right_logical3A_2434 = arith.shrui %get3A_2422, %shift_right_logical3A_2433 : vector<16xi32>
      %swap3A_2435 = arith.constant 0 : i32
      %swap3A_2436 = arith.index_cast %swap3A_2435 : i32 to index
      %swap3A_2437 = arith.constant 32 : index
      %swap3A_2438 = tpu.vector_load %arg7[%swap3A_2436, %swap3A_2437] {strides = array<i32>} : memref<4x128xi32, #tpu.memory_space<vmem>>, vector<1x16xi32>,
      %swap3A_2439 = vector.shape_cast %swap3A_2438 : vector<1x16xi32> to vector<16xi32>
      %swap3A_2440 = vector.shape_cast %shift_right_logical3A_2434 : vector<16xi32> to vector<1x16xi32>
      tpu.vector_store %arg7[%swap3A_2436, %swap3A_2437], %swap3A_2440 {strides = array<i32>} : memref<4x128xi32, #tpu.memory_space<vmem>>, vector<1x16xi32>,
      %get3A_2441 = arith.index_cast %add3A_2374 : i32 to index
      %get3A_2442 = arith.constant 48 : index
      %get3A_2443 = tpu.vector_load %arg5[%get3A_2441, %get3A_2442] {strides = array<i32>} : memref<80x128xi32, #tpu.memory_space<vmem>>, vector<1x16xi32>,
      %get3A_2444 = vector.shape_cast %get3A_2443 : vector<1x16xi32> to vector<16xi32>
      %and3A_2445 = arith.constant 262143 : i32
      %and3A_2446 = vector.broadcast %and3A_2445 : i32 to vector<16xi32>
      %and3A_2447 = arith.andi %get3A_2444, %and3A_2446 : vector<16xi32>
      %swap3A_2448 = arith.constant 0 : i32
      %swap3A_2449 = arith.index_cast %swap3A_2448 : i32 to index
      %swap3A_2450 = arith.constant 48 : index
      %swap3A_2451 = tpu.vector_load %arg6[%swap3A_2449, %swap3A_2450] {strides = array<i32>} : memref<4x128xi32, #tpu.memory_space<vmem>>, vector<1x16xi32>,
      %swap3A_2452 = vector.shape_cast %swap3A_2451 : vector<1x16xi32> to vector<16xi32>
      %swap3A_2453 = vector.shape_cast %and3A_2447 : vector<16xi32> to vector<1x16xi32>
      tpu.vector_store %arg6[%swap3A_2449, %swap3A_2450], %swap3A_2453 {strides = array<i32>} : memref<4x128xi32, #tpu.memory_space<vmem>>, vector<1x16xi32>,
      %shift_right_logical3A_2454 = arith.constant 18 : i32
      %shift_right_logical3A_2455 = vector.broadcast %shift_right_logical3A_2454 : i32 to vector<16xi32>
      %shift_right_logical3A_2456 = arith.shrui %get3A_2444, %shift_right_logical3A_2455 : vector<16xi32>
      %swap3A_2457 = arith.constant 0 : i32
      %swap3A_2458 = arith.index_cast %swap3A_2457 : i32 to index
      %swap3A_2459 = arith.constant 48 : index
      %swap3A_2460 = tpu.vector_load %arg7[%swap3A_2458, %swap3A_2459] {strides = array<i32>} : memref<4x128xi32, #tpu.memory_space<vmem>>, vector<1x16xi32>,
      %swap3A_2461 = vector.shape_cast %swap3A_2460 : vector<1x16xi32> to vector<16xi32>
      %swap3A_2462 = vector.shape_cast %shift_right_logical3A_2456 : vector<16xi32> to vector<1x16xi32>
      tpu.vector_store %arg7[%swap3A_2458, %swap3A_2459], %swap3A_2462 {strides = array<i32>} : memref<4x128xi32, #tpu.memory_space<vmem>>, vector<1x16xi32>,
      %get3A_2463 = arith.index_cast %add3A_2374 : i32 to index
      %get3A_2464 = arith.constant 64 : index
      %get3A_2465 = tpu.vector_load %arg5[%get3A_2463, %get3A_2464] {strides = array<i32>} : memref<80x128xi32, #tpu.memory_space<vmem>>, vector<1x16xi32>,
      %get3A_2466 = vector.shape_cast %get3A_2465 : vector<1x16xi32> to vector<16xi32>
      %and3A_2467 = arith.constant 262143 : i32
      %and3A_2468 = vector.broadcast %and3A_2467 : i32 to vector<16xi32>
      %and3A_2469 = arith.andi %get3A_2466, %and3A_2468 : vector<16xi32>
      %swap3A_2470 = arith.constant 0 : i32
      %swap3A_2471 = arith.index_cast %swap3A_2470 : i32 to index
      %swap3A_2472 = arith.constant 64 : index
      %swap3A_2473 = tpu.vector_load %arg6[%swap3A_2471, %swap3A_2472] {strides = array<i32>} : memref<4x128xi32, #tpu.memory_space<vmem>>, vector<1x16xi32>,
      %swap3A_2474 = vector.shape_cast %swap3A_2473 : vector<1x16xi32> to vector<16xi32>
      %swap3A_2475 = vector.shape_cast %and3A_2469 : vector<16xi32> to vector<1x16xi32>
      tpu.vector_store %arg6[%swap3A_2471, %swap3A_2472], %swap3A_2475 {strides = array<i32>} : memref<4x128xi32, #tpu.memory_space<vmem>>, vector<1x16xi32>,
      %shift_right_logical3A_2476 = arith.constant 18 : i32
      %shift_right_logical3A_2477 = vector.broadcast %shift_right_logical3A_2476 : i32 to vector<16xi32>
      %shift_right_logical3A_2478 = arith.shrui %get3A_2466, %shift_right_logical3A_2477 : vector<16xi32>
      %swap3A_2479 = arith.constant 0 : i32
      %swap3A_2480 = arith.index_cast %swap3A_2479 : i32 to index
      %swap3A_2481 = arith.constant 64 : index
      %swap3A_2482 = tpu.vector_load %arg7[%swap3A_2480, %swap3A_2481] {strides = array<i32>} : memref<4x128xi32, #tpu.memory_space<vmem>>, vector<1x16xi32>,
      %swap3A_2483 = vector.shape_cast %swap3A_2482 : vector<1x16xi32> to vector<16xi32>
      %swap3A_2484 = vector.shape_cast %shift_right_logical3A_2478 : vector<16xi32> to vector<1x16xi32>
      tpu.vector_store %arg7[%swap3A_2480, %swap3A_2481], %swap3A_2484 {strides = array<i32>} : memref<4x128xi32, #tpu.memory_space<vmem>>, vector<1x16xi32>,
      %get3A_2485 = arith.index_cast %add3A_2374 : i32 to index
      %get3A_2486 = arith.constant 80 : index
      %get3A_2487 = tpu.vector_load %arg5[%get3A_2485, %get3A_2486] {strides = array<i32>} : memref<80x128xi32, #tpu.memory_space<vmem>>, vector<1x16xi32>,
      %get3A_2488 = vector.shape_cast %get3A_2487 : vector<1x16xi32> to vector<16xi32>
      %and3A_2489 = arith.constant 262143 : i32
      %and3A_2490 = vector.broadcast %and3A_2489 : i32 to vector<16xi32>
      %and3A_2491 = arith.andi %get3A_2488, %and3A_2490 : vector<16xi32>
      %swap3A_2492 = arith.constant 0 : i32
      %swap3A_2493 = arith.index_cast %swap3A_2492 : i32 to index
      %swap3A_2494 = arith.constant 80 : index
      %swap3A_2495 = tpu.vector_load %arg6[%swap3A_2493, %swap3A_2494] {strides = array<i32>} : memref<4x128xi32, #tpu.memory_space<vmem>>, vector<1x16xi32>,
      %swap3A_2496 = vector.shape_cast %swap3A_2495 : vector<1x16xi32> to vector<16xi32>
      %swap3A_2497 = vector.shape_cast %and3A_2491 : vector<16xi32> to vector<1x16xi32>
      tpu.vector_store %arg6[%swap3A_2493, %swap3A_2494], %swap3A_2497 {strides = array<i32>} : memref<4x128xi32, #tpu.memory_space<vmem>>, vector<1x16xi32>,
      %shift_right_logical3A_2498 = arith.constant 18 : i32
      %shift_right_logical3A_2499 = vector.broadcast %shift_right_logical3A_2498 : i32 to vector<16xi32>
      %shift_right_logical3A_2500 = arith.shrui %get3A_2488, %shift_right_logical3A_2499 : vector<16xi32>
      %swap3A_2501 = arith.constant 0 : i32
      %swap3A_2502 = arith.index_cast %swap3A_2501 : i32 to index
      %swap3A_2503 = arith.constant 80 : index
      %swap3A_2504 = tpu.vector_load %arg7[%swap3A_2502, %swap3A_2503] {strides = array<i32>} : memref<4x128xi32, #tpu.memory_space<vmem>>, vector<1x16xi32>,
      %swap3A_2505 = vector.shape_cast %swap3A_2504 : vector<1x16xi32> to vector<16xi32>
      %swap3A_2506 = vector.shape_cast %shift_right_logical3A_2500 : vector<16xi32> to vector<1x16xi32>
      tpu.vector_store %arg7[%swap3A_2502, %swap3A_2503], %swap3A_2506 {strides = array<i32>} : memref<4x128xi32, #tpu.memory_space<vmem>>, vector<1x16xi32>,
      %get3A_2507 = arith.index_cast %add3A_2374 : i32 to index
      %get3A_2508 = arith.constant 96 : index
      %get3A_2509 = tpu.vector_load %arg5[%get3A_2507, %get3A_2508] {strides = array<i32>} : memref<80x128xi32, #tpu.memory_space<vmem>>, vector<1x16xi32>,
      %get3A_2510 = vector.shape_cast %get3A_2509 : vector<1x16xi32> to vector<16xi32>
      %and3A_2511 = arith.constant 262143 : i32
      %and3A_2512 = vector.broadcast %and3A_2511 : i32 to vector<16xi32>
      %and3A_2513 = arith.andi %get3A_2510, %and3A_2512 : vector<16xi32>
      %swap3A_2514 = arith.constant 0 : i32
      %swap3A_2515 = arith.index_cast %swap3A_2514 : i32 to index
      %swap3A_2516 = arith.constant 96 : index
      %swap3A_2517 = tpu.vector_load %arg6[%swap3A_2515, %swap3A_2516] {strides = array<i32>} : memref<4x128xi32, #tpu.memory_space<vmem>>, vector<1x16xi32>,
      %swap3A_2518 = vector.shape_cast %swap3A_2517 : vector<1x16xi32> to vector<16xi32>
      %swap3A_2519 = vector.shape_cast %and3A_2513 : vector<16xi32> to vector<1x16xi32>
      tpu.vector_store %arg6[%swap3A_2515, %swap3A_2516], %swap3A_2519 {strides = array<i32>} : memref<4x128xi32, #tpu.memory_space<vmem>>, vector<1x16xi32>,
      %shift_right_logical3A_2520 = arith.constant 18 : i32
      %shift_right_logical3A_2521 = vector.broadcast %shift_right_logical3A_2520 : i32 to vector<16xi32>
      %shift_right_logical3A_2522 = arith.shrui %get3A_2510, %shift_right_logical3A_2521 : vector<16xi32>
      %swap3A_2523 = arith.constant 0 : i32
      %swap3A_2524 = arith.index_cast %swap3A_2523 : i32 to index
      %swap3A_2525 = arith.constant 96 : index
      %swap3A_2526 = tpu.vector_load %arg7[%swap3A_2524, %swap3A_2525] {strides = array<i32>} : memref<4x128xi32, #tpu.memory_space<vmem>>, vector<1x16xi32>,
      %swap3A_2527 = vector.shape_cast %swap3A_2526 : vector<1x16xi32> to vector<16xi32>
      %swap3A_2528 = vector.shape_cast %shift_right_logical3A_2522 : vector<16xi32> to vector<1x16xi32>
      tpu.vector_store %arg7[%swap3A_2524, %swap3A_2525], %swap3A_2528 {strides = array<i32>} : memref<4x128xi32, #tpu.memory_space<vmem>>, vector<1x16xi32>,
      %get3A_2529 = arith.index_cast %add3A_2374 : i32 to index
      %get3A_2530 = arith.constant 112 : index
      %get3A_2531 = tpu.vector_load %arg5[%get3A_2529, %get3A_2530] {strides = array<i32>} : memref<80x128xi32, #tpu.memory_space<vmem>>, vector<1x16xi32>,
      %get3A_2532 = vector.shape_cast %get3A_2531 : vector<1x16xi32> to vector<16xi32>
      %and3A_2533 = arith.constant 262143 : i32
      %and3A_2534 = vector.broadcast %and3A_2533 : i32 to vector<16xi32>
      %and3A_2535 = arith.andi %get3A_2532, %and3A_2534 : vector<16xi32>
      %swap3A_2536 = arith.constant 0 : i32
      %swap3A_2537 = arith.index_cast %swap3A_2536 : i32 to index
      %swap3A_2538 = arith.constant 112 : index
      %swap3A_2539 = tpu.vector_load %arg6[%swap3A_2537, %swap3A_2538] {strides = array<i32>} : memref<4x128xi32, #tpu.memory_space<vmem>>, vector<1x16xi32>,
      %swap3A_2540 = vector.shape_cast %swap3A_2539 : vector<1x16xi32> to vector<16xi32>
      %swap3A_2541 = vector.shape_cast %and3A_2535 : vector<16xi32> to vector<1x16xi32>
      tpu.vector_store %arg6[%swap3A_2537, %swap3A_2538], %swap3A_2541 {strides = array<i32>} : memref<4x128xi32, #tpu.memory_space<vmem>>, vector<1x16xi32>,
      %shift_right_logical3A_2542 = arith.constant 18 : i32
      %shift_right_logical3A_2543 = vector.broadcast %shift_right_logical3A_2542 : i32 to vector<16xi32>
      %shift_right_logical3A_2544 = arith.shrui %get3A_2532, %shift_right_logical3A_2543 : vector<16xi32>
      %swap3A_2545 = arith.constant 0 : i32
      %swap3A_2546 = arith.index_cast %swap3A_2545 : i32 to index
      %swap3A_2547 = arith.constant 112 : index
      %swap3A_2548 = tpu.vector_load %arg7[%swap3A_2546, %swap3A_2547] {strides = array<i32>} : memref<4x128xi32, #tpu.memory_space<vmem>>, vector<1x16xi32>,
      %swap3A_2549 = vector.shape_cast %swap3A_2548 : vector<1x16xi32> to vector<16xi32>
      %swap3A_2550 = vector.shape_cast %shift_right_logical3A_2544 : vector<16xi32> to vector<1x16xi32>
      tpu.vector_store %arg7[%swap3A_2546, %swap3A_2547], %swap3A_2550 {strides = array<i32>} : memref<4x128xi32, #tpu.memory_space<vmem>>, vector<1x16xi32>,
      %dma_wait3A_2551 = arith.constant 0 : i32
      %dma_wait3A_2552 = arith.constant 0 : i32
      %dma_wait3A_2553 = tpu.memref_slice %arg7[%dma_wait3A_2551, %dma_wait3A_2552] : memref<4x128xi32, #tpu.memory_space<vmem>> -> memref<1x128xi32, #tpu.memory_space<vmem>>
      %dma_wait3A_2554 = tpu.memref_squeeze %dma_wait3A_2553 : memref<1x128xi32, #tpu.memory_space<vmem>> -> memref<128xi32, #tpu.memory_space<vmem>>
      %dma_wait3A_2555 = arith.constant 0 : i32
      %dma_wait3A_2556 = arith.constant 0 : i32
      %dma_wait3A_2557 = tpu.memref_slice %arg10[%dma_wait3A_2555, %dma_wait3A_2556] : memref<10128x128xf32, #tpu.memory_space<vmem_shared>> -> memref<10128x128xf32, #tpu.memory_space<vmem_shared>>
      tpu.wait_indirect_dma semaphore(%arg13 : memref<!tpu.dma_semaphore, #tpu.memory_space<semaphore_mem>>) src(%arg8 : memref<128x128xf32, #tpu.memory_space<vmem>>) dst(%dma_wait3A_2557 : memref<10128x128xf32, #tpu.memory_space<vmem_shared>>)
      %dma_start3A_2558 = arith.constant 0 : i32
      %dma_start3A_2559 = arith.constant 0 : i32
      %dma_start3A_2560 = tpu.memref_slice %arg6[%dma_start3A_2558, %dma_start3A_2559] : memref<4x128xi32, #tpu.memory_space<vmem>> -> memref<1x128xi32, #tpu.memory_space<vmem>>
      %dma_start3A_2561 = tpu.memref_squeeze %dma_start3A_2560 : memref<1x128xi32, #tpu.memory_space<vmem>> -> memref<128xi32, #tpu.memory_space<vmem>>
      %dma_start3A_2562 = arith.constant 0 : i32
      %dma_start3A_2563 = arith.constant 0 : i32
      %dma_start3A_2564 = tpu.memref_slice %arg2[%dma_start3A_2562, %dma_start3A_2563] : memref<160000x128xf32, #tpu.memory_space<hbm>> -> memref<160000x128xf32, #tpu.memory_space<hbm>>
      tpu.enqueue_indirect_dma source(%dma_start3A_2564 : memref<160000x128xf32, #tpu.memory_space<hbm>>) target(%arg8 : memref<128x128xf32, #tpu.memory_space<vmem>>) offsets(%dma_start3A_2561 : memref<128xi32, #tpu.memory_space<vmem>>) semaphore(%arg11 : memref<!tpu.dma_semaphore, #tpu.memory_space<semaphore_mem>>)
    }
    %scan3A_1053 = arith.constant 18 : i32
    %dma_wait3A_1054 = arith.constant 0 : i32
    %dma_wait3A_1055 = arith.constant 0 : i32
    %dma_wait3A_1056 = tpu.memref_slice %arg6[%dma_wait3A_1054, %dma_wait3A_1055] : memref<4x128xi32, #tpu.memory_space<vmem>> -> memref<1x128xi32, #tpu.memory_space<vmem>>
    %dma_wait3A_1057 = tpu.memref_squeeze %dma_wait3A_1056 : memref<1x128xi32, #tpu.memory_space<vmem>> -> memref<128xi32, #tpu.memory_space<vmem>>
    %dma_wait3A_1058 = arith.constant 0 : i32
    %dma_wait3A_1059 = arith.constant 0 : i32
    %dma_wait3A_1060 = tpu.memref_slice %arg2[%dma_wait3A_1058, %dma_wait3A_1059] : memref<160000x128xf32, #tpu.memory_space<hbm>> -> memref<160000x128xf32, #tpu.memory_space<hbm>>
    tpu.wait_indirect_dma semaphore(%arg11 : memref<!tpu.dma_semaphore, #tpu.memory_space<semaphore_mem>>) src(%dma_wait3A_1060 : memref<160000x128xf32, #tpu.memory_space<hbm>>) dst(%arg8 : memref<128x128xf32, #tpu.memory_space<vmem>>)
    %dma_start3A_1061 = arith.constant 0 : i32
    %dma_start3A_1062 = arith.constant 0 : i32
    %dma_start3A_1063 = tpu.memref_slice %arg7[%dma_start3A_1061, %dma_start3A_1062] : memref<4x128xi32, #tpu.memory_space<vmem>> -> memref<1x128xi32, #tpu.memory_space<vmem>>
    %dma_start3A_1064 = tpu.memref_squeeze %dma_start3A_1063 : memref<1x128xi32, #tpu.memory_space<vmem>> -> memref<128xi32, #tpu.memory_space<vmem>>
    %dma_start3A_1065 = arith.constant 0 : i32
    %dma_start3A_1066 = arith.constant 0 : i32
    %dma_start3A_1067 = tpu.memref_slice %arg10[%dma_start3A_1065, %dma_start3A_1066] : memref<10128x128xf32, #tpu.memory_space<vmem_shared>> -> memref<10128x128xf32, #tpu.memory_space<vmem_shared>>
    tpu.enqueue_indirect_dma source(%arg8 : memref<128x128xf32, #tpu.memory_space<vmem>>) target(%dma_start3A_1067 : memref<10128x128xf32, #tpu.memory_space<vmem_shared>>) offsets(%dma_start3A_1064 : memref<128xi32, #tpu.memory_space<vmem>>) semaphore(%arg13 : memref<!tpu.dma_semaphore, #tpu.memory_space<semaphore_mem>>) {add = true}
    %get3A_1068 = arith.constant 77 : i32
    %get3A_1069 = arith.index_cast %get3A_1068 : i32 to index
    %get3A_1070 = arith.constant 0 : index
    %get3A_1071 = tpu.vector_load %arg5[%get3A_1069, %get3A_1070] {strides = array<i32>} : memref<80x128xi32, #tpu.memory_space<vmem>>, vector<1x16xi32>,
    %get3A_1072 = vector.shape_cast %get3A_1071 : vector<1x16xi32> to vector<16xi32>
    %and3A_1073 = arith.constant 262143 : i32
    %and3A_1074 = vector.broadcast %and3A_1073 : i32 to vector<16xi32>
    %and3A_1075 = arith.andi %get3A_1072, %and3A_1074 : vector<16xi32>
    %swap3A_1076 = arith.constant 1 : i32
    %swap3A_1077 = arith.index_cast %swap3A_1076 : i32 to index
    %swap3A_1078 = arith.constant 0 : index
    %swap3A_1079 = tpu.vector_load %arg6[%swap3A_1077, %swap3A_1078] {strides = array<i32>} : memref<4x128xi32, #tpu.memory_space<vmem>>, vector<1x16xi32>,
    %swap3A_1080 = vector.shape_cast %swap3A_1079 : vector<1x16xi32> to vector<16xi32>
    %swap3A_1081 = vector.shape_cast %and3A_1075 : vector<16xi32> to vector<1x16xi32>
    tpu.vector_store %arg6[%swap3A_1077, %swap3A_1078], %swap3A_1081 {strides = array<i32>} : memref<4x128xi32, #tpu.memory_space<vmem>>, vector<1x16xi32>,
    %shift_right_logical3A_1082 = arith.constant 18 : i32
    %shift_right_logical3A_1083 = vector.broadcast %shift_right_logical3A_1082 : i32 to vector<16xi32>
    %shift_right_logical3A_1084 = arith.shrui %get3A_1072, %shift_right_logical3A_1083 : vector<16xi32>
    %swap3A_1085 = arith.constant 1 : i32
    %swap3A_1086 = arith.index_cast %swap3A_1085 : i32 to index
    %swap3A_1087 = arith.constant 0 : index
    %swap3A_1088 = tpu.vector_load %arg7[%swap3A_1086, %swap3A_1087] {strides = array<i32>} : memref<4x128xi32, #tpu.memory_space<vmem>>, vector<1x16xi32>,
    %swap3A_1089 = vector.shape_cast %swap3A_1088 : vector<1x16xi32> to vector<16xi32>
    %swap3A_1090 = vector.shape_cast %shift_right_logical3A_1084 : vector<16xi32> to vector<1x16xi32>
    tpu.vector_store %arg7[%swap3A_1086, %swap3A_1087], %swap3A_1090 {strides = array<i32>} : memref<4x128xi32, #tpu.memory_space<vmem>>, vector<1x16xi32>,
    %get3A_1091 = arith.constant 77 : i32
    %get3A_1092 = arith.index_cast %get3A_1091 : i32 to index
    %get3A_1093 = arith.constant 16 : index
    %get3A_1094 = tpu.vector_load %arg5[%get3A_1092, %get3A_1093] {strides = array<i32>} : memref<80x128xi32, #tpu.memory_space<vmem>>, vector<1x16xi32>,
    %get3A_1095 = vector.shape_cast %get3A_1094 : vector<1x16xi32> to vector<16xi32>
    %and3A_1096 = arith.constant 262143 : i32
    %and3A_1097 = vector.broadcast %and3A_1096 : i32 to vector<16xi32>
    %and3A_1098 = arith.andi %get3A_1095, %and3A_1097 : vector<16xi32>
    %swap3A_1099 = arith.constant 1 : i32
    %swap3A_1100 = arith.index_cast %swap3A_1099 : i32 to index
    %swap3A_1101 = arith.constant 16 : index
    %swap3A_1102 = tpu.vector_load %arg6[%swap3A_1100, %swap3A_1101] {strides = array<i32>} : memref<4x128xi32, #tpu.memory_space<vmem>>, vector<1x16xi32>,
    %swap3A_1103 = vector.shape_cast %swap3A_1102 : vector<1x16xi32> to vector<16xi32>
    %swap3A_1104 = vector.shape_cast %and3A_1098 : vector<16xi32> to vector<1x16xi32>
    tpu.vector_store %arg6[%swap3A_1100, %swap3A_1101], %swap3A_1104 {strides = array<i32>} : memref<4x128xi32, #tpu.memory_space<vmem>>, vector<1x16xi32>,
    %shift_right_logical3A_1105 = arith.constant 18 : i32
    %shift_right_logical3A_1106 = vector.broadcast %shift_right_logical3A_1105 : i32 to vector<16xi32>
    %shift_right_logical3A_1107 = arith.shrui %get3A_1095, %shift_right_logical3A_1106 : vector<16xi32>
    %swap3A_1108 = arith.constant 1 : i32
    %swap3A_1109 = arith.index_cast %swap3A_1108 : i32 to index
    %swap3A_1110 = arith.constant 16 : index
    %swap3A_1111 = tpu.vector_load %arg7[%swap3A_1109, %swap3A_1110] {strides = array<i32>} : memref<4x128xi32, #tpu.memory_space<vmem>>, vector<1x16xi32>,
    %swap3A_1112 = vector.shape_cast %swap3A_1111 : vector<1x16xi32> to vector<16xi32>
    %swap3A_1113 = vector.shape_cast %shift_right_logical3A_1107 : vector<16xi32> to vector<1x16xi32>
    tpu.vector_store %arg7[%swap3A_1109, %swap3A_1110], %swap3A_1113 {strides = array<i32>} : memref<4x128xi32, #tpu.memory_space<vmem>>, vector<1x16xi32>,
    %get3A_1114 = arith.constant 77 : i32
    %get3A_1115 = arith.index_cast %get3A_1114 : i32 to index
    %get3A_1116 = arith.constant 32 : index
    %get3A_1117 = tpu.vector_load %arg5[%get3A_1115, %get3A_1116] {strides = array<i32>} : memref<80x128xi32, #tpu.memory_space<vmem>>, vector<1x16xi32>,
    %get3A_1118 = vector.shape_cast %get3A_1117 : vector<1x16xi32> to vector<16xi32>
    %and3A_1119 = arith.constant 262143 : i32
    %and3A_1120 = vector.broadcast %and3A_1119 : i32 to vector<16xi32>
    %and3A_1121 = arith.andi %get3A_1118, %and3A_1120 : vector<16xi32>
    %swap3A_1122 = arith.constant 1 : i32
    %swap3A_1123 = arith.index_cast %swap3A_1122 : i32 to index
    %swap3A_1124 = arith.constant 32 : index
    %swap3A_1125 = tpu.vector_load %arg6[%swap3A_1123, %swap3A_1124] {strides = array<i32>} : memref<4x128xi32, #tpu.memory_space<vmem>>, vector<1x16xi32>,
    %swap3A_1126 = vector.shape_cast %swap3A_1125 : vector<1x16xi32> to vector<16xi32>
    %swap3A_1127 = vector.shape_cast %and3A_1121 : vector<16xi32> to vector<1x16xi32>
    tpu.vector_store %arg6[%swap3A_1123, %swap3A_1124], %swap3A_1127 {strides = array<i32>} : memref<4x128xi32, #tpu.memory_space<vmem>>, vector<1x16xi32>,
    %shift_right_logical3A_1128 = arith.constant 18 : i32
    %shift_right_logical3A_1129 = vector.broadcast %shift_right_logical3A_1128 : i32 to vector<16xi32>
    %shift_right_logical3A_1130 = arith.shrui %get3A_1118, %shift_right_logical3A_1129 : vector<16xi32>
    %swap3A_1131 = arith.constant 1 : i32
    %swap3A_1132 = arith.index_cast %swap3A_1131 : i32 to index
    %swap3A_1133 = arith.constant 32 : index
    %swap3A_1134 = tpu.vector_load %arg7[%swap3A_1132, %swap3A_1133] {strides = array<i32>} : memref<4x128xi32, #tpu.memory_space<vmem>>, vector<1x16xi32>,
    %swap3A_1135 = vector.shape_cast %swap3A_1134 : vector<1x16xi32> to vector<16xi32>
    %swap3A_1136 = vector.shape_cast %shift_right_logical3A_1130 : vector<16xi32> to vector<1x16xi32>
    tpu.vector_store %arg7[%swap3A_1132, %swap3A_1133], %swap3A_1136 {strides = array<i32>} : memref<4x128xi32, #tpu.memory_space<vmem>>, vector<1x16xi32>,
    %get3A_1137 = arith.constant 77 : i32
    %get3A_1138 = arith.index_cast %get3A_1137 : i32 to index
    %get3A_1139 = arith.constant 48 : index
    %get3A_1140 = tpu.vector_load %arg5[%get3A_1138, %get3A_1139] {strides = array<i32>} : memref<80x128xi32, #tpu.memory_space<vmem>>, vector<1x16xi32>,
    %get3A_1141 = vector.shape_cast %get3A_1140 : vector<1x16xi32> to vector<16xi32>
    %and3A_1142 = arith.constant 262143 : i32
    %and3A_1143 = vector.broadcast %and3A_1142 : i32 to vector<16xi32>
    %and3A_1144 = arith.andi %get3A_1141, %and3A_1143 : vector<16xi32>
    %swap3A_1145 = arith.constant 1 : i32
    %swap3A_1146 = arith.index_cast %swap3A_1145 : i32 to index
    %swap3A_1147 = arith.constant 48 : index
    %swap3A_1148 = tpu.vector_load %arg6[%swap3A_1146, %swap3A_1147] {strides = array<i32>} : memref<4x128xi32, #tpu.memory_space<vmem>>, vector<1x16xi32>,
    %swap3A_1149 = vector.shape_cast %swap3A_1148 : vector<1x16xi32> to vector<16xi32>
    %swap3A_1150 = vector.shape_cast %and3A_1144 : vector<16xi32> to vector<1x16xi32>
    tpu.vector_store %arg6[%swap3A_1146, %swap3A_1147], %swap3A_1150 {strides = array<i32>} : memref<4x128xi32, #tpu.memory_space<vmem>>, vector<1x16xi32>,
    %shift_right_logical3A_1151 = arith.constant 18 : i32
    %shift_right_logical3A_1152 = vector.broadcast %shift_right_logical3A_1151 : i32 to vector<16xi32>
    %shift_right_logical3A_1153 = arith.shrui %get3A_1141, %shift_right_logical3A_1152 : vector<16xi32>
    %swap3A_1154 = arith.constant 1 : i32
    %swap3A_1155 = arith.index_cast %swap3A_1154 : i32 to index
    %swap3A_1156 = arith.constant 48 : index
    %swap3A_1157 = tpu.vector_load %arg7[%swap3A_1155, %swap3A_1156] {strides = array<i32>} : memref<4x128xi32, #tpu.memory_space<vmem>>, vector<1x16xi32>,
    %swap3A_1158 = vector.shape_cast %swap3A_1157 : vector<1x16xi32> to vector<16xi32>
    %swap3A_1159 = vector.shape_cast %shift_right_logical3A_1153 : vector<16xi32> to vector<1x16xi32>
    tpu.vector_store %arg7[%swap3A_1155, %swap3A_1156], %swap3A_1159 {strides = array<i32>} : memref<4x128xi32, #tpu.memory_space<vmem>>, vector<1x16xi32>,
    %get3A_1160 = arith.constant 77 : i32
    %get3A_1161 = arith.index_cast %get3A_1160 : i32 to index
    %get3A_1162 = arith.constant 64 : index
    %get3A_1163 = tpu.vector_load %arg5[%get3A_1161, %get3A_1162] {strides = array<i32>} : memref<80x128xi32, #tpu.memory_space<vmem>>, vector<1x16xi32>,
    %get3A_1164 = vector.shape_cast %get3A_1163 : vector<1x16xi32> to vector<16xi32>
    %and3A_1165 = arith.constant 262143 : i32
    %and3A_1166 = vector.broadcast %and3A_1165 : i32 to vector<16xi32>
    %and3A_1167 = arith.andi %get3A_1164, %and3A_1166 : vector<16xi32>
    %swap3A_1168 = arith.constant 1 : i32
    %swap3A_1169 = arith.index_cast %swap3A_1168 : i32 to index
    %swap3A_1170 = arith.constant 64 : index
    %swap3A_1171 = tpu.vector_load %arg6[%swap3A_1169, %swap3A_1170] {strides = array<i32>} : memref<4x128xi32, #tpu.memory_space<vmem>>, vector<1x16xi32>,
    %swap3A_1172 = vector.shape_cast %swap3A_1171 : vector<1x16xi32> to vector<16xi32>
    %swap3A_1173 = vector.shape_cast %and3A_1167 : vector<16xi32> to vector<1x16xi32>
    tpu.vector_store %arg6[%swap3A_1169, %swap3A_1170], %swap3A_1173 {strides = array<i32>} : memref<4x128xi32, #tpu.memory_space<vmem>>, vector<1x16xi32>,
    %shift_right_logical3A_1174 = arith.constant 18 : i32
    %shift_right_logical3A_1175 = vector.broadcast %shift_right_logical3A_1174 : i32 to vector<16xi32>
    %shift_right_logical3A_1176 = arith.shrui %get3A_1164, %shift_right_logical3A_1175 : vector<16xi32>
    %swap3A_1177 = arith.constant 1 : i32
    %swap3A_1178 = arith.index_cast %swap3A_1177 : i32 to index
    %swap3A_1179 = arith.constant 64 : index
    %swap3A_1180 = tpu.vector_load %arg7[%swap3A_1178, %swap3A_1179] {strides = array<i32>} : memref<4x128xi32, #tpu.memory_space<vmem>>, vector<1x16xi32>,
    %swap3A_1181 = vector.shape_cast %swap3A_1180 : vector<1x16xi32> to vector<16xi32>
    %swap3A_1182 = vector.shape_cast %shift_right_logical3A_1176 : vector<16xi32> to vector<1x16xi32>
    tpu.vector_store %arg7[%swap3A_1178, %swap3A_1179], %swap3A_1182 {strides = array<i32>} : memref<4x128xi32, #tpu.memory_space<vmem>>, vector<1x16xi32>,
    %get3A_1183 = arith.constant 77 : i32
    %get3A_1184 = arith.index_cast %get3A_1183 : i32 to index
    %get3A_1185 = arith.constant 80 : index
    %get3A_1186 = tpu.vector_load %arg5[%get3A_1184, %get3A_1185] {strides = array<i32>} : memref<80x128xi32, #tpu.memory_space<vmem>>, vector<1x16xi32>,
    %get3A_1187 = vector.shape_cast %get3A_1186 : vector<1x16xi32> to vector<16xi32>
    %and3A_1188 = arith.constant 262143 : i32
    %and3A_1189 = vector.broadcast %and3A_1188 : i32 to vector<16xi32>
    %and3A_1190 = arith.andi %get3A_1187, %and3A_1189 : vector<16xi32>
    %swap3A_1191 = arith.constant 1 : i32
    %swap3A_1192 = arith.index_cast %swap3A_1191 : i32 to index
    %swap3A_1193 = arith.constant 80 : index
    %swap3A_1194 = tpu.vector_load %arg6[%swap3A_1192, %swap3A_1193] {strides = array<i32>} : memref<4x128xi32, #tpu.memory_space<vmem>>, vector<1x16xi32>,
    %swap3A_1195 = vector.shape_cast %swap3A_1194 : vector<1x16xi32> to vector<16xi32>
    %swap3A_1196 = vector.shape_cast %and3A_1190 : vector<16xi32> to vector<1x16xi32>
    tpu.vector_store %arg6[%swap3A_1192, %swap3A_1193], %swap3A_1196 {strides = array<i32>} : memref<4x128xi32, #tpu.memory_space<vmem>>, vector<1x16xi32>,
    %shift_right_logical3A_1197 = arith.constant 18 : i32
    %shift_right_logical3A_1198 = vector.broadcast %shift_right_logical3A_1197 : i32 to vector<16xi32>
    %shift_right_logical3A_1199 = arith.shrui %get3A_1187, %shift_right_logical3A_1198 : vector<16xi32>
    %swap3A_1200 = arith.constant 1 : i32
    %swap3A_1201 = arith.index_cast %swap3A_1200 : i32 to index
    %swap3A_1202 = arith.constant 80 : index
    %swap3A_1203 = tpu.vector_load %arg7[%swap3A_1201, %swap3A_1202] {strides = array<i32>} : memref<4x128xi32, #tpu.memory_space<vmem>>, vector<1x16xi32>,
    %swap3A_1204 = vector.shape_cast %swap3A_1203 : vector<1x16xi32> to vector<16xi32>
    %swap3A_1205 = vector.shape_cast %shift_right_logical3A_1199 : vector<16xi32> to vector<1x16xi32>
    tpu.vector_store %arg7[%swap3A_1201, %swap3A_1202], %swap3A_1205 {strides = array<i32>} : memref<4x128xi32, #tpu.memory_space<vmem>>, vector<1x16xi32>,
    %get3A_1206 = arith.constant 77 : i32
    %get3A_1207 = arith.index_cast %get3A_1206 : i32 to index
    %get3A_1208 = arith.constant 96 : index
    %get3A_1209 = tpu.vector_load %arg5[%get3A_1207, %get3A_1208] {strides = array<i32>} : memref<80x128xi32, #tpu.memory_space<vmem>>, vector<1x16xi32>,
    %get3A_1210 = vector.shape_cast %get3A_1209 : vector<1x16xi32> to vector<16xi32>
    %and3A_1211 = arith.constant 262143 : i32
    %and3A_1212 = vector.broadcast %and3A_1211 : i32 to vector<16xi32>
    %and3A_1213 = arith.andi %get3A_1210, %and3A_1212 : vector<16xi32>
    %swap3A_1214 = arith.constant 1 : i32
    %swap3A_1215 = arith.index_cast %swap3A_1214 : i32 to index
    %swap3A_1216 = arith.constant 96 : index
    %swap3A_1217 = tpu.vector_load %arg6[%swap3A_1215, %swap3A_1216] {strides = array<i32>} : memref<4x128xi32, #tpu.memory_space<vmem>>, vector<1x16xi32>,
    %swap3A_1218 = vector.shape_cast %swap3A_1217 : vector<1x16xi32> to vector<16xi32>
    %swap3A_1219 = vector.shape_cast %and3A_1213 : vector<16xi32> to vector<1x16xi32>
    tpu.vector_store %arg6[%swap3A_1215, %swap3A_1216], %swap3A_1219 {strides = array<i32>} : memref<4x128xi32, #tpu.memory_space<vmem>>, vector<1x16xi32>,
    %shift_right_logical3A_1220 = arith.constant 18 : i32
    %shift_right_logical3A_1221 = vector.broadcast %shift_right_logical3A_1220 : i32 to vector<16xi32>
    %shift_right_logical3A_1222 = arith.shrui %get3A_1210, %shift_right_logical3A_1221 : vector<16xi32>
    %swap3A_1223 = arith.constant 1 : i32
    %swap3A_1224 = arith.index_cast %swap3A_1223 : i32 to index
    %swap3A_1225 = arith.constant 96 : index
    %swap3A_1226 = tpu.vector_load %arg7[%swap3A_1224, %swap3A_1225] {strides = array<i32>} : memref<4x128xi32, #tpu.memory_space<vmem>>, vector<1x16xi32>,
    %swap3A_1227 = vector.shape_cast %swap3A_1226 : vector<1x16xi32> to vector<16xi32>
    %swap3A_1228 = vector.shape_cast %shift_right_logical3A_1222 : vector<16xi32> to vector<1x16xi32>
    tpu.vector_store %arg7[%swap3A_1224, %swap3A_1225], %swap3A_1228 {strides = array<i32>} : memref<4x128xi32, #tpu.memory_space<vmem>>, vector<1x16xi32>,
    %get3A_1229 = arith.constant 77 : i32
    %get3A_1230 = arith.index_cast %get3A_1229 : i32 to index
    %get3A_1231 = arith.constant 112 : index
    %get3A_1232 = tpu.vector_load %arg5[%get3A_1230, %get3A_1231] {strides = array<i32>} : memref<80x128xi32, #tpu.memory_space<vmem>>, vector<1x16xi32>,
    %get3A_1233 = vector.shape_cast %get3A_1232 : vector<1x16xi32> to vector<16xi32>
    %and3A_1234 = arith.constant 262143 : i32
    %and3A_1235 = vector.broadcast %and3A_1234 : i32 to vector<16xi32>
    %and3A_1236 = arith.andi %get3A_1233, %and3A_1235 : vector<16xi32>
    %swap3A_1237 = arith.constant 1 : i32
    %swap3A_1238 = arith.index_cast %swap3A_1237 : i32 to index
    %swap3A_1239 = arith.constant 112 : index
    %swap3A_1240 = tpu.vector_load %arg6[%swap3A_1238, %swap3A_1239] {strides = array<i32>} : memref<4x128xi32, #tpu.memory_space<vmem>>, vector<1x16xi32>,
    %swap3A_1241 = vector.shape_cast %swap3A_1240 : vector<1x16xi32> to vector<16xi32>
    %swap3A_1242 = vector.shape_cast %and3A_1236 : vector<16xi32> to vector<1x16xi32>
    tpu.vector_store %arg6[%swap3A_1238, %swap3A_1239], %swap3A_1242 {strides = array<i32>} : memref<4x128xi32, #tpu.memory_space<vmem>>, vector<1x16xi32>,
    %shift_right_logical3A_1243 = arith.constant 18 : i32
    %shift_right_logical3A_1244 = vector.broadcast %shift_right_logical3A_1243 : i32 to vector<16xi32>
    %shift_right_logical3A_1245 = arith.shrui %get3A_1233, %shift_right_logical3A_1244 : vector<16xi32>
    %swap3A_1246 = arith.constant 1 : i32
    %swap3A_1247 = arith.index_cast %swap3A_1246 : i32 to index
    %swap3A_1248 = arith.constant 112 : index
    %swap3A_1249 = tpu.vector_load %arg7[%swap3A_1247, %swap3A_1248] {strides = array<i32>} : memref<4x128xi32, #tpu.memory_space<vmem>>, vector<1x16xi32>,
    %swap3A_1250 = vector.shape_cast %swap3A_1249 : vector<1x16xi32> to vector<16xi32>
    %swap3A_1251 = vector.shape_cast %shift_right_logical3A_1245 : vector<16xi32> to vector<1x16xi32>
    tpu.vector_store %arg7[%swap3A_1247, %swap3A_1248], %swap3A_1251 {strides = array<i32>} : memref<4x128xi32, #tpu.memory_space<vmem>>, vector<1x16xi32>,
    %dma_wait3A_1252 = arith.constant 0 : i32
    %dma_wait3A_1253 = arith.constant 0 : i32
    %dma_wait3A_1254 = tpu.memref_slice %arg7[%dma_wait3A_1252, %dma_wait3A_1253] : memref<4x128xi32, #tpu.memory_space<vmem>> -> memref<1x128xi32, #tpu.memory_space<vmem>>
    %dma_wait3A_1255 = tpu.memref_squeeze %dma_wait3A_1254 : memref<1x128xi32, #tpu.memory_space<vmem>> -> memref<128xi32, #tpu.memory_space<vmem>>
    %dma_wait3A_1256 = arith.constant 0 : i32
    %dma_wait3A_1257 = arith.constant 0 : i32
    %dma_wait3A_1258 = tpu.memref_slice %arg10[%dma_wait3A_1256, %dma_wait3A_1257] : memref<10128x128xf32, #tpu.memory_space<vmem_shared>> -> memref<10128x128xf32, #tpu.memory_space<vmem_shared>>
    tpu.wait_indirect_dma semaphore(%arg14 : memref<!tpu.dma_semaphore, #tpu.memory_space<semaphore_mem>>) src(%arg9 : memref<128x128xf32, #tpu.memory_space<vmem>>) dst(%dma_wait3A_1258 : memref<10128x128xf32, #tpu.memory_space<vmem_shared>>)
    %dma_start3A_1259 = arith.constant 1 : i32
    %dma_start3A_1260 = arith.constant 0 : i32
    %dma_start3A_1261 = tpu.memref_slice %arg6[%dma_start3A_1259, %dma_start3A_1260] : memref<4x128xi32, #tpu.memory_space<vmem>> -> memref<1x128xi32, #tpu.memory_space<vmem>>
    %dma_start3A_1262 = tpu.memref_squeeze %dma_start3A_1261 : memref<1x128xi32, #tpu.memory_space<vmem>> -> memref<128xi32, #tpu.memory_space<vmem>>
    %dma_start3A_1263 = arith.constant 0 : i32
    %dma_start3A_1264 = arith.constant 0 : i32
    %dma_start3A_1265 = tpu.memref_slice %arg2[%dma_start3A_1263, %dma_start3A_1264] : memref<160000x128xf32, #tpu.memory_space<hbm>> -> memref<160000x128xf32, #tpu.memory_space<hbm>>
    tpu.enqueue_indirect_dma source(%dma_start3A_1265 : memref<160000x128xf32, #tpu.memory_space<hbm>>) target(%arg9 : memref<128x128xf32, #tpu.memory_space<vmem>>) offsets(%dma_start3A_1262 : memref<128xi32, #tpu.memory_space<vmem>>) semaphore(%arg12 : memref<!tpu.dma_semaphore, #tpu.memory_space<semaphore_mem>>)
    %dma_wait3A_1266 = arith.constant 1 : i32
    %dma_wait3A_1267 = arith.constant 0 : i32
    %dma_wait3A_1268 = tpu.memref_slice %arg6[%dma_wait3A_1266, %dma_wait3A_1267] : memref<4x128xi32, #tpu.memory_space<vmem>> -> memref<1x128xi32, #tpu.memory_space<vmem>>
    %dma_wait3A_1269 = tpu.memref_squeeze %dma_wait3A_1268 : memref<1x128xi32, #tpu.memory_space<vmem>> -> memref<128xi32, #tpu.memory_space<vmem>>
    %dma_wait3A_1270 = arith.constant 0 : i32
    %dma_wait3A_1271 = arith.constant 0 : i32
    %dma_wait3A_1272 = tpu.memref_slice %arg2[%dma_wait3A_1270, %dma_wait3A_1271] : memref<160000x128xf32, #tpu.memory_space<hbm>> -> memref<160000x128xf32, #tpu.memory_space<hbm>>
    tpu.wait_indirect_dma semaphore(%arg12 : memref<!tpu.dma_semaphore, #tpu.memory_space<semaphore_mem>>) src(%dma_wait3A_1272 : memref<160000x128xf32, #tpu.memory_space<hbm>>) dst(%arg9 : memref<128x128xf32, #tpu.memory_space<vmem>>)
    %dma_start3A_1273 = arith.constant 1 : i32
    %dma_start3A_1274 = arith.constant 0 : i32
    %dma_start3A_1275 = tpu.memref_slice %arg7[%dma_start3A_1273, %dma_start3A_1274] : memref<4x128xi32, #tpu.memory_space<vmem>> -> memref<1x128xi32, #tpu.memory_space<vmem>>
    %dma_start3A_1276 = tpu.memref_squeeze %dma_start3A_1275 : memref<1x128xi32, #tpu.memory_space<vmem>> -> memref<128xi32, #tpu.memory_space<vmem>>
    %dma_start3A_1277 = arith.constant 0 : i32
    %dma_start3A_1278 = arith.constant 0 : i32
    %dma_start3A_1279 = tpu.memref_slice %arg10[%dma_start3A_1277, %dma_start3A_1278] : memref<10128x128xf32, #tpu.memory_space<vmem_shared>> -> memref<10128x128xf32, #tpu.memory_space<vmem_shared>>
    tpu.enqueue_indirect_dma source(%arg9 : memref<128x128xf32, #tpu.memory_space<vmem>>) target(%dma_start3A_1279 : memref<10128x128xf32, #tpu.memory_space<vmem_shared>>) offsets(%dma_start3A_1276 : memref<128xi32, #tpu.memory_space<vmem>>) semaphore(%arg14 : memref<!tpu.dma_semaphore, #tpu.memory_space<semaphore_mem>>) {add = true}
    %get3A_1280 = arith.constant 78 : i32
    %get3A_1281 = arith.index_cast %get3A_1280 : i32 to index
    %get3A_1282 = arith.constant 0 : index
    %get3A_1283 = tpu.vector_load %arg5[%get3A_1281, %get3A_1282] {strides = array<i32>} : memref<80x128xi32, #tpu.memory_space<vmem>>, vector<1x16xi32>,
    %get3A_1284 = vector.shape_cast %get3A_1283 : vector<1x16xi32> to vector<16xi32>
    %and3A_1285 = arith.constant 262143 : i32
    %and3A_1286 = vector.broadcast %and3A_1285 : i32 to vector<16xi32>
    %and3A_1287 = arith.andi %get3A_1284, %and3A_1286 : vector<16xi32>
    %swap3A_1288 = arith.constant 2 : i32
    %swap3A_1289 = arith.index_cast %swap3A_1288 : i32 to index
    %swap3A_1290 = arith.constant 0 : index
    %swap3A_1291 = tpu.vector_load %arg6[%swap3A_1289, %swap3A_1290] {strides = array<i32>} : memref<4x128xi32, #tpu.memory_space<vmem>>, vector<1x16xi32>,
    %swap3A_1292 = vector.shape_cast %swap3A_1291 : vector<1x16xi32> to vector<16xi32>
    %swap3A_1293 = vector.shape_cast %and3A_1287 : vector<16xi32> to vector<1x16xi32>
    tpu.vector_store %arg6[%swap3A_1289, %swap3A_1290], %swap3A_1293 {strides = array<i32>} : memref<4x128xi32, #tpu.memory_space<vmem>>, vector<1x16xi32>,
    %shift_right_logical3A_1294 = arith.constant 18 : i32
    %shift_right_logical3A_1295 = vector.broadcast %shift_right_logical3A_1294 : i32 to vector<16xi32>
    %shift_right_logical3A_1296 = arith.shrui %get3A_1284, %shift_right_logical3A_1295 : vector<16xi32>
    %swap3A_1297 = arith.constant 2 : i32
    %swap3A_1298 = arith.index_cast %swap3A_1297 : i32 to index
    %swap3A_1299 = arith.constant 0 : index
    %swap3A_1300 = tpu.vector_load %arg7[%swap3A_1298, %swap3A_1299] {strides = array<i32>} : memref<4x128xi32, #tpu.memory_space<vmem>>, vector<1x16xi32>,
    %swap3A_1301 = vector.shape_cast %swap3A_1300 : vector<1x16xi32> to vector<16xi32>
    %swap3A_1302 = vector.shape_cast %shift_right_logical3A_1296 : vector<16xi32> to vector<1x16xi32>
    tpu.vector_store %arg7[%swap3A_1298, %swap3A_1299], %swap3A_1302 {strides = array<i32>} : memref<4x128xi32, #tpu.memory_space<vmem>>, vector<1x16xi32>,
    %get3A_1303 = arith.constant 78 : i32
    %get3A_1304 = arith.index_cast %get3A_1303 : i32 to index
    %get3A_1305 = arith.constant 16 : index
    %get3A_1306 = tpu.vector_load %arg5[%get3A_1304, %get3A_1305] {strides = array<i32>} : memref<80x128xi32, #tpu.memory_space<vmem>>, vector<1x16xi32>,
    %get3A_1307 = vector.shape_cast %get3A_1306 : vector<1x16xi32> to vector<16xi32>
    %and3A_1308 = arith.constant 262143 : i32
    %and3A_1309 = vector.broadcast %and3A_1308 : i32 to vector<16xi32>
    %and3A_1310 = arith.andi %get3A_1307, %and3A_1309 : vector<16xi32>
    %swap3A_1311 = arith.constant 2 : i32
    %swap3A_1312 = arith.index_cast %swap3A_1311 : i32 to index
    %swap3A_1313 = arith.constant 16 : index
    %swap3A_1314 = tpu.vector_load %arg6[%swap3A_1312, %swap3A_1313] {strides = array<i32>} : memref<4x128xi32, #tpu.memory_space<vmem>>, vector<1x16xi32>,
    %swap3A_1315 = vector.shape_cast %swap3A_1314 : vector<1x16xi32> to vector<16xi32>
    %swap3A_1316 = vector.shape_cast %and3A_1310 : vector<16xi32> to vector<1x16xi32>
    tpu.vector_store %arg6[%swap3A_1312, %swap3A_1313], %swap3A_1316 {strides = array<i32>} : memref<4x128xi32, #tpu.memory_space<vmem>>, vector<1x16xi32>,
    %shift_right_logical3A_1317 = arith.constant 18 : i32
    %shift_right_logical3A_1318 = vector.broadcast %shift_right_logical3A_1317 : i32 to vector<16xi32>
    %shift_right_logical3A_1319 = arith.shrui %get3A_1307, %shift_right_logical3A_1318 : vector<16xi32>
    %swap3A_1320 = arith.constant 2 : i32
    %swap3A_1321 = arith.index_cast %swap3A_1320 : i32 to index
    %swap3A_1322 = arith.constant 16 : index
    %swap3A_1323 = tpu.vector_load %arg7[%swap3A_1321, %swap3A_1322] {strides = array<i32>} : memref<4x128xi32, #tpu.memory_space<vmem>>, vector<1x16xi32>,
    %swap3A_1324 = vector.shape_cast %swap3A_1323 : vector<1x16xi32> to vector<16xi32>
    %swap3A_1325 = vector.shape_cast %shift_right_logical3A_1319 : vector<16xi32> to vector<1x16xi32>
    tpu.vector_store %arg7[%swap3A_1321, %swap3A_1322], %swap3A_1325 {strides = array<i32>} : memref<4x128xi32, #tpu.memory_space<vmem>>, vector<1x16xi32>,
    %get3A_1326 = arith.constant 78 : i32
    %get3A_1327 = arith.index_cast %get3A_1326 : i32 to index
    %get3A_1328 = arith.constant 32 : index
    %get3A_1329 = tpu.vector_load %arg5[%get3A_1327, %get3A_1328] {strides = array<i32>} : memref<80x128xi32, #tpu.memory_space<vmem>>, vector<1x16xi32>,
    %get3A_1330 = vector.shape_cast %get3A_1329 : vector<1x16xi32> to vector<16xi32>
    %and3A_1331 = arith.constant 262143 : i32
    %and3A_1332 = vector.broadcast %and3A_1331 : i32 to vector<16xi32>
    %and3A_1333 = arith.andi %get3A_1330, %and3A_1332 : vector<16xi32>
    %swap3A_1334 = arith.constant 2 : i32
    %swap3A_1335 = arith.index_cast %swap3A_1334 : i32 to index
    %swap3A_1336 = arith.constant 32 : index
    %swap3A_1337 = tpu.vector_load %arg6[%swap3A_1335, %swap3A_1336] {strides = array<i32>} : memref<4x128xi32, #tpu.memory_space<vmem>>, vector<1x16xi32>,
    %swap3A_1338 = vector.shape_cast %swap3A_1337 : vector<1x16xi32> to vector<16xi32>
    %swap3A_1339 = vector.shape_cast %and3A_1333 : vector<16xi32> to vector<1x16xi32>
    tpu.vector_store %arg6[%swap3A_1335, %swap3A_1336], %swap3A_1339 {strides = array<i32>} : memref<4x128xi32, #tpu.memory_space<vmem>>, vector<1x16xi32>,
    %shift_right_logical3A_1340 = arith.constant 18 : i32
    %shift_right_logical3A_1341 = vector.broadcast %shift_right_logical3A_1340 : i32 to vector<16xi32>
    %shift_right_logical3A_1342 = arith.shrui %get3A_1330, %shift_right_logical3A_1341 : vector<16xi32>
    %swap3A_1343 = arith.constant 2 : i32
    %swap3A_1344 = arith.index_cast %swap3A_1343 : i32 to index
    %swap3A_1345 = arith.constant 32 : index
    %swap3A_1346 = tpu.vector_load %arg7[%swap3A_1344, %swap3A_1345] {strides = array<i32>} : memref<4x128xi32, #tpu.memory_space<vmem>>, vector<1x16xi32>,
    %swap3A_1347 = vector.shape_cast %swap3A_1346 : vector<1x16xi32> to vector<16xi32>
    %swap3A_1348 = vector.shape_cast %shift_right_logical3A_1342 : vector<16xi32> to vector<1x16xi32>
    tpu.vector_store %arg7[%swap3A_1344, %swap3A_1345], %swap3A_1348 {strides = array<i32>} : memref<4x128xi32, #tpu.memory_space<vmem>>, vector<1x16xi32>,
    %get3A_1349 = arith.constant 78 : i32
    %get3A_1350 = arith.index_cast %get3A_1349 : i32 to index
    %get3A_1351 = arith.constant 48 : index
    %get3A_1352 = tpu.vector_load %arg5[%get3A_1350, %get3A_1351] {strides = array<i32>} : memref<80x128xi32, #tpu.memory_space<vmem>>, vector<1x16xi32>,
    %get3A_1353 = vector.shape_cast %get3A_1352 : vector<1x16xi32> to vector<16xi32>
    %and3A_1354 = arith.constant 262143 : i32
    %and3A_1355 = vector.broadcast %and3A_1354 : i32 to vector<16xi32>
    %and3A_1356 = arith.andi %get3A_1353, %and3A_1355 : vector<16xi32>
    %swap3A_1357 = arith.constant 2 : i32
    %swap3A_1358 = arith.index_cast %swap3A_1357 : i32 to index
    %swap3A_1359 = arith.constant 48 : index
    %swap3A_1360 = tpu.vector_load %arg6[%swap3A_1358, %swap3A_1359] {strides = array<i32>} : memref<4x128xi32, #tpu.memory_space<vmem>>, vector<1x16xi32>,
    %swap3A_1361 = vector.shape_cast %swap3A_1360 : vector<1x16xi32> to vector<16xi32>
    %swap3A_1362 = vector.shape_cast %and3A_1356 : vector<16xi32> to vector<1x16xi32>
    tpu.vector_store %arg6[%swap3A_1358, %swap3A_1359], %swap3A_1362 {strides = array<i32>} : memref<4x128xi32, #tpu.memory_space<vmem>>, vector<1x16xi32>,
    %shift_right_logical3A_1363 = arith.constant 18 : i32
    %shift_right_logical3A_1364 = vector.broadcast %shift_right_logical3A_1363 : i32 to vector<16xi32>
    %shift_right_logical3A_1365 = arith.shrui %get3A_1353, %shift_right_logical3A_1364 : vector<16xi32>
    %swap3A_1366 = arith.constant 2 : i32
    %swap3A_1367 = arith.index_cast %swap3A_1366 : i32 to index
    %swap3A_1368 = arith.constant 48 : index
    %swap3A_1369 = tpu.vector_load %arg7[%swap3A_1367, %swap3A_1368] {strides = array<i32>} : memref<4x128xi32, #tpu.memory_space<vmem>>, vector<1x16xi32>,
    %swap3A_1370 = vector.shape_cast %swap3A_1369 : vector<1x16xi32> to vector<16xi32>
    %swap3A_1371 = vector.shape_cast %shift_right_logical3A_1365 : vector<16xi32> to vector<1x16xi32>
    tpu.vector_store %arg7[%swap3A_1367, %swap3A_1368], %swap3A_1371 {strides = array<i32>} : memref<4x128xi32, #tpu.memory_space<vmem>>, vector<1x16xi32>,
    %get3A_1372 = arith.constant 78 : i32
    %get3A_1373 = arith.index_cast %get3A_1372 : i32 to index
    %get3A_1374 = arith.constant 64 : index
    %get3A_1375 = tpu.vector_load %arg5[%get3A_1373, %get3A_1374] {strides = array<i32>} : memref<80x128xi32, #tpu.memory_space<vmem>>, vector<1x16xi32>,
    %get3A_1376 = vector.shape_cast %get3A_1375 : vector<1x16xi32> to vector<16xi32>
    %and3A_1377 = arith.constant 262143 : i32
    %and3A_1378 = vector.broadcast %and3A_1377 : i32 to vector<16xi32>
    %and3A_1379 = arith.andi %get3A_1376, %and3A_1378 : vector<16xi32>
    %swap3A_1380 = arith.constant 2 : i32
    %swap3A_1381 = arith.index_cast %swap3A_1380 : i32 to index
    %swap3A_1382 = arith.constant 64 : index
    %swap3A_1383 = tpu.vector_load %arg6[%swap3A_1381, %swap3A_1382] {strides = array<i32>} : memref<4x128xi32, #tpu.memory_space<vmem>>, vector<1x16xi32>,
    %swap3A_1384 = vector.shape_cast %swap3A_1383 : vector<1x16xi32> to vector<16xi32>
    %swap3A_1385 = vector.shape_cast %and3A_1379 : vector<16xi32> to vector<1x16xi32>
    tpu.vector_store %arg6[%swap3A_1381, %swap3A_1382], %swap3A_1385 {strides = array<i32>} : memref<4x128xi32, #tpu.memory_space<vmem>>, vector<1x16xi32>,
    %shift_right_logical3A_1386 = arith.constant 18 : i32
    %shift_right_logical3A_1387 = vector.broadcast %shift_right_logical3A_1386 : i32 to vector<16xi32>
    %shift_right_logical3A_1388 = arith.shrui %get3A_1376, %shift_right_logical3A_1387 : vector<16xi32>
    %swap3A_1389 = arith.constant 2 : i32
    %swap3A_1390 = arith.index_cast %swap3A_1389 : i32 to index
    %swap3A_1391 = arith.constant 64 : index
    %swap3A_1392 = tpu.vector_load %arg7[%swap3A_1390, %swap3A_1391] {strides = array<i32>} : memref<4x128xi32, #tpu.memory_space<vmem>>, vector<1x16xi32>,
    %swap3A_1393 = vector.shape_cast %swap3A_1392 : vector<1x16xi32> to vector<16xi32>
    %swap3A_1394 = vector.shape_cast %shift_right_logical3A_1388 : vector<16xi32> to vector<1x16xi32>
    tpu.vector_store %arg7[%swap3A_1390, %swap3A_1391], %swap3A_1394 {strides = array<i32>} : memref<4x128xi32, #tpu.memory_space<vmem>>, vector<1x16xi32>,
    %get3A_1395 = arith.constant 78 : i32
    %get3A_1396 = arith.index_cast %get3A_1395 : i32 to index
    %get3A_1397 = arith.constant 80 : index
    %get3A_1398 = tpu.vector_load %arg5[%get3A_1396, %get3A_1397] {strides = array<i32>} : memref<80x128xi32, #tpu.memory_space<vmem>>, vector<1x16xi32>,
    %get3A_1399 = vector.shape_cast %get3A_1398 : vector<1x16xi32> to vector<16xi32>
    %and3A_1400 = arith.constant 262143 : i32
    %and3A_1401 = vector.broadcast %and3A_1400 : i32 to vector<16xi32>
    %and3A_1402 = arith.andi %get3A_1399, %and3A_1401 : vector<16xi32>
    %swap3A_1403 = arith.constant 2 : i32
    %swap3A_1404 = arith.index_cast %swap3A_1403 : i32 to index
    %swap3A_1405 = arith.constant 80 : index
    %swap3A_1406 = tpu.vector_load %arg6[%swap3A_1404, %swap3A_1405] {strides = array<i32>} : memref<4x128xi32, #tpu.memory_space<vmem>>, vector<1x16xi32>,
    %swap3A_1407 = vector.shape_cast %swap3A_1406 : vector<1x16xi32> to vector<16xi32>
    %swap3A_1408 = vector.shape_cast %and3A_1402 : vector<16xi32> to vector<1x16xi32>
    tpu.vector_store %arg6[%swap3A_1404, %swap3A_1405], %swap3A_1408 {strides = array<i32>} : memref<4x128xi32, #tpu.memory_space<vmem>>, vector<1x16xi32>,
    %shift_right_logical3A_1409 = arith.constant 18 : i32
    %shift_right_logical3A_1410 = vector.broadcast %shift_right_logical3A_1409 : i32 to vector<16xi32>
    %shift_right_logical3A_1411 = arith.shrui %get3A_1399, %shift_right_logical3A_1410 : vector<16xi32>
    %swap3A_1412 = arith.constant 2 : i32
    %swap3A_1413 = arith.index_cast %swap3A_1412 : i32 to index
    %swap3A_1414 = arith.constant 80 : index
    %swap3A_1415 = tpu.vector_load %arg7[%swap3A_1413, %swap3A_1414] {strides = array<i32>} : memref<4x128xi32, #tpu.memory_space<vmem>>, vector<1x16xi32>,
    %swap3A_1416 = vector.shape_cast %swap3A_1415 : vector<1x16xi32> to vector<16xi32>
    %swap3A_1417 = vector.shape_cast %shift_right_logical3A_1411 : vector<16xi32> to vector<1x16xi32>
    tpu.vector_store %arg7[%swap3A_1413, %swap3A_1414], %swap3A_1417 {strides = array<i32>} : memref<4x128xi32, #tpu.memory_space<vmem>>, vector<1x16xi32>,
    %get3A_1418 = arith.constant 78 : i32
    %get3A_1419 = arith.index_cast %get3A_1418 : i32 to index
    %get3A_1420 = arith.constant 96 : index
    %get3A_1421 = tpu.vector_load %arg5[%get3A_1419, %get3A_1420] {strides = array<i32>} : memref<80x128xi32, #tpu.memory_space<vmem>>, vector<1x16xi32>,
    %get3A_1422 = vector.shape_cast %get3A_1421 : vector<1x16xi32> to vector<16xi32>
    %and3A_1423 = arith.constant 262143 : i32
    %and3A_1424 = vector.broadcast %and3A_1423 : i32 to vector<16xi32>
    %and3A_1425 = arith.andi %get3A_1422, %and3A_1424 : vector<16xi32>
    %swap3A_1426 = arith.constant 2 : i32
    %swap3A_1427 = arith.index_cast %swap3A_1426 : i32 to index
    %swap3A_1428 = arith.constant 96 : index
    %swap3A_1429 = tpu.vector_load %arg6[%swap3A_1427, %swap3A_1428] {strides = array<i32>} : memref<4x128xi32, #tpu.memory_space<vmem>>, vector<1x16xi32>,
    %swap3A_1430 = vector.shape_cast %swap3A_1429 : vector<1x16xi32> to vector<16xi32>
    %swap3A_1431 = vector.shape_cast %and3A_1425 : vector<16xi32> to vector<1x16xi32>
    tpu.vector_store %arg6[%swap3A_1427, %swap3A_1428], %swap3A_1431 {strides = array<i32>} : memref<4x128xi32, #tpu.memory_space<vmem>>, vector<1x16xi32>,
    %shift_right_logical3A_1432 = arith.constant 18 : i32
    %shift_right_logical3A_1433 = vector.broadcast %shift_right_logical3A_1432 : i32 to vector<16xi32>
    %shift_right_logical3A_1434 = arith.shrui %get3A_1422, %shift_right_logical3A_1433 : vector<16xi32>
    %swap3A_1435 = arith.constant 2 : i32
    %swap3A_1436 = arith.index_cast %swap3A_1435 : i32 to index
    %swap3A_1437 = arith.constant 96 : index
    %swap3A_1438 = tpu.vector_load %arg7[%swap3A_1436, %swap3A_1437] {strides = array<i32>} : memref<4x128xi32, #tpu.memory_space<vmem>>, vector<1x16xi32>,
    %swap3A_1439 = vector.shape_cast %swap3A_1438 : vector<1x16xi32> to vector<16xi32>
    %swap3A_1440 = vector.shape_cast %shift_right_logical3A_1434 : vector<16xi32> to vector<1x16xi32>
    tpu.vector_store %arg7[%swap3A_1436, %swap3A_1437], %swap3A_1440 {strides = array<i32>} : memref<4x128xi32, #tpu.memory_space<vmem>>, vector<1x16xi32>,
    %get3A_1441 = arith.constant 78 : i32
    %get3A_1442 = arith.index_cast %get3A_1441 : i32 to index
    %get3A_1443 = arith.constant 112 : index
    %get3A_1444 = tpu.vector_load %arg5[%get3A_1442, %get3A_1443] {strides = array<i32>} : memref<80x128xi32, #tpu.memory_space<vmem>>, vector<1x16xi32>,
    %get3A_1445 = vector.shape_cast %get3A_1444 : vector<1x16xi32> to vector<16xi32>
    %and3A_1446 = arith.constant 262143 : i32
    %and3A_1447 = vector.broadcast %and3A_1446 : i32 to vector<16xi32>
    %and3A_1448 = arith.andi %get3A_1445, %and3A_1447 : vector<16xi32>
    %swap3A_1449 = arith.constant 2 : i32
    %swap3A_1450 = arith.index_cast %swap3A_1449 : i32 to index
    %swap3A_1451 = arith.constant 112 : index
    %swap3A_1452 = tpu.vector_load %arg6[%swap3A_1450, %swap3A_1451] {strides = array<i32>} : memref<4x128xi32, #tpu.memory_space<vmem>>, vector<1x16xi32>,
    %swap3A_1453 = vector.shape_cast %swap3A_1452 : vector<1x16xi32> to vector<16xi32>
    %swap3A_1454 = vector.shape_cast %and3A_1448 : vector<16xi32> to vector<1x16xi32>
    tpu.vector_store %arg6[%swap3A_1450, %swap3A_1451], %swap3A_1454 {strides = array<i32>} : memref<4x128xi32, #tpu.memory_space<vmem>>, vector<1x16xi32>,
    %shift_right_logical3A_1455 = arith.constant 18 : i32
    %shift_right_logical3A_1456 = vector.broadcast %shift_right_logical3A_1455 : i32 to vector<16xi32>
    %shift_right_logical3A_1457 = arith.shrui %get3A_1445, %shift_right_logical3A_1456 : vector<16xi32>
    %swap3A_1458 = arith.constant 2 : i32
    %swap3A_1459 = arith.index_cast %swap3A_1458 : i32 to index
    %swap3A_1460 = arith.constant 112 : index
    %swap3A_1461 = tpu.vector_load %arg7[%swap3A_1459, %swap3A_1460] {strides = array<i32>} : memref<4x128xi32, #tpu.memory_space<vmem>>, vector<1x16xi32>,
    %swap3A_1462 = vector.shape_cast %swap3A_1461 : vector<1x16xi32> to vector<16xi32>
    %swap3A_1463 = vector.shape_cast %shift_right_logical3A_1457 : vector<16xi32> to vector<1x16xi32>
    tpu.vector_store %arg7[%swap3A_1459, %swap3A_1460], %swap3A_1463 {strides = array<i32>} : memref<4x128xi32, #tpu.memory_space<vmem>>, vector<1x16xi32>,
    %dma_wait3A_1464 = arith.constant 0 : i32
    %dma_wait3A_1465 = arith.constant 0 : i32
    %dma_wait3A_1466 = tpu.memref_slice %arg7[%dma_wait3A_1464, %dma_wait3A_1465] : memref<4x128xi32, #tpu.memory_space<vmem>> -> memref<1x128xi32, #tpu.memory_space<vmem>>
    %dma_wait3A_1467 = tpu.memref_squeeze %dma_wait3A_1466 : memref<1x128xi32, #tpu.memory_space<vmem>> -> memref<128xi32, #tpu.memory_space<vmem>>
    %dma_wait3A_1468 = arith.constant 0 : i32
    %dma_wait3A_1469 = arith.constant 0 : i32
    %dma_wait3A_1470 = tpu.memref_slice %arg10[%dma_wait3A_1468, %dma_wait3A_1469] : memref<10128x128xf32, #tpu.memory_space<vmem_shared>> -> memref<10128x128xf32, #tpu.memory_space<vmem_shared>>
    tpu.wait_indirect_dma semaphore(%arg13 : memref<!tpu.dma_semaphore, #tpu.memory_space<semaphore_mem>>) src(%arg8 : memref<128x128xf32, #tpu.memory_space<vmem>>) dst(%dma_wait3A_1470 : memref<10128x128xf32, #tpu.memory_space<vmem_shared>>)
    %dma_start3A_1471 = arith.constant 2 : i32
    %dma_start3A_1472 = arith.constant 0 : i32
    %dma_start3A_1473 = tpu.memref_slice %arg6[%dma_start3A_1471, %dma_start3A_1472] : memref<4x128xi32, #tpu.memory_space<vmem>> -> memref<1x128xi32, #tpu.memory_space<vmem>>
    %dma_start3A_1474 = tpu.memref_squeeze %dma_start3A_1473 : memref<1x128xi32, #tpu.memory_space<vmem>> -> memref<128xi32, #tpu.memory_space<vmem>>
    %dma_start3A_1475 = arith.constant 0 : i32
    %dma_start3A_1476 = arith.constant 0 : i32
    %dma_start3A_1477 = tpu.memref_slice %arg2[%dma_start3A_1475, %dma_start3A_1476] : memref<160000x128xf32, #tpu.memory_space<hbm>> -> memref<160000x128xf32, #tpu.memory_space<hbm>>
    tpu.enqueue_indirect_dma source(%dma_start3A_1477 : memref<160000x128xf32, #tpu.memory_space<hbm>>) target(%arg8 : memref<128x128xf32, #tpu.memory_space<vmem>>) offsets(%dma_start3A_1474 : memref<128xi32, #tpu.memory_space<vmem>>) semaphore(%arg11 : memref<!tpu.dma_semaphore, #tpu.memory_space<semaphore_mem>>)
    %dma_wait3A_1478 = arith.constant 2 : i32
    %dma_wait3A_1479 = arith.constant 0 : i32
    %dma_wait3A_1480 = tpu.memref_slice %arg6[%dma_wait3A_1478, %dma_wait3A_1479] : memref<4x128xi32, #tpu.memory_space<vmem>> -> memref<1x128xi32, #tpu.memory_space<vmem>>
    %dma_wait3A_1481 = tpu.memref_squeeze %dma_wait3A_1480 : memref<1x128xi32, #tpu.memory_space<vmem>> -> memref<128xi32, #tpu.memory_space<vmem>>
    %dma_wait3A_1482 = arith.constant 0 : i32
    %dma_wait3A_1483 = arith.constant 0 : i32
    %dma_wait3A_1484 = tpu.memref_slice %arg2[%dma_wait3A_1482, %dma_wait3A_1483] : memref<160000x128xf32, #tpu.memory_space<hbm>> -> memref<160000x128xf32, #tpu.memory_space<hbm>>
    tpu.wait_indirect_dma semaphore(%arg11 : memref<!tpu.dma_semaphore, #tpu.memory_space<semaphore_mem>>) src(%dma_wait3A_1484 : memref<160000x128xf32, #tpu.memory_space<hbm>>) dst(%arg8 : memref<128x128xf32, #tpu.memory_space<vmem>>)
    %dma_start3A_1485 = arith.constant 2 : i32
    %dma_start3A_1486 = arith.constant 0 : i32
    %dma_start3A_1487 = tpu.memref_slice %arg7[%dma_start3A_1485, %dma_start3A_1486] : memref<4x128xi32, #tpu.memory_space<vmem>> -> memref<1x128xi32, #tpu.memory_space<vmem>>
    %dma_start3A_1488 = tpu.memref_squeeze %dma_start3A_1487 : memref<1x128xi32, #tpu.memory_space<vmem>> -> memref<128xi32, #tpu.memory_space<vmem>>
    %dma_start3A_1489 = arith.constant 0 : i32
    %dma_start3A_1490 = arith.constant 0 : i32
    %dma_start3A_1491 = tpu.memref_slice %arg10[%dma_start3A_1489, %dma_start3A_1490] : memref<10128x128xf32, #tpu.memory_space<vmem_shared>> -> memref<10128x128xf32, #tpu.memory_space<vmem_shared>>
    tpu.enqueue_indirect_dma source(%arg8 : memref<128x128xf32, #tpu.memory_space<vmem>>) target(%dma_start3A_1491 : memref<10128x128xf32, #tpu.memory_space<vmem_shared>>) offsets(%dma_start3A_1488 : memref<128xi32, #tpu.memory_space<vmem>>) semaphore(%arg13 : memref<!tpu.dma_semaphore, #tpu.memory_space<semaphore_mem>>) {add = true}
    %get3A_1492 = arith.constant 79 : i32
    %get3A_1493 = arith.index_cast %get3A_1492 : i32 to index
    %get3A_1494 = arith.constant 0 : index
    %get3A_1495 = tpu.vector_load %arg5[%get3A_1493, %get3A_1494] {strides = array<i32>} : memref<80x128xi32, #tpu.memory_space<vmem>>, vector<1x16xi32>,
    %get3A_1496 = vector.shape_cast %get3A_1495 : vector<1x16xi32> to vector<16xi32>
    %and3A_1497 = arith.constant 262143 : i32
    %and3A_1498 = vector.broadcast %and3A_1497 : i32 to vector<16xi32>
    %and3A_1499 = arith.andi %get3A_1496, %and3A_1498 : vector<16xi32>
    %swap3A_1500 = arith.constant 3 : i32
    %swap3A_1501 = arith.index_cast %swap3A_1500 : i32 to index
    %swap3A_1502 = arith.constant 0 : index
    %swap3A_1503 = tpu.vector_load %arg6[%swap3A_1501, %swap3A_1502] {strides = array<i32>} : memref<4x128xi32, #tpu.memory_space<vmem>>, vector<1x16xi32>,
    %swap3A_1504 = vector.shape_cast %swap3A_1503 : vector<1x16xi32> to vector<16xi32>
    %swap3A_1505 = vector.shape_cast %and3A_1499 : vector<16xi32> to vector<1x16xi32>
    tpu.vector_store %arg6[%swap3A_1501, %swap3A_1502], %swap3A_1505 {strides = array<i32>} : memref<4x128xi32, #tpu.memory_space<vmem>>, vector<1x16xi32>,
    %shift_right_logical3A_1506 = arith.constant 18 : i32
    %shift_right_logical3A_1507 = vector.broadcast %shift_right_logical3A_1506 : i32 to vector<16xi32>
    %shift_right_logical3A_1508 = arith.shrui %get3A_1496, %shift_right_logical3A_1507 : vector<16xi32>
    %swap3A_1509 = arith.constant 3 : i32
    %swap3A_1510 = arith.index_cast %swap3A_1509 : i32 to index
    %swap3A_1511 = arith.constant 0 : index
    %swap3A_1512 = tpu.vector_load %arg7[%swap3A_1510, %swap3A_1511] {strides = array<i32>} : memref<4x128xi32, #tpu.memory_space<vmem>>, vector<1x16xi32>,
    %swap3A_1513 = vector.shape_cast %swap3A_1512 : vector<1x16xi32> to vector<16xi32>
    %swap3A_1514 = vector.shape_cast %shift_right_logical3A_1508 : vector<16xi32> to vector<1x16xi32>
    tpu.vector_store %arg7[%swap3A_1510, %swap3A_1511], %swap3A_1514 {strides = array<i32>} : memref<4x128xi32, #tpu.memory_space<vmem>>, vector<1x16xi32>,
    %get3A_1515 = arith.constant 79 : i32
    %get3A_1516 = arith.index_cast %get3A_1515 : i32 to index
    %get3A_1517 = arith.constant 16 : index
    %get3A_1518 = tpu.vector_load %arg5[%get3A_1516, %get3A_1517] {strides = array<i32>} : memref<80x128xi32, #tpu.memory_space<vmem>>, vector<1x16xi32>,
    %get3A_1519 = vector.shape_cast %get3A_1518 : vector<1x16xi32> to vector<16xi32>
    %and3A_1520 = arith.constant 262143 : i32
    %and3A_1521 = vector.broadcast %and3A_1520 : i32 to vector<16xi32>
    %and3A_1522 = arith.andi %get3A_1519, %and3A_1521 : vector<16xi32>
    %swap3A_1523 = arith.constant 3 : i32
    %swap3A_1524 = arith.index_cast %swap3A_1523 : i32 to index
    %swap3A_1525 = arith.constant 16 : index
    %swap3A_1526 = tpu.vector_load %arg6[%swap3A_1524, %swap3A_1525] {strides = array<i32>} : memref<4x128xi32, #tpu.memory_space<vmem>>, vector<1x16xi32>,
    %swap3A_1527 = vector.shape_cast %swap3A_1526 : vector<1x16xi32> to vector<16xi32>
    %swap3A_1528 = vector.shape_cast %and3A_1522 : vector<16xi32> to vector<1x16xi32>
    tpu.vector_store %arg6[%swap3A_1524, %swap3A_1525], %swap3A_1528 {strides = array<i32>} : memref<4x128xi32, #tpu.memory_space<vmem>>, vector<1x16xi32>,
    %shift_right_logical3A_1529 = arith.constant 18 : i32
    %shift_right_logical3A_1530 = vector.broadcast %shift_right_logical3A_1529 : i32 to vector<16xi32>
    %shift_right_logical3A_1531 = arith.shrui %get3A_1519, %shift_right_logical3A_1530 : vector<16xi32>
    %swap3A_1532 = arith.constant 3 : i32
    %swap3A_1533 = arith.index_cast %swap3A_1532 : i32 to index
    %swap3A_1534 = arith.constant 16 : index
    %swap3A_1535 = tpu.vector_load %arg7[%swap3A_1533, %swap3A_1534] {strides = array<i32>} : memref<4x128xi32, #tpu.memory_space<vmem>>, vector<1x16xi32>,
    %swap3A_1536 = vector.shape_cast %swap3A_1535 : vector<1x16xi32> to vector<16xi32>
    %swap3A_1537 = vector.shape_cast %shift_right_logical3A_1531 : vector<16xi32> to vector<1x16xi32>
    tpu.vector_store %arg7[%swap3A_1533, %swap3A_1534], %swap3A_1537 {strides = array<i32>} : memref<4x128xi32, #tpu.memory_space<vmem>>, vector<1x16xi32>,
    %get3A_1538 = arith.constant 79 : i32
    %get3A_1539 = arith.index_cast %get3A_1538 : i32 to index
    %get3A_1540 = arith.constant 32 : index
    %get3A_1541 = tpu.vector_load %arg5[%get3A_1539, %get3A_1540] {strides = array<i32>} : memref<80x128xi32, #tpu.memory_space<vmem>>, vector<1x16xi32>,
    %get3A_1542 = vector.shape_cast %get3A_1541 : vector<1x16xi32> to vector<16xi32>
    %and3A_1543 = arith.constant 262143 : i32
    %and3A_1544 = vector.broadcast %and3A_1543 : i32 to vector<16xi32>
    %and3A_1545 = arith.andi %get3A_1542, %and3A_1544 : vector<16xi32>
    %swap3A_1546 = arith.constant 3 : i32
    %swap3A_1547 = arith.index_cast %swap3A_1546 : i32 to index
    %swap3A_1548 = arith.constant 32 : index
    %swap3A_1549 = tpu.vector_load %arg6[%swap3A_1547, %swap3A_1548] {strides = array<i32>} : memref<4x128xi32, #tpu.memory_space<vmem>>, vector<1x16xi32>,
    %swap3A_1550 = vector.shape_cast %swap3A_1549 : vector<1x16xi32> to vector<16xi32>
    %swap3A_1551 = vector.shape_cast %and3A_1545 : vector<16xi32> to vector<1x16xi32>
    tpu.vector_store %arg6[%swap3A_1547, %swap3A_1548], %swap3A_1551 {strides = array<i32>} : memref<4x128xi32, #tpu.memory_space<vmem>>, vector<1x16xi32>,
    %shift_right_logical3A_1552 = arith.constant 18 : i32
    %shift_right_logical3A_1553 = vector.broadcast %shift_right_logical3A_1552 : i32 to vector<16xi32>
    %shift_right_logical3A_1554 = arith.shrui %get3A_1542, %shift_right_logical3A_1553 : vector<16xi32>
    %swap3A_1555 = arith.constant 3 : i32
    %swap3A_1556 = arith.index_cast %swap3A_1555 : i32 to index
    %swap3A_1557 = arith.constant 32 : index
    %swap3A_1558 = tpu.vector_load %arg7[%swap3A_1556, %swap3A_1557] {strides = array<i32>} : memref<4x128xi32, #tpu.memory_space<vmem>>, vector<1x16xi32>,
    %swap3A_1559 = vector.shape_cast %swap3A_1558 : vector<1x16xi32> to vector<16xi32>
    %swap3A_1560 = vector.shape_cast %shift_right_logical3A_1554 : vector<16xi32> to vector<1x16xi32>
    tpu.vector_store %arg7[%swap3A_1556, %swap3A_1557], %swap3A_1560 {strides = array<i32>} : memref<4x128xi32, #tpu.memory_space<vmem>>, vector<1x16xi32>,
    %get3A_1561 = arith.constant 79 : i32
    %get3A_1562 = arith.index_cast %get3A_1561 : i32 to index
    %get3A_1563 = arith.constant 48 : index
    %get3A_1564 = tpu.vector_load %arg5[%get3A_1562, %get3A_1563] {strides = array<i32>} : memref<80x128xi32, #tpu.memory_space<vmem>>, vector<1x16xi32>,
    %get3A_1565 = vector.shape_cast %get3A_1564 : vector<1x16xi32> to vector<16xi32>
    %and3A_1566 = arith.constant 262143 : i32
    %and3A_1567 = vector.broadcast %and3A_1566 : i32 to vector<16xi32>
    %and3A_1568 = arith.andi %get3A_1565, %and3A_1567 : vector<16xi32>
    %swap3A_1569 = arith.constant 3 : i32
    %swap3A_1570 = arith.index_cast %swap3A_1569 : i32 to index
    %swap3A_1571 = arith.constant 48 : index
    %swap3A_1572 = tpu.vector_load %arg6[%swap3A_1570, %swap3A_1571] {strides = array<i32>} : memref<4x128xi32, #tpu.memory_space<vmem>>, vector<1x16xi32>,
    %swap3A_1573 = vector.shape_cast %swap3A_1572 : vector<1x16xi32> to vector<16xi32>
    %swap3A_1574 = vector.shape_cast %and3A_1568 : vector<16xi32> to vector<1x16xi32>
    tpu.vector_store %arg6[%swap3A_1570, %swap3A_1571], %swap3A_1574 {strides = array<i32>} : memref<4x128xi32, #tpu.memory_space<vmem>>, vector<1x16xi32>,
    %shift_right_logical3A_1575 = arith.constant 18 : i32
    %shift_right_logical3A_1576 = vector.broadcast %shift_right_logical3A_1575 : i32 to vector<16xi32>
    %shift_right_logical3A_1577 = arith.shrui %get3A_1565, %shift_right_logical3A_1576 : vector<16xi32>
    %swap3A_1578 = arith.constant 3 : i32
    %swap3A_1579 = arith.index_cast %swap3A_1578 : i32 to index
    %swap3A_1580 = arith.constant 48 : index
    %swap3A_1581 = tpu.vector_load %arg7[%swap3A_1579, %swap3A_1580] {strides = array<i32>} : memref<4x128xi32, #tpu.memory_space<vmem>>, vector<1x16xi32>,
    %swap3A_1582 = vector.shape_cast %swap3A_1581 : vector<1x16xi32> to vector<16xi32>
    %swap3A_1583 = vector.shape_cast %shift_right_logical3A_1577 : vector<16xi32> to vector<1x16xi32>
    tpu.vector_store %arg7[%swap3A_1579, %swap3A_1580], %swap3A_1583 {strides = array<i32>} : memref<4x128xi32, #tpu.memory_space<vmem>>, vector<1x16xi32>,
    %get3A_1584 = arith.constant 79 : i32
    %get3A_1585 = arith.index_cast %get3A_1584 : i32 to index
    %get3A_1586 = arith.constant 64 : index
    %get3A_1587 = tpu.vector_load %arg5[%get3A_1585, %get3A_1586] {strides = array<i32>} : memref<80x128xi32, #tpu.memory_space<vmem>>, vector<1x16xi32>,
    %get3A_1588 = vector.shape_cast %get3A_1587 : vector<1x16xi32> to vector<16xi32>
    %and3A_1589 = arith.constant 262143 : i32
    %and3A_1590 = vector.broadcast %and3A_1589 : i32 to vector<16xi32>
    %and3A_1591 = arith.andi %get3A_1588, %and3A_1590 : vector<16xi32>
    %swap3A_1592 = arith.constant 3 : i32
    %swap3A_1593 = arith.index_cast %swap3A_1592 : i32 to index
    %swap3A_1594 = arith.constant 64 : index
    %swap3A_1595 = tpu.vector_load %arg6[%swap3A_1593, %swap3A_1594] {strides = array<i32>} : memref<4x128xi32, #tpu.memory_space<vmem>>, vector<1x16xi32>,
    %swap3A_1596 = vector.shape_cast %swap3A_1595 : vector<1x16xi32> to vector<16xi32>
    %swap3A_1597 = vector.shape_cast %and3A_1591 : vector<16xi32> to vector<1x16xi32>
    tpu.vector_store %arg6[%swap3A_1593, %swap3A_1594], %swap3A_1597 {strides = array<i32>} : memref<4x128xi32, #tpu.memory_space<vmem>>, vector<1x16xi32>,
    %shift_right_logical3A_1598 = arith.constant 18 : i32
    %shift_right_logical3A_1599 = vector.broadcast %shift_right_logical3A_1598 : i32 to vector<16xi32>
    %shift_right_logical3A_1600 = arith.shrui %get3A_1588, %shift_right_logical3A_1599 : vector<16xi32>
    %swap3A_1601 = arith.constant 3 : i32
    %swap3A_1602 = arith.index_cast %swap3A_1601 : i32 to index
    %swap3A_1603 = arith.constant 64 : index
    %swap3A_1604 = tpu.vector_load %arg7[%swap3A_1602, %swap3A_1603] {strides = array<i32>} : memref<4x128xi32, #tpu.memory_space<vmem>>, vector<1x16xi32>,
    %swap3A_1605 = vector.shape_cast %swap3A_1604 : vector<1x16xi32> to vector<16xi32>
    %swap3A_1606 = vector.shape_cast %shift_right_logical3A_1600 : vector<16xi32> to vector<1x16xi32>
    tpu.vector_store %arg7[%swap3A_1602, %swap3A_1603], %swap3A_1606 {strides = array<i32>} : memref<4x128xi32, #tpu.memory_space<vmem>>, vector<1x16xi32>,
    %get3A_1607 = arith.constant 79 : i32
    %get3A_1608 = arith.index_cast %get3A_1607 : i32 to index
    %get3A_1609 = arith.constant 80 : index
    %get3A_1610 = tpu.vector_load %arg5[%get3A_1608, %get3A_1609] {strides = array<i32>} : memref<80x128xi32, #tpu.memory_space<vmem>>, vector<1x16xi32>,
    %get3A_1611 = vector.shape_cast %get3A_1610 : vector<1x16xi32> to vector<16xi32>
    %and3A_1612 = arith.constant 262143 : i32
    %and3A_1613 = vector.broadcast %and3A_1612 : i32 to vector<16xi32>
    %and3A_1614 = arith.andi %get3A_1611, %and3A_1613 : vector<16xi32>
    %swap3A_1615 = arith.constant 3 : i32
    %swap3A_1616 = arith.index_cast %swap3A_1615 : i32 to index
    %swap3A_1617 = arith.constant 80 : index
    %swap3A_1618 = tpu.vector_load %arg6[%swap3A_1616, %swap3A_1617] {strides = array<i32>} : memref<4x128xi32, #tpu.memory_space<vmem>>, vector<1x16xi32>,
    %swap3A_1619 = vector.shape_cast %swap3A_1618 : vector<1x16xi32> to vector<16xi32>
    %swap3A_1620 = vector.shape_cast %and3A_1614 : vector<16xi32> to vector<1x16xi32>
    tpu.vector_store %arg6[%swap3A_1616, %swap3A_1617], %swap3A_1620 {strides = array<i32>} : memref<4x128xi32, #tpu.memory_space<vmem>>, vector<1x16xi32>,
    %shift_right_logical3A_1621 = arith.constant 18 : i32
    %shift_right_logical3A_1622 = vector.broadcast %shift_right_logical3A_1621 : i32 to vector<16xi32>
    %shift_right_logical3A_1623 = arith.shrui %get3A_1611, %shift_right_logical3A_1622 : vector<16xi32>
    %swap3A_1624 = arith.constant 3 : i32
    %swap3A_1625 = arith.index_cast %swap3A_1624 : i32 to index
    %swap3A_1626 = arith.constant 80 : index
    %swap3A_1627 = tpu.vector_load %arg7[%swap3A_1625, %swap3A_1626] {strides = array<i32>} : memref<4x128xi32, #tpu.memory_space<vmem>>, vector<1x16xi32>,
    %swap3A_1628 = vector.shape_cast %swap3A_1627 : vector<1x16xi32> to vector<16xi32>
    %swap3A_1629 = vector.shape_cast %shift_right_logical3A_1623 : vector<16xi32> to vector<1x16xi32>
    tpu.vector_store %arg7[%swap3A_1625, %swap3A_1626], %swap3A_1629 {strides = array<i32>} : memref<4x128xi32, #tpu.memory_space<vmem>>, vector<1x16xi32>,
    %get3A_1630 = arith.constant 79 : i32
    %get3A_1631 = arith.index_cast %get3A_1630 : i32 to index
    %get3A_1632 = arith.constant 96 : index
    %get3A_1633 = tpu.vector_load %arg5[%get3A_1631, %get3A_1632] {strides = array<i32>} : memref<80x128xi32, #tpu.memory_space<vmem>>, vector<1x16xi32>,
    %get3A_1634 = vector.shape_cast %get3A_1633 : vector<1x16xi32> to vector<16xi32>
    %and3A_1635 = arith.constant 262143 : i32
    %and3A_1636 = vector.broadcast %and3A_1635 : i32 to vector<16xi32>
    %and3A_1637 = arith.andi %get3A_1634, %and3A_1636 : vector<16xi32>
    %swap3A_1638 = arith.constant 3 : i32
    %swap3A_1639 = arith.index_cast %swap3A_1638 : i32 to index
    %swap3A_1640 = arith.constant 96 : index
    %swap3A_1641 = tpu.vector_load %arg6[%swap3A_1639, %swap3A_1640] {strides = array<i32>} : memref<4x128xi32, #tpu.memory_space<vmem>>, vector<1x16xi32>,
    %swap3A_1642 = vector.shape_cast %swap3A_1641 : vector<1x16xi32> to vector<16xi32>
    %swap3A_1643 = vector.shape_cast %and3A_1637 : vector<16xi32> to vector<1x16xi32>
    tpu.vector_store %arg6[%swap3A_1639, %swap3A_1640], %swap3A_1643 {strides = array<i32>} : memref<4x128xi32, #tpu.memory_space<vmem>>, vector<1x16xi32>,
    %shift_right_logical3A_1644 = arith.constant 18 : i32
    %shift_right_logical3A_1645 = vector.broadcast %shift_right_logical3A_1644 : i32 to vector<16xi32>
    %shift_right_logical3A_1646 = arith.shrui %get3A_1634, %shift_right_logical3A_1645 : vector<16xi32>
    %swap3A_1647 = arith.constant 3 : i32
    %swap3A_1648 = arith.index_cast %swap3A_1647 : i32 to index
    %swap3A_1649 = arith.constant 96 : index
    %swap3A_1650 = tpu.vector_load %arg7[%swap3A_1648, %swap3A_1649] {strides = array<i32>} : memref<4x128xi32, #tpu.memory_space<vmem>>, vector<1x16xi32>,
    %swap3A_1651 = vector.shape_cast %swap3A_1650 : vector<1x16xi32> to vector<16xi32>
    %swap3A_1652 = vector.shape_cast %shift_right_logical3A_1646 : vector<16xi32> to vector<1x16xi32>
    tpu.vector_store %arg7[%swap3A_1648, %swap3A_1649], %swap3A_1652 {strides = array<i32>} : memref<4x128xi32, #tpu.memory_space<vmem>>, vector<1x16xi32>,
    %get3A_1653 = arith.constant 79 : i32
    %get3A_1654 = arith.index_cast %get3A_1653 : i32 to index
    %get3A_1655 = arith.constant 112 : index
    %get3A_1656 = tpu.vector_load %arg5[%get3A_1654, %get3A_1655] {strides = array<i32>} : memref<80x128xi32, #tpu.memory_space<vmem>>, vector<1x16xi32>,
    %get3A_1657 = vector.shape_cast %get3A_1656 : vector<1x16xi32> to vector<16xi32>
    %and3A_1658 = arith.constant 262143 : i32
    %and3A_1659 = vector.broadcast %and3A_1658 : i32 to vector<16xi32>
    %and3A_1660 = arith.andi %get3A_1657, %and3A_1659 : vector<16xi32>
    %swap3A_1661 = arith.constant 3 : i32
    %swap3A_1662 = arith.index_cast %swap3A_1661 : i32 to index
    %swap3A_1663 = arith.constant 112 : index
    %swap3A_1664 = tpu.vector_load %arg6[%swap3A_1662, %swap3A_1663] {strides = array<i32>} : memref<4x128xi32, #tpu.memory_space<vmem>>, vector<1x16xi32>,
    %swap3A_1665 = vector.shape_cast %swap3A_1664 : vector<1x16xi32> to vector<16xi32>
    %swap3A_1666 = vector.shape_cast %and3A_1660 : vector<16xi32> to vector<1x16xi32>
    tpu.vector_store %arg6[%swap3A_1662, %swap3A_1663], %swap3A_1666 {strides = array<i32>} : memref<4x128xi32, #tpu.memory_space<vmem>>, vector<1x16xi32>,
    %shift_right_logical3A_1667 = arith.constant 18 : i32
    %shift_right_logical3A_1668 = vector.broadcast %shift_right_logical3A_1667 : i32 to vector<16xi32>
    %shift_right_logical3A_1669 = arith.shrui %get3A_1657, %shift_right_logical3A_1668 : vector<16xi32>
    %swap3A_1670 = arith.constant 3 : i32
    %swap3A_1671 = arith.index_cast %swap3A_1670 : i32 to index
    %swap3A_1672 = arith.constant 112 : index
    %swap3A_1673 = tpu.vector_load %arg7[%swap3A_1671, %swap3A_1672] {strides = array<i32>} : memref<4x128xi32, #tpu.memory_space<vmem>>, vector<1x16xi32>,
    %swap3A_1674 = vector.shape_cast %swap3A_1673 : vector<1x16xi32> to vector<16xi32>
    %swap3A_1675 = vector.shape_cast %shift_right_logical3A_1669 : vector<16xi32> to vector<1x16xi32>
    tpu.vector_store %arg7[%swap3A_1671, %swap3A_1672], %swap3A_1675 {strides = array<i32>} : memref<4x128xi32, #tpu.memory_space<vmem>>, vector<1x16xi32>,
    %dma_wait3A_1676 = arith.constant 0 : i32
    %dma_wait3A_1677 = arith.constant 0 : i32
    %dma_wait3A_1678 = tpu.memref_slice %arg7[%dma_wait3A_1676, %dma_wait3A_1677] : memref<4x128xi32, #tpu.memory_space<vmem>> -> memref<1x128xi32, #tpu.memory_space<vmem>>
    %dma_wait3A_1679 = tpu.memref_squeeze %dma_wait3A_1678 : memref<1x128xi32, #tpu.memory_space<vmem>> -> memref<128xi32, #tpu.memory_space<vmem>>
    %dma_wait3A_1680 = arith.constant 0 : i32
    %dma_wait3A_1681 = arith.constant 0 : i32
    %dma_wait3A_1682 = tpu.memref_slice %arg10[%dma_wait3A_1680, %dma_wait3A_1681] : memref<10128x128xf32, #tpu.memory_space<vmem_shared>> -> memref<10128x128xf32, #tpu.memory_space<vmem_shared>>
    tpu.wait_indirect_dma semaphore(%arg14 : memref<!tpu.dma_semaphore, #tpu.memory_space<semaphore_mem>>) src(%arg9 : memref<128x128xf32, #tpu.memory_space<vmem>>) dst(%dma_wait3A_1682 : memref<10128x128xf32, #tpu.memory_space<vmem_shared>>)
    %dma_start3A_1683 = arith.constant 3 : i32
    %dma_start3A_1684 = arith.constant 0 : i32
    %dma_start3A_1685 = tpu.memref_slice %arg6[%dma_start3A_1683, %dma_start3A_1684] : memref<4x128xi32, #tpu.memory_space<vmem>> -> memref<1x128xi32, #tpu.memory_space<vmem>>
    %dma_start3A_1686 = tpu.memref_squeeze %dma_start3A_1685 : memref<1x128xi32, #tpu.memory_space<vmem>> -> memref<128xi32, #tpu.memory_space<vmem>>
    %dma_start3A_1687 = arith.constant 0 : i32
    %dma_start3A_1688 = arith.constant 0 : i32
    %dma_start3A_1689 = tpu.memref_slice %arg2[%dma_start3A_1687, %dma_start3A_1688] : memref<160000x128xf32, #tpu.memory_space<hbm>> -> memref<160000x128xf32, #tpu.memory_space<hbm>>
    tpu.enqueue_indirect_dma source(%dma_start3A_1689 : memref<160000x128xf32, #tpu.memory_space<hbm>>) target(%arg9 : memref<128x128xf32, #tpu.memory_space<vmem>>) offsets(%dma_start3A_1686 : memref<128xi32, #tpu.memory_space<vmem>>) semaphore(%arg12 : memref<!tpu.dma_semaphore, #tpu.memory_space<semaphore_mem>>)
    %dma_wait3A_1690 = arith.constant 3 : i32
    %dma_wait3A_1691 = arith.constant 0 : i32
    %dma_wait3A_1692 = tpu.memref_slice %arg6[%dma_wait3A_1690, %dma_wait3A_1691] : memref<4x128xi32, #tpu.memory_space<vmem>> -> memref<1x128xi32, #tpu.memory_space<vmem>>
    %dma_wait3A_1693 = tpu.memref_squeeze %dma_wait3A_1692 : memref<1x128xi32, #tpu.memory_space<vmem>> -> memref<128xi32, #tpu.memory_space<vmem>>
    %dma_wait3A_1694 = arith.constant 0 : i32
    %dma_wait3A_1695 = arith.constant 0 : i32
    %dma_wait3A_1696 = tpu.memref_slice %arg2[%dma_wait3A_1694, %dma_wait3A_1695] : memref<160000x128xf32, #tpu.memory_space<hbm>> -> memref<160000x128xf32, #tpu.memory_space<hbm>>
    tpu.wait_indirect_dma semaphore(%arg12 : memref<!tpu.dma_semaphore, #tpu.memory_space<semaphore_mem>>) src(%dma_wait3A_1696 : memref<160000x128xf32, #tpu.memory_space<hbm>>) dst(%arg9 : memref<128x128xf32, #tpu.memory_space<vmem>>)
    %dma_start3A_1697 = arith.constant 3 : i32
    %dma_start3A_1698 = arith.constant 0 : i32
    %dma_start3A_1699 = tpu.memref_slice %arg7[%dma_start3A_1697, %dma_start3A_1698] : memref<4x128xi32, #tpu.memory_space<vmem>> -> memref<1x128xi32, #tpu.memory_space<vmem>>
    %dma_start3A_1700 = tpu.memref_squeeze %dma_start3A_1699 : memref<1x128xi32, #tpu.memory_space<vmem>> -> memref<128xi32, #tpu.memory_space<vmem>>
    %dma_start3A_1701 = arith.constant 0 : i32
    %dma_start3A_1702 = arith.constant 0 : i32
    %dma_start3A_1703 = tpu.memref_slice %arg10[%dma_start3A_1701, %dma_start3A_1702] : memref<10128x128xf32, #tpu.memory_space<vmem_shared>> -> memref<10128x128xf32, #tpu.memory_space<vmem_shared>>
    tpu.enqueue_indirect_dma source(%arg9 : memref<128x128xf32, #tpu.memory_space<vmem>>) target(%dma_start3A_1703 : memref<10128x128xf32, #tpu.memory_space<vmem_shared>>) offsets(%dma_start3A_1700 : memref<128xi32, #tpu.memory_space<vmem>>) semaphore(%arg14 : memref<!tpu.dma_semaphore, #tpu.memory_space<semaphore_mem>>) {add = true}
    %dma_wait3A_1704 = arith.constant 0 : i32
    %dma_wait3A_1705 = arith.constant 0 : i32
    %dma_wait3A_1706 = tpu.memref_slice %arg7[%dma_wait3A_1704, %dma_wait3A_1705] : memref<4x128xi32, #tpu.memory_space<vmem>> -> memref<1x128xi32, #tpu.memory_space<vmem>>
    %dma_wait3A_1707 = tpu.memref_squeeze %dma_wait3A_1706 : memref<1x128xi32, #tpu.memory_space<vmem>> -> memref<128xi32, #tpu.memory_space<vmem>>
    %dma_wait3A_1708 = arith.constant 0 : i32
    %dma_wait3A_1709 = arith.constant 0 : i32
    %dma_wait3A_1710 = tpu.memref_slice %arg10[%dma_wait3A_1708, %dma_wait3A_1709] : memref<10128x128xf32, #tpu.memory_space<vmem_shared>> -> memref<10128x128xf32, #tpu.memory_space<vmem_shared>>
    tpu.wait_indirect_dma semaphore(%arg13 : memref<!tpu.dma_semaphore, #tpu.memory_space<semaphore_mem>>) src(%arg8 : memref<128x128xf32, #tpu.memory_space<vmem>>) dst(%dma_wait3A_1710 : memref<10128x128xf32, #tpu.memory_space<vmem_shared>>)
    %dma_wait3A_1711 = arith.constant 0 : i32
    %dma_wait3A_1712 = arith.constant 0 : i32
    %dma_wait3A_1713 = tpu.memref_slice %arg7[%dma_wait3A_1711, %dma_wait3A_1712] : memref<4x128xi32, #tpu.memory_space<vmem>> -> memref<1x128xi32, #tpu.memory_space<vmem>>
    %dma_wait3A_1714 = tpu.memref_squeeze %dma_wait3A_1713 : memref<1x128xi32, #tpu.memory_space<vmem>> -> memref<128xi32, #tpu.memory_space<vmem>>
    %dma_wait3A_1715 = arith.constant 0 : i32
    %dma_wait3A_1716 = arith.constant 0 : i32
    %dma_wait3A_1717 = tpu.memref_slice %arg10[%dma_wait3A_1715, %dma_wait3A_1716] : memref<10128x128xf32, #tpu.memory_space<vmem_shared>> -> memref<10128x128xf32, #tpu.memory_space<vmem_shared>>
    tpu.wait_indirect_dma semaphore(%arg14 : memref<!tpu.dma_semaphore, #tpu.memory_space<semaphore_mem>>) src(%arg9 : memref<128x128xf32, #tpu.memory_space<vmem>>) dst(%dma_wait3A_1717 : memref<10128x128xf32, #tpu.memory_space<vmem_shared>>)
    %barrier3A_1718 = arith.constant 0 : index
    tpu.barrier barrier_id(%barrier3A_1718)
    "tpu.region"() ({
      %run_scoped3A = tpu.sem_alloc : memref<!tpu.dma_semaphore, #tpu.memory_space<semaphore_mem>>
      %dma_start3A_1724 = arith.constant 0 : i32
      %dma_start3A_1725 = tpu.memref_slice %arg4[%arg0, %mul3A_195, %dma_start3A_1724] : memref<2x10000x128xf32, #tpu.memory_space<hbm>> -> memref<1x624x128xf32, #tpu.memory_space<hbm>>
      %dma_start3A_1726 = tpu.memref_squeeze %dma_start3A_1725 : memref<1x624x128xf32, #tpu.memory_space<hbm>> -> memref<624x128xf32, #tpu.memory_space<hbm>>
      %dma_start3A_1727 = arith.constant 0 : i32
      %dma_start3A_1728 = tpu.memref_slice %arg10[%mul3A_195, %dma_start3A_1727] : memref<10128x128xf32, #tpu.memory_space<vmem_shared>> -> memref<624x128xf32, #tpu.memory_space<vmem_shared>>
      tpu.enqueue_dma source(%dma_start3A_1728 : memref<624x128xf32, #tpu.memory_space<vmem_shared>>) target(%dma_start3A_1726 : memref<624x128xf32, #tpu.memory_space<hbm>>) target_semaphore(%run_scoped3A : memref<!tpu.dma_semaphore, #tpu.memory_space<semaphore_mem>>)
      %dma_wait3A_1729 = arith.constant 0 : i32
      %dma_wait3A_1730 = tpu.memref_slice %arg4[%arg0, %mul3A_195, %dma_wait3A_1729] : memref<2x10000x128xf32, #tpu.memory_space<hbm>> -> memref<1x624x128xf32, #tpu.memory_space<hbm>>
      %dma_wait3A_1731 = tpu.memref_squeeze %dma_wait3A_1730 : memref<1x624x128xf32, #tpu.memory_space<hbm>> -> memref<624x128xf32, #tpu.memory_space<hbm>>
      %dma_wait3A_1732 = arith.constant 0 : i32
      %dma_wait3A_1733 = tpu.memref_slice %arg10[%mul3A_195, %dma_wait3A_1732] : memref<10128x128xf32, #tpu.memory_space<vmem_shared>> -> memref<624x128xf32, #tpu.memory_space<vmem_shared>>
      tpu.wait_dma2 semaphore(%run_scoped3A : memref<!tpu.dma_semaphore, #tpu.memory_space<semaphore_mem>>) src(%dma_wait3A_1733 : memref<624x128xf32, #tpu.memory_space<vmem_shared>>) dst(%dma_wait3A_1731 : memref<624x128xf32, #tpu.memory_space<hbm>>)
      tpu.yield
    }) : () -> ()
    %eq3A_1719 = arith.constant 15 : i32
    %eq3A_1720 = arith.cmpi eq, %arg1, %eq3A_1719 : i32
    %convert_element_type3A_1721 = arith.extui %eq3A_1720 : i1 to i32
    %cond3A_1722 = arith.constant 0 : i32
    %cond3A_1723 = arith.cmpi ne, %convert_element_type3A_1721, %cond3A_1722 : i32
    scf.if %cond3A_1723 {
      "tpu.region"() ({
        %run_scoped3A = tpu.sem_alloc : memref<!tpu.dma_semaphore, #tpu.memory_space<semaphore_mem>>
        %dma_start3A_1724 = arith.constant 9984 : i32
        %dma_start3A_1725 = arith.constant 0 : i32
        %dma_start3A_1726 = tpu.memref_slice %arg4[%arg0, %dma_start3A_1724, %dma_start3A_1725] : memref<2x10000x128xf32, #tpu.memory_space<hbm>> -> memref<1x16x128xf32, #tpu.memory_space<hbm>>
        %dma_start3A_1727 = tpu.memref_squeeze %dma_start3A_1726 : memref<1x16x128xf32, #tpu.memory_space<hbm>> -> memref<16x128xf32, #tpu.memory_space<hbm>>
        %dma_start3A_1728 = arith.constant 9984 : i32
        %dma_start3A_1729 = arith.constant 0 : i32
        %dma_start3A_1730 = tpu.memref_slice %arg10[%dma_start3A_1728, %dma_start3A_1729] : memref<10128x128xf32, #tpu.memory_space<vmem_shared>> -> memref<16x128xf32, #tpu.memory_space<vmem_shared>>
        tpu.enqueue_dma source(%dma_start3A_1730 : memref<16x128xf32, #tpu.memory_space<vmem_shared>>) target(%dma_start3A_1727 : memref<16x128xf32, #tpu.memory_space<hbm>>) target_semaphore(%run_scoped3A : memref<!tpu.dma_semaphore, #tpu.memory_space<semaphore_mem>>)
        %dma_wait3A_1731 = arith.constant 9984 : i32
        %dma_wait3A_1732 = arith.constant 0 : i32
        %dma_wait3A_1733 = tpu.memref_slice %arg4[%arg0, %dma_wait3A_1731, %dma_wait3A_1732] : memref<2x10000x128xf32, #tpu.memory_space<hbm>> -> memref<1x16x128xf32, #tpu.memory_space<hbm>>
        %dma_wait3A_1734 = tpu.memref_squeeze %dma_wait3A_1733 : memref<1x16x128xf32, #tpu.memory_space<hbm>> -> memref<16x128xf32, #tpu.memory_space<hbm>>
        %dma_wait3A_1735 = arith.constant 9984 : i32
        %dma_wait3A_1736 = arith.constant 0 : i32
        %dma_wait3A_1737 = tpu.memref_slice %arg10[%dma_wait3A_1735, %dma_wait3A_1736] : memref<10128x128xf32, #tpu.memory_space<vmem_shared>> -> memref<16x128xf32, #tpu.memory_space<vmem_shared>>
        tpu.wait_dma2 semaphore(%run_scoped3A : memref<!tpu.dma_semaphore, #tpu.memory_space<semaphore_mem>>) src(%dma_wait3A_1737 : memref<16x128xf32, #tpu.memory_space<vmem_shared>>) dst(%dma_wait3A_1734 : memref<16x128xf32, #tpu.memory_space<hbm>>)
        tpu.yield
      }) : () -> ()
    } else {
    }
    return
  }
}

module attributes {stable_mosaic.version = 14 : i64} {
  func.func @_add_body(%arg0: i32, %arg1: memref<2x10000x128xf32, #tpu.memory_space<vmem>>, %arg2: memref<10000x128xf32, #tpu.memory_space<vmem>>) attributes {dimension_semantics = [#tpu.dimension_semantics<arbitrary>], iteration_bounds = array<i64: 1>, scalar_prefetch = 0 : i64, scratch_operands = 0 : i64, tpu.core_type = #tpu.core_type<tc>, window_params = [{transform_indices = @transform_0, window_bounds = array<i64: 2, 10000, 128>}, {transform_indices = @transform_1, window_bounds = array<i64: 10000, 128>}]} {
    %get3A = arith.constant 0 : index
    %get3A_0 = arith.constant 0 : index
    %get3A_1 = arith.constant 0 : index
    %get3A_2 = vector.load %arg1[%get3A, %get3A_0, %get3A_1] : memref<2x10000x128xf32, #tpu.memory_space<vmem>>, vector<1x10000x128xf32>
    %get3A_3 = vector.shape_cast %get3A_2 : vector<1x10000x128xf32> to vector<10000x128xf32>
    %get3A_4 = arith.constant 1 : index
    %get3A_5 = arith.constant 0 : index
    %get3A_6 = arith.constant 0 : index
    %get3A_7 = vector.load %arg1[%get3A_4, %get3A_5, %get3A_6] : memref<2x10000x128xf32, #tpu.memory_space<vmem>>, vector<1x10000x128xf32>
    %get3A_8 = vector.shape_cast %get3A_7 : vector<1x10000x128xf32> to vector<10000x128xf32>
    %add3A = arith.addf %get3A_3, %get3A_8 : vector<10000x128xf32>
    %swap3A = arith.constant 0 : index
    %swap3A_9 = arith.constant 0 : index
    %swap3A_10 = vector.load %arg2[%swap3A, %swap3A_9] : memref<10000x128xf32, #tpu.memory_space<vmem>>, vector<10000x128xf32>
    tpu.vector_store %arg2[%swap3A, %swap3A_9], %add3A {strides = array<i32>} : memref<10000x128xf32, #tpu.memory_space<vmem>>, vector<10000x128xf32>,
    return
  }
  func.func @transform_0(%arg0: i32) -> (i32, i32, i32) {
    %c0_i32 = arith.constant 0 : i32
    %c0_i32_0 = arith.constant 0 : i32
    %c0_i32_1 = arith.constant 0 : i32
    return %c0_i32, %arg0, %c0_i32_0 : i32, i32, i32
  }
  func.func @transform_1(%arg0: i32) -> (i32, i32) {
    %c0_i32 = arith.constant 0 : i32
    %c0_i32_0 = arith.constant 0 : i32
    return %arg0, %c0_i32 : i32, i32
  }
}

module attributes {stable_mosaic.version = 14 : i64} {
  func.func @_mm_body(%arg0: i32, %arg1: i32, %arg2: memref<10000x128xf32, #tpu.memory_space<vmem>>, %arg3: memref<1x128x128xf32, #tpu.memory_space<vmem>>, %arg4: memref<2500x128xi32, #tpu.memory_space<vmem>>, %arg5: memref<2500x128xi32, #tpu.memory_space<vmem>>, %arg6: memref<2500x128xi32, #tpu.memory_space<vmem>>, %arg7: memref<1x10000x128xf32, #tpu.memory_space<vmem>>, %arg8: memref<2560x128xi32, #tpu.memory_space<vmem>>) attributes {dimension_semantics = [#tpu.dimension_semantics<arbitrary>, #tpu.dimension_semantics<arbitrary>], iteration_bounds = array<i64: 1, 16>, scalar_prefetch = 0 : i64, scratch_operands = 0 : i64, tpu.core_type = #tpu.core_type<tc>, window_params = [{transform_indices = @transform_0, window_bounds = array<i64: 10000, 128>}, {transform_indices = @transform_1, window_bounds = array<i64: 1, 128, 128>}, {pipeline_mode = #tpu.pipeline_mode<synchronous>, transform_indices = @transform_2, window_bounds = array<i64: 2500, 128>}, {pipeline_mode = #tpu.pipeline_mode<synchronous>, transform_indices = @transform_3, window_bounds = array<i64: 2500, 128>}, {pipeline_mode = #tpu.pipeline_mode<synchronous>, transform_indices = @transform_4, window_bounds = array<i64: 2500, 128>}, {transform_indices = @transform_5, window_bounds = array<i64: 1, 10000, 128>}, {pipeline_mode = #tpu.pipeline_mode<synchronous>, transform_indices = @transform_6, window_bounds = array<i64: 2560, 128>}]} {
    %get3A = arith.constant 0 : index
    %get3A_0 = arith.constant 0 : index
    %get3A_1 = vector.load %arg2[%get3A, %get3A_0] : memref<10000x128xf32, #tpu.memory_space<vmem>>, vector<10000x128xf32>
    %get3A_2 = arith.constant 0 : index
    %get3A_3 = arith.constant 0 : index
    %get3A_4 = arith.constant 0 : index
    %get3A_5 = vector.load %arg3[%get3A_2, %get3A_3, %get3A_4] : memref<1x128x128xf32, #tpu.memory_space<vmem>>, vector<1x128x128xf32>
    %get3A_6 = vector.shape_cast %get3A_5 : vector<1x128x128xf32> to vector<128x128xf32>
    %dot_general3A = arith.constant dense<0.000000e+00> : vector<10000x128xf32>
    %dot_general3A_7 = tpu.matmul %get3A_1, %get3A_6, %dot_general3A {dimension_numbers = #tpu.dot_dimension_numbers<[1], [0], [0], [1], [0, 0, 1, 1], [], []>, transpose_lhs_hint = false} : vector<10000x128xf32>, vector<128x128xf32>, vector<10000x128xf32> -> vector<10000x128xf32>
    %swap3A = arith.constant 0 : index
    %swap3A_8 = arith.constant 0 : index
    %swap3A_9 = arith.constant 0 : index
    %swap3A_10 = vector.load %arg7[%swap3A, %swap3A_8, %swap3A_9] : memref<1x10000x128xf32, #tpu.memory_space<vmem>>, vector<1x10000x128xf32>
    %swap3A_11 = vector.shape_cast %swap3A_10 : vector<1x10000x128xf32> to vector<10000x128xf32>
    %swap3A_12 = vector.shape_cast %dot_general3A_7 : vector<10000x128xf32> to vector<1x10000x128xf32>
    tpu.vector_store %arg7[%swap3A, %swap3A_8, %swap3A_9], %swap3A_12 {strides = array<i32>} : memref<1x10000x128xf32, #tpu.memory_space<vmem>>, vector<1x10000x128xf32>,
    %eq3A = arith.constant 0 : i32
    %eq3A_13 = arith.cmpi eq, %arg1, %eq3A : i32
    %convert_element_type3A = arith.extui %eq3A_13 : i1 to i32
    %cond3A = arith.constant 0 : i32
    %cond3A_14 = arith.cmpi ne, %convert_element_type3A, %cond3A : i32
    scf.if %cond3A_14 {
      %get3A_15 = arith.constant 0 : index
      %get3A_16 = arith.constant 0 : index
      %get3A_17 = vector.load %arg4[%get3A_15, %get3A_16] : memref<2500x128xi32, #tpu.memory_space<vmem>>, vector<2500x128xi32>
      %mul3A = arith.constant 10000 : i32
      %mul3A_18 = vector.broadcast %mul3A : i32 to vector<2500x128xi32>
      %mul3A_19 = arith.muli %get3A_17, %mul3A_18 : vector<2500x128xi32>
      %get3A_20 = arith.constant 0 : index
      %get3A_21 = arith.constant 0 : index
      %get3A_22 = vector.load %arg5[%get3A_20, %get3A_21] : memref<2500x128xi32, #tpu.memory_space<vmem>>, vector<2500x128xi32>
      %add3A = arith.addi %mul3A_19, %get3A_22 : vector<2500x128xi32>
      %get3A_23 = arith.constant 0 : index
      %get3A_24 = arith.constant 0 : index
      %get3A_25 = vector.load %arg6[%get3A_23, %get3A_24] : memref<2500x128xi32, #tpu.memory_space<vmem>>, vector<2500x128xi32>
      %shift_left3A = arith.constant 18 : i32
      %shift_left3A_26 = vector.broadcast %shift_left3A : i32 to vector<2500x128xi32>
      %shift_left3A_27 = arith.shli %get3A_25, %shift_left3A_26 : vector<2500x128xi32>
      %or3A = arith.ori %add3A, %shift_left3A_27 : vector<2500x128xi32>
      %swap3A_28 = arith.constant 0 : index
      %swap3A_29 = arith.constant 0 : index
      %swap3A_30 = vector.load %arg8[%swap3A_28, %swap3A_29] : memref<2560x128xi32, #tpu.memory_space<vmem>>, vector<2500x128xi32>
      tpu.vector_store %arg8[%swap3A_28, %swap3A_29], %or3A {strides = array<i32>} : memref<2560x128xi32, #tpu.memory_space<vmem>>, vector<2500x128xi32>,
      %iota3A = tpu.iota {dimensions = array<i32: 1>} : vector<60x128xi32>
      %add3A_31 = arith.constant 10000 : i32
      %add3A_32 = vector.broadcast %add3A_31 : i32 to vector<60x128xi32>
      %add3A_33 = arith.addi %iota3A, %add3A_32 : vector<60x128xi32>
      %shift_left3A_34 = arith.constant 18 : i32
      %shift_left3A_35 = vector.broadcast %shift_left3A_34 : i32 to vector<60x128xi32>
      %shift_left3A_36 = arith.shli %add3A_33, %shift_left3A_35 : vector<60x128xi32>
      %or3A_37 = arith.ori %iota3A, %shift_left3A_36 : vector<60x128xi32>
      %swap3A_38 = arith.constant 2500 : index
      %swap3A_39 = arith.constant 0 : index
      %swap3A_40 = vector.load %arg8[%swap3A_38, %swap3A_39] : memref<2560x128xi32, #tpu.memory_space<vmem>>, vector<60x128xi32>
      tpu.vector_store %arg8[%swap3A_38, %swap3A_39], %or3A_37 {strides = array<i32>} : memref<2560x128xi32, #tpu.memory_space<vmem>>, vector<60x128xi32>,
    } else {
    }
    return
  }
  func.func @transform_0(%arg0: i32, %arg1: i32) -> (i32, i32) {
    %c0_i32 = arith.constant 0 : i32
    %c0_i32_0 = arith.constant 0 : i32
    return %arg0, %c0_i32 : i32, i32
  }
  func.func @transform_1(%arg0: i32, %arg1: i32) -> (i32, i32, i32) {
    %c0_i32 = arith.constant 0 : i32
    %c0_i32_0 = arith.constant 0 : i32
    %c0_i32_1 = arith.constant 0 : i32
    return %arg1, %c0_i32, %c0_i32_0 : i32, i32, i32
  }
  func.func @transform_2(%arg0: i32, %arg1: i32) -> (i32, i32) {
    %c0_i32 = arith.constant 0 : i32
    %c0_i32_0 = arith.constant 0 : i32
    %c0_i32_1 = arith.constant 0 : i32
    return %c0_i32, %c0_i32_0 : i32, i32
  }
  func.func @transform_3(%arg0: i32, %arg1: i32) -> (i32, i32) {
    %c0_i32 = arith.constant 0 : i32
    %c0_i32_0 = arith.constant 0 : i32
    %c0_i32_1 = arith.constant 0 : i32
    return %c0_i32, %c0_i32_0 : i32, i32
  }
  func.func @transform_4(%arg0: i32, %arg1: i32) -> (i32, i32) {
    %c0_i32 = arith.constant 0 : i32
    %c0_i32_0 = arith.constant 0 : i32
    %c0_i32_1 = arith.constant 0 : i32
    return %c0_i32, %c0_i32_0 : i32, i32
  }
  func.func @transform_5(%arg0: i32, %arg1: i32) -> (i32, i32, i32) {
    %c0_i32 = arith.constant 0 : i32
    %c0_i32_0 = arith.constant 0 : i32
    return %arg1, %arg0, %c0_i32 : i32, i32, i32
  }
  func.func @transform_6(%arg0: i32, %arg1: i32) -> (i32, i32) {
    %c0_i32 = arith.constant 0 : i32
    %c0_i32_0 = arith.constant 0 : i32
    %c0_i32_1 = arith.constant 0 : i32
    return %c0_i32, %c0_i32_0 : i32, i32
  }
}

</mosaic_0001>

<sc_bundles>
// kernel: kernel.5.cloned.1.call-start
scs
__scs_entry_jumppad:
0x0: {  	(pc) =	sbr.rel $0x88, $3  }
0x1: {  	(tag) =	ssettag $0x0;
	lr =	simm.s32 $0x1  }
0x2: {  	[smem:$0x3F9D] =	sst lr;
	_ =	strace $0xD0000000  }
0x3: {  	_ = 	snop  }
0x4: {  	_ = 	snop  }
0x5: {  	_ = 	snop  }
0x6: {  	_ = 	snop  }
0x7: {  	_ = 	snop  }
__scs_overlays_trampoline_lowered:
0x8: {  	[smem:$0x3FAC] =	sst s0  }
0x9: {  	[smem:$0x3FAD] =	sst s1  }
0xa: {  	[smem:$0x3FAE] =	sst s2  }
0xb: {  	[smem:$0x3FAF] =	sst s3  }
0xc: {  	[smem:$0x3FB0] =	sst s4  }
0xd: {  	[smem:$0x3FB1] =	sst s5  }
0xe: {  	[smem:$0x3FB2] =	sst s6  }
0xf: {  	[smem:$0x3FB3] =	sst s7  }
0x10: {  	[smem:$0x3FB4] =	sst s8  }
0x11: {  	[smem:$0x3FB5] =	sst s9;
	s0 =	simm.s32 @!p0 $0x0  }
0x12: {  	s1 =	sld [smem:$0x3F9B];
	s0 =	simm.s32 @p0 $0x1  }
0x13: {  	[smem:$0x3FB6] =	sst s0;
	s0 =	simm.s32 @!p1 $0x0  }
0x14: {  	s2 =	sld [smem:$0x3F9A];
	s0 =	simm.s32 @p1 $0x1  }
0x15: {  	[smem:$0x3FB7] =	sst s0;
	s0 =	simm.s32 @!p2 $0x0  }
0x16: {  	s3 =	sld [smem:$0x3FDB];
	s0 =	simm.s32 @p2 $0x1  }
0x17: {  	s4 =	simm.s32 $0x1BF5;
	[smem:$0x3FB9] =	sst s0  }
0x18: {  	s0 =	sld [smem:$0x3F9C];
	_ =	swait.ge [sflag:s4], $0x0  }
0x19: {  	s7 =	sld [smem:$0x3F9D]  }
0x1a: {  	s8 =	sadd.s32 $0xFFFFE003, lr  }
0x1b: {  	s9 =	sadd.s32 $0xFFFFFEF7, lr;
	s5 =	simm.s32 $0xFFFFFFFF;
	p2 =	slt.u32 s8, $0xFFFFF086  }
0x1c: {  	p1 =	slt.u32 s9, $0xF7A;
	s5 =	simm.s32 @!p2 $0x0  }
0x1d: {  	s5 =	simm.s32 @p1 $0x1;
	p0 =	seq.s32 s7, s2  }
0x1e: {  	s7 =	smul.u32 @!p0 $0xF7A, s2;
	p2 =	seq.s32 @!p0 s5, $0x0  }
0x1f: {  	s9 =	smul.u32 $0xF7A, s1;
	s8 =	simm.s32 @!p0 $0x1BF5;
	p2 =	por !p2, p0  }
0x20: {  	[sflag:s8] =	ssyncset.s32 @!p0 $0xFFFFF086;
	s6 =	sadd.s32 @!p0 s3, s7;
	s7 =	simm.s32 @!p0 $0x108  }
0x21: {  	s3 =	sadd.s32 s3, s9;
	s6 =	sadd.s32 @!p0 $0x88, s6;
	s7 =	simm.s32 @p2 $0x1082  }
0x22: {  	[simem:s7], [sflag:s8] =	dma.local @!p0 [hbm:s6], $0xF7A  }
0x23: {  	s9 =	sor.u32 $0xD0000000, s2;
	s6 =	simm.s32 $0x108;
	_ =	swait.ge @!p0 [sflag:s8], $0x0  }
0x24: {  	s3 =	sadd.s32 $0x88, s3;
	s6 =	simm.s32 @!p1 $0x1082;
	[sflag:s4] =	ssyncset.s32 $0xFFFFF086  }
0x25: {  	[simem:s6], [sflag:s4] =	dma.local [hbm:s3], $0xF7A  }
0x26: {  	[smem:$0x3F9D] =	sst s1;
	(tag) =	ssettag s2;
	_ =	strace s9  }
0x27: {  	s1 =	sld [smem:$0x3FAD]  }
0x28: {  	s2 =	sld [smem:$0x3FAE]  }
0x29: {  	s4 =	sld [smem:$0x3FB0]  }
0x2a: {  	p0 =	seq.s32 s5, $0x0;
	s5 =	sld [smem:$0x3FB1]  }
0x2b: {  	s6 =	sld [smem:$0x3FB2]  }
0x2c: {  	s7 =	sld [smem:$0x3FB3]  }
0x2d: {  	s3 =	simm.s32 $0x108;
	s8 =	sld [smem:$0x3FB4]  }
0x2e: {  	s3 =	simm.s32 @!p0 $0x1082;
	s9 =	sld [smem:$0x3FB5]  }
0x2f: {  	lr =	sadd.s32 s0, s3;
	s0 =	sld [smem:$0x3FAC]  }
0x30: {  	s3 =	sld [smem:$0x3FAF]  }
0x31: {  	[smem:$0x3FB8] =	sst s10  }
0x32: {  	s10 =	sld [smem:$0x3FB6];
	_ =	sdelay $0x3  }
0x33: {  	p0 =	seq.s32 s10, $0x1;
	s10 =	sld [smem:$0x3FB8];
	_ =	sdelay $0x3  }
0x34: {  	[smem:$0x3FB8] =	sst s10  }
0x35: {  	s10 =	sld [smem:$0x3FB7];
	_ =	sdelay $0x3  }
0x36: {  	p1 =	seq.s32 s10, $0x1;
	s10 =	sld [smem:$0x3FB8];
	_ =	sdelay $0x3  }
0x37: {  	[smem:$0x3FB8] =	sst s10  }
0x38: {  	s10 =	sld [smem:$0x3FB9]  }
0x39: {  	_ = 	snop;
	(pc) =	sbr.ind lr, $3  }
0x3a: {  	_ = 	snop  }
0x3b: {  	_ = 	snop  }
0x3c: {  	p2 =	seq.s32 s10, $0x1;
	s10 =	sld [smem:$0x3FB8]  }
0x3d: {  	_ =	shalt  }
0x3e: {  	_ =	shalt  }
0x3f: {  	_ =	shalt  }
0x40: {  	_ =	shalt  }
0x41: {  	_ =	shalt  }
0x42: {  	_ =	shalt  }
0x43: {  	_ =	shalt  }
0x44: {  	_ =	shalt  }
0x45: {  	_ =	shalt  }
0x46: {  	_ =	shalt  }
0x47: {  	_ =	shalt  }
0x48: {  	_ =	shalt  }
0x49: {  	_ =	shalt  }
0x4a: {  	_ =	shalt  }
0x4b: {  	_ =	shalt  }
0x4c: {  	_ =	shalt  }
0x4d: {  	_ =	shalt  }
0x4e: {  	_ =	shalt  }
0x4f: {  	_ =	shalt  }
0x50: {  	_ =	shalt  }
0x51: {  	_ =	shalt  }
0x52: {  	_ =	shalt  }
0x53: {  	_ =	shalt  }
0x54: {  	_ =	shalt  }
0x55: {  	_ =	shalt  }
0x56: {  	_ =	shalt  }
0x57: {  	_ =	shalt  }
0x58: {  	_ =	shalt  }
0x59: {  	_ =	shalt  }
0x5a: {  	_ =	shalt  }
0x5b: {  	_ =	shalt  }
0x5c: {  	_ =	shalt  }
0x5d: {  	_ =	shalt  }
0x5e: {  	_ =	shalt  }
0x5f: {  	_ =	shalt  }
0x60: {  	_ =	shalt  }
0x61: {  	_ =	shalt  }
0x62: {  	_ =	shalt  }
0x63: {  	_ =	shalt  }
0x64: {  	_ =	shalt  }
0x65: {  	_ =	shalt  }
0x66: {  	_ =	shalt  }
0x67: {  	_ =	shalt  }
0x68: {  	_ =	shalt  }
0x69: {  	_ =	shalt  }
0x6a: {  	_ =	shalt  }
0x6b: {  	_ =	shalt  }
0x6c: {  	_ =	shalt  }
0x6d: {  	_ =	shalt  }
0x6e: {  	_ =	shalt  }
0x6f: {  	_ =	shalt  }
0x70: {  	_ =	shalt  }
0x71: {  	_ =	shalt  }
0x72: {  	_ =	shalt  }
0x73: {  	_ =	shalt  }
0x74: {  	_ =	shalt  }
0x75: {  	_ =	shalt  }
0x76: {  	_ =	shalt  }
0x77: {  	_ =	shalt  }
0x78: {  	_ =	shalt  }
0x79: {  	_ =	shalt  }
0x7a: {  	_ =	shalt  }
0x7b: {  	_ =	shalt  }
0x7c: {  	_ =	shalt  }
0x7d: {  	_ =	shalt  }
0x7e: {  	_ =	shalt  }
0x7f: {  	_ =	shalt  }
0x80: {  	_ =	shalt  }
0x81: {  	_ =	shalt  }
0x82: {  	_ =	shalt  }
0x83: {  	_ =	shalt  }
0x84: {  	_ =	shalt  }
0x85: {  	_ =	shalt  }
0x86: {  	_ =	shalt  }
0x87: {  	_ =	shalt  }
.Lfunc_end0:
.L_simem_size_0:
called_computation_lowered:
.L_overlay_start_0:
0x88: {  	s2 =	sld [smem:$0x3FD9]  }
0x89: {  	s3 =	sld [smem:$0x3FFE];
	_ =	sdelay $0x1  }
0x8a: {  	s1 =	srdreg.scid  }
0x8b: {  	s0 =	sand.u32 $0x1, s1  }
0x8c: {  	s17 =	sshll.u32 s0, $0xA;
	s2 =	sadd.s32 s3, s2  }
0x8d: {  	s2 =	sadd.s32 s2, s17  }
0x8e: {  	[smem:$0x3FC4] =	sst s2  }
0x8f: {  	_ = 	snop  }
0x90: {  	s2 =	sld [smem:$0x3FD0];
	(tm) =	ssettm $0x1  }
0x91: {  	s18 =	sld [smem:$0x3FFB];
	_ =	sdelay $0x3  }
0x92: {  	_ =	strace s18  }
0x93: {  	s3 =	sld [smem:$0x3FFC];
	_ =	sdelay $0x3  }
0x94: {  	_ =	strace s3  }
0x95: {  	s3 =	sld [smem:$0x3FFD];
	_ =	sdelay $0x3  }
0x96: {  	_ =	strace s3  }
0x97: {  	_ =	strace $0x8FFFFFFF  }
0x98: {  	s19 =	sld [smem:$0x3FDB];
	_ =	sdelay $0x1  }
0x99: {  	s4 =	simm.s32 $_scs_section_size  }
0x9a: {  	s5 =	simm.s32 $_size__tile_overlayer_lowered;
	s6 =	simm.s32 $_tile_overlayer_lowered  }
0x9b: {  	s22 =	simm.s32 $0x1BFF;
	s21 =	sshll.u32 s6, $0x1;
	s3 =	sadd.s32 s4, s19  }
0x9c: {  	s7 =	simm.s32 $0x0;
	s20 =	sshll.u32 s5, $0x1;
	s5 =	sadd.s32 s21, s3  }
0x9d: {  	[timem:s7], [sflag:s22] =	dma.local [hbm:s5], s20  }
0x9e: {  	_ =	swait.ge [sflag:s22], s20  }
0x9f: {  	s4 =	ssub.s32 $0x0, s20;
	[sflag:s22] =	ssyncset.done $0x0  }
0xa0: {  	[sflag:s22] =	ssyncadd.s32 s4;
	_ =	sdelay $0x1  }
0xa1: {  	s23 =	simm.s32 $0x1B8B  }
0xa2: {  	_ =	swait.ge [sflag:s23], $0x1  }
0xa3: {  	[sflag:s23] =	ssyncset.done $0x0  }
0xa4: {  	s25 =	simm.s32 $0x1B8E;
	s24 =	sld [smem:$0x3FFE];
	[sflag:s23] =	ssyncadd.s32 $0xFFFFFFFF  }
0xa5: {  	s26 =	simm.s32 $execute0_lowered;
	[smem:$0x3FD2] =	sst s25  }
0xa6: {  	s5 =	sshll.u32 s26, $0x1;
	_ =	strace $0x80000046;
	[dreg:$0x1] =	wrdreg $0xFFFFFFFF  }
0xa7: {  	s28 =	simm.s32 $_size_execute0_lowered;
	s3 =	sadd.s32 s3, s5;
	[dreg:$0x0] =	wrdreg $0x0  }
0xa8: {  	s5 =	sshll.u32 s28, $0x1;
	[dreg:$0x2] =	wrdreg s3  }
0xa9: {  	[dreg:$0x3] =	wrdreg s5  }
0xaa: {  	[dreg:$0x4] =	wrdreg $0xC0  }
0xab: {  	_ =	task [dreg:s7], $0x5FFFF  }
0xac: {  	[dreg:$0x1] =	wrdreg $0xFFFFFFFF  }
0xad: {  	[dreg:$0x0] =	wrdreg $0x60  }
0xae: {  	[dreg:$0x2] =	wrdreg s24  }
0xaf: {  	[dreg:$0x3] =	wrdreg s2  }
0xb0: {  	[dreg:$0x4] =	wrdreg $0xAC000  }
0xb1: {  	[dreg:$0x5] =	wrdreg $0x9  }
0xb2: {  	_ =	task.clear_ibuf [dreg:s7], $0x6FFFF;
	_ =	strace $0x90000046  }
0xb3: {  	s29 =	simm.s32 $0x9;
	_ =	strace $0x80000048  }
0xb4: {  	_ =	swait.ge [sflag:s29], $0x1  }
0xb5: {  	[sflag:s29] =	ssyncadd.s32 $0xFFFFFFFF  }
0xb6: {  	_ =	strace $0x90000048  }
0xb7: {  	_ =	sfence  }
0xb8: {  	s30 =	sld [smem:$0x0];
	_ =	sdelay $0x2  }
0xb9: {  	s31 =	sshll.u32 s1, $0xD;
	s1 =	sshrl.u32 s1, $0x2  }
0xba: {  	s3 =	sand.u32 $0x4000, s31;
	s1 =	sadd.s32 s1, s30  }
0xbb: {  	s0 =	sor.u32 s3, s0;
	s1 =	sshll.u32 s1, $0x11  }
0xbc: {  	s0 =	sor.u32 s1, s0  }
0xbd: {  	s0 =	sadd.s32 $0x8F2B, s0  }
0xbe: {  	[sflag:s0] =	ssyncadd.remote.s32 $0x1  }
0xbf: {  	_ =	sfence.sel $0xFFFF  }
0xc0: {  	[dreg:$0x0] =	wrdreg $0xFFFFFFFF;
	(pc) =	sbr.abs _section_cstart, $3  }
0xc1: {  	[dreg:$0x1] =	wrdreg $0xFFFFFFFF  }
0xc2: {  	_ =	task.clear_ibuf [dreg:s7], $0x2FFFF;
	_ =	strace $0x9FFFFFFF  }
0xc3: {  	(tm) =	ssettm $0x7FFFFFFF  }
tec
execute0_lowered:
.L_overlay_start_1:
0x0: {  	(tag) =	ssettag $0x1  }
0x1: {  	s0 =	rddreg [dreg:$0x0]  }
0x2: {  	s2 =	rddreg [dreg:$0x1]  }
0x3: {  	s1 =	rddreg [dreg:$0x2]  }
0x4: {  	s3 =	simm.s32 $0x0;
	s24 =	srdreg.scid;
	s19 =	stileid.u32  }
0x5: {  	s15 =	simm.s32 $0x5;
	s16 =	simm.s32 $0x80;
	s17 =	simm.s32 $0x2800  }
0x6: {  	s18 =	simm.s32 $0x2C00;
	s20 =	simm.s32 $0x2880;
	s21 =	simm.s32 $0x1  }
0x7: {  	s22 =	simm.s32 $0x2A00;
	s23 =	simm.s32 $0x2;
	s28 =	simm.s32 $0x2B00  }
0x8: {  	s29 =	simm.s32 $0x4;
	s30 =	simm.s32 $0x2980;
	s31 =	simm.s32 $0x2B80  }
0x9: {  	[smem:$0x7FF] =	sst s3;
	s4 =	sadd.s32 $0x800, s0;
	s3 =	sand.u32 $0x1, s24  }
0xa: {  	s5 =	sshll.u32 s19, $0x1;
	s7 =	smul.u32 $0x4E000, s19;
	s0 =	sadd.s32 $0x271800, s0  }
0xb: {  	s26 =	smul.u32 $0x13800, s19;
	s11 =	sadd.s32 $0x138000, s1;
	p0 =	sne.s32 s19, $0xF  }
0xc: {  	s19 =	simm.s32 $0x6C00;
	s24 =	simm.s32 $0x2A80;
	_ =	strace $0x80000047  }
0xd: {  	s6 =	ssub.s32 $0x2, s3;
	s5 =	sor.u32 s3, s5;
	s3 =	smul.u32 $0x138800, s3  }
0xe: {  	s8 =	sshrl.u32 s6, $0x1;
	s5 =	smul.u32 $0x500, s5;
	s25 =	sshrl.u32 s7, $0x2  }
0xf: {  	s14 =	ssub.s32 s6, s8;
	s6 =	sadd.s32 s25, s1;
	s25 =	simm.s32 $0x3  }
0x10: {  	s2 =	sadd.s32 s2, s5;
	s7 =	sadd.s32 $0x4000, s6;
	s8 =	sadd.s32 $0x8000, s6  }
0x11: {  	s9 =	sadd.s32 $0xC000, s6;
	s10 =	sadd.s32 $0x10000, s6;
	s14 =	smax.u32 s14, $0x1  }
0x12: {  	[dreg:$0x4] =	wrdreg s2;
	s2 =	sadd.s32 s26, s3;
	s3 =	sshrl.u32 s3, $0x3  }
0x13: {  	s26 =	simm.s32 $0x2900;
	s2 =	sshrl.u32 s2, $0x3;
	s3 =	sadd.s32 s0, s3  }
0x14: {  	v0 =	vimm.f32 $0.0e+00;
	s12 =	sadd.s32 s0, s2;
	s13 =	sadd.s32 $0x27000, s3;
	s0 =	simm.s32 $0x0  }
.LBB2_1:
0x15: {  	s2 =	simm.s32 $0x0;
	s3 =	rddreg [dreg:$0x4]  }
0x16: {  	[tilespmem:s2], [sflag:$0x5] =	stream.linear.gather [hbm4b:s3+s2], $0x2800, $0x38;
	[tilespmem:$0x1E880] =	vst v63  }
0x17: {  	_ =	swait.ge [sflag:s15], $0x2800  }
0x18: {  	[sflag:s15] =	ssyncset.done $0x0  }
0x19: {  	[sflag:s15] =	ssyncadd.s32 $0xFFFFD800  }
0x1a: {  	v1 =	vld [tilespmem:$0x0];
	_ =	sdelay $0x1  }
0x1b: {  	v2 =	vld [tilespmem:$0x10];
	_ =	sdelay $0x1  }
0x1c: {  	v3 =	vld [tilespmem:$0x20]  }
0x1d: {  	v4 =	vand.u32 $0x3FFFF, v1  }
0x1e: {  	v62 =	vld [tilespmem:$0x30];
	v1 =	vshrl.u32 v1, $0x12;
	[tilespmem:$0x2800] =	vst v4  }
0x1f: {  	[tilespmem:$0x2A00] =	vst v1;
	v1 =	vand.u32 $0x3FFFF, v2  }
0x20: {  	[tilespmem:$0x2810] =	vst v1;
	v1 =	vshrl.u32 v2, $0x12;
	v2 =	vld [tilespmem:$0x40]  }
0x21: {  	[tilespmem:$0x2A10] =	vst v1;
	v1 =	vand.u32 $0x3FFFF, v3  }
0x22: {  	[tilespmem:$0x2820] =	vst v1;
	v1 =	vshrl.u32 v3, $0x12;
	v3 =	vld [tilespmem:$0x50]  }
0x23: {  	[tilespmem:$0x2A20] =	vst v1;
	v1 =	vand.u32 $0x3FFFF, v62  }
0x24: {  	v63 =	vld [tilespmem:$0x60];
	[tilespmem:$0x2830] =	vst v1;
	v1 =	vshrl.u32 v62, $0x12  }
0x25: {  	[tilespmem:$0x2A30] =	vst v1;
	v1 =	vand.u32 $0x3FFFF, v2  }
0x26: {  	[tilespmem:$0x2840] =	vst v1;
	v1 =	vshrl.u32 v2, $0x12;
	v2 =	vld [tilespmem:$0x70]  }
0x27: {  	[tilespmem:$0x2A40] =	vst v1;
	v1 =	vand.u32 $0x3FFFF, v3  }
0x28: {  	[tilespmem:$0x2850] =	vst v1;
	v1 =	vshrl.u32 v3, $0x12  }
0x29: {  	[tilespmem:$0x2A50] =	vst v1;
	v1 =	vand.u32 $0x3FFFF, v63  }
0x2a: {  	[tilespmem:$0x2860] =	vst v1;
	v1 =	vshrl.u32 v63, $0x12  }
0x2b: {  	[tilespmem:$0x2A60] =	vst v1;
	v1 =	vand.u32 $0x3FFFF, v2  }
0x2c: {  	[tilespmem:$0x2870] =	vst v1;
	v1 =	vshrl.u32 v2, $0x12  }
0x2d: {  	s2 =	simm.s32 $0x0;
	s3 =	simm.s32 $0x200;
	[tilespmem:$0x2A70] =	vst v1  }
0x2e: {  	[tilespmem:s18], [sflag:$0x1] =	stream.indirect.gather [hbm4b:s4+s16], $0x80, s17, s16, $0xb8;
	[tilespmem:$0x1E880] =	vst v63  }
.LBB2_2:
0x2f: {  	p1 =	sne.s32 s3, $0xFE00;
	[tilespmem:s2+$0x6C70] =	vst v0  }
0x30: {  	[tilespmem:s2+$0x6C00] =	vst v0  }
0x31: {  	[tilespmem:s2+$0x6C10] =	vst v0  }
.Ltmp0:
0x32: {  	[tilespmem:s2+$0x6C20] =	vst v0;
	(pc) =	sbr.rel @p1 .LBB2_2-.Ltmp0, $4  }
0x33: {  	[tilespmem:s2+$0x6C30] =	vst v0  }
0x34: {  	[tilespmem:s2+$0x6C40] =	vst v0  }
0x35: {  	[tilespmem:s2+$0x6C50] =	vst v0  }
0x36: {  	[tilespmem:s2+$0x6C60] =	vst v0;
	s2 =	sshra.s32 s3, $0x2;
	s3 =	sadd.s32 $0x200, s3  }
0x37: {  	[tilespmem:s2+$0x6C70] =	vst v0  }
0x38: {  	[tilespmem:s2+$0x6C00] =	vst v0  }
0x39: {  	[tilespmem:s2+$0x6C10] =	vst v0  }
0x3a: {  	[tilespmem:s2+$0x6C20] =	vst v0  }
0x3b: {  	[tilespmem:s2+$0x6C30] =	vst v0  }
0x3c: {  	[tilespmem:s2+$0x6C40] =	vst v0  }
0x3d: {  	[tilespmem:s2+$0x6C50] =	vst v0  }
0x3e: {  	[tilespmem:s2+$0x6C60] =	vst v0  }
0x3f: {  	[spmem:s6] =	stream.linear.scatter [tilespmem:s19], [sflag:$0x5], $0x4000, $0x38;
	[tilespmem:$0x1E880] =	vst v63  }
0x40: {  	_ =	swait.ge [sflag:s15], $0x4000  }
0x41: {  	[sflag:s15] =	ssyncset.done $0x0  }
0x42: {  	[sflag:s15] =	ssyncadd.s32 $0xFFFFC000  }
0x43: {  	[spmem:s7] =	stream.linear.scatter [tilespmem:s19], [sflag:$0x5], $0x4000, $0x38;
	[tilespmem:$0x1E880] =	vst v63  }
0x44: {  	_ =	swait.ge [sflag:s15], $0x4000  }
0x45: {  	[sflag:s15] =	ssyncset.done $0x0  }
0x46: {  	[sflag:s15] =	ssyncadd.s32 $0xFFFFC000  }
0x47: {  	[spmem:s8] =	stream.linear.scatter [tilespmem:s19], [sflag:$0x5], $0x4000, $0x38;
	[tilespmem:$0x1E880] =	vst v63  }
0x48: {  	_ =	swait.ge [sflag:s15], $0x4000  }
0x49: {  	[sflag:s15] =	ssyncset.done $0x0  }
0x4a: {  	[sflag:s15] =	ssyncadd.s32 $0xFFFFC000  }
0x4b: {  	[spmem:s9] =	stream.linear.scatter [tilespmem:s19], [sflag:$0x5], $0x4000, $0x38;
	[tilespmem:$0x1E880] =	vst v63  }
0x4c: {  	_ =	swait.ge [sflag:s15], $0x4000  }
0x4d: {  	[sflag:s15] =	ssyncset.done $0x0  }
0x4e: {  	[sflag:s15] =	ssyncadd.s32 $0xFFFFC000  }
0x4f: {  	[spmem:s10] =	stream.linear.scatter [tilespmem:s19], [sflag:$0x5], $0x3800, $0x38;
	[tilespmem:$0x1E880] =	vst v63  }
0x50: {  	_ =	swait.ge [sflag:s15], $0x3800  }
0x51: {  	[sflag:s15] =	ssyncset.done $0x0  }
0x52: {  	s2 =	simm.s32 @!p0 $0x6C00;
	[sflag:s15] =	ssyncadd.s32 $0xFFFFC800  }
0x53: {  	[spmem:s11] =	stream.linear.scatter @!p0 [tilespmem:s2], [sflag:$0x5], $0x800, $0x38;
	[tilespmem:$0x1E880] =	vst v63  }
0x54: {  	s2 =	simm.s32 @!p0 $0x5  }
0x55: {  	_ =	swait.ge @!p0 [sflag:s2], $0x800  }
0x56: {  	[sflag:s2] =	ssyncset.done @!p0 $0x0  }
0x57: {  	[sflag:s2] =	ssyncadd.s32 @!p0 $0xFFFFF800  }
0x58: {  	[bflag:$0x0] =	sbarrier.arrive $0xFFFF  }
0x59: {  	v1 =	vld [tilespmem:$0x80];
	_ =	sdelay $0x1  }
0x5a: {  	v2 =	vld [tilespmem:$0x90];
	_ =	sdelay $0x1  }
0x5b: {  	v3 =	vld [tilespmem:$0xA0]  }
0x5c: {  	v4 =	vand.u32 $0x3FFFF, v1  }
0x5d: {  	v53 =	vld [tilespmem:$0xB0];
	v1 =	vshrl.u32 v1, $0x12;
	[tilespmem:$0x2880] =	vst v4  }
0x5e: {  	[tilespmem:$0x2A80] =	vst v1;
	v1 =	vand.u32 $0x3FFFF, v2  }
0x5f: {  	[tilespmem:$0x2890] =	vst v1;
	v1 =	vshrl.u32 v2, $0x12;
	v2 =	vld [tilespmem:$0xC0]  }
0x60: {  	[tilespmem:$0x2A90] =	vst v1;
	v1 =	vand.u32 $0x3FFFF, v3  }
0x61: {  	[tilespmem:$0x28A0] =	vst v1;
	v1 =	vshrl.u32 v3, $0x12;
	v3 =	vld [tilespmem:$0xD0]  }
0x62: {  	[tilespmem:$0x2AA0] =	vst v1;
	v1 =	vand.u32 $0x3FFFF, v53  }
0x63: {  	v54 =	vld [tilespmem:$0xE0];
	[tilespmem:$0x28B0] =	vst v1;
	v1 =	vshrl.u32 v53, $0x12  }
0x64: {  	[tilespmem:$0x2AB0] =	vst v1;
	v1 =	vand.u32 $0x3FFFF, v2  }
0x65: {  	[tilespmem:$0x28C0] =	vst v1;
	v1 =	vshrl.u32 v2, $0x12;
	v2 =	vld [tilespmem:$0xF0]  }
0x66: {  	[tilespmem:$0x2AC0] =	vst v1;
	v1 =	vand.u32 $0x3FFFF, v3  }
0x67: {  	[tilespmem:$0x28D0] =	vst v1;
	v1 =	vshrl.u32 v3, $0x12  }
0x68: {  	[tilespmem:$0x2AD0] =	vst v1;
	v1 =	vand.u32 $0x3FFFF, v54  }
0x69: {  	[tilespmem:$0x28E0] =	vst v1;
	v1 =	vshrl.u32 v54, $0x12  }
0x6a: {  	[tilespmem:$0x2AE0] =	vst v1;
	v1 =	vand.u32 $0x3FFFF, v2  }
0x6b: {  	[tilespmem:$0x28F0] =	vst v1;
	v1 =	vshrl.u32 v2, $0x12  }
0x6c: {  	[tilespmem:$0x2AF0] =	vst v1  }
0x6d: {  	[tilespmem:s19], [sflag:$0x2] =	stream.indirect.gather [hbm4b:s4+s16], $0x80, s20, s16, $0xb8;
	[tilespmem:$0x1E880] =	vst v63  }
0x6e: {  	_ =	swait.ge [sflag:s21], $0x4000  }
0x6f: {  	[sflag:s21] =	ssyncset.done $0x0  }
0x70: {  	[sflag:s21] =	ssyncadd.s32 $0xFFFFC000  }
0x71: {  	[spmem:s1] =	stream.indirect.scatter.add.f32 [tilespmem:s18], [sflag:$0x3], $0x80, s22, s16, $0xb8;
	[tilespmem:$0x1E880] =	vst v63  }
0x72: {  	_ =	swait.ge [sflag:s23], $0x4000  }
0x73: {  	[sflag:s23] =	ssyncset.done $0x0  }
0x74: {  	[sflag:s23] =	ssyncadd.s32 $0xFFFFC000  }
0x75: {  	[spmem:s1] =	stream.indirect.scatter.add.f32 [tilespmem:s19], [sflag:$0x4], $0x80, s24, s16, $0xb8;
	[tilespmem:$0x1E880] =	vst v63  }
0x76: {  	v1 =	vld [tilespmem:$0x100];
	_ =	sdelay $0x1  }
0x77: {  	v2 =	vld [tilespmem:$0x110];
	_ =	sdelay $0x1  }
0x78: {  	v3 =	vld [tilespmem:$0x120]  }
0x79: {  	v55 =	vand.u32 $0x3FFFF, v1  }
0x7a: {  	v56 =	vld [tilespmem:$0x130];
	v1 =	vshrl.u32 v1, $0x12;
	[tilespmem:$0x2900] =	vst v55  }
0x7b: {  	[tilespmem:$0x2B00] =	vst v1;
	v1 =	vand.u32 $0x3FFFF, v2  }
0x7c: {  	[tilespmem:$0x2910] =	vst v1;
	v1 =	vshrl.u32 v2, $0x12;
	v2 =	vld [tilespmem:$0x140]  }
0x7d: {  	[tilespmem:$0x2B10] =	vst v1;
	v1 =	vand.u32 $0x3FFFF, v3  }
0x7e: {  	[tilespmem:$0x2920] =	vst v1;
	v1 =	vshrl.u32 v3, $0x12;
	v3 =	vld [tilespmem:$0x150]  }
0x7f: {  	[tilespmem:$0x2B20] =	vst v1;
	v1 =	vand.u32 $0x3FFFF, v56  }
0x80: {  	v57 =	vld [tilespmem:$0x160];
	[tilespmem:$0x2930] =	vst v1;
	v1 =	vshrl.u32 v56, $0x12  }
0x81: {  	[tilespmem:$0x2B30] =	vst v1;
	v1 =	vand.u32 $0x3FFFF, v2  }
0x82: {  	[tilespmem:$0x2940] =	vst v1;
	v1 =	vshrl.u32 v2, $0x12;
	v2 =	vld [tilespmem:$0x170]  }
0x83: {  	[tilespmem:$0x2B40] =	vst v1;
	v1 =	vand.u32 $0x3FFFF, v3  }
0x84: {  	[tilespmem:$0x2950] =	vst v1;
	v1 =	vshrl.u32 v3, $0x12  }
0x85: {  	[tilespmem:$0x2B50] =	vst v1;
	v1 =	vand.u32 $0x3FFFF, v57  }
0x86: {  	[tilespmem:$0x2960] =	vst v1;
	v1 =	vshrl.u32 v57, $0x12  }
0x87: {  	[tilespmem:$0x2B60] =	vst v1;
	v1 =	vand.u32 $0x3FFFF, v2  }
0x88: {  	[tilespmem:$0x2970] =	vst v1;
	v1 =	vshrl.u32 v2, $0x12  }
0x89: {  	[tilespmem:$0x2B70] =	vst v1  }
0x8a: {  	_ =	swait.ge [sflag:s25], $0x4000  }
0x8b: {  	[sflag:s25] =	ssyncset.done $0x0  }
0x8c: {  	[sflag:s25] =	ssyncadd.s32 $0xFFFFC000  }
0x8d: {  	[tilespmem:s18], [sflag:$0x1] =	stream.indirect.gather [hbm4b:s4+s16], $0x80, s26, s16, $0xb8;
	[tilespmem:$0x1E880] =	vst v63  }
0x8e: {  	_ =	swait.ge [sflag:s21], $0x4000  }
0x8f: {  	[sflag:s21] =	ssyncset.done $0x0  }
0x90: {  	[sflag:s21] =	ssyncadd.s32 $0xFFFFC000  }
0x91: {  	[spmem:s1] =	stream.indirect.scatter.add.f32 [tilespmem:s18], [sflag:$0x3], $0x80, s28, s16, $0xb8;
	[tilespmem:$0x1E880] =	vst v63  }
0x92: {  	v1 =	vld [tilespmem:$0x180];
	_ =	sdelay $0x1  }
0x93: {  	v2 =	vld [tilespmem:$0x190];
	_ =	sdelay $0x1  }
0x94: {  	v3 =	vld [tilespmem:$0x1A0]  }
0x95: {  	v58 =	vand.u32 $0x3FFFF, v1  }
0x96: {  	v59 =	vld [tilespmem:$0x1B0];
	v1 =	vshrl.u32 v1, $0x12;
	[tilespmem:$0x2980] =	vst v58  }
0x97: {  	[tilespmem:$0x2B80] =	vst v1;
	v1 =	vand.u32 $0x3FFFF, v2  }
0x98: {  	[tilespmem:$0x2990] =	vst v1;
	v1 =	vshrl.u32 v2, $0x12;
	v2 =	vld [tilespmem:$0x1C0]  }
0x99: {  	[tilespmem:$0x2B90] =	vst v1;
	v1 =	vand.u32 $0x3FFFF, v3  }
0x9a: {  	[tilespmem:$0x29A0] =	vst v1;
	v1 =	vshrl.u32 v3, $0x12;
	v3 =	vld [tilespmem:$0x1D0]  }
0x9b: {  	[tilespmem:$0x2BA0] =	vst v1;
	v1 =	vand.u32 $0x3FFFF, v59  }
0x9c: {  	v60 =	vld [tilespmem:$0x1E0];
	[tilespmem:$0x29B0] =	vst v1;
	v1 =	vshrl.u32 v59, $0x12  }
0x9d: {  	[tilespmem:$0x2BB0] =	vst v1;
	v1 =	vand.u32 $0x3FFFF, v2  }
0x9e: {  	[tilespmem:$0x29C0] =	vst v1;
	v1 =	vshrl.u32 v2, $0x12;
	v2 =	vld [tilespmem:$0x1F0]  }
0x9f: {  	[tilespmem:$0x2BC0] =	vst v1;
	v1 =	vand.u32 $0x3FFFF, v3  }
0xa0: {  	[tilespmem:$0x29D0] =	vst v1;
	v1 =	vshrl.u32 v3, $0x12  }
0xa1: {  	[tilespmem:$0x2BD0] =	vst v1;
	v1 =	vand.u32 $0x3FFFF, v60  }
0xa2: {  	[tilespmem:$0x29E0] =	vst v1;
	v1 =	vshrl.u32 v60, $0x12  }
0xa3: {  	[tilespmem:$0x2BE0] =	vst v1;
	v1 =	vand.u32 $0x3FFFF, v2  }
0xa4: {  	[tilespmem:$0x29F0] =	vst v1;
	v1 =	vshrl.u32 v2, $0x12  }
0xa5: {  	[tilespmem:$0x2BF0] =	vst v1  }
0xa6: {  	_ =	swait.ge [sflag:s29], $0x4000  }
0xa7: {  	[sflag:s29] =	ssyncset.done $0x0  }
0xa8: {  	[sflag:s29] =	ssyncadd.s32 $0xFFFFC000  }
0xa9: {  	[tilespmem:s19], [sflag:$0x2] =	stream.indirect.gather [hbm4b:s4+s16], $0x80, s30, s16, $0xb8;
	[tilespmem:$0x1E880] =	vst v63  }
0xaa: {  	_ =	swait.ge [sflag:s23], $0x4000  }
0xab: {  	[sflag:s23] =	ssyncset.done $0x0  }
0xac: {  	[sflag:s23] =	ssyncadd.s32 $0xFFFFC000  }
0xad: {  	[spmem:s1] =	stream.indirect.scatter.add.f32 [tilespmem:s19], [sflag:$0x4], $0x80, s31, s16, $0xb8;
	[tilespmem:$0x1E880] =	vst v63  }
0xae: {  	v1 =	vld [tilespmem:$0x200];
	_ =	sdelay $0x1  }
0xaf: {  	v2 =	vld [tilespmem:$0x210];
	_ =	sdelay $0x1  }
0xb0: {  	v3 =	vld [tilespmem:$0x220]  }
0xb1: {  	v61 =	vand.u32 $0x3FFFF, v1  }
0xb2: {  	v62 =	vld [tilespmem:$0x230];
	v1 =	vshrl.u32 v1, $0x12;
	[tilespmem:$0x2800] =	vst v61  }
0xb3: {  	[tilespmem:$0x2A00] =	vst v1;
	v1 =	vand.u32 $0x3FFFF, v2  }
0xb4: {  	[tilespmem:$0x2810] =	vst v1;
	v1 =	vshrl.u32 v2, $0x12;
	v2 =	vld [tilespmem:$0x240]  }
0xb5: {  	[tilespmem:$0x2A10] =	vst v1;
	v1 =	vand.u32 $0x3FFFF, v3  }
0xb6: {  	[tilespmem:$0x2820] =	vst v1;
	v1 =	vshrl.u32 v3, $0x12;
	v3 =	vld [tilespmem:$0x250]  }
0xb7: {  	[tilespmem:$0x2A20] =	vst v1;
	v1 =	vand.u32 $0x3FFFF, v62  }
0xb8: {  	v63 =	vld [tilespmem:$0x260];
	[tilespmem:$0x2830] =	vst v1;
	v1 =	vshrl.u32 v62, $0x12  }
0xb9: {  	[tilespmem:$0x2A30] =	vst v1;
	v1 =	vand.u32 $0x3FFFF, v2  }
0xba: {  	[tilespmem:$0x2840] =	vst v1;
	v1 =	vshrl.u32 v2, $0x12;
	v2 =	vld [tilespmem:$0x270]  }
0xbb: {  	[tilespmem:$0x2A40] =	vst v1;
	v1 =	vand.u32 $0x3FFFF, v3  }
0xbc: {  	[tilespmem:$0x2850] =	vst v1;
	v1 =	vshrl.u32 v3, $0x12  }
0xbd: {  	[tilespmem:$0x2A50] =	vst v1;
	v1 =	vand.u32 $0x3FFFF, v63  }
0xbe: {  	[tilespmem:$0x2860] =	vst v1;
	v1 =	vshrl.u32 v63, $0x12  }
0xbf: {  	[tilespmem:$0x2A60] =	vst v1;
	v1 =	vand.u32 $0x3FFFF, v2  }
0xc0: {  	[tilespmem:$0x2870] =	vst v1;
	v1 =	vshrl.u32 v2, $0x12  }
0xc1: {  	[tilespmem:$0x2A70] =	vst v1  }
0xc2: {  	_ =	swait.ge [sflag:s25], $0x4000  }
0xc3: {  	[sflag:s25] =	ssyncset.done $0x0  }
0xc4: {  	[sflag:s25] =	ssyncadd.s32 $0xFFFFC000  }
0xc5: {  	[tilespmem:s18], [sflag:$0x1] =	stream.indirect.gather [hbm4b:s4+s16], $0x80, s17, s16, $0xb8;
	[tilespmem:$0x1E880] =	vst v63  }
0xc6: {  	_ =	swait.ge [sflag:s21], $0x4000  }
0xc7: {  	[sflag:s21] =	ssyncset.done $0x0  }
0xc8: {  	s3 =	simm.s32 $0x470;
	[sflag:s21] =	ssyncadd.s32 $0xFFFFC000  }
0xc9: {  	[spmem:s1] =	stream.indirect.scatter.add.f32 [tilespmem:s18], [sflag:$0x3], $0x80, s22, s16, $0xb8;
	[tilespmem:$0x1E880] =	vst v63  }
0xca: {  	v1 =	vld [tilespmem:s3+$0xFFFFFE10];
	_ =	sdelay $0x4  }
0xcb: {  	v2 =	vand.u32 $0x3FFFF, v1  }
0xcc: {  	v1 =	vshrl.u32 v1, $0x12;
	[tilespmem:$0x2880] =	vst v2  }
0xcd: {  	[tilespmem:$0x2A80] =	vst v1  }
0xce: {  	v1 =	vld [tilespmem:s3+$0xFFFFFE20];
	_ =	sdelay $0x4  }
0xcf: {  	v2 =	vand.u32 $0x3FFFF, v1  }
0xd0: {  	v1 =	vshrl.u32 v1, $0x12;
	[tilespmem:$0x2890] =	vst v2  }
0xd1: {  	[tilespmem:$0x2A90] =	vst v1  }
0xd2: {  	v1 =	vld [tilespmem:s3+$0xFFFFFE30];
	_ =	sdelay $0x4  }
0xd3: {  	v2 =	vand.u32 $0x3FFFF, v1  }
0xd4: {  	v1 =	vshrl.u32 v1, $0x12;
	[tilespmem:$0x28A0] =	vst v2  }
0xd5: {  	[tilespmem:$0x2AA0] =	vst v1  }
0xd6: {  	v1 =	vld [tilespmem:s3+$0xFFFFFE40];
	_ =	sdelay $0x4  }
0xd7: {  	v2 =	vand.u32 $0x3FFFF, v1  }
0xd8: {  	v1 =	vshrl.u32 v1, $0x12;
	[tilespmem:$0x28B0] =	vst v2  }
0xd9: {  	[tilespmem:$0x2AB0] =	vst v1  }
0xda: {  	v1 =	vld [tilespmem:s3+$0xFFFFFE50];
	_ =	sdelay $0x4  }
0xdb: {  	v2 =	vand.u32 $0x3FFFF, v1  }
0xdc: {  	v1 =	vshrl.u32 v1, $0x12;
	[tilespmem:$0x28C0] =	vst v2  }
0xdd: {  	[tilespmem:$0x2AC0] =	vst v1  }
0xde: {  	v1 =	vld [tilespmem:s3+$0xFFFFFE60];
	_ =	sdelay $0x4  }
0xdf: {  	v2 =	vand.u32 $0x3FFFF, v1  }
0xe0: {  	v1 =	vshrl.u32 v1, $0x12;
	[tilespmem:$0x28D0] =	vst v2  }
0xe1: {  	[tilespmem:$0x2AD0] =	vst v1  }
0xe2: {  	v1 =	vld [tilespmem:s3+$0xFFFFFE70];
	_ =	sdelay $0x4  }
0xe3: {  	v2 =	vand.u32 $0x3FFFF, v1  }
0xe4: {  	v1 =	vshrl.u32 v1, $0x12;
	[tilespmem:$0x28E0] =	vst v2  }
0xe5: {  	[tilespmem:$0x2AE0] =	vst v1  }
0xe6: {  	v1 =	vld [tilespmem:s3+$0xFFFFFE80];
	_ =	sdelay $0x4  }
0xe7: {  	v2 =	vand.u32 $0x3FFFF, v1  }
0xe8: {  	v1 =	vshrl.u32 v1, $0x12;
	[tilespmem:$0x28F0] =	vst v2  }
0xe9: {  	[tilespmem:$0x2AF0] =	vst v1  }
0xea: {  	_ =	swait.ge [sflag:s29], $0x4000  }
0xeb: {  	[sflag:s29] =	ssyncset.done $0x0  }
0xec: {  	[sflag:s29] =	ssyncadd.s32 $0xFFFFC000  }
0xed: {  	[tilespmem:s19], [sflag:$0x2] =	stream.indirect.gather [hbm4b:s4+s16], $0x80, s20, s16, $0xb8;
	[tilespmem:$0x1E880] =	vst v63  }
0xee: {  	_ =	swait.ge [sflag:s23], $0x4000  }
0xef: {  	[sflag:s23] =	ssyncset.done $0x0  }
0xf0: {  	[sflag:s23] =	ssyncadd.s32 $0xFFFFC000  }
0xf1: {  	[spmem:s1] =	stream.indirect.scatter.add.f32 [tilespmem:s19], [sflag:$0x4], $0x80, s24, s16, $0xb8;
	[tilespmem:$0x1E880] =	vst v63  }
0xf2: {  	v1 =	vld [tilespmem:s3+$0xFFFFFE90];
	_ =	sdelay $0x4  }
0xf3: {  	v2 =	vand.u32 $0x3FFFF, v1  }
0xf4: {  	v1 =	vshrl.u32 v1, $0x12;
	[tilespmem:$0x2900] =	vst v2  }
0xf5: {  	[tilespmem:$0x2B00] =	vst v1  }
0xf6: {  	v1 =	vld [tilespmem:s3+$0xFFFFFEA0];
	_ =	sdelay $0x4  }
0xf7: {  	v2 =	vand.u32 $0x3FFFF, v1  }
0xf8: {  	v1 =	vshrl.u32 v1, $0x12;
	[tilespmem:$0x2910] =	vst v2  }
0xf9: {  	[tilespmem:$0x2B10] =	vst v1  }
0xfa: {  	v1 =	vld [tilespmem:s3+$0xFFFFFEB0];
	_ =	sdelay $0x4  }
0xfb: {  	v2 =	vand.u32 $0x3FFFF, v1  }
0xfc: {  	v1 =	vshrl.u32 v1, $0x12;
	[tilespmem:$0x2920] =	vst v2  }
0xfd: {  	[tilespmem:$0x2B20] =	vst v1  }
0xfe: {  	v1 =	vld [tilespmem:s3+$0xFFFFFEC0];
	_ =	sdelay $0x4  }
0xff: {  	v2 =	vand.u32 $0x3FFFF, v1  }
0x100: {  	v1 =	vshrl.u32 v1, $0x12;
	[tilespmem:$0x2930] =	vst v2  }
0x101: {  	[tilespmem:$0x2B30] =	vst v1  }
0x102: {  	v1 =	vld [tilespmem:s3+$0xFFFFFED0];
	_ =	sdelay $0x4  }
0x103: {  	v2 =	vand.u32 $0x3FFFF, v1  }
0x104: {  	v1 =	vshrl.u32 v1, $0x12;
	[tilespmem:$0x2940] =	vst v2  }
0x105: {  	[tilespmem:$0x2B40] =	vst v1  }
0x106: {  	v1 =	vld [tilespmem:s3+$0xFFFFFEE0];
	_ =	sdelay $0x4  }
0x107: {  	v2 =	vand.u32 $0x3FFFF, v1  }
0x108: {  	v1 =	vshrl.u32 v1, $0x12;
	[tilespmem:$0x2950] =	vst v2  }
0x109: {  	[tilespmem:$0x2B50] =	vst v1  }
0x10a: {  	v1 =	vld [tilespmem:s3+$0xFFFFFEF0];
	_ =	sdelay $0x4  }
0x10b: {  	v2 =	vand.u32 $0x3FFFF, v1  }
0x10c: {  	v1 =	vshrl.u32 v1, $0x12;
	[tilespmem:$0x2960] =	vst v2  }
0x10d: {  	[tilespmem:$0x2B60] =	vst v1  }
0x10e: {  	v1 =	vld [tilespmem:s3+$0xFFFFFF00];
	_ =	sdelay $0x4  }
0x10f: {  	v2 =	vand.u32 $0x3FFFF, v1  }
0x110: {  	v1 =	vshrl.u32 v1, $0x12;
	[tilespmem:$0x2970] =	vst v2  }
0x111: {  	[tilespmem:$0x2B70] =	vst v1  }
0x112: {  	_ =	swait.ge [sflag:s25], $0x4000  }
0x113: {  	[sflag:s25] =	ssyncset.done $0x0  }
0x114: {  	[sflag:s25] =	ssyncadd.s32 $0xFFFFC000  }
0x115: {  	[tilespmem:s18], [sflag:$0x1] =	stream.indirect.gather [hbm4b:s4+s16], $0x80, s26, s16, $0xb8;
	[tilespmem:$0x1E880] =	vst v63  }
0x116: {  	_ =	swait.ge [sflag:s21], $0x4000  }
0x117: {  	[sflag:s21] =	ssyncset.done $0x0  }
0x118: {  	[sflag:s21] =	ssyncadd.s32 $0xFFFFC000  }
0x119: {  	[spmem:s1] =	stream.indirect.scatter.add.f32 [tilespmem:s18], [sflag:$0x3], $0x80, s28, s16, $0xb8;
	[tilespmem:$0x1E880] =	vst v63  }
0x11a: {  	v1 =	vld [tilespmem:s3+$0xFFFFFF10];
	_ =	sdelay $0x4  }
0x11b: {  	v2 =	vand.u32 $0x3FFFF, v1  }
0x11c: {  	v1 =	vshrl.u32 v1, $0x12;
	[tilespmem:$0x2980] =	vst v2  }
0x11d: {  	[tilespmem:$0x2B80] =	vst v1  }
0x11e: {  	v1 =	vld [tilespmem:s3+$0xFFFFFF20];
	_ =	sdelay $0x4  }
0x11f: {  	v2 =	vand.u32 $0x3FFFF, v1  }
0x120: {  	v1 =	vshrl.u32 v1, $0x12;
	[tilespmem:$0x2990] =	vst v2  }
0x121: {  	[tilespmem:$0x2B90] =	vst v1  }
0x122: {  	v1 =	vld [tilespmem:s3+$0xFFFFFF30];
	_ =	sdelay $0x4  }
0x123: {  	v2 =	vand.u32 $0x3FFFF, v1  }
0x124: {  	v1 =	vshrl.u32 v1, $0x12;
	[tilespmem:$0x29A0] =	vst v2  }
0x125: {  	[tilespmem:$0x2BA0] =	vst v1  }
0x126: {  	v1 =	vld [tilespmem:s3+$0xFFFFFF40];
	_ =	sdelay $0x4  }
0x127: {  	v2 =	vand.u32 $0x3FFFF, v1  }
0x128: {  	v1 =	vshrl.u32 v1, $0x12;
	[tilespmem:$0x29B0] =	vst v2  }
0x129: {  	[tilespmem:$0x2BB0] =	vst v1  }
0x12a: {  	v1 =	vld [tilespmem:s3+$0xFFFFFF50];
	_ =	sdelay $0x4  }
0x12b: {  	v2 =	vand.u32 $0x3FFFF, v1  }
0x12c: {  	v1 =	vshrl.u32 v1, $0x12;
	[tilespmem:$0x29C0] =	vst v2  }
0x12d: {  	[tilespmem:$0x2BC0] =	vst v1  }
0x12e: {  	v1 =	vld [tilespmem:s3+$0xFFFFFF60];
	_ =	sdelay $0x4  }
0x12f: {  	v2 =	vand.u32 $0x3FFFF, v1  }
0x130: {  	v1 =	vshrl.u32 v1, $0x12;
	[tilespmem:$0x29D0] =	vst v2  }
0x131: {  	[tilespmem:$0x2BD0] =	vst v1  }
0x132: {  	v1 =	vld [tilespmem:s3+$0xFFFFFF70];
	_ =	sdelay $0x4  }
0x133: {  	v2 =	vand.u32 $0x3FFFF, v1  }
0x134: {  	v1 =	vshrl.u32 v1, $0x12;
	[tilespmem:$0x29E0] =	vst v2  }
0x135: {  	[tilespmem:$0x2BE0] =	vst v1  }
0x136: {  	v1 =	vld [tilespmem:s3+$0xFFFFFF80];
	_ =	sdelay $0x4  }
0x137: {  	v2 =	vand.u32 $0x3FFFF, v1  }
0x138: {  	v1 =	vshrl.u32 v1, $0x12;
	[tilespmem:$0x29F0] =	vst v2  }
0x139: {  	[tilespmem:$0x2BF0] =	vst v1  }
0x13a: {  	_ =	swait.ge [sflag:s29], $0x4000  }
0x13b: {  	[sflag:s29] =	ssyncset.done $0x0  }
0x13c: {  	[sflag:s29] =	ssyncadd.s32 $0xFFFFC000  }
0x13d: {  	[tilespmem:s19], [sflag:$0x2] =	stream.indirect.gather [hbm4b:s4+s16], $0x80, s30, s16, $0xb8;
	[tilespmem:$0x1E880] =	vst v63  }
0x13e: {  	_ =	swait.ge [sflag:s23], $0x4000  }
0x13f: {  	[sflag:s23] =	ssyncset.done $0x0  }
0x140: {  	[sflag:s23] =	ssyncadd.s32 $0xFFFFC000  }
0x141: {  	[spmem:s1] =	stream.indirect.scatter.add.f32 [tilespmem:s19], [sflag:$0x4], $0x80, s31, s16, $0xb8;
	[tilespmem:$0x1E880] =	vst v63  }
0x142: {  	v1 =	vld [tilespmem:s3+$0xFFFFFF90];
	_ =	sdelay $0x4  }
0x143: {  	v2 =	vand.u32 $0x3FFFF, v1  }
0x144: {  	v1 =	vshrl.u32 v1, $0x12;
	[tilespmem:$0x2800] =	vst v2  }
0x145: {  	[tilespmem:$0x2A00] =	vst v1  }
0x146: {  	v1 =	vld [tilespmem:s3+$0xFFFFFFA0];
	_ =	sdelay $0x4  }
0x147: {  	v2 =	vand.u32 $0x3FFFF, v1  }
0x148: {  	v1 =	vshrl.u32 v1, $0x12;
	[tilespmem:$0x2810] =	vst v2  }
0x149: {  	[tilespmem:$0x2A10] =	vst v1  }
0x14a: {  	v1 =	vld [tilespmem:s3+$0xFFFFFFB0];
	_ =	sdelay $0x4  }
0x14b: {  	v2 =	vand.u32 $0x3FFFF, v1  }
0x14c: {  	v1 =	vshrl.u32 v1, $0x12;
	[tilespmem:$0x2820] =	vst v2  }
0x14d: {  	[tilespmem:$0x2A20] =	vst v1  }
0x14e: {  	v1 =	vld [tilespmem:s3+$0xFFFFFFC0];
	_ =	sdelay $0x4  }
0x14f: {  	v2 =	vand.u32 $0x3FFFF, v1  }
0x150: {  	v1 =	vshrl.u32 v1, $0x12;
	[tilespmem:$0x2830] =	vst v2  }
0x151: {  	[tilespmem:$0x2A30] =	vst v1  }
0x152: {  	s2 =	simm.s32 $0x19C0;
	v1 =	vld [tilespmem:s3+$0xFFFFFFD0]  }
.LBB2_4:
0x153: {  	_ =	sdelay $0x1  }
0x154: {  	p1 =	sne.s32 s2, $0x99C0;
	s5 =	smov.u32 s2;
	s2 =	sadd.s32 $0x800, s2  }
0x155: {  	_ = 	snop  }
0x156: {  	v2 =	vand.u32 $0x3FFFF, v1;
	v1 =	vshrl.u32 v1, $0x12  }
0x157: {  	[tilespmem:$0x2840] =	vst v2  }
0x158: {  	[tilespmem:$0x2A40] =	vst v1  }
0x159: {  	v1 =	vld [tilespmem:s3+$0xFFFFFFE0];
	_ =	sdelay $0x4  }
0x15a: {  	v2 =	vand.u32 $0x3FFFF, v1;
	v1 =	vshrl.u32 v1, $0x12  }
0x15b: {  	[tilespmem:$0x2850] =	vst v2  }
0x15c: {  	[tilespmem:$0x2A50] =	vst v1  }
0x15d: {  	v1 =	vld [tilespmem:s3+$0xFFFFFFF0];
	_ =	sdelay $0x4  }
0x15e: {  	v2 =	vand.u32 $0x3FFFF, v1;
	v1 =	vshrl.u32 v1, $0x12  }
0x15f: {  	[tilespmem:$0x2860] =	vst v2  }
0x160: {  	[tilespmem:$0x2A60] =	vst v1  }
0x161: {  	v1 =	vld [tilespmem:s3+$0x0];
	_ =	sdelay $0x4  }
0x162: {  	v2 =	vand.u32 $0x3FFFF, v1;
	v1 =	vshrl.u32 v1, $0x12  }
0x163: {  	[tilespmem:$0x2870] =	vst v2  }
0x164: {  	[tilespmem:$0x2A70] =	vst v1  }
0x165: {  	_ =	swait.ge [sflag:s25], $0x4000  }
0x166: {  	[sflag:s25] =	ssyncset.done $0x0  }
0x167: {  	[sflag:s25] =	ssyncadd.s32 $0xFFFFC000  }
0x168: {  	[tilespmem:s18], [sflag:$0x1] =	stream.indirect.gather [hbm4b:s4+s16], $0x80, s17, s16, $0xb8;
	[tilespmem:$0x1E880] =	vst v63  }
0x169: {  	_ =	swait.ge [sflag:s21], $0x4000  }
0x16a: {  	[sflag:s21] =	ssyncset.done $0x0  }
0x16b: {  	s3 =	sshra.s32 s5, $0x2;
	[sflag:s21] =	ssyncadd.s32 $0xFFFFC000  }
0x16c: {  	[spmem:s1] =	stream.indirect.scatter.add.f32 [tilespmem:s18], [sflag:$0x3], $0x80, s22, s16, $0xb8;
	[tilespmem:$0x1E880] =	vst v63  }
0x16d: {  	v1 =	vld [tilespmem:s3+$0xFFFFFE10];
	_ =	sdelay $0x4  }
0x16e: {  	v2 =	vand.u32 $0x3FFFF, v1;
	v1 =	vshrl.u32 v1, $0x12  }
0x16f: {  	[tilespmem:$0x2880] =	vst v2  }
0x170: {  	[tilespmem:$0x2A80] =	vst v1  }
0x171: {  	v1 =	vld [tilespmem:s3+$0xFFFFFE20];
	_ =	sdelay $0x4  }
0x172: {  	v2 =	vand.u32 $0x3FFFF, v1;
	v1 =	vshrl.u32 v1, $0x12  }
0x173: {  	[tilespmem:$0x2890] =	vst v2  }
0x174: {  	[tilespmem:$0x2A90] =	vst v1  }
0x175: {  	v1 =	vld [tilespmem:s3+$0xFFFFFE30];
	_ =	sdelay $0x4  }
0x176: {  	v2 =	vand.u32 $0x3FFFF, v1;
	v1 =	vshrl.u32 v1, $0x12  }
0x177: {  	[tilespmem:$0x28A0] =	vst v2  }
0x178: {  	[tilespmem:$0x2AA0] =	vst v1  }
0x179: {  	v1 =	vld [tilespmem:s3+$0xFFFFFE40];
	_ =	sdelay $0x4  }
0x17a: {  	v2 =	vand.u32 $0x3FFFF, v1;
	v1 =	vshrl.u32 v1, $0x12  }
0x17b: {  	[tilespmem:$0x28B0] =	vst v2  }
0x17c: {  	[tilespmem:$0x2AB0] =	vst v1  }
0x17d: {  	v1 =	vld [tilespmem:s3+$0xFFFFFE50];
	_ =	sdelay $0x4  }
0x17e: {  	v2 =	vand.u32 $0x3FFFF, v1;
	v1 =	vshrl.u32 v1, $0x12  }
0x17f: {  	[tilespmem:$0x28C0] =	vst v2  }
0x180: {  	[tilespmem:$0x2AC0] =	vst v1  }
0x181: {  	v1 =	vld [tilespmem:s3+$0xFFFFFE60];
	_ =	sdelay $0x4  }
0x182: {  	v2 =	vand.u32 $0x3FFFF, v1;
	v1 =	vshrl.u32 v1, $0x12  }
0x183: {  	[tilespmem:$0x28D0] =	vst v2  }
0x184: {  	[tilespmem:$0x2AD0] =	vst v1  }
0x185: {  	v1 =	vld [tilespmem:s3+$0xFFFFFE70];
	_ =	sdelay $0x4  }
0x186: {  	v2 =	vand.u32 $0x3FFFF, v1;
	v1 =	vshrl.u32 v1, $0x12  }
0x187: {  	[tilespmem:$0x28E0] =	vst v2  }
0x188: {  	[tilespmem:$0x2AE0] =	vst v1  }
0x189: {  	v1 =	vld [tilespmem:s3+$0xFFFFFE80];
	_ =	sdelay $0x4  }
0x18a: {  	v2 =	vand.u32 $0x3FFFF, v1;
	v1 =	vshrl.u32 v1, $0x12  }
0x18b: {  	[tilespmem:$0x28F0] =	vst v2  }
0x18c: {  	[tilespmem:$0x2AF0] =	vst v1  }
0x18d: {  	_ =	swait.ge [sflag:s29], $0x4000  }
0x18e: {  	[sflag:s29] =	ssyncset.done $0x0  }
0x18f: {  	[sflag:s29] =	ssyncadd.s32 $0xFFFFC000  }
0x190: {  	[tilespmem:s19], [sflag:$0x2] =	stream.indirect.gather [hbm4b:s4+s16], $0x80, s20, s16, $0xb8;
	[tilespmem:$0x1E880] =	vst v63  }
0x191: {  	_ =	swait.ge [sflag:s23], $0x4000  }
0x192: {  	[sflag:s23] =	ssyncset.done $0x0  }
0x193: {  	[sflag:s23] =	ssyncadd.s32 $0xFFFFC000  }
0x194: {  	[spmem:s1] =	stream.indirect.scatter.add.f32 [tilespmem:s19], [sflag:$0x4], $0x80, s24, s16, $0xb8;
	[tilespmem:$0x1E880] =	vst v63  }
0x195: {  	v1 =	vld [tilespmem:s3+$0xFFFFFE90];
	_ =	sdelay $0x4  }
0x196: {  	v2 =	vand.u32 $0x3FFFF, v1;
	v1 =	vshrl.u32 v1, $0x12  }
0x197: {  	[tilespmem:$0x2900] =	vst v2  }
0x198: {  	[tilespmem:$0x2B00] =	vst v1  }
0x199: {  	v1 =	vld [tilespmem:s3+$0xFFFFFEA0];
	_ =	sdelay $0x4  }
0x19a: {  	v2 =	vand.u32 $0x3FFFF, v1;
	v1 =	vshrl.u32 v1, $0x12  }
0x19b: {  	[tilespmem:$0x2910] =	vst v2  }
0x19c: {  	[tilespmem:$0x2B10] =	vst v1  }
0x19d: {  	v1 =	vld [tilespmem:s3+$0xFFFFFEB0];
	_ =	sdelay $0x4  }
0x19e: {  	v2 =	vand.u32 $0x3FFFF, v1;
	v1 =	vshrl.u32 v1, $0x12  }
0x19f: {  	[tilespmem:$0x2920] =	vst v2  }
0x1a0: {  	[tilespmem:$0x2B20] =	vst v1  }
0x1a1: {  	v1 =	vld [tilespmem:s3+$0xFFFFFEC0];
	_ =	sdelay $0x4  }
0x1a2: {  	v2 =	vand.u32 $0x3FFFF, v1;
	v1 =	vshrl.u32 v1, $0x12  }
0x1a3: {  	[tilespmem:$0x2930] =	vst v2  }
0x1a4: {  	[tilespmem:$0x2B30] =	vst v1  }
0x1a5: {  	v1 =	vld [tilespmem:s3+$0xFFFFFED0];
	_ =	sdelay $0x4  }
0x1a6: {  	v2 =	vand.u32 $0x3FFFF, v1;
	v1 =	vshrl.u32 v1, $0x12  }
0x1a7: {  	[tilespmem:$0x2940] =	vst v2  }
0x1a8: {  	[tilespmem:$0x2B40] =	vst v1  }
0x1a9: {  	v1 =	vld [tilespmem:s3+$0xFFFFFEE0];
	_ =	sdelay $0x4  }
0x1aa: {  	v2 =	vand.u32 $0x3FFFF, v1;
	v1 =	vshrl.u32 v1, $0x12  }
0x1ab: {  	[tilespmem:$0x2950] =	vst v2  }
0x1ac: {  	[tilespmem:$0x2B50] =	vst v1  }
0x1ad: {  	v1 =	vld [tilespmem:s3+$0xFFFFFEF0];
	_ =	sdelay $0x4  }
0x1ae: {  	v2 =	vand.u32 $0x3FFFF, v1;
	v1 =	vshrl.u32 v1, $0x12  }
0x1af: {  	[tilespmem:$0x2960] =	vst v2  }
0x1b0: {  	[tilespmem:$0x2B60] =	vst v1  }
0x1b1: {  	v1 =	vld [tilespmem:s3+$0xFFFFFF00];
	_ =	sdelay $0x4  }
0x1b2: {  	v2 =	vand.u32 $0x3FFFF, v1;
	v1 =	vshrl.u32 v1, $0x12  }
0x1b3: {  	[tilespmem:$0x2970] =	vst v2  }
0x1b4: {  	[tilespmem:$0x2B70] =	vst v1  }
0x1b5: {  	_ =	swait.ge [sflag:s25], $0x4000  }
0x1b6: {  	[sflag:s25] =	ssyncset.done $0x0  }
0x1b7: {  	[sflag:s25] =	ssyncadd.s32 $0xFFFFC000  }
0x1b8: {  	[tilespmem:s18], [sflag:$0x1] =	stream.indirect.gather [hbm4b:s4+s16], $0x80, s26, s16, $0xb8;
	[tilespmem:$0x1E880] =	vst v63  }
0x1b9: {  	_ =	swait.ge [sflag:s21], $0x4000  }
0x1ba: {  	[sflag:s21] =	ssyncset.done $0x0  }
0x1bb: {  	[sflag:s21] =	ssyncadd.s32 $0xFFFFC000  }
0x1bc: {  	[spmem:s1] =	stream.indirect.scatter.add.f32 [tilespmem:s18], [sflag:$0x3], $0x80, s28, s16, $0xb8;
	[tilespmem:$0x1E880] =	vst v63  }
0x1bd: {  	v1 =	vld [tilespmem:s3+$0xFFFFFF10];
	_ =	sdelay $0x4  }
0x1be: {  	v2 =	vand.u32 $0x3FFFF, v1;
	v1 =	vshrl.u32 v1, $0x12  }
0x1bf: {  	[tilespmem:$0x2980] =	vst v2  }
0x1c0: {  	[tilespmem:$0x2B80] =	vst v1  }
0x1c1: {  	v1 =	vld [tilespmem:s3+$0xFFFFFF20];
	_ =	sdelay $0x4  }
0x1c2: {  	v2 =	vand.u32 $0x3FFFF, v1;
	v1 =	vshrl.u32 v1, $0x12  }
0x1c3: {  	[tilespmem:$0x2990] =	vst v2  }
0x1c4: {  	[tilespmem:$0x2B90] =	vst v1  }
0x1c5: {  	v1 =	vld [tilespmem:s3+$0xFFFFFF30];
	_ =	sdelay $0x4  }
0x1c6: {  	v2 =	vand.u32 $0x3FFFF, v1;
	v1 =	vshrl.u32 v1, $0x12  }
0x1c7: {  	[tilespmem:$0x29A0] =	vst v2  }
0x1c8: {  	[tilespmem:$0x2BA0] =	vst v1  }
0x1c9: {  	v1 =	vld [tilespmem:s3+$0xFFFFFF40];
	_ =	sdelay $0x4  }
0x1ca: {  	v2 =	vand.u32 $0x3FFFF, v1;
	v1 =	vshrl.u32 v1, $0x12  }
0x1cb: {  	[tilespmem:$0x29B0] =	vst v2  }
0x1cc: {  	[tilespmem:$0x2BB0] =	vst v1  }
0x1cd: {  	v1 =	vld [tilespmem:s3+$0xFFFFFF50];
	_ =	sdelay $0x4  }
0x1ce: {  	v2 =	vand.u32 $0x3FFFF, v1;
	v1 =	vshrl.u32 v1, $0x12  }
0x1cf: {  	[tilespmem:$0x29C0] =	vst v2  }
0x1d0: {  	[tilespmem:$0x2BC0] =	vst v1  }
0x1d1: {  	v1 =	vld [tilespmem:s3+$0xFFFFFF60];
	_ =	sdelay $0x4  }
0x1d2: {  	v2 =	vand.u32 $0x3FFFF, v1;
	v1 =	vshrl.u32 v1, $0x12  }
0x1d3: {  	[tilespmem:$0x29D0] =	vst v2  }
0x1d4: {  	[tilespmem:$0x2BD0] =	vst v1  }
0x1d5: {  	v1 =	vld [tilespmem:s3+$0xFFFFFF70];
	_ =	sdelay $0x4  }
0x1d6: {  	v2 =	vand.u32 $0x3FFFF, v1;
	v1 =	vshrl.u32 v1, $0x12  }
0x1d7: {  	[tilespmem:$0x29E0] =	vst v2  }
0x1d8: {  	[tilespmem:$0x2BE0] =	vst v1  }
0x1d9: {  	v1 =	vld [tilespmem:s3+$0xFFFFFF80];
	_ =	sdelay $0x4  }
0x1da: {  	v2 =	vand.u32 $0x3FFFF, v1;
	v1 =	vshrl.u32 v1, $0x12  }
0x1db: {  	[tilespmem:$0x29F0] =	vst v2  }
0x1dc: {  	[tilespmem:$0x2BF0] =	vst v1  }
0x1dd: {  	_ =	swait.ge [sflag:s29], $0x4000  }
0x1de: {  	[sflag:s29] =	ssyncset.done $0x0  }
0x1df: {  	[sflag:s29] =	ssyncadd.s32 $0xFFFFC000  }
0x1e0: {  	[tilespmem:s19], [sflag:$0x2] =	stream.indirect.gather [hbm4b:s4+s16], $0x80, s30, s16, $0xb8;
	[tilespmem:$0x1E880] =	vst v63  }
0x1e1: {  	_ =	swait.ge [sflag:s23], $0x4000  }
0x1e2: {  	[sflag:s23] =	ssyncset.done $0x0  }
0x1e3: {  	[sflag:s23] =	ssyncadd.s32 $0xFFFFC000  }
0x1e4: {  	[spmem:s1] =	stream.indirect.scatter.add.f32 [tilespmem:s19], [sflag:$0x4], $0x80, s31, s16, $0xb8;
	[tilespmem:$0x1E880] =	vst v63  }
0x1e5: {  	v1 =	vld [tilespmem:s3+$0xFFFFFF90];
	_ =	sdelay $0x4  }
0x1e6: {  	v2 =	vand.u32 $0x3FFFF, v1;
	v1 =	vshrl.u32 v1, $0x12  }
0x1e7: {  	[tilespmem:$0x2800] =	vst v2  }
0x1e8: {  	[tilespmem:$0x2A00] =	vst v1  }
0x1e9: {  	v1 =	vld [tilespmem:s3+$0xFFFFFFA0];
	_ =	sdelay $0x4  }
0x1ea: {  	v2 =	vand.u32 $0x3FFFF, v1;
	v1 =	vshrl.u32 v1, $0x12  }
0x1eb: {  	[tilespmem:$0x2810] =	vst v2  }
0x1ec: {  	[tilespmem:$0x2A10] =	vst v1  }
0x1ed: {  	v1 =	vld [tilespmem:s3+$0xFFFFFFB0];
	_ =	sdelay $0x4  }
0x1ee: {  	v2 =	vand.u32 $0x3FFFF, v1;
	v1 =	vshrl.u32 v1, $0x12  }
0x1ef: {  	[tilespmem:$0x2820] =	vst v2  }
0x1f0: {  	[tilespmem:$0x2A20] =	vst v1  }
0x1f1: {  	v1 =	vld [tilespmem:s3+$0xFFFFFFC0];
	_ =	sdelay $0x3  }
.Ltmp1:
0x1f2: {  	(pc) =	sbr.rel @p1 .LBB2_4-.Ltmp1, $4  }
0x1f3: {  	v2 =	vand.u32 $0x3FFFF, v1;
	v1 =	vshrl.u32 v1, $0x12  }
0x1f4: {  	[tilespmem:$0x2830] =	vst v2  }
0x1f5: {  	[tilespmem:$0x2A30] =	vst v1  }
0x1f6: {  	v1 =	vld [tilespmem:s3+$0xFFFFFFD0]  }
0x1f7: {  	_ =	sdelay $0x3  }
0x1f8: {  	v2 =	vand.u32 $0x3FFFF, v1  }
0x1f9: {  	v1 =	vshrl.u32 v1, $0x12;
	[tilespmem:$0x2840] =	vst v2  }
0x1fa: {  	[tilespmem:$0x2A40] =	vst v1  }
0x1fb: {  	v1 =	vld [tilespmem:s3+$0xFFFFFFE0];
	_ =	sdelay $0x4  }
0x1fc: {  	v2 =	vand.u32 $0x3FFFF, v1  }
0x1fd: {  	v1 =	vshrl.u32 v1, $0x12;
	[tilespmem:$0x2850] =	vst v2  }
0x1fe: {  	[tilespmem:$0x2A50] =	vst v1  }
0x1ff: {  	v1 =	vld [tilespmem:s3+$0xFFFFFFF0];
	_ =	sdelay $0x4  }
0x200: {  	v2 =	vand.u32 $0x3FFFF, v1  }
0x201: {  	v1 =	vshrl.u32 v1, $0x12;
	[tilespmem:$0x2860] =	vst v2  }
0x202: {  	[tilespmem:$0x2A60] =	vst v1  }
0x203: {  	v1 =	vld [tilespmem:s3+$0x0];
	_ =	sdelay $0x4  }
0x204: {  	v2 =	vand.u32 $0x3FFFF, v1  }
0x205: {  	v1 =	vshrl.u32 v1, $0x12;
	[tilespmem:$0x2870] =	vst v2  }
0x206: {  	[tilespmem:$0x2A70] =	vst v1  }
0x207: {  	_ =	swait.ge [sflag:s25], $0x4000  }
0x208: {  	[sflag:s25] =	ssyncset.done $0x0  }
0x209: {  	[sflag:s25] =	ssyncadd.s32 $0xFFFFC000  }
0x20a: {  	[tilespmem:s18], [sflag:$0x1] =	stream.indirect.gather [hbm4b:s4+s16], $0x80, s17, s16, $0xb8;
	[tilespmem:$0x1E880] =	vst v63  }
0x20b: {  	_ =	swait.ge [sflag:s21], $0x4000  }
0x20c: {  	[sflag:s21] =	ssyncset.done $0x0  }
0x20d: {  	[sflag:s21] =	ssyncadd.s32 $0xFFFFC000  }
0x20e: {  	[spmem:s1] =	stream.indirect.scatter.add.f32 [tilespmem:s18], [sflag:$0x3], $0x80, s22, s16, $0xb8;
	[tilespmem:$0x1E880] =	vst v63  }
0x20f: {  	v1 =	vld [tilespmem:$0x2680];
	_ =	sdelay $0x1  }
0x210: {  	v2 =	vld [tilespmem:$0x2690];
	_ =	sdelay $0x1  }
0x211: {  	v3 =	vld [tilespmem:$0x26A0]  }
0x212: {  	v4 =	vand.u32 $0x3FFFF, v1  }
0x213: {  	v56 =	vld [tilespmem:$0x26B0];
	v1 =	vshrl.u32 v1, $0x12;
	[tilespmem:$0x2880] =	vst v4  }
0x214: {  	[tilespmem:$0x2A80] =	vst v1;
	v1 =	vand.u32 $0x3FFFF, v2  }
0x215: {  	[tilespmem:$0x2890] =	vst v1;
	v1 =	vshrl.u32 v2, $0x12;
	v2 =	vld [tilespmem:$0x26C0]  }
0x216: {  	[tilespmem:$0x2A90] =	vst v1;
	v1 =	vand.u32 $0x3FFFF, v3  }
0x217: {  	[tilespmem:$0x28A0] =	vst v1;
	v1 =	vshrl.u32 v3, $0x12;
	v3 =	vld [tilespmem:$0x26D0]  }
0x218: {  	[tilespmem:$0x2AA0] =	vst v1;
	v1 =	vand.u32 $0x3FFFF, v56  }
0x219: {  	v57 =	vld [tilespmem:$0x26E0];
	[tilespmem:$0x28B0] =	vst v1;
	v1 =	vshrl.u32 v56, $0x12  }
0x21a: {  	[tilespmem:$0x2AB0] =	vst v1;
	v1 =	vand.u32 $0x3FFFF, v2  }
0x21b: {  	[tilespmem:$0x28C0] =	vst v1;
	v1 =	vshrl.u32 v2, $0x12;
	v2 =	vld [tilespmem:$0x26F0]  }
0x21c: {  	[tilespmem:$0x2AC0] =	vst v1;
	v1 =	vand.u32 $0x3FFFF, v3  }
0x21d: {  	[tilespmem:$0x28D0] =	vst v1;
	v1 =	vshrl.u32 v3, $0x12  }
0x21e: {  	[tilespmem:$0x2AD0] =	vst v1;
	v1 =	vand.u32 $0x3FFFF, v57  }
0x21f: {  	[tilespmem:$0x28E0] =	vst v1;
	v1 =	vshrl.u32 v57, $0x12  }
0x220: {  	[tilespmem:$0x2AE0] =	vst v1;
	v1 =	vand.u32 $0x3FFFF, v2  }
0x221: {  	[tilespmem:$0x28F0] =	vst v1;
	v1 =	vshrl.u32 v2, $0x12  }
0x222: {  	[tilespmem:$0x2AF0] =	vst v1  }
0x223: {  	_ =	swait.ge [sflag:s29], $0x4000  }
0x224: {  	[sflag:s29] =	ssyncset.done $0x0  }
0x225: {  	[sflag:s29] =	ssyncadd.s32 $0xFFFFC000  }
0x226: {  	[tilespmem:s19], [sflag:$0x2] =	stream.indirect.gather [hbm4b:s4+s16], $0x80, s20, s16, $0xb8;
	[tilespmem:$0x1E880] =	vst v63  }
0x227: {  	_ =	swait.ge [sflag:s23], $0x4000  }
0x228: {  	[sflag:s23] =	ssyncset.done $0x0  }
0x229: {  	[sflag:s23] =	ssyncadd.s32 $0xFFFFC000  }
0x22a: {  	[spmem:s1] =	stream.indirect.scatter.add.f32 [tilespmem:s19], [sflag:$0x4], $0x80, s24, s16, $0xb8;
	[tilespmem:$0x1E880] =	vst v63  }
0x22b: {  	v1 =	vld [tilespmem:$0x2700];
	_ =	sdelay $0x1  }
0x22c: {  	v2 =	vld [tilespmem:$0x2710];
	_ =	sdelay $0x1  }
0x22d: {  	v3 =	vld [tilespmem:$0x2720]  }
0x22e: {  	v58 =	vand.u32 $0x3FFFF, v1  }
0x22f: {  	v59 =	vld [tilespmem:$0x2730];
	v1 =	vshrl.u32 v1, $0x12;
	[tilespmem:$0x2900] =	vst v58  }
0x230: {  	[tilespmem:$0x2B00] =	vst v1;
	v1 =	vand.u32 $0x3FFFF, v2  }
0x231: {  	[tilespmem:$0x2910] =	vst v1;
	v1 =	vshrl.u32 v2, $0x12;
	v2 =	vld [tilespmem:$0x2740]  }
0x232: {  	[tilespmem:$0x2B10] =	vst v1;
	v1 =	vand.u32 $0x3FFFF, v3  }
0x233: {  	[tilespmem:$0x2920] =	vst v1;
	v1 =	vshrl.u32 v3, $0x12;
	v3 =	vld [tilespmem:$0x2750]  }
0x234: {  	[tilespmem:$0x2B20] =	vst v1;
	v1 =	vand.u32 $0x3FFFF, v59  }
0x235: {  	v60 =	vld [tilespmem:$0x2760];
	[tilespmem:$0x2930] =	vst v1;
	v1 =	vshrl.u32 v59, $0x12  }
0x236: {  	[tilespmem:$0x2B30] =	vst v1;
	v1 =	vand.u32 $0x3FFFF, v2  }
0x237: {  	[tilespmem:$0x2940] =	vst v1;
	v1 =	vshrl.u32 v2, $0x12;
	v2 =	vld [tilespmem:$0x2770]  }
0x238: {  	[tilespmem:$0x2B40] =	vst v1;
	v1 =	vand.u32 $0x3FFFF, v3  }
0x239: {  	[tilespmem:$0x2950] =	vst v1;
	v1 =	vshrl.u32 v3, $0x12  }
0x23a: {  	[tilespmem:$0x2B50] =	vst v1;
	v1 =	vand.u32 $0x3FFFF, v60  }
0x23b: {  	[tilespmem:$0x2960] =	vst v1;
	v1 =	vshrl.u32 v60, $0x12  }
0x23c: {  	[tilespmem:$0x2B60] =	vst v1;
	v1 =	vand.u32 $0x3FFFF, v2  }
0x23d: {  	[tilespmem:$0x2970] =	vst v1;
	v1 =	vshrl.u32 v2, $0x12  }
0x23e: {  	[tilespmem:$0x2B70] =	vst v1  }
0x23f: {  	_ =	swait.ge [sflag:s25], $0x4000  }
0x240: {  	[sflag:s25] =	ssyncset.done $0x0  }
0x241: {  	[sflag:s25] =	ssyncadd.s32 $0xFFFFC000  }
0x242: {  	[tilespmem:s18], [sflag:$0x1] =	stream.indirect.gather [hbm4b:s4+s16], $0x80, s26, s16, $0xb8;
	[tilespmem:$0x1E880] =	vst v63  }
0x243: {  	_ =	swait.ge [sflag:s21], $0x4000  }
0x244: {  	[sflag:s21] =	ssyncset.done $0x0  }
0x245: {  	[sflag:s21] =	ssyncadd.s32 $0xFFFFC000  }
0x246: {  	[spmem:s1] =	stream.indirect.scatter.add.f32 [tilespmem:s18], [sflag:$0x3], $0x80, s28, s16, $0xb8;
	[tilespmem:$0x1E880] =	vst v63  }
0x247: {  	v1 =	vld [tilespmem:$0x2780];
	_ =	sdelay $0x1  }
0x248: {  	v2 =	vld [tilespmem:$0x2790];
	_ =	sdelay $0x1  }
0x249: {  	v3 =	vld [tilespmem:$0x27A0]  }
0x24a: {  	v61 =	vand.u32 $0x3FFFF, v1  }
0x24b: {  	v62 =	vld [tilespmem:$0x27B0];
	v1 =	vshrl.u32 v1, $0x12;
	[tilespmem:$0x2980] =	vst v61  }
0x24c: {  	[tilespmem:$0x2B80] =	vst v1;
	v1 =	vand.u32 $0x3FFFF, v2  }
0x24d: {  	[tilespmem:$0x2990] =	vst v1;
	v1 =	vshrl.u32 v2, $0x12;
	v2 =	vld [tilespmem:$0x27C0]  }
0x24e: {  	[tilespmem:$0x2B90] =	vst v1;
	v1 =	vand.u32 $0x3FFFF, v3  }
0x24f: {  	[tilespmem:$0x29A0] =	vst v1;
	v1 =	vshrl.u32 v3, $0x12;
	v3 =	vld [tilespmem:$0x27D0]  }
0x250: {  	[tilespmem:$0x2BA0] =	vst v1;
	v1 =	vand.u32 $0x3FFFF, v62  }
0x251: {  	v63 =	vld [tilespmem:$0x27E0];
	[tilespmem:$0x29B0] =	vst v1;
	v1 =	vshrl.u32 v62, $0x12  }
0x252: {  	[tilespmem:$0x2BB0] =	vst v1;
	v1 =	vand.u32 $0x3FFFF, v2  }
0x253: {  	[tilespmem:$0x29C0] =	vst v1;
	v1 =	vshrl.u32 v2, $0x12;
	v2 =	vld [tilespmem:$0x27F0]  }
0x254: {  	[tilespmem:$0x2BC0] =	vst v1;
	v1 =	vand.u32 $0x3FFFF, v3  }
0x255: {  	[tilespmem:$0x29D0] =	vst v1;
	v1 =	vshrl.u32 v3, $0x12  }
0x256: {  	[tilespmem:$0x2BD0] =	vst v1;
	v1 =	vand.u32 $0x3FFFF, v63  }
0x257: {  	[tilespmem:$0x29E0] =	vst v1;
	v1 =	vshrl.u32 v63, $0x12  }
0x258: {  	[tilespmem:$0x2BE0] =	vst v1;
	v1 =	vand.u32 $0x3FFFF, v2  }
0x259: {  	[tilespmem:$0x29F0] =	vst v1;
	v1 =	vshrl.u32 v2, $0x12  }
0x25a: {  	[tilespmem:$0x2BF0] =	vst v1  }
0x25b: {  	_ =	swait.ge [sflag:s29], $0x4000  }
0x25c: {  	[sflag:s29] =	ssyncset.done $0x0  }
0x25d: {  	[sflag:s29] =	ssyncadd.s32 $0xFFFFC000  }
0x25e: {  	[tilespmem:s19], [sflag:$0x2] =	stream.indirect.gather [hbm4b:s4+s16], $0x80, s30, s16, $0xb8;
	[tilespmem:$0x1E880] =	vst v63  }
0x25f: {  	_ =	swait.ge [sflag:s23], $0x4000  }
0x260: {  	[sflag:s23] =	ssyncset.done $0x0  }
0x261: {  	[sflag:s23] =	ssyncadd.s32 $0xFFFFC000  }
0x262: {  	[spmem:s1] =	stream.indirect.scatter.add.f32 [tilespmem:s19], [sflag:$0x4], $0x80, s31, s16, $0xb8;
	[tilespmem:$0x1E880] =	vst v63  }
0x263: {  	_ =	swait.ge [sflag:s25], $0x4000  }
0x264: {  	[sflag:s25] =	ssyncset.done $0x0  }
0x265: {  	[sflag:s25] =	ssyncadd.s32 $0xFFFFC000  }
0x266: {  	_ =	swait.ge [sflag:s29], $0x4000  }
0x267: {  	s2 =	stileid.u32;
	[sflag:s29] =	ssyncset.done $0x0  }
0x268: {  	s2 =	sshll.u32 s2, $0x6;
	[sflag:s29] =	ssyncadd.s32 $0xFFFFC000  }
0x269: {  	s5 =	sshrl.u32 s6, $0x3;
	s2 =	sor.u32 $0x1C05, s2;
	[bflag:$0x0] =	sbarrier.arrive $0xFFFF  }
0x26a: {  	[hbm:s12], [sflag:s2] =	dma.local [spmem:s5], $0x2700  }
0x26b: {  	_ =	swait.ge [sflag:s15], $0x2700  }
0x26c: {  	s0 =	sadd.s32 $0x1, s0;
	[sflag:s15] =	ssyncset.done $0x0  }
0x26d: {  	p1 =	sne.s32 s0, s14;
	s3 =	sshrl.u32 @!p0 s11, $0x3;
	[sflag:s15] =	ssyncadd.s32 $0xFFFFD900  }
0x26e: {  	[hbm:s13], [sflag:s2] =	dma.local @!p0 [spmem:s3], $0x100  }
.Ltmp2:
0x26f: {  	_ = 	snop;
	(pc) =	sbr.rel @p1 .LBB2_1-.Ltmp2, $4  }
0x270: {  	s2 =	simm.s32 @!p0 $0x5  }
0x271: {  	_ =	swait.ge @!p0 [sflag:s2], $0x100  }
0x272: {  	[sflag:s2] =	ssyncset.done @!p0 $0x0  }
0x273: {  	[sflag:s2] =	ssyncadd.s32 @!p0 $0xFFFFFF00  }
0x274: {  	_ =	sfence.sel $0x180000  }
0x275: {  	[bflag:$0x0] =	sbarrier.arrive $0xFFFF  }
0x276: {  	_ =	strace $0x90000047  }
0x277: {  	s0 =	stileid.u32;
	[bflag:$0x2] =	sbarrier.arrive $0xFFFF  }
0x278: {  	p0 =	sne.s32 s0, $0x0;
	s0 =	rddreg [dreg:$0x3]  }
0x279: {  	s0 =	sadd.s32 @!p0 $0x100000, s0  }
0x27a: {  	[sflag:s0] =	ssyncadd.tile.s32 @!p0 $0x1;
	_ =	shalt  }
.Lfunc_end2:
_tile_overlayer_lowered:
.L_overlay_start_2:
0x27b: {  	(tag) =	ssettag $0x2  }
0x27c: {  	s0 =	rddreg [dreg:$0x0];
	s2 =	stileid.u32  }
0x27d: {  	s1 =	rddreg [dreg:$0x1];
	p0 =	sne.s32 s2, $0x0  }
0x27e: {  	s3 =	rddreg [dreg:$0x2];
	[bflag:$0x3] =	sbarrier.arrive $0xFFFF;
	s2 =	simm.s32 @!p0 $0x1C05  }
0x27f: {  	[timem:s3], [sflag:s2] =	dma.local @!p0 [hbm:s0], s1  }
0x280: {  	s0 =	simm.s32 @!p0 $0x5  }
0x281: {  	_ =	swait.ge @!p0 [sflag:s0], s1  }
0x282: {  	s1 =	ssub.s32 @!p0 $0x0, s1;
	[sflag:s0] =	ssyncset.done @!p0 $0x0  }
0x283: {  	[sflag:s0] =	ssyncadd.s32 @!p0 s1  }
0x284: {  	[bflag:$0x3] =	sbarrier.arrive $0xFFFF  }
0x285: {  	_ =	shalt  }

</sc_bundles>
